<compile_context>
chip_gen: v7x
topology: tpu7x:2x2x1
jax: 0.10.2.dev20260603
libtpu: 0.0.44.dev20260713+nightly
codegen_flags: <defaults>
</compile_context>

<pallas_src>
import dataclasses

import jax
import jax.numpy as jnp
from jax import lax
from jax.experimental import pallas as pl
from jax.experimental.pallas import tpu as pltpu
from jax.experimental.pallas import tpu_sc as plsc

SEQ = 2048
BATCH = 4
EMB = 1024
QUARTER = EMB // 4
ROWS = SEQ * BATCH
NUM_TECS = 32
ROWS_PER_TEC = ROWS // NUM_TECS
CHUNK = 16
NCHUNKS = ROWS_PER_TEC // CHUNK
VECS_PER_ROW = EMB // 16
NBUF = 3

UNROLL = 8


def _sc_body(emb_hbm, xi_hbm, yi_hbm, xpe_hbm, ype_hbm,
             out_hbm, emb_v, g_v, idx_v, sem_e, sem_g, sem_o):
    cid = lax.axis_index("c")
    sid = lax.axis_index("s")
    wid = sid * 2 + cid

    pltpu.sync_copy(xi_hbm.at[pl.ds(wid * NCHUNKS, NCHUNKS)], idx_v.at[0])
    pltpu.sync_copy(yi_hbm.at[pl.ds(wid * NCHUNKS, NCHUNKS)], idx_v.at[1])

    lane = lax.broadcasted_iota(jnp.int32, (16,), 0)
    cpat = lane % 4
    upat = lane // 4
    crow = (cpat & 1) * (2 * CHUNK) + (cpat >> 1) * CHUNK

    def fire_in(g):
        buf = g % NBUF
        rb = wid * ROWS_PER_TEC + g * CHUNK
        he = pltpu.async_copy(emb_hbm.at[pl.ds(rb, CHUNK)], emb_v.at[buf],
                              sem_e)
        hg = [
            pltpu.async_copy(xpe_hbm.at[idx_v.at[0, g]],
                             g_v.at[buf, pl.ds(0, 2 * CHUNK)], sem_g),
            pltpu.async_copy(ype_hbm.at[idx_v.at[1, g]],
                             g_v.at[buf, pl.ds(2 * CHUNK, 2 * CHUNK)],
                             sem_g),
        ]
        return (he, hg)

    def compute(buf):
        emb_b = emb_v.at[buf]
        g_b = g_v.at[buf]

        @plsc.parallel_loop(0, CHUNK)
        def _row_loop(i):
            rowvec = crow + i

            @plsc.parallel_loop(0, VECS_PER_ROW, unroll=UNROLL)
            def _vec_loop(j):
                k_idx = upat + 4 * j
                pe = plsc.load_gather(g_b, [rowvec, k_idx])
                plsc.addupdate(emb_b.at[i, pl.ds(16 * j, 16)], pe)

    handles_out = [None] * NCHUNKS
    h_in = [None] * NCHUNKS
    h_in[0] = fire_in(0)
    for g in range(NCHUNKS):
        if g + 1 < NCHUNKS:
            if g - 2 >= 0:
                handles_out[g - 2].wait()
            h_in[g + 1] = fire_in(g + 1)
        he, hg = h_in[g]
        he.wait()
        for h in hg:
            h.wait()
        compute(g % NBUF)
        rb = wid * ROWS_PER_TEC + g * CHUNK
        handles_out[g] = pltpu.async_copy(
            emb_v.at[g % NBUF], out_hbm.at[pl.ds(rb, CHUNK)], sem_o)
    handles_out[NCHUNKS - 3].wait()
    handles_out[NCHUNKS - 2].wait()
    handles_out[NCHUNKS - 1].wait()


def kernel(src_embedding, src_boxes, x_pe, y_pe):
    emb2d = src_embedding.reshape(ROWS, EMB)
    idx_t = jnp.transpose(src_boxes, (2, 1, 0)).reshape(4, ROWS)
    idx_c = idx_t.reshape(4, NUM_TECS * NCHUNKS, CHUNK)
    xi = jnp.concatenate([idx_c[0], idx_c[2]], axis=-1)
    yi = jnp.concatenate([idx_c[1], idx_c[3]], axis=-1)

    mesh = plsc.VectorSubcoreMesh(core_axis_name="c", subcore_axis_name="s")
    cp = pltpu.CompilerParams()
    if "needs_layout_passes" in pltpu.CompilerParams.__dataclass_fields__:
        cp = dataclasses.replace(cp, needs_layout_passes=False)
    run = pl.kernel(
        _sc_body,
        out_type=jax.ShapeDtypeStruct((ROWS, EMB), jnp.float32),
        mesh=mesh,
        compiler_params=cp,
        scratch_types=[
            pltpu.VMEM((NBUF, CHUNK, EMB), jnp.float32),
            pltpu.VMEM((NBUF, 4 * CHUNK, QUARTER), jnp.float32),
            pltpu.VMEM((2, NCHUNKS, 2 * CHUNK), jnp.int32),
            pltpu.SemaphoreType.DMA,
            pltpu.SemaphoreType.DMA,
            pltpu.SemaphoreType.DMA,
        ],
    )
    out = run(emb2d, xi, yi, x_pe, y_pe)
    return out.reshape(SEQ, BATCH, EMB)

# --- scband reference (transcript-rebuilt; emitter-appended) ---
"""Pipeline reference for scband-source-pe-40759239639759 (READ-ONLY COPY).

The authoritative reference and input builder live on the scoring server;
editing this copy changes nothing except your own understanding.
"""

import math
import jax, jax.numpy as jnp
import numpy as np

EMB_SIZE = 1024
MAX_W = 1024
MAX_H = 1024
SEQ = 2048
BATCH = 4


def _make_tables():
    # den = exp(-arange(0, emb_size/4) * log(10000) / emb_size / 4)
    den = jnp.exp(-jnp.arange(0, EMB_SIZE // 4, dtype=jnp.float32) * math.log(10000.0) / EMB_SIZE / 4)
    x_p = jnp.arange(0, MAX_W + 1, dtype=jnp.float32).reshape(MAX_W + 1, 1)
    x_pe = jnp.sin(x_p * den)
    y_p = jnp.arange(0, MAX_H + 1, dtype=jnp.float32).reshape(MAX_H + 1, 1)
    y_pe = jnp.sin(y_p * den)
    return x_pe, y_pe


def setup_inputs(seed: int = 0) -> dict:
    key = jax.random.key(seed)
    k1, k2 = jax.random.split(key)
    src_embedding = jax.random.normal(k1, (SEQ, BATCH, EMB_SIZE), dtype=jnp.float32)
    # src_boxes[index][box_index] = (x0, y0, x1, y1); shape [B, S, 4]
    src_boxes = jax.random.randint(k2, (BATCH, SEQ, 4), 0, 1024, dtype=jnp.int32)
    x_pe, y_pe = _make_tables()
    return {"src_embedding": src_embedding, "src_boxes": src_boxes, "x_pe": x_pe, "y_pe": y_pe}


def _get_pe(src_boxes, x_pe, y_pe):
    # Vectorized version of the per-box Python loops:
    #   pe[box_index, index, 0::4] = x_pe[box[0]]; pe[..., 1::4] = y_pe[box[1]]; etc.
    c0 = jnp.take(x_pe, src_boxes[..., 0], axis=0)  # [B, S, emb/4]
    c1 = jnp.take(y_pe, src_boxes[..., 1], axis=0)
    c2 = jnp.take(x_pe, src_boxes[..., 2], axis=0)
    c3 = jnp.take(y_pe, src_boxes[..., 3], axis=0)
    pe = jnp.stack([c0, c1, c2, c3], axis=-1).reshape(src_boxes.shape[0], src_boxes.shape[1], EMB_SIZE)
    # torch pe is [box_index (S), index (B), emb]
    return jnp.transpose(pe, (1, 0, 2))


def reference(src_embedding, src_boxes, x_pe, y_pe):
    pe = _get_pe(src_boxes, x_pe, y_pe)
    # nn.Dropout is identity in eval mode
    return src_embedding + pe

if __name__ == "__main__":
    import jax
    _d = setup_inputs()
    print(jax.jit(kernel)(*tuple(_d.values())))

</pallas_src>

<mosaic_0001>
#map = affine_map<(d0, d1) -> (0, 0)>
module attributes {stable_mosaic.version = 14 : i64} {
  func.func @_sc_body(%arg0: i32, %arg1: i32, %arg2: memref<8192x1024xf32, #tpu.memory_space<hbm>>, %arg3: memref<512x32xi32, #tpu.memory_space<hbm>>, %arg4: memref<512x32xi32, #tpu.memory_space<hbm>>, %arg5: memref<1025x256xf32, #tpu.memory_space<hbm>>, %arg6: memref<1025x256xf32, #tpu.memory_space<hbm>>, %arg7: memref<8192x1024xf32, #tpu.memory_space<hbm>>, %arg8: memref<3x16x1024xf32, #tpu.memory_space<vmem>>, %arg9: memref<3x64x256xf32, #tpu.memory_space<vmem>>, %arg10: memref<2x16x32xi32, #tpu.memory_space<vmem>>, %arg11: memref<!tpu.dma_semaphore, #tpu.memory_space<semaphore_mem>>, %arg12: memref<!tpu.dma_semaphore, #tpu.memory_space<semaphore_mem>>, %arg13: memref<!tpu.dma_semaphore, #tpu.memory_space<semaphore_mem>>) attributes {dimension_semantics = [#tpu.dimension_semantics<core_parallel>, #tpu.dimension_semantics<subcore_parallel>], iteration_bounds = array<i64: 2, 16>, scalar_prefetch = 0 : i64, scratch_operands = 6 : i64, tpu.core_type = #tpu.core_type<sc_vector_subcore>, window_params = [{transform_indices = #map}, {transform_indices = #map}, {transform_indices = #map}, {transform_indices = #map}, {transform_indices = #map}, {transform_indices = #map}]} {
    %mul3A = arith.constant 2 : i32
    %mul3A_0 = arith.muli %arg1, %mul3A : i32
    %add3A = arith.addi %mul3A_0, %arg0 : i32
    %mul3A_1 = arith.constant 16 : i32
    %mul3A_2 = arith.muli %add3A, %mul3A_1 : i32
    %run_scoped3A = arith.constant 0 : i32
    "tpu.region"() ({
      %run_scoped3A_1930 = tpu.sem_alloc : memref<!tpu.dma_semaphore, #tpu.memory_space<semaphore_mem>>
      %dma_start3A_1931 = arith.constant 0 : i32
      %dma_start3A_1932 = arith.constant 0 : i32
      %dma_start3A_1933 = tpu.memref_slice %arg10[%run_scoped3A, %dma_start3A_1931, %dma_start3A_1932] : memref<2x16x32xi32, #tpu.memory_space<vmem>> -> memref<1x16x32xi32, #tpu.memory_space<vmem>>
      %dma_start3A_1934 = tpu.memref_squeeze %dma_start3A_1933 : memref<1x16x32xi32, #tpu.memory_space<vmem>> -> memref<16x32xi32, #tpu.memory_space<vmem>>
      %dma_start3A_1935 = arith.constant 0 : i32
      %dma_start3A_1936 = tpu.memref_slice %arg3[%mul3A_2, %dma_start3A_1935] : memref<512x32xi32, #tpu.memory_space<hbm>> -> memref<16x32xi32, #tpu.memory_space<hbm>>
      %dma_start3A_1937 = arith.constant 0 : i32
      %dma_start3A_1938 = arith.constant 0 : i32
      %dma_start3A_1939 = tpu.memref_slice %arg10[%run_scoped3A, %dma_start3A_1937, %dma_start3A_1938] : memref<2x16x32xi32, #tpu.memory_space<vmem>> -> memref<1x16x32xi32, #tpu.memory_space<vmem>>
      %dma_start3A_1940 = tpu.memref_squeeze %dma_start3A_1939 : memref<1x16x32xi32, #tpu.memory_space<vmem>> -> memref<16x32xi32, #tpu.memory_space<vmem>>
      %dma_start3A_1941 = arith.constant 0 : i32
      %dma_start3A_1942 = tpu.memref_slice %arg3[%mul3A_2, %dma_start3A_1941] : memref<512x32xi32, #tpu.memory_space<hbm>> -> memref<16x32xi32, #tpu.memory_space<hbm>>
      tpu.enqueue_dma source(%dma_start3A_1942 : memref<16x32xi32, #tpu.memory_space<hbm>>) target(%dma_start3A_1940 : memref<16x32xi32, #tpu.memory_space<vmem>>) target_semaphore(%run_scoped3A_1930 : memref<!tpu.dma_semaphore, #tpu.memory_space<semaphore_mem>>)
      %dma_wait3A_1943 = arith.constant 0 : i32
      %dma_wait3A_1944 = arith.constant 0 : i32
      %dma_wait3A_1945 = tpu.memref_slice %arg10[%run_scoped3A, %dma_wait3A_1943, %dma_wait3A_1944] : memref<2x16x32xi32, #tpu.memory_space<vmem>> -> memref<1x16x32xi32, #tpu.memory_space<vmem>>
      %dma_wait3A_1946 = tpu.memref_squeeze %dma_wait3A_1945 : memref<1x16x32xi32, #tpu.memory_space<vmem>> -> memref<16x32xi32, #tpu.memory_space<vmem>>
      %dma_wait3A_1947 = arith.constant 0 : i32
      %dma_wait3A_1948 = tpu.memref_slice %arg3[%mul3A_2, %dma_wait3A_1947] : memref<512x32xi32, #tpu.memory_space<hbm>> -> memref<16x32xi32, #tpu.memory_space<hbm>>
      %dma_wait3A_1949 = arith.constant 0 : i32
      %dma_wait3A_1950 = arith.constant 0 : i32
      %dma_wait3A_1951 = tpu.memref_slice %arg10[%run_scoped3A, %dma_wait3A_1949, %dma_wait3A_1950] : memref<2x16x32xi32, #tpu.memory_space<vmem>> -> memref<1x16x32xi32, #tpu.memory_space<vmem>>
      %dma_wait3A_1952 = tpu.memref_squeeze %dma_wait3A_1951 : memref<1x16x32xi32, #tpu.memory_space<vmem>> -> memref<16x32xi32, #tpu.memory_space<vmem>>
      %dma_wait3A_1953 = arith.constant 0 : i32
      %dma_wait3A_1954 = tpu.memref_slice %arg3[%mul3A_2, %dma_wait3A_1953] : memref<512x32xi32, #tpu.memory_space<hbm>> -> memref<16x32xi32, #tpu.memory_space<hbm>>
      tpu.wait_dma2 semaphore(%run_scoped3A_1930 : memref<!tpu.dma_semaphore, #tpu.memory_space<semaphore_mem>>) src(%dma_wait3A_1954 : memref<16x32xi32, #tpu.memory_space<hbm>>) dst(%dma_wait3A_1952 : memref<16x32xi32, #tpu.memory_space<vmem>>)
      tpu.yield
    }) : () -> ()
    %mul3A_3 = arith.constant 16 : i32
    %mul3A_4 = arith.muli %add3A, %mul3A_3 : i32
    %run_scoped3A_5 = arith.constant 1 : i32
    "tpu.region"() ({
      %run_scoped3A_1930 = tpu.sem_alloc : memref<!tpu.dma_semaphore, #tpu.memory_space<semaphore_mem>>
      %dma_start3A_1931 = arith.constant 0 : i32
      %dma_start3A_1932 = arith.constant 0 : i32
      %dma_start3A_1933 = tpu.memref_slice %arg10[%run_scoped3A_5, %dma_start3A_1931, %dma_start3A_1932] : memref<2x16x32xi32, #tpu.memory_space<vmem>> -> memref<1x16x32xi32, #tpu.memory_space<vmem>>
      %dma_start3A_1934 = tpu.memref_squeeze %dma_start3A_1933 : memref<1x16x32xi32, #tpu.memory_space<vmem>> -> memref<16x32xi32, #tpu.memory_space<vmem>>
      %dma_start3A_1935 = arith.constant 0 : i32
      %dma_start3A_1936 = tpu.memref_slice %arg4[%mul3A_4, %dma_start3A_1935] : memref<512x32xi32, #tpu.memory_space<hbm>> -> memref<16x32xi32, #tpu.memory_space<hbm>>
      %dma_start3A_1937 = arith.constant 0 : i32
      %dma_start3A_1938 = arith.constant 0 : i32
      %dma_start3A_1939 = tpu.memref_slice %arg10[%run_scoped3A_5, %dma_start3A_1937, %dma_start3A_1938] : memref<2x16x32xi32, #tpu.memory_space<vmem>> -> memref<1x16x32xi32, #tpu.memory_space<vmem>>
      %dma_start3A_1940 = tpu.memref_squeeze %dma_start3A_1939 : memref<1x16x32xi32, #tpu.memory_space<vmem>> -> memref<16x32xi32, #tpu.memory_space<vmem>>
      %dma_start3A_1941 = arith.constant 0 : i32
      %dma_start3A_1942 = tpu.memref_slice %arg4[%mul3A_4, %dma_start3A_1941] : memref<512x32xi32, #tpu.memory_space<hbm>> -> memref<16x32xi32, #tpu.memory_space<hbm>>
      tpu.enqueue_dma source(%dma_start3A_1942 : memref<16x32xi32, #tpu.memory_space<hbm>>) target(%dma_start3A_1940 : memref<16x32xi32, #tpu.memory_space<vmem>>) target_semaphore(%run_scoped3A_1930 : memref<!tpu.dma_semaphore, #tpu.memory_space<semaphore_mem>>)
      %dma_wait3A_1943 = arith.constant 0 : i32
      %dma_wait3A_1944 = arith.constant 0 : i32
      %dma_wait3A_1945 = tpu.memref_slice %arg10[%run_scoped3A_5, %dma_wait3A_1943, %dma_wait3A_1944] : memref<2x16x32xi32, #tpu.memory_space<vmem>> -> memref<1x16x32xi32, #tpu.memory_space<vmem>>
      %dma_wait3A_1946 = tpu.memref_squeeze %dma_wait3A_1945 : memref<1x16x32xi32, #tpu.memory_space<vmem>> -> memref<16x32xi32, #tpu.memory_space<vmem>>
      %dma_wait3A_1947 = arith.constant 0 : i32
      %dma_wait3A_1948 = tpu.memref_slice %arg4[%mul3A_4, %dma_wait3A_1947] : memref<512x32xi32, #tpu.memory_space<hbm>> -> memref<16x32xi32, #tpu.memory_space<hbm>>
      %dma_wait3A_1949 = arith.constant 0 : i32
      %dma_wait3A_1950 = arith.constant 0 : i32
      %dma_wait3A_1951 = tpu.memref_slice %arg10[%run_scoped3A_5, %dma_wait3A_1949, %dma_wait3A_1950] : memref<2x16x32xi32, #tpu.memory_space<vmem>> -> memref<1x16x32xi32, #tpu.memory_space<vmem>>
      %dma_wait3A_1952 = tpu.memref_squeeze %dma_wait3A_1951 : memref<1x16x32xi32, #tpu.memory_space<vmem>> -> memref<16x32xi32, #tpu.memory_space<vmem>>
      %dma_wait3A_1953 = arith.constant 0 : i32
      %dma_wait3A_1954 = tpu.memref_slice %arg4[%mul3A_4, %dma_wait3A_1953] : memref<512x32xi32, #tpu.memory_space<hbm>> -> memref<16x32xi32, #tpu.memory_space<hbm>>
      tpu.wait_dma2 semaphore(%run_scoped3A_1930 : memref<!tpu.dma_semaphore, #tpu.memory_space<semaphore_mem>>) src(%dma_wait3A_1954 : memref<16x32xi32, #tpu.memory_space<hbm>>) dst(%dma_wait3A_1952 : memref<16x32xi32, #tpu.memory_space<vmem>>)
      tpu.yield
    }) : () -> ()
    %iota3A = tpu.iota {dimensions = array<i32: 0>} : vector<16xi32>
    %jit3A = arith.constant 4 : i32
    %eq3A = arith.constant 0 : i32
    %eq3A_6 = arith.cmpi eq, %jit3A, %eq3A : i32
    %jit3A_7 = arith.constant 1 : i32
    %select_n3A = arith.select %eq3A_6, %jit3A_7, %jit3A : i32
    %rem3A = vector.broadcast %select_n3A : i32 to vector<16xi32>
    %rem3A_8 = arith.remsi %iota3A, %rem3A : vector<16xi32>
    %ne3A = arith.constant 0 : i32
    %ne3A_9 = vector.broadcast %ne3A : i32 to vector<16xi32>
    %ne3A_10 = arith.cmpi ne, %rem3A_8, %ne3A_9 : vector<16xi32>
    %lt3A = arith.constant 0 : i32
    %lt3A_11 = vector.broadcast %lt3A : i32 to vector<16xi32>
    %lt3A_12 = arith.cmpi slt, %rem3A_8, %lt3A_11 : vector<16xi32>
    %lt3A_13 = arith.constant 0 : i32
    %lt3A_14 = arith.cmpi slt, %select_n3A, %lt3A_13 : i32
    %ne3A_15 = vector.broadcast %lt3A_14 : i1 to vector<16xi1>
    %ne3A_16 = vector.broadcast %ne3A_15 : vector<16xi1> to vector<16xi1>
    %ne3A_17 = arith.xori %lt3A_12, %ne3A_16 : vector<16xi1>
    %and3A = arith.andi %ne3A_17, %ne3A_10 : vector<16xi1>
    %add3A_18 = vector.broadcast %select_n3A : i32 to vector<16xi32>
    %add3A_19 = arith.addi %rem3A_8, %add3A_18 : vector<16xi32>
    %select_n3A_20 = arith.select %and3A, %add3A_19, %rem3A_8 : vector<16xi1>, vector<16xi32>
    %jit3A_21 = arith.constant 4 : i32
    %div3A = vector.broadcast %jit3A_21 : i32 to vector<16xi32>
    %div3A_22 = arith.divsi %iota3A, %div3A : vector<16xi32>
    %sign3A = arith.constant 0 : i32
    %sign3A_23 = vector.broadcast %sign3A : i32 to vector<16xi32>
    %sign3A_24 = arith.cmpi sgt, %iota3A, %sign3A_23 : vector<16xi32>
    %sign3A_25 = arith.extui %sign3A_24 : vector<16xi1> to vector<16xi32>
    %sign3A_26 = arith.constant 0 : i32
    %sign3A_27 = vector.broadcast %sign3A_26 : i32 to vector<16xi32>
    %sign3A_28 = arith.cmpi slt, %iota3A, %sign3A_27 : vector<16xi32>
    %sign3A_29 = arith.extui %sign3A_28 : vector<16xi1> to vector<16xi32>
    %sign3A_30 = arith.subi %sign3A_25, %sign3A_29 : vector<16xi32>
    %sign3A_31 = arith.constant 0 : i32
    %sign3A_32 = arith.cmpi sgt, %jit3A_21, %sign3A_31 : i32
    %sign3A_33 = arith.extui %sign3A_32 : i1 to i32
    %sign3A_34 = arith.constant 0 : i32
    %sign3A_35 = arith.cmpi slt, %jit3A_21, %sign3A_34 : i32
    %sign3A_36 = arith.extui %sign3A_35 : i1 to i32
    %sign3A_37 = arith.subi %sign3A_33, %sign3A_36 : i32
    %ne3A_38 = vector.broadcast %sign3A_37 : i32 to vector<16xi32>
    %ne3A_39 = arith.cmpi ne, %sign3A_30, %ne3A_38 : vector<16xi32>
    %rem3A_40 = vector.broadcast %jit3A_21 : i32 to vector<16xi32>
    %rem3A_41 = arith.remsi %iota3A, %rem3A_40 : vector<16xi32>
    %ne3A_42 = arith.constant 0 : i32
    %ne3A_43 = vector.broadcast %ne3A_42 : i32 to vector<16xi32>
    %ne3A_44 = arith.cmpi ne, %rem3A_41, %ne3A_43 : vector<16xi32>
    %and3A_45 = arith.andi %ne3A_39, %ne3A_44 : vector<16xi1>
    %sub3A = arith.constant 1 : i32
    %sub3A_46 = vector.broadcast %sub3A : i32 to vector<16xi32>
    %sub3A_47 = arith.subi %div3A_22, %sub3A_46 : vector<16xi32>
    %select_n3A_48 = arith.select %and3A_45, %sub3A_47, %div3A_22 : vector<16xi1>, vector<16xi32>
    %and3A_49 = arith.constant 1 : i32
    %and3A_50 = vector.broadcast %and3A_49 : i32 to vector<16xi32>
    %and3A_51 = arith.andi %select_n3A_20, %and3A_50 : vector<16xi32>
    %mul3A_52 = arith.constant 32 : i32
    %mul3A_53 = vector.broadcast %mul3A_52 : i32 to vector<16xi32>
    %mul3A_54 = arith.muli %and3A_51, %mul3A_53 : vector<16xi32>
    %shift_right_arithmetic3A = arith.constant 1 : i32
    %shift_right_arithmetic3A_55 = vector.broadcast %shift_right_arithmetic3A : i32 to vector<16xi32>
    %shift_right_arithmetic3A_56 = arith.shrsi %select_n3A_20, %shift_right_arithmetic3A_55 : vector<16xi32>
    %mul3A_57 = arith.constant 16 : i32
    %mul3A_58 = vector.broadcast %mul3A_57 : i32 to vector<16xi32>
    %mul3A_59 = arith.muli %shift_right_arithmetic3A_56, %mul3A_58 : vector<16xi32>
    %add3A_60 = arith.addi %mul3A_54, %mul3A_59 : vector<16xi32>
    %mul3A_61 = arith.constant 256 : i32
    %mul3A_62 = arith.muli %add3A, %mul3A_61 : i32
    %add3A_63 = arith.constant 0 : i32
    %add3A_64 = arith.addi %mul3A_62, %add3A_63 : i32
    %dma_start3A = arith.constant 0 : i32
    %dma_start3A_65 = arith.constant 0 : i32
    %dma_start3A_66 = arith.constant 0 : i32
    %dma_start3A_67 = tpu.memref_slice %arg8[%dma_start3A, %dma_start3A_65, %dma_start3A_66] : memref<3x16x1024xf32, #tpu.memory_space<vmem>> -> memref<1x16x1024xf32, #tpu.memory_space<vmem>>
    %dma_start3A_68 = tpu.memref_squeeze %dma_start3A_67 : memref<1x16x1024xf32, #tpu.memory_space<vmem>> -> memref<16x1024xf32, #tpu.memory_space<vmem>>
    %dma_start3A_69 = arith.constant 0 : i32
    %dma_start3A_70 = tpu.memref_slice %arg2[%add3A_64, %dma_start3A_69] : memref<8192x1024xf32, #tpu.memory_space<hbm>> -> memref<16x1024xf32, #tpu.memory_space<hbm>>
    %dma_start3A_71 = arith.constant 0 : i32
    %dma_start3A_72 = arith.constant 0 : i32
    %dma_start3A_73 = tpu.memref_slice %arg8[%dma_start3A, %dma_start3A_71, %dma_start3A_72] : memref<3x16x1024xf32, #tpu.memory_space<vmem>> -> memref<1x16x1024xf32, #tpu.memory_space<vmem>>
    %dma_start3A_74 = tpu.memref_squeeze %dma_start3A_73 : memref<1x16x1024xf32, #tpu.memory_space<vmem>> -> memref<16x1024xf32, #tpu.memory_space<vmem>>
    %dma_start3A_75 = arith.constant 0 : i32
    %dma_start3A_76 = tpu.memref_slice %arg2[%add3A_64, %dma_start3A_75] : memref<8192x1024xf32, #tpu.memory_space<hbm>> -> memref<16x1024xf32, #tpu.memory_space<hbm>>
    tpu.enqueue_dma source(%dma_start3A_76 : memref<16x1024xf32, #tpu.memory_space<hbm>>) target(%dma_start3A_74 : memref<16x1024xf32, #tpu.memory_space<vmem>>) target_semaphore(%arg11 : memref<!tpu.dma_semaphore, #tpu.memory_space<semaphore_mem>>)
    %dma_start3A_77 = arith.constant 0 : i32
    %dma_start3A_78 = arith.constant 0 : i32
    %dma_start3A_79 = arith.constant 0 : i32
    %dma_start3A_80 = arith.constant 0 : i32
    %dma_start3A_81 = arith.constant 0 : i32
    %dma_start3A_82 = tpu.memref_slice %arg9[%dma_start3A_79, %dma_start3A_80, %dma_start3A_81] : memref<3x64x256xf32, #tpu.memory_space<vmem>> -> memref<1x32x256xf32, #tpu.memory_space<vmem>>
    %dma_start3A_83 = tpu.memref_squeeze %dma_start3A_82 : memref<1x32x256xf32, #tpu.memory_space<vmem>> -> memref<32x256xf32, #tpu.memory_space<vmem>>
    %dma_start3A_84 = arith.constant 0 : i32
    %dma_start3A_85 = tpu.memref_slice %arg10[%dma_start3A_77, %dma_start3A_78, %dma_start3A_84] : memref<2x16x32xi32, #tpu.memory_space<vmem>> -> memref<1x1x32xi32, #tpu.memory_space<vmem>>
    %dma_start3A_86 = tpu.memref_squeeze %dma_start3A_85 : memref<1x1x32xi32, #tpu.memory_space<vmem>> -> memref<32xi32, #tpu.memory_space<vmem>>
    %dma_start3A_87 = arith.constant 0 : i32
    %dma_start3A_88 = arith.constant 0 : i32
    %dma_start3A_89 = tpu.memref_slice %arg5[%dma_start3A_87, %dma_start3A_88] : memref<1025x256xf32, #tpu.memory_space<hbm>> -> memref<1025x256xf32, #tpu.memory_space<hbm>>
    tpu.enqueue_indirect_dma source(%dma_start3A_89 : memref<1025x256xf32, #tpu.memory_space<hbm>>) target(%dma_start3A_83 : memref<32x256xf32, #tpu.memory_space<vmem>>) offsets(%dma_start3A_86 : memref<32xi32, #tpu.memory_space<vmem>>) semaphore(%arg12 : memref<!tpu.dma_semaphore, #tpu.memory_space<semaphore_mem>>)
    %dma_start3A_90 = arith.constant 1 : i32
    %dma_start3A_91 = arith.constant 0 : i32
    %dma_start3A_92 = arith.constant 0 : i32
    %dma_start3A_93 = arith.constant 32 : i32
    %dma_start3A_94 = arith.constant 0 : i32
    %dma_start3A_95 = tpu.memref_slice %arg9[%dma_start3A_92, %dma_start3A_93, %dma_start3A_94] : memref<3x64x256xf32, #tpu.memory_space<vmem>> -> memref<1x32x256xf32, #tpu.memory_space<vmem>>
    %dma_start3A_96 = tpu.memref_squeeze %dma_start3A_95 : memref<1x32x256xf32, #tpu.memory_space<vmem>> -> memref<32x256xf32, #tpu.memory_space<vmem>>
    %dma_start3A_97 = arith.constant 0 : i32
    %dma_start3A_98 = tpu.memref_slice %arg10[%dma_start3A_90, %dma_start3A_91, %dma_start3A_97] : memref<2x16x32xi32, #tpu.memory_space<vmem>> -> memref<1x1x32xi32, #tpu.memory_space<vmem>>
    %dma_start3A_99 = tpu.memref_squeeze %dma_start3A_98 : memref<1x1x32xi32, #tpu.memory_space<vmem>> -> memref<32xi32, #tpu.memory_space<vmem>>
    %dma_start3A_100 = arith.constant 0 : i32
    %dma_start3A_101 = arith.constant 0 : i32
    %dma_start3A_102 = tpu.memref_slice %arg6[%dma_start3A_100, %dma_start3A_101] : memref<1025x256xf32, #tpu.memory_space<hbm>> -> memref<1025x256xf32, #tpu.memory_space<hbm>>
    tpu.enqueue_indirect_dma source(%dma_start3A_102 : memref<1025x256xf32, #tpu.memory_space<hbm>>) target(%dma_start3A_96 : memref<32x256xf32, #tpu.memory_space<vmem>>) offsets(%dma_start3A_99 : memref<32xi32, #tpu.memory_space<vmem>>) semaphore(%arg12 : memref<!tpu.dma_semaphore, #tpu.memory_space<semaphore_mem>>)
    %mul3A_103 = arith.constant 256 : i32
    %mul3A_104 = arith.muli %add3A, %mul3A_103 : i32
    %add3A_105 = arith.constant 16 : i32
    %add3A_106 = arith.addi %mul3A_104, %add3A_105 : i32
    %dma_start3A_107 = arith.constant 1 : i32
    %dma_start3A_108 = arith.constant 0 : i32
    %dma_start3A_109 = arith.constant 0 : i32
    %dma_start3A_110 = tpu.memref_slice %arg8[%dma_start3A_107, %dma_start3A_108, %dma_start3A_109] : memref<3x16x1024xf32, #tpu.memory_space<vmem>> -> memref<1x16x1024xf32, #tpu.memory_space<vmem>>
    %dma_start3A_111 = tpu.memref_squeeze %dma_start3A_110 : memref<1x16x1024xf32, #tpu.memory_space<vmem>> -> memref<16x1024xf32, #tpu.memory_space<vmem>>
    %dma_start3A_112 = arith.constant 0 : i32
    %dma_start3A_113 = tpu.memref_slice %arg2[%add3A_106, %dma_start3A_112] : memref<8192x1024xf32, #tpu.memory_space<hbm>> -> memref<16x1024xf32, #tpu.memory_space<hbm>>
    %dma_start3A_114 = arith.constant 0 : i32
    %dma_start3A_115 = arith.constant 0 : i32
    %dma_start3A_116 = tpu.memref_slice %arg8[%dma_start3A_107, %dma_start3A_114, %dma_start3A_115] : memref<3x16x1024xf32, #tpu.memory_space<vmem>> -> memref<1x16x1024xf32, #tpu.memory_space<vmem>>
    %dma_start3A_117 = tpu.memref_squeeze %dma_start3A_116 : memref<1x16x1024xf32, #tpu.memory_space<vmem>> -> memref<16x1024xf32, #tpu.memory_space<vmem>>
    %dma_start3A_118 = arith.constant 0 : i32
    %dma_start3A_119 = tpu.memref_slice %arg2[%add3A_106, %dma_start3A_118] : memref<8192x1024xf32, #tpu.memory_space<hbm>> -> memref<16x1024xf32, #tpu.memory_space<hbm>>
    tpu.enqueue_dma source(%dma_start3A_119 : memref<16x1024xf32, #tpu.memory_space<hbm>>) target(%dma_start3A_117 : memref<16x1024xf32, #tpu.memory_space<vmem>>) target_semaphore(%arg11 : memref<!tpu.dma_semaphore, #tpu.memory_space<semaphore_mem>>)
    %dma_start3A_120 = arith.constant 0 : i32
    %dma_start3A_121 = arith.constant 1 : i32
    %dma_start3A_122 = arith.constant 1 : i32
    %dma_start3A_123 = arith.constant 0 : i32
    %dma_start3A_124 = arith.constant 0 : i32
    %dma_start3A_125 = tpu.memref_slice %arg9[%dma_start3A_122, %dma_start3A_123, %dma_start3A_124] : memref<3x64x256xf32, #tpu.memory_space<vmem>> -> memref<1x32x256xf32, #tpu.memory_space<vmem>>
    %dma_start3A_126 = tpu.memref_squeeze %dma_start3A_125 : memref<1x32x256xf32, #tpu.memory_space<vmem>> -> memref<32x256xf32, #tpu.memory_space<vmem>>
    %dma_start3A_127 = arith.constant 0 : i32
    %dma_start3A_128 = tpu.memref_slice %arg10[%dma_start3A_120, %dma_start3A_121, %dma_start3A_127] : memref<2x16x32xi32, #tpu.memory_space<vmem>> -> memref<1x1x32xi32, #tpu.memory_space<vmem>>
    %dma_start3A_129 = tpu.memref_squeeze %dma_start3A_128 : memref<1x1x32xi32, #tpu.memory_space<vmem>> -> memref<32xi32, #tpu.memory_space<vmem>>
    %dma_start3A_130 = arith.constant 0 : i32
    %dma_start3A_131 = arith.constant 0 : i32
    %dma_start3A_132 = tpu.memref_slice %arg5[%dma_start3A_130, %dma_start3A_131] : memref<1025x256xf32, #tpu.memory_space<hbm>> -> memref<1025x256xf32, #tpu.memory_space<hbm>>
    tpu.enqueue_indirect_dma source(%dma_start3A_132 : memref<1025x256xf32, #tpu.memory_space<hbm>>) target(%dma_start3A_126 : memref<32x256xf32, #tpu.memory_space<vmem>>) offsets(%dma_start3A_129 : memref<32xi32, #tpu.memory_space<vmem>>) semaphore(%arg12 : memref<!tpu.dma_semaphore, #tpu.memory_space<semaphore_mem>>)
    %dma_start3A_133 = arith.constant 1 : i32
    %dma_start3A_134 = arith.constant 1 : i32
    %dma_start3A_135 = arith.constant 1 : i32
    %dma_start3A_136 = arith.constant 32 : i32
    %dma_start3A_137 = arith.constant 0 : i32
    %dma_start3A_138 = tpu.memref_slice %arg9[%dma_start3A_135, %dma_start3A_136, %dma_start3A_137] : memref<3x64x256xf32, #tpu.memory_space<vmem>> -> memref<1x32x256xf32, #tpu.memory_space<vmem>>
    %dma_start3A_139 = tpu.memref_squeeze %dma_start3A_138 : memref<1x32x256xf32, #tpu.memory_space<vmem>> -> memref<32x256xf32, #tpu.memory_space<vmem>>
    %dma_start3A_140 = arith.constant 0 : i32
    %dma_start3A_141 = tpu.memref_slice %arg10[%dma_start3A_133, %dma_start3A_134, %dma_start3A_140] : memref<2x16x32xi32, #tpu.memory_space<vmem>> -> memref<1x1x32xi32, #tpu.memory_space<vmem>>
    %dma_start3A_142 = tpu.memref_squeeze %dma_start3A_141 : memref<1x1x32xi32, #tpu.memory_space<vmem>> -> memref<32xi32, #tpu.memory_space<vmem>>
    %dma_start3A_143 = arith.constant 0 : i32
    %dma_start3A_144 = arith.constant 0 : i32
    %dma_start3A_145 = tpu.memref_slice %arg6[%dma_start3A_143, %dma_start3A_144] : memref<1025x256xf32, #tpu.memory_space<hbm>> -> memref<1025x256xf32, #tpu.memory_space<hbm>>
    tpu.enqueue_indirect_dma source(%dma_start3A_145 : memref<1025x256xf32, #tpu.memory_space<hbm>>) target(%dma_start3A_139 : memref<32x256xf32, #tpu.memory_space<vmem>>) offsets(%dma_start3A_142 : memref<32xi32, #tpu.memory_space<vmem>>) semaphore(%arg12 : memref<!tpu.dma_semaphore, #tpu.memory_space<semaphore_mem>>)
    %dma_wait3A = arith.constant 0 : i32
    %dma_wait3A_146 = arith.constant 0 : i32
    %dma_wait3A_147 = arith.constant 0 : i32
    %dma_wait3A_148 = tpu.memref_slice %arg8[%dma_wait3A, %dma_wait3A_146, %dma_wait3A_147] : memref<3x16x1024xf32, #tpu.memory_space<vmem>> -> memref<1x16x1024xf32, #tpu.memory_space<vmem>>
    %dma_wait3A_149 = tpu.memref_squeeze %dma_wait3A_148 : memref<1x16x1024xf32, #tpu.memory_space<vmem>> -> memref<16x1024xf32, #tpu.memory_space<vmem>>
    %dma_wait3A_150 = arith.constant 0 : i32
    %dma_wait3A_151 = tpu.memref_slice %arg2[%add3A_64, %dma_wait3A_150] : memref<8192x1024xf32, #tpu.memory_space<hbm>> -> memref<16x1024xf32, #tpu.memory_space<hbm>>
    %dma_wait3A_152 = arith.constant 0 : i32
    %dma_wait3A_153 = arith.constant 0 : i32
    %dma_wait3A_154 = tpu.memref_slice %arg8[%dma_wait3A, %dma_wait3A_152, %dma_wait3A_153] : memref<3x16x1024xf32, #tpu.memory_space<vmem>> -> memref<1x16x1024xf32, #tpu.memory_space<vmem>>
    %dma_wait3A_155 = tpu.memref_squeeze %dma_wait3A_154 : memref<1x16x1024xf32, #tpu.memory_space<vmem>> -> memref<16x1024xf32, #tpu.memory_space<vmem>>
    %dma_wait3A_156 = arith.constant 0 : i32
    %dma_wait3A_157 = tpu.memref_slice %arg2[%add3A_64, %dma_wait3A_156] : memref<8192x1024xf32, #tpu.memory_space<hbm>> -> memref<16x1024xf32, #tpu.memory_space<hbm>>
    tpu.wait_dma2 semaphore(%arg11 : memref<!tpu.dma_semaphore, #tpu.memory_space<semaphore_mem>>) src(%dma_wait3A_157 : memref<16x1024xf32, #tpu.memory_space<hbm>>) dst(%dma_wait3A_155 : memref<16x1024xf32, #tpu.memory_space<vmem>>)
    %dma_wait3A_158 = arith.constant 0 : i32
    %dma_wait3A_159 = arith.constant 0 : i32
    %dma_wait3A_160 = arith.constant 0 : i32
    %dma_wait3A_161 = arith.constant 0 : i32
    %dma_wait3A_162 = arith.constant 0 : i32
    %dma_wait3A_163 = tpu.memref_slice %arg9[%dma_wait3A_160, %dma_wait3A_161, %dma_wait3A_162] : memref<3x64x256xf32, #tpu.memory_space<vmem>> -> memref<1x32x256xf32, #tpu.memory_space<vmem>>
    %dma_wait3A_164 = tpu.memref_squeeze %dma_wait3A_163 : memref<1x32x256xf32, #tpu.memory_space<vmem>> -> memref<32x256xf32, #tpu.memory_space<vmem>>
    %dma_wait3A_165 = arith.constant 0 : i32
    %dma_wait3A_166 = tpu.memref_slice %arg10[%dma_wait3A_158, %dma_wait3A_159, %dma_wait3A_165] : memref<2x16x32xi32, #tpu.memory_space<vmem>> -> memref<1x1x32xi32, #tpu.memory_space<vmem>>
    %dma_wait3A_167 = tpu.memref_squeeze %dma_wait3A_166 : memref<1x1x32xi32, #tpu.memory_space<vmem>> -> memref<32xi32, #tpu.memory_space<vmem>>
    %dma_wait3A_168 = arith.constant 0 : i32
    %dma_wait3A_169 = arith.constant 0 : i32
    %dma_wait3A_170 = tpu.memref_slice %arg5[%dma_wait3A_168, %dma_wait3A_169] : memref<1025x256xf32, #tpu.memory_space<hbm>> -> memref<1025x256xf32, #tpu.memory_space<hbm>>
    tpu.wait_indirect_dma semaphore(%arg12 : memref<!tpu.dma_semaphore, #tpu.memory_space<semaphore_mem>>) src(%dma_wait3A_170 : memref<1025x256xf32, #tpu.memory_space<hbm>>) dst(%dma_wait3A_164 : memref<32x256xf32, #tpu.memory_space<vmem>>)
    %dma_wait3A_171 = arith.constant 1 : i32
    %dma_wait3A_172 = arith.constant 0 : i32
    %dma_wait3A_173 = arith.constant 0 : i32
    %dma_wait3A_174 = arith.constant 32 : i32
    %dma_wait3A_175 = arith.constant 0 : i32
    %dma_wait3A_176 = tpu.memref_slice %arg9[%dma_wait3A_173, %dma_wait3A_174, %dma_wait3A_175] : memref<3x64x256xf32, #tpu.memory_space<vmem>> -> memref<1x32x256xf32, #tpu.memory_space<vmem>>
    %dma_wait3A_177 = tpu.memref_squeeze %dma_wait3A_176 : memref<1x32x256xf32, #tpu.memory_space<vmem>> -> memref<32x256xf32, #tpu.memory_space<vmem>>
    %dma_wait3A_178 = arith.constant 0 : i32
    %dma_wait3A_179 = tpu.memref_slice %arg10[%dma_wait3A_171, %dma_wait3A_172, %dma_wait3A_178] : memref<2x16x32xi32, #tpu.memory_space<vmem>> -> memref<1x1x32xi32, #tpu.memory_space<vmem>>
    %dma_wait3A_180 = tpu.memref_squeeze %dma_wait3A_179 : memref<1x1x32xi32, #tpu.memory_space<vmem>> -> memref<32xi32, #tpu.memory_space<vmem>>
    %dma_wait3A_181 = arith.constant 0 : i32
    %dma_wait3A_182 = arith.constant 0 : i32
    %dma_wait3A_183 = tpu.memref_slice %arg6[%dma_wait3A_181, %dma_wait3A_182] : memref<1025x256xf32, #tpu.memory_space<hbm>> -> memref<1025x256xf32, #tpu.memory_space<hbm>>
    tpu.wait_indirect_dma semaphore(%arg12 : memref<!tpu.dma_semaphore, #tpu.memory_space<semaphore_mem>>) src(%dma_wait3A_183 : memref<1025x256xf32, #tpu.memory_space<hbm>>) dst(%dma_wait3A_177 : memref<32x256xf32, #tpu.memory_space<vmem>>)
    %parallel_loop3A = arith.constant 0 : i32
    %parallel_loop3A_184 = arith.constant 16 : i32
    %parallel_loop3A_185 = arith.constant 1 : i32
    %parallel_loop3A_186 = arith.constant 0 : i32
    %parallel_loop3A_187 = arith.constant 0 : i32
    scf.for %parallel_loop3A_1930 = %parallel_loop3A to %parallel_loop3A_184 step %parallel_loop3A_185  : i32 {
      %parallel_loop3A_1931 = vector.broadcast %parallel_loop3A_1930 : i32 to vector<16xi32>
      %parallel_loop3A_1932 = arith.addi %add3A_60, %parallel_loop3A_1931 : vector<16xi32>
      %parallel_loop3A_1933 = arith.constant 0 : i32
      %parallel_loop3A_1934 = arith.constant 64 : i32
      %parallel_loop3A_1935 = arith.constant 1 : i32
      scf.for %parallel_loop3A_1936 = %parallel_loop3A_1933 to %parallel_loop3A_1934 step %parallel_loop3A_1935  : i32 {
        %parallel_loop3A_1937 = arith.constant 4 : i32
        %parallel_loop3A_1938 = arith.muli %parallel_loop3A_1937, %parallel_loop3A_1936 : i32
        %parallel_loop3A_1939 = vector.broadcast %parallel_loop3A_1938 : i32 to vector<16xi32>
        %parallel_loop3A_1940 = arith.addi %select_n3A_48, %parallel_loop3A_1939 : vector<16xi32>
        %parallel_loop3A_1941 = arith.constant 0 : i32
        %parallel_loop3A_1942 = arith.constant 0 : i32
        %parallel_loop3A_1943 = tpu.memref_slice %arg9[%parallel_loop3A_186, %parallel_loop3A_1941, %parallel_loop3A_1942] : memref<3x64x256xf32, #tpu.memory_space<vmem>> -> memref<1x64x256xf32, #tpu.memory_space<vmem>>
        %parallel_loop3A_1944 = tpu.memref_squeeze %parallel_loop3A_1943 : memref<1x64x256xf32, #tpu.memory_space<vmem>> -> memref<64x256xf32, #tpu.memory_space<vmem>>
        %parallel_loop3A_1945 = tpu.vector_load_idx %parallel_loop3A_1944[%parallel_loop3A_1932, %parallel_loop3A_1940] : memref<64x256xf32, #tpu.memory_space<vmem>>[vector<16xi32>, vector<16xi32>], vector<16xf32>,
        %parallel_loop3A_1946 = arith.constant 16 : i32
        %parallel_loop3A_1947 = arith.muli %parallel_loop3A_1946, %parallel_loop3A_1936 : i32
        %parallel_loop3A_1948 = arith.constant 0 : i32
        %parallel_loop3A_1949 = arith.constant 0 : i32
        %parallel_loop3A_1950 = tpu.memref_slice %arg8[%parallel_loop3A_187, %parallel_loop3A_1948, %parallel_loop3A_1949] : memref<3x16x1024xf32, #tpu.memory_space<vmem>> -> memref<1x16x1024xf32, #tpu.memory_space<vmem>>
        %parallel_loop3A_1951 = tpu.memref_squeeze %parallel_loop3A_1950 : memref<1x16x1024xf32, #tpu.memory_space<vmem>> -> memref<16x1024xf32, #tpu.memory_space<vmem>>
        %parallel_loop3A_1952 = arith.index_cast %parallel_loop3A_1930 : i32 to index
        %parallel_loop3A_1953 = arith.index_cast %parallel_loop3A_1947 : i32 to index
        %parallel_loop3A_1954 = tpu.vector_load %parallel_loop3A_1951[%parallel_loop3A_1952, %parallel_loop3A_1953] {strides = array<i32>} : memref<16x1024xf32, #tpu.memory_space<vmem>>, vector<16xf32>,
        tpu.vector_store %parallel_loop3A_1951[%parallel_loop3A_1952, %parallel_loop3A_1953], %parallel_loop3A_1945 {add = true, strides = array<i32>} : memref<16x1024xf32, #tpu.memory_space<vmem>>, vector<16xf32>,
      } {sc.loop_unroll_factor = 8 : i64, sc.parallel_access}
    } {sc.loop_unroll_factor = 1 : i64, sc.parallel_access}
    %mul3A_188 = arith.constant 256 : i32
    %mul3A_189 = arith.muli %add3A, %mul3A_188 : i32
    %add3A_190 = arith.constant 0 : i32
    %add3A_191 = arith.addi %mul3A_189, %add3A_190 : i32
    %dma_start3A_192 = arith.constant 0 : i32
    %dma_start3A_193 = arith.constant 0 : i32
    %dma_start3A_194 = arith.constant 0 : i32
    %dma_start3A_195 = tpu.memref_slice %arg8[%dma_start3A_192, %dma_start3A_193, %dma_start3A_194] : memref<3x16x1024xf32, #tpu.memory_space<vmem>> -> memref<1x16x1024xf32, #tpu.memory_space<vmem>>
    %dma_start3A_196 = tpu.memref_squeeze %dma_start3A_195 : memref<1x16x1024xf32, #tpu.memory_space<vmem>> -> memref<16x1024xf32, #tpu.memory_space<vmem>>
    %dma_start3A_197 = arith.constant 0 : i32
    %dma_start3A_198 = tpu.memref_slice %arg7[%add3A_191, %dma_start3A_197] : memref<8192x1024xf32, #tpu.memory_space<hbm>> -> memref<16x1024xf32, #tpu.memory_space<hbm>>
    %dma_start3A_199 = arith.constant 0 : i32
    %dma_start3A_200 = tpu.memref_slice %arg7[%add3A_191, %dma_start3A_199] : memref<8192x1024xf32, #tpu.memory_space<hbm>> -> memref<16x1024xf32, #tpu.memory_space<hbm>>
    %dma_start3A_201 = arith.constant 0 : i32
    %dma_start3A_202 = arith.constant 0 : i32
    %dma_start3A_203 = tpu.memref_slice %arg8[%dma_start3A_192, %dma_start3A_201, %dma_start3A_202] : memref<3x16x1024xf32, #tpu.memory_space<vmem>> -> memref<1x16x1024xf32, #tpu.memory_space<vmem>>
    %dma_start3A_204 = tpu.memref_squeeze %dma_start3A_203 : memref<1x16x1024xf32, #tpu.memory_space<vmem>> -> memref<16x1024xf32, #tpu.memory_space<vmem>>
    tpu.enqueue_dma source(%dma_start3A_204 : memref<16x1024xf32, #tpu.memory_space<vmem>>) target(%dma_start3A_200 : memref<16x1024xf32, #tpu.memory_space<hbm>>) target_semaphore(%arg13 : memref<!tpu.dma_semaphore, #tpu.memory_space<semaphore_mem>>)
    %mul3A_205 = arith.constant 256 : i32
    %mul3A_206 = arith.muli %add3A, %mul3A_205 : i32
    %add3A_207 = arith.constant 32 : i32
    %add3A_208 = arith.addi %mul3A_206, %add3A_207 : i32
    %dma_start3A_209 = arith.constant 2 : i32
    %dma_start3A_210 = arith.constant 0 : i32
    %dma_start3A_211 = arith.constant 0 : i32
    %dma_start3A_212 = tpu.memref_slice %arg8[%dma_start3A_209, %dma_start3A_210, %dma_start3A_211] : memref<3x16x1024xf32, #tpu.memory_space<vmem>> -> memref<1x16x1024xf32, #tpu.memory_space<vmem>>
    %dma_start3A_213 = tpu.memref_squeeze %dma_start3A_212 : memref<1x16x1024xf32, #tpu.memory_space<vmem>> -> memref<16x1024xf32, #tpu.memory_space<vmem>>
    %dma_start3A_214 = arith.constant 0 : i32
    %dma_start3A_215 = tpu.memref_slice %arg2[%add3A_208, %dma_start3A_214] : memref<8192x1024xf32, #tpu.memory_space<hbm>> -> memref<16x1024xf32, #tpu.memory_space<hbm>>
    %dma_start3A_216 = arith.constant 0 : i32
    %dma_start3A_217 = arith.constant 0 : i32
    %dma_start3A_218 = tpu.memref_slice %arg8[%dma_start3A_209, %dma_start3A_216, %dma_start3A_217] : memref<3x16x1024xf32, #tpu.memory_space<vmem>> -> memref<1x16x1024xf32, #tpu.memory_space<vmem>>
    %dma_start3A_219 = tpu.memref_squeeze %dma_start3A_218 : memref<1x16x1024xf32, #tpu.memory_space<vmem>> -> memref<16x1024xf32, #tpu.memory_space<vmem>>
    %dma_start3A_220 = arith.constant 0 : i32
    %dma_start3A_221 = tpu.memref_slice %arg2[%add3A_208, %dma_start3A_220] : memref<8192x1024xf32, #tpu.memory_space<hbm>> -> memref<16x1024xf32, #tpu.memory_space<hbm>>
    tpu.enqueue_dma source(%dma_start3A_221 : memref<16x1024xf32, #tpu.memory_space<hbm>>) target(%dma_start3A_219 : memref<16x1024xf32, #tpu.memory_space<vmem>>) target_semaphore(%arg11 : memref<!tpu.dma_semaphore, #tpu.memory_space<semaphore_mem>>)
    %dma_start3A_222 = arith.constant 0 : i32
    %dma_start3A_223 = arith.constant 2 : i32
    %dma_start3A_224 = arith.constant 2 : i32
    %dma_start3A_225 = arith.constant 0 : i32
    %dma_start3A_226 = arith.constant 0 : i32
    %dma_start3A_227 = tpu.memref_slice %arg9[%dma_start3A_224, %dma_start3A_225, %dma_start3A_226] : memref<3x64x256xf32, #tpu.memory_space<vmem>> -> memref<1x32x256xf32, #tpu.memory_space<vmem>>
    %dma_start3A_228 = tpu.memref_squeeze %dma_start3A_227 : memref<1x32x256xf32, #tpu.memory_space<vmem>> -> memref<32x256xf32, #tpu.memory_space<vmem>>
    %dma_start3A_229 = arith.constant 0 : i32
    %dma_start3A_230 = tpu.memref_slice %arg10[%dma_start3A_222, %dma_start3A_223, %dma_start3A_229] : memref<2x16x32xi32, #tpu.memory_space<vmem>> -> memref<1x1x32xi32, #tpu.memory_space<vmem>>
    %dma_start3A_231 = tpu.memref_squeeze %dma_start3A_230 : memref<1x1x32xi32, #tpu.memory_space<vmem>> -> memref<32xi32, #tpu.memory_space<vmem>>
    %dma_start3A_232 = arith.constant 0 : i32
    %dma_start3A_233 = arith.constant 0 : i32
    %dma_start3A_234 = tpu.memref_slice %arg5[%dma_start3A_232, %dma_start3A_233] : memref<1025x256xf32, #tpu.memory_space<hbm>> -> memref<1025x256xf32, #tpu.memory_space<hbm>>
    tpu.enqueue_indirect_dma source(%dma_start3A_234 : memref<1025x256xf32, #tpu.memory_space<hbm>>) target(%dma_start3A_228 : memref<32x256xf32, #tpu.memory_space<vmem>>) offsets(%dma_start3A_231 : memref<32xi32, #tpu.memory_space<vmem>>) semaphore(%arg12 : memref<!tpu.dma_semaphore, #tpu.memory_space<semaphore_mem>>)
    %dma_start3A_235 = arith.constant 1 : i32
    %dma_start3A_236 = arith.constant 2 : i32
    %dma_start3A_237 = arith.constant 2 : i32
    %dma_start3A_238 = arith.constant 32 : i32
    %dma_start3A_239 = arith.constant 0 : i32
    %dma_start3A_240 = tpu.memref_slice %arg9[%dma_start3A_237, %dma_start3A_238, %dma_start3A_239] : memref<3x64x256xf32, #tpu.memory_space<vmem>> -> memref<1x32x256xf32, #tpu.memory_space<vmem>>
    %dma_start3A_241 = tpu.memref_squeeze %dma_start3A_240 : memref<1x32x256xf32, #tpu.memory_space<vmem>> -> memref<32x256xf32, #tpu.memory_space<vmem>>
    %dma_start3A_242 = arith.constant 0 : i32
    %dma_start3A_243 = tpu.memref_slice %arg10[%dma_start3A_235, %dma_start3A_236, %dma_start3A_242] : memref<2x16x32xi32, #tpu.memory_space<vmem>> -> memref<1x1x32xi32, #tpu.memory_space<vmem>>
    %dma_start3A_244 = tpu.memref_squeeze %dma_start3A_243 : memref<1x1x32xi32, #tpu.memory_space<vmem>> -> memref<32xi32, #tpu.memory_space<vmem>>
    %dma_start3A_245 = arith.constant 0 : i32
    %dma_start3A_246 = arith.constant 0 : i32
    %dma_start3A_247 = tpu.memref_slice %arg6[%dma_start3A_245, %dma_start3A_246] : memref<1025x256xf32, #tpu.memory_space<hbm>> -> memref<1025x256xf32, #tpu.memory_space<hbm>>
    tpu.enqueue_indirect_dma source(%dma_start3A_247 : memref<1025x256xf32, #tpu.memory_space<hbm>>) target(%dma_start3A_241 : memref<32x256xf32, #tpu.memory_space<vmem>>) offsets(%dma_start3A_244 : memref<32xi32, #tpu.memory_space<vmem>>) semaphore(%arg12 : memref<!tpu.dma_semaphore, #tpu.memory_space<semaphore_mem>>)
    %dma_wait3A_248 = arith.constant 1 : i32
    %dma_wait3A_249 = arith.constant 0 : i32
    %dma_wait3A_250 = arith.constant 0 : i32
    %dma_wait3A_251 = tpu.memref_slice %arg8[%dma_wait3A_248, %dma_wait3A_249, %dma_wait3A_250] : memref<3x16x1024xf32, #tpu.memory_space<vmem>> -> memref<1x16x1024xf32, #tpu.memory_space<vmem>>
    %dma_wait3A_252 = tpu.memref_squeeze %dma_wait3A_251 : memref<1x16x1024xf32, #tpu.memory_space<vmem>> -> memref<16x1024xf32, #tpu.memory_space<vmem>>
    %dma_wait3A_253 = arith.constant 0 : i32
    %dma_wait3A_254 = tpu.memref_slice %arg2[%add3A_106, %dma_wait3A_253] : memref<8192x1024xf32, #tpu.memory_space<hbm>> -> memref<16x1024xf32, #tpu.memory_space<hbm>>
    %dma_wait3A_255 = arith.constant 0 : i32
    %dma_wait3A_256 = arith.constant 0 : i32
    %dma_wait3A_257 = tpu.memref_slice %arg8[%dma_wait3A_248, %dma_wait3A_255, %dma_wait3A_256] : memref<3x16x1024xf32, #tpu.memory_space<vmem>> -> memref<1x16x1024xf32, #tpu.memory_space<vmem>>
    %dma_wait3A_258 = tpu.memref_squeeze %dma_wait3A_257 : memref<1x16x1024xf32, #tpu.memory_space<vmem>> -> memref<16x1024xf32, #tpu.memory_space<vmem>>
    %dma_wait3A_259 = arith.constant 0 : i32
    %dma_wait3A_260 = tpu.memref_slice %arg2[%add3A_106, %dma_wait3A_259] : memref<8192x1024xf32, #tpu.memory_space<hbm>> -> memref<16x1024xf32, #tpu.memory_space<hbm>>
    tpu.wait_dma2 semaphore(%arg11 : memref<!tpu.dma_semaphore, #tpu.memory_space<semaphore_mem>>) src(%dma_wait3A_260 : memref<16x1024xf32, #tpu.memory_space<hbm>>) dst(%dma_wait3A_258 : memref<16x1024xf32, #tpu.memory_space<vmem>>)
    %dma_wait3A_261 = arith.constant 0 : i32
    %dma_wait3A_262 = arith.constant 1 : i32
    %dma_wait3A_263 = arith.constant 1 : i32
    %dma_wait3A_264 = arith.constant 0 : i32
    %dma_wait3A_265 = arith.constant 0 : i32
    %dma_wait3A_266 = tpu.memref_slice %arg9[%dma_wait3A_263, %dma_wait3A_264, %dma_wait3A_265] : memref<3x64x256xf32, #tpu.memory_space<vmem>> -> memref<1x32x256xf32, #tpu.memory_space<vmem>>
    %dma_wait3A_267 = tpu.memref_squeeze %dma_wait3A_266 : memref<1x32x256xf32, #tpu.memory_space<vmem>> -> memref<32x256xf32, #tpu.memory_space<vmem>>
    %dma_wait3A_268 = arith.constant 0 : i32
    %dma_wait3A_269 = tpu.memref_slice %arg10[%dma_wait3A_261, %dma_wait3A_262, %dma_wait3A_268] : memref<2x16x32xi32, #tpu.memory_space<vmem>> -> memref<1x1x32xi32, #tpu.memory_space<vmem>>
    %dma_wait3A_270 = tpu.memref_squeeze %dma_wait3A_269 : memref<1x1x32xi32, #tpu.memory_space<vmem>> -> memref<32xi32, #tpu.memory_space<vmem>>
    %dma_wait3A_271 = arith.constant 0 : i32
    %dma_wait3A_272 = arith.constant 0 : i32
    %dma_wait3A_273 = tpu.memref_slice %arg5[%dma_wait3A_271, %dma_wait3A_272] : memref<1025x256xf32, #tpu.memory_space<hbm>> -> memref<1025x256xf32, #tpu.memory_space<hbm>>
    tpu.wait_indirect_dma semaphore(%arg12 : memref<!tpu.dma_semaphore, #tpu.memory_space<semaphore_mem>>) src(%dma_wait3A_273 : memref<1025x256xf32, #tpu.memory_space<hbm>>) dst(%dma_wait3A_267 : memref<32x256xf32, #tpu.memory_space<vmem>>)
    %dma_wait3A_274 = arith.constant 1 : i32
    %dma_wait3A_275 = arith.constant 1 : i32
    %dma_wait3A_276 = arith.constant 1 : i32
    %dma_wait3A_277 = arith.constant 32 : i32
    %dma_wait3A_278 = arith.constant 0 : i32
    %dma_wait3A_279 = tpu.memref_slice %arg9[%dma_wait3A_276, %dma_wait3A_277, %dma_wait3A_278] : memref<3x64x256xf32, #tpu.memory_space<vmem>> -> memref<1x32x256xf32, #tpu.memory_space<vmem>>
    %dma_wait3A_280 = tpu.memref_squeeze %dma_wait3A_279 : memref<1x32x256xf32, #tpu.memory_space<vmem>> -> memref<32x256xf32, #tpu.memory_space<vmem>>
    %dma_wait3A_281 = arith.constant 0 : i32
    %dma_wait3A_282 = tpu.memref_slice %arg10[%dma_wait3A_274, %dma_wait3A_275, %dma_wait3A_281] : memref<2x16x32xi32, #tpu.memory_space<vmem>> -> memref<1x1x32xi32, #tpu.memory_space<vmem>>
    %dma_wait3A_283 = tpu.memref_squeeze %dma_wait3A_282 : memref<1x1x32xi32, #tpu.memory_space<vmem>> -> memref<32xi32, #tpu.memory_space<vmem>>
    %dma_wait3A_284 = arith.constant 0 : i32
    %dma_wait3A_285 = arith.constant 0 : i32
    %dma_wait3A_286 = tpu.memref_slice %arg6[%dma_wait3A_284, %dma_wait3A_285] : memref<1025x256xf32, #tpu.memory_space<hbm>> -> memref<1025x256xf32, #tpu.memory_space<hbm>>
    tpu.wait_indirect_dma semaphore(%arg12 : memref<!tpu.dma_semaphore, #tpu.memory_space<semaphore_mem>>) src(%dma_wait3A_286 : memref<1025x256xf32, #tpu.memory_space<hbm>>) dst(%dma_wait3A_280 : memref<32x256xf32, #tpu.memory_space<vmem>>)
    %parallel_loop3A_287 = arith.constant 0 : i32
    %parallel_loop3A_288 = arith.constant 16 : i32
    %parallel_loop3A_289 = arith.constant 1 : i32
    %parallel_loop3A_290 = arith.constant 1 : i32
    %parallel_loop3A_291 = arith.constant 1 : i32
    scf.for %parallel_loop3A_1930 = %parallel_loop3A_287 to %parallel_loop3A_288 step %parallel_loop3A_289  : i32 {
      %parallel_loop3A_1931 = vector.broadcast %parallel_loop3A_1930 : i32 to vector<16xi32>
      %parallel_loop3A_1932 = arith.addi %add3A_60, %parallel_loop3A_1931 : vector<16xi32>
      %parallel_loop3A_1933 = arith.constant 0 : i32
      %parallel_loop3A_1934 = arith.constant 64 : i32
      %parallel_loop3A_1935 = arith.constant 1 : i32
      scf.for %parallel_loop3A_1936 = %parallel_loop3A_1933 to %parallel_loop3A_1934 step %parallel_loop3A_1935  : i32 {
        %parallel_loop3A_1937 = arith.constant 4 : i32
        %parallel_loop3A_1938 = arith.muli %parallel_loop3A_1937, %parallel_loop3A_1936 : i32
        %parallel_loop3A_1939 = vector.broadcast %parallel_loop3A_1938 : i32 to vector<16xi32>
        %parallel_loop3A_1940 = arith.addi %select_n3A_48, %parallel_loop3A_1939 : vector<16xi32>
        %parallel_loop3A_1941 = arith.constant 0 : i32
        %parallel_loop3A_1942 = arith.constant 0 : i32
        %parallel_loop3A_1943 = tpu.memref_slice %arg9[%parallel_loop3A_290, %parallel_loop3A_1941, %parallel_loop3A_1942] : memref<3x64x256xf32, #tpu.memory_space<vmem>> -> memref<1x64x256xf32, #tpu.memory_space<vmem>>
        %parallel_loop3A_1944 = tpu.memref_squeeze %parallel_loop3A_1943 : memref<1x64x256xf32, #tpu.memory_space<vmem>> -> memref<64x256xf32, #tpu.memory_space<vmem>>
        %parallel_loop3A_1945 = tpu.vector_load_idx %parallel_loop3A_1944[%parallel_loop3A_1932, %parallel_loop3A_1940] : memref<64x256xf32, #tpu.memory_space<vmem>>[vector<16xi32>, vector<16xi32>], vector<16xf32>,
        %parallel_loop3A_1946 = arith.constant 16 : i32
        %parallel_loop3A_1947 = arith.muli %parallel_loop3A_1946, %parallel_loop3A_1936 : i32
        %parallel_loop3A_1948 = arith.constant 0 : i32
        %parallel_loop3A_1949 = arith.constant 0 : i32
        %parallel_loop3A_1950 = tpu.memref_slice %arg8[%parallel_loop3A_291, %parallel_loop3A_1948, %parallel_loop3A_1949] : memref<3x16x1024xf32, #tpu.memory_space<vmem>> -> memref<1x16x1024xf32, #tpu.memory_space<vmem>>
        %parallel_loop3A_1951 = tpu.memref_squeeze %parallel_loop3A_1950 : memref<1x16x1024xf32, #tpu.memory_space<vmem>> -> memref<16x1024xf32, #tpu.memory_space<vmem>>
        %parallel_loop3A_1952 = arith.index_cast %parallel_loop3A_1930 : i32 to index
        %parallel_loop3A_1953 = arith.index_cast %parallel_loop3A_1947 : i32 to index
        %parallel_loop3A_1954 = tpu.vector_load %parallel_loop3A_1951[%parallel_loop3A_1952, %parallel_loop3A_1953] {strides = array<i32>} : memref<16x1024xf32, #tpu.memory_space<vmem>>, vector<16xf32>,
        tpu.vector_store %parallel_loop3A_1951[%parallel_loop3A_1952, %parallel_loop3A_1953], %parallel_loop3A_1945 {add = true, strides = array<i32>} : memref<16x1024xf32, #tpu.memory_space<vmem>>, vector<16xf32>,
      } {sc.loop_unroll_factor = 8 : i64, sc.parallel_access}
    } {sc.loop_unroll_factor = 1 : i64, sc.parallel_access}
    %mul3A_292 = arith.constant 256 : i32
    %mul3A_293 = arith.muli %add3A, %mul3A_292 : i32
    %add3A_294 = arith.constant 16 : i32
    %add3A_295 = arith.addi %mul3A_293, %add3A_294 : i32
    %dma_start3A_296 = arith.constant 1 : i32
    %dma_start3A_297 = arith.constant 0 : i32
    %dma_start3A_298 = arith.constant 0 : i32
    %dma_start3A_299 = tpu.memref_slice %arg8[%dma_start3A_296, %dma_start3A_297, %dma_start3A_298] : memref<3x16x1024xf32, #tpu.memory_space<vmem>> -> memref<1x16x1024xf32, #tpu.memory_space<vmem>>
    %dma_start3A_300 = tpu.memref_squeeze %dma_start3A_299 : memref<1x16x1024xf32, #tpu.memory_space<vmem>> -> memref<16x1024xf32, #tpu.memory_space<vmem>>
    %dma_start3A_301 = arith.constant 0 : i32
    %dma_start3A_302 = tpu.memref_slice %arg7[%add3A_295, %dma_start3A_301] : memref<8192x1024xf32, #tpu.memory_space<hbm>> -> memref<16x1024xf32, #tpu.memory_space<hbm>>
    %dma_start3A_303 = arith.constant 0 : i32
    %dma_start3A_304 = tpu.memref_slice %arg7[%add3A_295, %dma_start3A_303] : memref<8192x1024xf32, #tpu.memory_space<hbm>> -> memref<16x1024xf32, #tpu.memory_space<hbm>>
    %dma_start3A_305 = arith.constant 0 : i32
    %dma_start3A_306 = arith.constant 0 : i32
    %dma_start3A_307 = tpu.memref_slice %arg8[%dma_start3A_296, %dma_start3A_305, %dma_start3A_306] : memref<3x16x1024xf32, #tpu.memory_space<vmem>> -> memref<1x16x1024xf32, #tpu.memory_space<vmem>>
    %dma_start3A_308 = tpu.memref_squeeze %dma_start3A_307 : memref<1x16x1024xf32, #tpu.memory_space<vmem>> -> memref<16x1024xf32, #tpu.memory_space<vmem>>
    tpu.enqueue_dma source(%dma_start3A_308 : memref<16x1024xf32, #tpu.memory_space<vmem>>) target(%dma_start3A_304 : memref<16x1024xf32, #tpu.memory_space<hbm>>) target_semaphore(%arg13 : memref<!tpu.dma_semaphore, #tpu.memory_space<semaphore_mem>>)
    %dma_wait3A_309 = arith.constant 0 : i32
    %dma_wait3A_310 = arith.constant 0 : i32
    %dma_wait3A_311 = arith.constant 0 : i32
    %dma_wait3A_312 = tpu.memref_slice %arg8[%dma_wait3A_309, %dma_wait3A_310, %dma_wait3A_311] : memref<3x16x1024xf32, #tpu.memory_space<vmem>> -> memref<1x16x1024xf32, #tpu.memory_space<vmem>>
    %dma_wait3A_313 = tpu.memref_squeeze %dma_wait3A_312 : memref<1x16x1024xf32, #tpu.memory_space<vmem>> -> memref<16x1024xf32, #tpu.memory_space<vmem>>
    %dma_wait3A_314 = arith.constant 0 : i32
    %dma_wait3A_315 = tpu.memref_slice %arg7[%add3A_191, %dma_wait3A_314] : memref<8192x1024xf32, #tpu.memory_space<hbm>> -> memref<16x1024xf32, #tpu.memory_space<hbm>>
    %dma_wait3A_316 = arith.constant 0 : i32
    %dma_wait3A_317 = tpu.memref_slice %arg7[%add3A_191, %dma_wait3A_316] : memref<8192x1024xf32, #tpu.memory_space<hbm>> -> memref<16x1024xf32, #tpu.memory_space<hbm>>
    %dma_wait3A_318 = arith.constant 0 : i32
    %dma_wait3A_319 = arith.constant 0 : i32
    %dma_wait3A_320 = tpu.memref_slice %arg8[%dma_wait3A_309, %dma_wait3A_318, %dma_wait3A_319] : memref<3x16x1024xf32, #tpu.memory_space<vmem>> -> memref<1x16x1024xf32, #tpu.memory_space<vmem>>
    %dma_wait3A_321 = tpu.memref_squeeze %dma_wait3A_320 : memref<1x16x1024xf32, #tpu.memory_space<vmem>> -> memref<16x1024xf32, #tpu.memory_space<vmem>>
    tpu.wait_dma2 semaphore(%arg13 : memref<!tpu.dma_semaphore, #tpu.memory_space<semaphore_mem>>) src(%dma_wait3A_321 : memref<16x1024xf32, #tpu.memory_space<vmem>>) dst(%dma_wait3A_317 : memref<16x1024xf32, #tpu.memory_space<hbm>>)
    %mul3A_322 = arith.constant 256 : i32
    %mul3A_323 = arith.muli %add3A, %mul3A_322 : i32
    %add3A_324 = arith.constant 48 : i32
    %add3A_325 = arith.addi %mul3A_323, %add3A_324 : i32
    %dma_start3A_326 = arith.constant 0 : i32
    %dma_start3A_327 = arith.constant 0 : i32
    %dma_start3A_328 = arith.constant 0 : i32
    %dma_start3A_329 = tpu.memref_slice %arg8[%dma_start3A_326, %dma_start3A_327, %dma_start3A_328] : memref<3x16x1024xf32, #tpu.memory_space<vmem>> -> memref<1x16x1024xf32, #tpu.memory_space<vmem>>
    %dma_start3A_330 = tpu.memref_squeeze %dma_start3A_329 : memref<1x16x1024xf32, #tpu.memory_space<vmem>> -> memref<16x1024xf32, #tpu.memory_space<vmem>>
    %dma_start3A_331 = arith.constant 0 : i32
    %dma_start3A_332 = tpu.memref_slice %arg2[%add3A_325, %dma_start3A_331] : memref<8192x1024xf32, #tpu.memory_space<hbm>> -> memref<16x1024xf32, #tpu.memory_space<hbm>>
    %dma_start3A_333 = arith.constant 0 : i32
    %dma_start3A_334 = arith.constant 0 : i32
    %dma_start3A_335 = tpu.memref_slice %arg8[%dma_start3A_326, %dma_start3A_333, %dma_start3A_334] : memref<3x16x1024xf32, #tpu.memory_space<vmem>> -> memref<1x16x1024xf32, #tpu.memory_space<vmem>>
    %dma_start3A_336 = tpu.memref_squeeze %dma_start3A_335 : memref<1x16x1024xf32, #tpu.memory_space<vmem>> -> memref<16x1024xf32, #tpu.memory_space<vmem>>
    %dma_start3A_337 = arith.constant 0 : i32
    %dma_start3A_338 = tpu.memref_slice %arg2[%add3A_325, %dma_start3A_337] : memref<8192x1024xf32, #tpu.memory_space<hbm>> -> memref<16x1024xf32, #tpu.memory_space<hbm>>
    tpu.enqueue_dma source(%dma_start3A_338 : memref<16x1024xf32, #tpu.memory_space<hbm>>) target(%dma_start3A_336 : memref<16x1024xf32, #tpu.memory_space<vmem>>) target_semaphore(%arg11 : memref<!tpu.dma_semaphore, #tpu.memory_space<semaphore_mem>>)
    %dma_start3A_339 = arith.constant 0 : i32
    %dma_start3A_340 = arith.constant 3 : i32
    %dma_start3A_341 = arith.constant 0 : i32
    %dma_start3A_342 = arith.constant 0 : i32
    %dma_start3A_343 = arith.constant 0 : i32
    %dma_start3A_344 = tpu.memref_slice %arg9[%dma_start3A_341, %dma_start3A_342, %dma_start3A_343] : memref<3x64x256xf32, #tpu.memory_space<vmem>> -> memref<1x32x256xf32, #tpu.memory_space<vmem>>
    %dma_start3A_345 = tpu.memref_squeeze %dma_start3A_344 : memref<1x32x256xf32, #tpu.memory_space<vmem>> -> memref<32x256xf32, #tpu.memory_space<vmem>>
    %dma_start3A_346 = arith.constant 0 : i32
    %dma_start3A_347 = tpu.memref_slice %arg10[%dma_start3A_339, %dma_start3A_340, %dma_start3A_346] : memref<2x16x32xi32, #tpu.memory_space<vmem>> -> memref<1x1x32xi32, #tpu.memory_space<vmem>>
    %dma_start3A_348 = tpu.memref_squeeze %dma_start3A_347 : memref<1x1x32xi32, #tpu.memory_space<vmem>> -> memref<32xi32, #tpu.memory_space<vmem>>
    %dma_start3A_349 = arith.constant 0 : i32
    %dma_start3A_350 = arith.constant 0 : i32
    %dma_start3A_351 = tpu.memref_slice %arg5[%dma_start3A_349, %dma_start3A_350] : memref<1025x256xf32, #tpu.memory_space<hbm>> -> memref<1025x256xf32, #tpu.memory_space<hbm>>
    tpu.enqueue_indirect_dma source(%dma_start3A_351 : memref<1025x256xf32, #tpu.memory_space<hbm>>) target(%dma_start3A_345 : memref<32x256xf32, #tpu.memory_space<vmem>>) offsets(%dma_start3A_348 : memref<32xi32, #tpu.memory_space<vmem>>) semaphore(%arg12 : memref<!tpu.dma_semaphore, #tpu.memory_space<semaphore_mem>>)
    %dma_start3A_352 = arith.constant 1 : i32
    %dma_start3A_353 = arith.constant 3 : i32
    %dma_start3A_354 = arith.constant 0 : i32
    %dma_start3A_355 = arith.constant 32 : i32
    %dma_start3A_356 = arith.constant 0 : i32
    %dma_start3A_357 = tpu.memref_slice %arg9[%dma_start3A_354, %dma_start3A_355, %dma_start3A_356] : memref<3x64x256xf32, #tpu.memory_space<vmem>> -> memref<1x32x256xf32, #tpu.memory_space<vmem>>
    %dma_start3A_358 = tpu.memref_squeeze %dma_start3A_357 : memref<1x32x256xf32, #tpu.memory_space<vmem>> -> memref<32x256xf32, #tpu.memory_space<vmem>>
    %dma_start3A_359 = arith.constant 0 : i32
    %dma_start3A_360 = tpu.memref_slice %arg10[%dma_start3A_352, %dma_start3A_353, %dma_start3A_359] : memref<2x16x32xi32, #tpu.memory_space<vmem>> -> memref<1x1x32xi32, #tpu.memory_space<vmem>>
    %dma_start3A_361 = tpu.memref_squeeze %dma_start3A_360 : memref<1x1x32xi32, #tpu.memory_space<vmem>> -> memref<32xi32, #tpu.memory_space<vmem>>
    %dma_start3A_362 = arith.constant 0 : i32
    %dma_start3A_363 = arith.constant 0 : i32
    %dma_start3A_364 = tpu.memref_slice %arg6[%dma_start3A_362, %dma_start3A_363] : memref<1025x256xf32, #tpu.memory_space<hbm>> -> memref<1025x256xf32, #tpu.memory_space<hbm>>
    tpu.enqueue_indirect_dma source(%dma_start3A_364 : memref<1025x256xf32, #tpu.memory_space<hbm>>) target(%dma_start3A_358 : memref<32x256xf32, #tpu.memory_space<vmem>>) offsets(%dma_start3A_361 : memref<32xi32, #tpu.memory_space<vmem>>) semaphore(%arg12 : memref<!tpu.dma_semaphore, #tpu.memory_space<semaphore_mem>>)
    %dma_wait3A_365 = arith.constant 2 : i32
    %dma_wait3A_366 = arith.constant 0 : i32
    %dma_wait3A_367 = arith.constant 0 : i32
    %dma_wait3A_368 = tpu.memref_slice %arg8[%dma_wait3A_365, %dma_wait3A_366, %dma_wait3A_367] : memref<3x16x1024xf32, #tpu.memory_space<vmem>> -> memref<1x16x1024xf32, #tpu.memory_space<vmem>>
    %dma_wait3A_369 = tpu.memref_squeeze %dma_wait3A_368 : memref<1x16x1024xf32, #tpu.memory_space<vmem>> -> memref<16x1024xf32, #tpu.memory_space<vmem>>
    %dma_wait3A_370 = arith.constant 0 : i32
    %dma_wait3A_371 = tpu.memref_slice %arg2[%add3A_208, %dma_wait3A_370] : memref<8192x1024xf32, #tpu.memory_space<hbm>> -> memref<16x1024xf32, #tpu.memory_space<hbm>>
    %dma_wait3A_372 = arith.constant 0 : i32
    %dma_wait3A_373 = arith.constant 0 : i32
    %dma_wait3A_374 = tpu.memref_slice %arg8[%dma_wait3A_365, %dma_wait3A_372, %dma_wait3A_373] : memref<3x16x1024xf32, #tpu.memory_space<vmem>> -> memref<1x16x1024xf32, #tpu.memory_space<vmem>>
    %dma_wait3A_375 = tpu.memref_squeeze %dma_wait3A_374 : memref<1x16x1024xf32, #tpu.memory_space<vmem>> -> memref<16x1024xf32, #tpu.memory_space<vmem>>
    %dma_wait3A_376 = arith.constant 0 : i32
    %dma_wait3A_377 = tpu.memref_slice %arg2[%add3A_208, %dma_wait3A_376] : memref<8192x1024xf32, #tpu.memory_space<hbm>> -> memref<16x1024xf32, #tpu.memory_space<hbm>>
    tpu.wait_dma2 semaphore(%arg11 : memref<!tpu.dma_semaphore, #tpu.memory_space<semaphore_mem>>) src(%dma_wait3A_377 : memref<16x1024xf32, #tpu.memory_space<hbm>>) dst(%dma_wait3A_375 : memref<16x1024xf32, #tpu.memory_space<vmem>>)
    %dma_wait3A_378 = arith.constant 0 : i32
    %dma_wait3A_379 = arith.constant 2 : i32
    %dma_wait3A_380 = arith.constant 2 : i32
    %dma_wait3A_381 = arith.constant 0 : i32
    %dma_wait3A_382 = arith.constant 0 : i32
    %dma_wait3A_383 = tpu.memref_slice %arg9[%dma_wait3A_380, %dma_wait3A_381, %dma_wait3A_382] : memref<3x64x256xf32, #tpu.memory_space<vmem>> -> memref<1x32x256xf32, #tpu.memory_space<vmem>>
    %dma_wait3A_384 = tpu.memref_squeeze %dma_wait3A_383 : memref<1x32x256xf32, #tpu.memory_space<vmem>> -> memref<32x256xf32, #tpu.memory_space<vmem>>
    %dma_wait3A_385 = arith.constant 0 : i32
    %dma_wait3A_386 = tpu.memref_slice %arg10[%dma_wait3A_378, %dma_wait3A_379, %dma_wait3A_385] : memref<2x16x32xi32, #tpu.memory_space<vmem>> -> memref<1x1x32xi32, #tpu.memory_space<vmem>>
    %dma_wait3A_387 = tpu.memref_squeeze %dma_wait3A_386 : memref<1x1x32xi32, #tpu.memory_space<vmem>> -> memref<32xi32, #tpu.memory_space<vmem>>
    %dma_wait3A_388 = arith.constant 0 : i32
    %dma_wait3A_389 = arith.constant 0 : i32
    %dma_wait3A_390 = tpu.memref_slice %arg5[%dma_wait3A_388, %dma_wait3A_389] : memref<1025x256xf32, #tpu.memory_space<hbm>> -> memref<1025x256xf32, #tpu.memory_space<hbm>>
    tpu.wait_indirect_dma semaphore(%arg12 : memref<!tpu.dma_semaphore, #tpu.memory_space<semaphore_mem>>) src(%dma_wait3A_390 : memref<1025x256xf32, #tpu.memory_space<hbm>>) dst(%dma_wait3A_384 : memref<32x256xf32, #tpu.memory_space<vmem>>)
    %dma_wait3A_391 = arith.constant 1 : i32
    %dma_wait3A_392 = arith.constant 2 : i32
    %dma_wait3A_393 = arith.constant 2 : i32
    %dma_wait3A_394 = arith.constant 32 : i32
    %dma_wait3A_395 = arith.constant 0 : i32
    %dma_wait3A_396 = tpu.memref_slice %arg9[%dma_wait3A_393, %dma_wait3A_394, %dma_wait3A_395] : memref<3x64x256xf32, #tpu.memory_space<vmem>> -> memref<1x32x256xf32, #tpu.memory_space<vmem>>
    %dma_wait3A_397 = tpu.memref_squeeze %dma_wait3A_396 : memref<1x32x256xf32, #tpu.memory_space<vmem>> -> memref<32x256xf32, #tpu.memory_space<vmem>>
    %dma_wait3A_398 = arith.constant 0 : i32
    %dma_wait3A_399 = tpu.memref_slice %arg10[%dma_wait3A_391, %dma_wait3A_392, %dma_wait3A_398] : memref<2x16x32xi32, #tpu.memory_space<vmem>> -> memref<1x1x32xi32, #tpu.memory_space<vmem>>
    %dma_wait3A_400 = tpu.memref_squeeze %dma_wait3A_399 : memref<1x1x32xi32, #tpu.memory_space<vmem>> -> memref<32xi32, #tpu.memory_space<vmem>>
    %dma_wait3A_401 = arith.constant 0 : i32
    %dma_wait3A_402 = arith.constant 0 : i32
    %dma_wait3A_403 = tpu.memref_slice %arg6[%dma_wait3A_401, %dma_wait3A_402] : memref<1025x256xf32, #tpu.memory_space<hbm>> -> memref<1025x256xf32, #tpu.memory_space<hbm>>
    tpu.wait_indirect_dma semaphore(%arg12 : memref<!tpu.dma_semaphore, #tpu.memory_space<semaphore_mem>>) src(%dma_wait3A_403 : memref<1025x256xf32, #tpu.memory_space<hbm>>) dst(%dma_wait3A_397 : memref<32x256xf32, #tpu.memory_space<vmem>>)
    %parallel_loop3A_404 = arith.constant 0 : i32
    %parallel_loop3A_405 = arith.constant 16 : i32
    %parallel_loop3A_406 = arith.constant 1 : i32
    %parallel_loop3A_407 = arith.constant 2 : i32
    %parallel_loop3A_408 = arith.constant 2 : i32
    scf.for %parallel_loop3A_1930 = %parallel_loop3A_404 to %parallel_loop3A_405 step %parallel_loop3A_406  : i32 {
      %parallel_loop3A_1931 = vector.broadcast %parallel_loop3A_1930 : i32 to vector<16xi32>
      %parallel_loop3A_1932 = arith.addi %add3A_60, %parallel_loop3A_1931 : vector<16xi32>
      %parallel_loop3A_1933 = arith.constant 0 : i32
      %parallel_loop3A_1934 = arith.constant 64 : i32
      %parallel_loop3A_1935 = arith.constant 1 : i32
      scf.for %parallel_loop3A_1936 = %parallel_loop3A_1933 to %parallel_loop3A_1934 step %parallel_loop3A_1935  : i32 {
        %parallel_loop3A_1937 = arith.constant 4 : i32
        %parallel_loop3A_1938 = arith.muli %parallel_loop3A_1937, %parallel_loop3A_1936 : i32
        %parallel_loop3A_1939 = vector.broadcast %parallel_loop3A_1938 : i32 to vector<16xi32>
        %parallel_loop3A_1940 = arith.addi %select_n3A_48, %parallel_loop3A_1939 : vector<16xi32>
        %parallel_loop3A_1941 = arith.constant 0 : i32
        %parallel_loop3A_1942 = arith.constant 0 : i32
        %parallel_loop3A_1943 = tpu.memref_slice %arg9[%parallel_loop3A_407, %parallel_loop3A_1941, %parallel_loop3A_1942] : memref<3x64x256xf32, #tpu.memory_space<vmem>> -> memref<1x64x256xf32, #tpu.memory_space<vmem>>
        %parallel_loop3A_1944 = tpu.memref_squeeze %parallel_loop3A_1943 : memref<1x64x256xf32, #tpu.memory_space<vmem>> -> memref<64x256xf32, #tpu.memory_space<vmem>>
        %parallel_loop3A_1945 = tpu.vector_load_idx %parallel_loop3A_1944[%parallel_loop3A_1932, %parallel_loop3A_1940] : memref<64x256xf32, #tpu.memory_space<vmem>>[vector<16xi32>, vector<16xi32>], vector<16xf32>,
        %parallel_loop3A_1946 = arith.constant 16 : i32
        %parallel_loop3A_1947 = arith.muli %parallel_loop3A_1946, %parallel_loop3A_1936 : i32
        %parallel_loop3A_1948 = arith.constant 0 : i32
        %parallel_loop3A_1949 = arith.constant 0 : i32
        %parallel_loop3A_1950 = tpu.memref_slice %arg8[%parallel_loop3A_408, %parallel_loop3A_1948, %parallel_loop3A_1949] : memref<3x16x1024xf32, #tpu.memory_space<vmem>> -> memref<1x16x1024xf32, #tpu.memory_space<vmem>>
        %parallel_loop3A_1951 = tpu.memref_squeeze %parallel_loop3A_1950 : memref<1x16x1024xf32, #tpu.memory_space<vmem>> -> memref<16x1024xf32, #tpu.memory_space<vmem>>
        %parallel_loop3A_1952 = arith.index_cast %parallel_loop3A_1930 : i32 to index
        %parallel_loop3A_1953 = arith.index_cast %parallel_loop3A_1947 : i32 to index
        %parallel_loop3A_1954 = tpu.vector_load %parallel_loop3A_1951[%parallel_loop3A_1952, %parallel_loop3A_1953] {strides = array<i32>} : memref<16x1024xf32, #tpu.memory_space<vmem>>, vector<16xf32>,
        tpu.vector_store %parallel_loop3A_1951[%parallel_loop3A_1952, %parallel_loop3A_1953], %parallel_loop3A_1945 {add = true, strides = array<i32>} : memref<16x1024xf32, #tpu.memory_space<vmem>>, vector<16xf32>,
      } {sc.loop_unroll_factor = 8 : i64, sc.parallel_access}
    } {sc.loop_unroll_factor = 1 : i64, sc.parallel_access}
    %mul3A_409 = arith.constant 256 : i32
    %mul3A_410 = arith.muli %add3A, %mul3A_409 : i32
    %add3A_411 = arith.constant 32 : i32
    %add3A_412 = arith.addi %mul3A_410, %add3A_411 : i32
    %dma_start3A_413 = arith.constant 2 : i32
    %dma_start3A_414 = arith.constant 0 : i32
    %dma_start3A_415 = arith.constant 0 : i32
    %dma_start3A_416 = tpu.memref_slice %arg8[%dma_start3A_413, %dma_start3A_414, %dma_start3A_415] : memref<3x16x1024xf32, #tpu.memory_space<vmem>> -> memref<1x16x1024xf32, #tpu.memory_space<vmem>>
    %dma_start3A_417 = tpu.memref_squeeze %dma_start3A_416 : memref<1x16x1024xf32, #tpu.memory_space<vmem>> -> memref<16x1024xf32, #tpu.memory_space<vmem>>
    %dma_start3A_418 = arith.constant 0 : i32
    %dma_start3A_419 = tpu.memref_slice %arg7[%add3A_412, %dma_start3A_418] : memref<8192x1024xf32, #tpu.memory_space<hbm>> -> memref<16x1024xf32, #tpu.memory_space<hbm>>
    %dma_start3A_420 = arith.constant 0 : i32
    %dma_start3A_421 = tpu.memref_slice %arg7[%add3A_412, %dma_start3A_420] : memref<8192x1024xf32, #tpu.memory_space<hbm>> -> memref<16x1024xf32, #tpu.memory_space<hbm>>
    %dma_start3A_422 = arith.constant 0 : i32
    %dma_start3A_423 = arith.constant 0 : i32
    %dma_start3A_424 = tpu.memref_slice %arg8[%dma_start3A_413, %dma_start3A_422, %dma_start3A_423] : memref<3x16x1024xf32, #tpu.memory_space<vmem>> -> memref<1x16x1024xf32, #tpu.memory_space<vmem>>
    %dma_start3A_425 = tpu.memref_squeeze %dma_start3A_424 : memref<1x16x1024xf32, #tpu.memory_space<vmem>> -> memref<16x1024xf32, #tpu.memory_space<vmem>>
    tpu.enqueue_dma source(%dma_start3A_425 : memref<16x1024xf32, #tpu.memory_space<vmem>>) target(%dma_start3A_421 : memref<16x1024xf32, #tpu.memory_space<hbm>>) target_semaphore(%arg13 : memref<!tpu.dma_semaphore, #tpu.memory_space<semaphore_mem>>)
    %dma_wait3A_426 = arith.constant 1 : i32
    %dma_wait3A_427 = arith.constant 0 : i32
    %dma_wait3A_428 = arith.constant 0 : i32
    %dma_wait3A_429 = tpu.memref_slice %arg8[%dma_wait3A_426, %dma_wait3A_427, %dma_wait3A_428] : memref<3x16x1024xf32, #tpu.memory_space<vmem>> -> memref<1x16x1024xf32, #tpu.memory_space<vmem>>
    %dma_wait3A_430 = tpu.memref_squeeze %dma_wait3A_429 : memref<1x16x1024xf32, #tpu.memory_space<vmem>> -> memref<16x1024xf32, #tpu.memory_space<vmem>>
    %dma_wait3A_431 = arith.constant 0 : i32
    %dma_wait3A_432 = tpu.memref_slice %arg7[%add3A_295, %dma_wait3A_431] : memref<8192x1024xf32, #tpu.memory_space<hbm>> -> memref<16x1024xf32, #tpu.memory_space<hbm>>
    %dma_wait3A_433 = arith.constant 0 : i32
    %dma_wait3A_434 = tpu.memref_slice %arg7[%add3A_295, %dma_wait3A_433] : memref<8192x1024xf32, #tpu.memory_space<hbm>> -> memref<16x1024xf32, #tpu.memory_space<hbm>>
    %dma_wait3A_435 = arith.constant 0 : i32
    %dma_wait3A_436 = arith.constant 0 : i32
    %dma_wait3A_437 = tpu.memref_slice %arg8[%dma_wait3A_426, %dma_wait3A_435, %dma_wait3A_436] : memref<3x16x1024xf32, #tpu.memory_space<vmem>> -> memref<1x16x1024xf32, #tpu.memory_space<vmem>>
    %dma_wait3A_438 = tpu.memref_squeeze %dma_wait3A_437 : memref<1x16x1024xf32, #tpu.memory_space<vmem>> -> memref<16x1024xf32, #tpu.memory_space<vmem>>
    tpu.wait_dma2 semaphore(%arg13 : memref<!tpu.dma_semaphore, #tpu.memory_space<semaphore_mem>>) src(%dma_wait3A_438 : memref<16x1024xf32, #tpu.memory_space<vmem>>) dst(%dma_wait3A_434 : memref<16x1024xf32, #tpu.memory_space<hbm>>)
    %mul3A_439 = arith.constant 256 : i32
    %mul3A_440 = arith.muli %add3A, %mul3A_439 : i32
    %add3A_441 = arith.constant 64 : i32
    %add3A_442 = arith.addi %mul3A_440, %add3A_441 : i32
    %dma_start3A_443 = arith.constant 1 : i32
    %dma_start3A_444 = arith.constant 0 : i32
    %dma_start3A_445 = arith.constant 0 : i32
    %dma_start3A_446 = tpu.memref_slice %arg8[%dma_start3A_443, %dma_start3A_444, %dma_start3A_445] : memref<3x16x1024xf32, #tpu.memory_space<vmem>> -> memref<1x16x1024xf32, #tpu.memory_space<vmem>>
    %dma_start3A_447 = tpu.memref_squeeze %dma_start3A_446 : memref<1x16x1024xf32, #tpu.memory_space<vmem>> -> memref<16x1024xf32, #tpu.memory_space<vmem>>
    %dma_start3A_448 = arith.constant 0 : i32
    %dma_start3A_449 = tpu.memref_slice %arg2[%add3A_442, %dma_start3A_448] : memref<8192x1024xf32, #tpu.memory_space<hbm>> -> memref<16x1024xf32, #tpu.memory_space<hbm>>
    %dma_start3A_450 = arith.constant 0 : i32
    %dma_start3A_451 = arith.constant 0 : i32
    %dma_start3A_452 = tpu.memref_slice %arg8[%dma_start3A_443, %dma_start3A_450, %dma_start3A_451] : memref<3x16x1024xf32, #tpu.memory_space<vmem>> -> memref<1x16x1024xf32, #tpu.memory_space<vmem>>
    %dma_start3A_453 = tpu.memref_squeeze %dma_start3A_452 : memref<1x16x1024xf32, #tpu.memory_space<vmem>> -> memref<16x1024xf32, #tpu.memory_space<vmem>>
    %dma_start3A_454 = arith.constant 0 : i32
    %dma_start3A_455 = tpu.memref_slice %arg2[%add3A_442, %dma_start3A_454] : memref<8192x1024xf32, #tpu.memory_space<hbm>> -> memref<16x1024xf32, #tpu.memory_space<hbm>>
    tpu.enqueue_dma source(%dma_start3A_455 : memref<16x1024xf32, #tpu.memory_space<hbm>>) target(%dma_start3A_453 : memref<16x1024xf32, #tpu.memory_space<vmem>>) target_semaphore(%arg11 : memref<!tpu.dma_semaphore, #tpu.memory_space<semaphore_mem>>)
    %dma_start3A_456 = arith.constant 0 : i32
    %dma_start3A_457 = arith.constant 4 : i32
    %dma_start3A_458 = arith.constant 1 : i32
    %dma_start3A_459 = arith.constant 0 : i32
    %dma_start3A_460 = arith.constant 0 : i32
    %dma_start3A_461 = tpu.memref_slice %arg9[%dma_start3A_458, %dma_start3A_459, %dma_start3A_460] : memref<3x64x256xf32, #tpu.memory_space<vmem>> -> memref<1x32x256xf32, #tpu.memory_space<vmem>>
    %dma_start3A_462 = tpu.memref_squeeze %dma_start3A_461 : memref<1x32x256xf32, #tpu.memory_space<vmem>> -> memref<32x256xf32, #tpu.memory_space<vmem>>
    %dma_start3A_463 = arith.constant 0 : i32
    %dma_start3A_464 = tpu.memref_slice %arg10[%dma_start3A_456, %dma_start3A_457, %dma_start3A_463] : memref<2x16x32xi32, #tpu.memory_space<vmem>> -> memref<1x1x32xi32, #tpu.memory_space<vmem>>
    %dma_start3A_465 = tpu.memref_squeeze %dma_start3A_464 : memref<1x1x32xi32, #tpu.memory_space<vmem>> -> memref<32xi32, #tpu.memory_space<vmem>>
    %dma_start3A_466 = arith.constant 0 : i32
    %dma_start3A_467 = arith.constant 0 : i32
    %dma_start3A_468 = tpu.memref_slice %arg5[%dma_start3A_466, %dma_start3A_467] : memref<1025x256xf32, #tpu.memory_space<hbm>> -> memref<1025x256xf32, #tpu.memory_space<hbm>>
    tpu.enqueue_indirect_dma source(%dma_start3A_468 : memref<1025x256xf32, #tpu.memory_space<hbm>>) target(%dma_start3A_462 : memref<32x256xf32, #tpu.memory_space<vmem>>) offsets(%dma_start3A_465 : memref<32xi32, #tpu.memory_space<vmem>>) semaphore(%arg12 : memref<!tpu.dma_semaphore, #tpu.memory_space<semaphore_mem>>)
    %dma_start3A_469 = arith.constant 1 : i32
    %dma_start3A_470 = arith.constant 4 : i32
    %dma_start3A_471 = arith.constant 1 : i32
    %dma_start3A_472 = arith.constant 32 : i32
    %dma_start3A_473 = arith.constant 0 : i32
    %dma_start3A_474 = tpu.memref_slice %arg9[%dma_start3A_471, %dma_start3A_472, %dma_start3A_473] : memref<3x64x256xf32, #tpu.memory_space<vmem>> -> memref<1x32x256xf32, #tpu.memory_space<vmem>>
    %dma_start3A_475 = tpu.memref_squeeze %dma_start3A_474 : memref<1x32x256xf32, #tpu.memory_space<vmem>> -> memref<32x256xf32, #tpu.memory_space<vmem>>
    %dma_start3A_476 = arith.constant 0 : i32
    %dma_start3A_477 = tpu.memref_slice %arg10[%dma_start3A_469, %dma_start3A_470, %dma_start3A_476] : memref<2x16x32xi32, #tpu.memory_space<vmem>> -> memref<1x1x32xi32, #tpu.memory_space<vmem>>
    %dma_start3A_478 = tpu.memref_squeeze %dma_start3A_477 : memref<1x1x32xi32, #tpu.memory_space<vmem>> -> memref<32xi32, #tpu.memory_space<vmem>>
    %dma_start3A_479 = arith.constant 0 : i32
    %dma_start3A_480 = arith.constant 0 : i32
    %dma_start3A_481 = tpu.memref_slice %arg6[%dma_start3A_479, %dma_start3A_480] : memref<1025x256xf32, #tpu.memory_space<hbm>> -> memref<1025x256xf32, #tpu.memory_space<hbm>>
    tpu.enqueue_indirect_dma source(%dma_start3A_481 : memref<1025x256xf32, #tpu.memory_space<hbm>>) target(%dma_start3A_475 : memref<32x256xf32, #tpu.memory_space<vmem>>) offsets(%dma_start3A_478 : memref<32xi32, #tpu.memory_space<vmem>>) semaphore(%arg12 : memref<!tpu.dma_semaphore, #tpu.memory_space<semaphore_mem>>)
    %dma_wait3A_482 = arith.constant 0 : i32
    %dma_wait3A_483 = arith.constant 0 : i32
    %dma_wait3A_484 = arith.constant 0 : i32
    %dma_wait3A_485 = tpu.memref_slice %arg8[%dma_wait3A_482, %dma_wait3A_483, %dma_wait3A_484] : memref<3x16x1024xf32, #tpu.memory_space<vmem>> -> memref<1x16x1024xf32, #tpu.memory_space<vmem>>
    %dma_wait3A_486 = tpu.memref_squeeze %dma_wait3A_485 : memref<1x16x1024xf32, #tpu.memory_space<vmem>> -> memref<16x1024xf32, #tpu.memory_space<vmem>>
    %dma_wait3A_487 = arith.constant 0 : i32
    %dma_wait3A_488 = tpu.memref_slice %arg2[%add3A_325, %dma_wait3A_487] : memref<8192x1024xf32, #tpu.memory_space<hbm>> -> memref<16x1024xf32, #tpu.memory_space<hbm>>
    %dma_wait3A_489 = arith.constant 0 : i32
    %dma_wait3A_490 = arith.constant 0 : i32
    %dma_wait3A_491 = tpu.memref_slice %arg8[%dma_wait3A_482, %dma_wait3A_489, %dma_wait3A_490] : memref<3x16x1024xf32, #tpu.memory_space<vmem>> -> memref<1x16x1024xf32, #tpu.memory_space<vmem>>
    %dma_wait3A_492 = tpu.memref_squeeze %dma_wait3A_491 : memref<1x16x1024xf32, #tpu.memory_space<vmem>> -> memref<16x1024xf32, #tpu.memory_space<vmem>>
    %dma_wait3A_493 = arith.constant 0 : i32
    %dma_wait3A_494 = tpu.memref_slice %arg2[%add3A_325, %dma_wait3A_493] : memref<8192x1024xf32, #tpu.memory_space<hbm>> -> memref<16x1024xf32, #tpu.memory_space<hbm>>
    tpu.wait_dma2 semaphore(%arg11 : memref<!tpu.dma_semaphore, #tpu.memory_space<semaphore_mem>>) src(%dma_wait3A_494 : memref<16x1024xf32, #tpu.memory_space<hbm>>) dst(%dma_wait3A_492 : memref<16x1024xf32, #tpu.memory_space<vmem>>)
    %dma_wait3A_495 = arith.constant 0 : i32
    %dma_wait3A_496 = arith.constant 3 : i32
    %dma_wait3A_497 = arith.constant 0 : i32
    %dma_wait3A_498 = arith.constant 0 : i32
    %dma_wait3A_499 = arith.constant 0 : i32
    %dma_wait3A_500 = tpu.memref_slice %arg9[%dma_wait3A_497, %dma_wait3A_498, %dma_wait3A_499] : memref<3x64x256xf32, #tpu.memory_space<vmem>> -> memref<1x32x256xf32, #tpu.memory_space<vmem>>
    %dma_wait3A_501 = tpu.memref_squeeze %dma_wait3A_500 : memref<1x32x256xf32, #tpu.memory_space<vmem>> -> memref<32x256xf32, #tpu.memory_space<vmem>>
    %dma_wait3A_502 = arith.constant 0 : i32
    %dma_wait3A_503 = tpu.memref_slice %arg10[%dma_wait3A_495, %dma_wait3A_496, %dma_wait3A_502] : memref<2x16x32xi32, #tpu.memory_space<vmem>> -> memref<1x1x32xi32, #tpu.memory_space<vmem>>
    %dma_wait3A_504 = tpu.memref_squeeze %dma_wait3A_503 : memref<1x1x32xi32, #tpu.memory_space<vmem>> -> memref<32xi32, #tpu.memory_space<vmem>>
    %dma_wait3A_505 = arith.constant 0 : i32
    %dma_wait3A_506 = arith.constant 0 : i32
    %dma_wait3A_507 = tpu.memref_slice %arg5[%dma_wait3A_505, %dma_wait3A_506] : memref<1025x256xf32, #tpu.memory_space<hbm>> -> memref<1025x256xf32, #tpu.memory_space<hbm>>
    tpu.wait_indirect_dma semaphore(%arg12 : memref<!tpu.dma_semaphore, #tpu.memory_space<semaphore_mem>>) src(%dma_wait3A_507 : memref<1025x256xf32, #tpu.memory_space<hbm>>) dst(%dma_wait3A_501 : memref<32x256xf32, #tpu.memory_space<vmem>>)
    %dma_wait3A_508 = arith.constant 1 : i32
    %dma_wait3A_509 = arith.constant 3 : i32
    %dma_wait3A_510 = arith.constant 0 : i32
    %dma_wait3A_511 = arith.constant 32 : i32
    %dma_wait3A_512 = arith.constant 0 : i32
    %dma_wait3A_513 = tpu.memref_slice %arg9[%dma_wait3A_510, %dma_wait3A_511, %dma_wait3A_512] : memref<3x64x256xf32, #tpu.memory_space<vmem>> -> memref<1x32x256xf32, #tpu.memory_space<vmem>>
    %dma_wait3A_514 = tpu.memref_squeeze %dma_wait3A_513 : memref<1x32x256xf32, #tpu.memory_space<vmem>> -> memref<32x256xf32, #tpu.memory_space<vmem>>
    %dma_wait3A_515 = arith.constant 0 : i32
    %dma_wait3A_516 = tpu.memref_slice %arg10[%dma_wait3A_508, %dma_wait3A_509, %dma_wait3A_515] : memref<2x16x32xi32, #tpu.memory_space<vmem>> -> memref<1x1x32xi32, #tpu.memory_space<vmem>>
    %dma_wait3A_517 = tpu.memref_squeeze %dma_wait3A_516 : memref<1x1x32xi32, #tpu.memory_space<vmem>> -> memref<32xi32, #tpu.memory_space<vmem>>
    %dma_wait3A_518 = arith.constant 0 : i32
    %dma_wait3A_519 = arith.constant 0 : i32
    %dma_wait3A_520 = tpu.memref_slice %arg6[%dma_wait3A_518, %dma_wait3A_519] : memref<1025x256xf32, #tpu.memory_space<hbm>> -> memref<1025x256xf32, #tpu.memory_space<hbm>>
    tpu.wait_indirect_dma semaphore(%arg12 : memref<!tpu.dma_semaphore, #tpu.memory_space<semaphore_mem>>) src(%dma_wait3A_520 : memref<1025x256xf32, #tpu.memory_space<hbm>>) dst(%dma_wait3A_514 : memref<32x256xf32, #tpu.memory_space<vmem>>)
    %parallel_loop3A_521 = arith.constant 0 : i32
    %parallel_loop3A_522 = arith.constant 16 : i32
    %parallel_loop3A_523 = arith.constant 1 : i32
    %parallel_loop3A_524 = arith.constant 0 : i32
    %parallel_loop3A_525 = arith.constant 0 : i32
    scf.for %parallel_loop3A_1930 = %parallel_loop3A_521 to %parallel_loop3A_522 step %parallel_loop3A_523  : i32 {
      %parallel_loop3A_1931 = vector.broadcast %parallel_loop3A_1930 : i32 to vector<16xi32>
      %parallel_loop3A_1932 = arith.addi %add3A_60, %parallel_loop3A_1931 : vector<16xi32>
      %parallel_loop3A_1933 = arith.constant 0 : i32
      %parallel_loop3A_1934 = arith.constant 64 : i32
      %parallel_loop3A_1935 = arith.constant 1 : i32
      scf.for %parallel_loop3A_1936 = %parallel_loop3A_1933 to %parallel_loop3A_1934 step %parallel_loop3A_1935  : i32 {
        %parallel_loop3A_1937 = arith.constant 4 : i32
        %parallel_loop3A_1938 = arith.muli %parallel_loop3A_1937, %parallel_loop3A_1936 : i32
        %parallel_loop3A_1939 = vector.broadcast %parallel_loop3A_1938 : i32 to vector<16xi32>
        %parallel_loop3A_1940 = arith.addi %select_n3A_48, %parallel_loop3A_1939 : vector<16xi32>
        %parallel_loop3A_1941 = arith.constant 0 : i32
        %parallel_loop3A_1942 = arith.constant 0 : i32
        %parallel_loop3A_1943 = tpu.memref_slice %arg9[%parallel_loop3A_524, %parallel_loop3A_1941, %parallel_loop3A_1942] : memref<3x64x256xf32, #tpu.memory_space<vmem>> -> memref<1x64x256xf32, #tpu.memory_space<vmem>>
        %parallel_loop3A_1944 = tpu.memref_squeeze %parallel_loop3A_1943 : memref<1x64x256xf32, #tpu.memory_space<vmem>> -> memref<64x256xf32, #tpu.memory_space<vmem>>
        %parallel_loop3A_1945 = tpu.vector_load_idx %parallel_loop3A_1944[%parallel_loop3A_1932, %parallel_loop3A_1940] : memref<64x256xf32, #tpu.memory_space<vmem>>[vector<16xi32>, vector<16xi32>], vector<16xf32>,
        %parallel_loop3A_1946 = arith.constant 16 : i32
        %parallel_loop3A_1947 = arith.muli %parallel_loop3A_1946, %parallel_loop3A_1936 : i32
        %parallel_loop3A_1948 = arith.constant 0 : i32
        %parallel_loop3A_1949 = arith.constant 0 : i32
        %parallel_loop3A_1950 = tpu.memref_slice %arg8[%parallel_loop3A_525, %parallel_loop3A_1948, %parallel_loop3A_1949] : memref<3x16x1024xf32, #tpu.memory_space<vmem>> -> memref<1x16x1024xf32, #tpu.memory_space<vmem>>
        %parallel_loop3A_1951 = tpu.memref_squeeze %parallel_loop3A_1950 : memref<1x16x1024xf32, #tpu.memory_space<vmem>> -> memref<16x1024xf32, #tpu.memory_space<vmem>>
        %parallel_loop3A_1952 = arith.index_cast %parallel_loop3A_1930 : i32 to index
        %parallel_loop3A_1953 = arith.index_cast %parallel_loop3A_1947 : i32 to index
        %parallel_loop3A_1954 = tpu.vector_load %parallel_loop3A_1951[%parallel_loop3A_1952, %parallel_loop3A_1953] {strides = array<i32>} : memref<16x1024xf32, #tpu.memory_space<vmem>>, vector<16xf32>,
        tpu.vector_store %parallel_loop3A_1951[%parallel_loop3A_1952, %parallel_loop3A_1953], %parallel_loop3A_1945 {add = true, strides = array<i32>} : memref<16x1024xf32, #tpu.memory_space<vmem>>, vector<16xf32>,
      } {sc.loop_unroll_factor = 8 : i64, sc.parallel_access}
    } {sc.loop_unroll_factor = 1 : i64, sc.parallel_access}
    %mul3A_526 = arith.constant 256 : i32
    %mul3A_527 = arith.muli %add3A, %mul3A_526 : i32
    %add3A_528 = arith.constant 48 : i32
    %add3A_529 = arith.addi %mul3A_527, %add3A_528 : i32
    %dma_start3A_530 = arith.constant 0 : i32
    %dma_start3A_531 = arith.constant 0 : i32
    %dma_start3A_532 = arith.constant 0 : i32
    %dma_start3A_533 = tpu.memref_slice %arg8[%dma_start3A_530, %dma_start3A_531, %dma_start3A_532] : memref<3x16x1024xf32, #tpu.memory_space<vmem>> -> memref<1x16x1024xf32, #tpu.memory_space<vmem>>
    %dma_start3A_534 = tpu.memref_squeeze %dma_start3A_533 : memref<1x16x1024xf32, #tpu.memory_space<vmem>> -> memref<16x1024xf32, #tpu.memory_space<vmem>>
    %dma_start3A_535 = arith.constant 0 : i32
    %dma_start3A_536 = tpu.memref_slice %arg7[%add3A_529, %dma_start3A_535] : memref<8192x1024xf32, #tpu.memory_space<hbm>> -> memref<16x1024xf32, #tpu.memory_space<hbm>>
    %dma_start3A_537 = arith.constant 0 : i32
    %dma_start3A_538 = tpu.memref_slice %arg7[%add3A_529, %dma_start3A_537] : memref<8192x1024xf32, #tpu.memory_space<hbm>> -> memref<16x1024xf32, #tpu.memory_space<hbm>>
    %dma_start3A_539 = arith.constant 0 : i32
    %dma_start3A_540 = arith.constant 0 : i32
    %dma_start3A_541 = tpu.memref_slice %arg8[%dma_start3A_530, %dma_start3A_539, %dma_start3A_540] : memref<3x16x1024xf32, #tpu.memory_space<vmem>> -> memref<1x16x1024xf32, #tpu.memory_space<vmem>>
    %dma_start3A_542 = tpu.memref_squeeze %dma_start3A_541 : memref<1x16x1024xf32, #tpu.memory_space<vmem>> -> memref<16x1024xf32, #tpu.memory_space<vmem>>
    tpu.enqueue_dma source(%dma_start3A_542 : memref<16x1024xf32, #tpu.memory_space<vmem>>) target(%dma_start3A_538 : memref<16x1024xf32, #tpu.memory_space<hbm>>) target_semaphore(%arg13 : memref<!tpu.dma_semaphore, #tpu.memory_space<semaphore_mem>>)
    %dma_wait3A_543 = arith.constant 2 : i32
    %dma_wait3A_544 = arith.constant 0 : i32
    %dma_wait3A_545 = arith.constant 0 : i32
    %dma_wait3A_546 = tpu.memref_slice %arg8[%dma_wait3A_543, %dma_wait3A_544, %dma_wait3A_545] : memref<3x16x1024xf32, #tpu.memory_space<vmem>> -> memref<1x16x1024xf32, #tpu.memory_space<vmem>>
    %dma_wait3A_547 = tpu.memref_squeeze %dma_wait3A_546 : memref<1x16x1024xf32, #tpu.memory_space<vmem>> -> memref<16x1024xf32, #tpu.memory_space<vmem>>
    %dma_wait3A_548 = arith.constant 0 : i32
    %dma_wait3A_549 = tpu.memref_slice %arg7[%add3A_412, %dma_wait3A_548] : memref<8192x1024xf32, #tpu.memory_space<hbm>> -> memref<16x1024xf32, #tpu.memory_space<hbm>>
    %dma_wait3A_550 = arith.constant 0 : i32
    %dma_wait3A_551 = tpu.memref_slice %arg7[%add3A_412, %dma_wait3A_550] : memref<8192x1024xf32, #tpu.memory_space<hbm>> -> memref<16x1024xf32, #tpu.memory_space<hbm>>
    %dma_wait3A_552 = arith.constant 0 : i32
    %dma_wait3A_553 = arith.constant 0 : i32
    %dma_wait3A_554 = tpu.memref_slice %arg8[%dma_wait3A_543, %dma_wait3A_552, %dma_wait3A_553] : memref<3x16x1024xf32, #tpu.memory_space<vmem>> -> memref<1x16x1024xf32, #tpu.memory_space<vmem>>
    %dma_wait3A_555 = tpu.memref_squeeze %dma_wait3A_554 : memref<1x16x1024xf32, #tpu.memory_space<vmem>> -> memref<16x1024xf32, #tpu.memory_space<vmem>>
    tpu.wait_dma2 semaphore(%arg13 : memref<!tpu.dma_semaphore, #tpu.memory_space<semaphore_mem>>) src(%dma_wait3A_555 : memref<16x1024xf32, #tpu.memory_space<vmem>>) dst(%dma_wait3A_551 : memref<16x1024xf32, #tpu.memory_space<hbm>>)
    %mul3A_556 = arith.constant 256 : i32
    %mul3A_557 = arith.muli %add3A, %mul3A_556 : i32
    %add3A_558 = arith.constant 80 : i32
    %add3A_559 = arith.addi %mul3A_557, %add3A_558 : i32
    %dma_start3A_560 = arith.constant 2 : i32
    %dma_start3A_561 = arith.constant 0 : i32
    %dma_start3A_562 = arith.constant 0 : i32
    %dma_start3A_563 = tpu.memref_slice %arg8[%dma_start3A_560, %dma_start3A_561, %dma_start3A_562] : memref<3x16x1024xf32, #tpu.memory_space<vmem>> -> memref<1x16x1024xf32, #tpu.memory_space<vmem>>
    %dma_start3A_564 = tpu.memref_squeeze %dma_start3A_563 : memref<1x16x1024xf32, #tpu.memory_space<vmem>> -> memref<16x1024xf32, #tpu.memory_space<vmem>>
    %dma_start3A_565 = arith.constant 0 : i32
    %dma_start3A_566 = tpu.memref_slice %arg2[%add3A_559, %dma_start3A_565] : memref<8192x1024xf32, #tpu.memory_space<hbm>> -> memref<16x1024xf32, #tpu.memory_space<hbm>>
    %dma_start3A_567 = arith.constant 0 : i32
    %dma_start3A_568 = arith.constant 0 : i32
    %dma_start3A_569 = tpu.memref_slice %arg8[%dma_start3A_560, %dma_start3A_567, %dma_start3A_568] : memref<3x16x1024xf32, #tpu.memory_space<vmem>> -> memref<1x16x1024xf32, #tpu.memory_space<vmem>>
    %dma_start3A_570 = tpu.memref_squeeze %dma_start3A_569 : memref<1x16x1024xf32, #tpu.memory_space<vmem>> -> memref<16x1024xf32, #tpu.memory_space<vmem>>
    %dma_start3A_571 = arith.constant 0 : i32
    %dma_start3A_572 = tpu.memref_slice %arg2[%add3A_559, %dma_start3A_571] : memref<8192x1024xf32, #tpu.memory_space<hbm>> -> memref<16x1024xf32, #tpu.memory_space<hbm>>
    tpu.enqueue_dma source(%dma_start3A_572 : memref<16x1024xf32, #tpu.memory_space<hbm>>) target(%dma_start3A_570 : memref<16x1024xf32, #tpu.memory_space<vmem>>) target_semaphore(%arg11 : memref<!tpu.dma_semaphore, #tpu.memory_space<semaphore_mem>>)
    %dma_start3A_573 = arith.constant 0 : i32
    %dma_start3A_574 = arith.constant 5 : i32
    %dma_start3A_575 = arith.constant 2 : i32
    %dma_start3A_576 = arith.constant 0 : i32
    %dma_start3A_577 = arith.constant 0 : i32
    %dma_start3A_578 = tpu.memref_slice %arg9[%dma_start3A_575, %dma_start3A_576, %dma_start3A_577] : memref<3x64x256xf32, #tpu.memory_space<vmem>> -> memref<1x32x256xf32, #tpu.memory_space<vmem>>
    %dma_start3A_579 = tpu.memref_squeeze %dma_start3A_578 : memref<1x32x256xf32, #tpu.memory_space<vmem>> -> memref<32x256xf32, #tpu.memory_space<vmem>>
    %dma_start3A_580 = arith.constant 0 : i32
    %dma_start3A_581 = tpu.memref_slice %arg10[%dma_start3A_573, %dma_start3A_574, %dma_start3A_580] : memref<2x16x32xi32, #tpu.memory_space<vmem>> -> memref<1x1x32xi32, #tpu.memory_space<vmem>>
    %dma_start3A_582 = tpu.memref_squeeze %dma_start3A_581 : memref<1x1x32xi32, #tpu.memory_space<vmem>> -> memref<32xi32, #tpu.memory_space<vmem>>
    %dma_start3A_583 = arith.constant 0 : i32
    %dma_start3A_584 = arith.constant 0 : i32
    %dma_start3A_585 = tpu.memref_slice %arg5[%dma_start3A_583, %dma_start3A_584] : memref<1025x256xf32, #tpu.memory_space<hbm>> -> memref<1025x256xf32, #tpu.memory_space<hbm>>
    tpu.enqueue_indirect_dma source(%dma_start3A_585 : memref<1025x256xf32, #tpu.memory_space<hbm>>) target(%dma_start3A_579 : memref<32x256xf32, #tpu.memory_space<vmem>>) offsets(%dma_start3A_582 : memref<32xi32, #tpu.memory_space<vmem>>) semaphore(%arg12 : memref<!tpu.dma_semaphore, #tpu.memory_space<semaphore_mem>>)
    %dma_start3A_586 = arith.constant 1 : i32
    %dma_start3A_587 = arith.constant 5 : i32
    %dma_start3A_588 = arith.constant 2 : i32
    %dma_start3A_589 = arith.constant 32 : i32
    %dma_start3A_590 = arith.constant 0 : i32
    %dma_start3A_591 = tpu.memref_slice %arg9[%dma_start3A_588, %dma_start3A_589, %dma_start3A_590] : memref<3x64x256xf32, #tpu.memory_space<vmem>> -> memref<1x32x256xf32, #tpu.memory_space<vmem>>
    %dma_start3A_592 = tpu.memref_squeeze %dma_start3A_591 : memref<1x32x256xf32, #tpu.memory_space<vmem>> -> memref<32x256xf32, #tpu.memory_space<vmem>>
    %dma_start3A_593 = arith.constant 0 : i32
    %dma_start3A_594 = tpu.memref_slice %arg10[%dma_start3A_586, %dma_start3A_587, %dma_start3A_593] : memref<2x16x32xi32, #tpu.memory_space<vmem>> -> memref<1x1x32xi32, #tpu.memory_space<vmem>>
    %dma_start3A_595 = tpu.memref_squeeze %dma_start3A_594 : memref<1x1x32xi32, #tpu.memory_space<vmem>> -> memref<32xi32, #tpu.memory_space<vmem>>
    %dma_start3A_596 = arith.constant 0 : i32
    %dma_start3A_597 = arith.constant 0 : i32
    %dma_start3A_598 = tpu.memref_slice %arg6[%dma_start3A_596, %dma_start3A_597] : memref<1025x256xf32, #tpu.memory_space<hbm>> -> memref<1025x256xf32, #tpu.memory_space<hbm>>
    tpu.enqueue_indirect_dma source(%dma_start3A_598 : memref<1025x256xf32, #tpu.memory_space<hbm>>) target(%dma_start3A_592 : memref<32x256xf32, #tpu.memory_space<vmem>>) offsets(%dma_start3A_595 : memref<32xi32, #tpu.memory_space<vmem>>) semaphore(%arg12 : memref<!tpu.dma_semaphore, #tpu.memory_space<semaphore_mem>>)
    %dma_wait3A_599 = arith.constant 1 : i32
    %dma_wait3A_600 = arith.constant 0 : i32
    %dma_wait3A_601 = arith.constant 0 : i32
    %dma_wait3A_602 = tpu.memref_slice %arg8[%dma_wait3A_599, %dma_wait3A_600, %dma_wait3A_601] : memref<3x16x1024xf32, #tpu.memory_space<vmem>> -> memref<1x16x1024xf32, #tpu.memory_space<vmem>>
    %dma_wait3A_603 = tpu.memref_squeeze %dma_wait3A_602 : memref<1x16x1024xf32, #tpu.memory_space<vmem>> -> memref<16x1024xf32, #tpu.memory_space<vmem>>
    %dma_wait3A_604 = arith.constant 0 : i32
    %dma_wait3A_605 = tpu.memref_slice %arg2[%add3A_442, %dma_wait3A_604] : memref<8192x1024xf32, #tpu.memory_space<hbm>> -> memref<16x1024xf32, #tpu.memory_space<hbm>>
    %dma_wait3A_606 = arith.constant 0 : i32
    %dma_wait3A_607 = arith.constant 0 : i32
    %dma_wait3A_608 = tpu.memref_slice %arg8[%dma_wait3A_599, %dma_wait3A_606, %dma_wait3A_607] : memref<3x16x1024xf32, #tpu.memory_space<vmem>> -> memref<1x16x1024xf32, #tpu.memory_space<vmem>>
    %dma_wait3A_609 = tpu.memref_squeeze %dma_wait3A_608 : memref<1x16x1024xf32, #tpu.memory_space<vmem>> -> memref<16x1024xf32, #tpu.memory_space<vmem>>
    %dma_wait3A_610 = arith.constant 0 : i32
    %dma_wait3A_611 = tpu.memref_slice %arg2[%add3A_442, %dma_wait3A_610] : memref<8192x1024xf32, #tpu.memory_space<hbm>> -> memref<16x1024xf32, #tpu.memory_space<hbm>>
    tpu.wait_dma2 semaphore(%arg11 : memref<!tpu.dma_semaphore, #tpu.memory_space<semaphore_mem>>) src(%dma_wait3A_611 : memref<16x1024xf32, #tpu.memory_space<hbm>>) dst(%dma_wait3A_609 : memref<16x1024xf32, #tpu.memory_space<vmem>>)
    %dma_wait3A_612 = arith.constant 0 : i32
    %dma_wait3A_613 = arith.constant 4 : i32
    %dma_wait3A_614 = arith.constant 1 : i32
    %dma_wait3A_615 = arith.constant 0 : i32
    %dma_wait3A_616 = arith.constant 0 : i32
    %dma_wait3A_617 = tpu.memref_slice %arg9[%dma_wait3A_614, %dma_wait3A_615, %dma_wait3A_616] : memref<3x64x256xf32, #tpu.memory_space<vmem>> -> memref<1x32x256xf32, #tpu.memory_space<vmem>>
    %dma_wait3A_618 = tpu.memref_squeeze %dma_wait3A_617 : memref<1x32x256xf32, #tpu.memory_space<vmem>> -> memref<32x256xf32, #tpu.memory_space<vmem>>
    %dma_wait3A_619 = arith.constant 0 : i32
    %dma_wait3A_620 = tpu.memref_slice %arg10[%dma_wait3A_612, %dma_wait3A_613, %dma_wait3A_619] : memref<2x16x32xi32, #tpu.memory_space<vmem>> -> memref<1x1x32xi32, #tpu.memory_space<vmem>>
    %dma_wait3A_621 = tpu.memref_squeeze %dma_wait3A_620 : memref<1x1x32xi32, #tpu.memory_space<vmem>> -> memref<32xi32, #tpu.memory_space<vmem>>
    %dma_wait3A_622 = arith.constant 0 : i32
    %dma_wait3A_623 = arith.constant 0 : i32
    %dma_wait3A_624 = tpu.memref_slice %arg5[%dma_wait3A_622, %dma_wait3A_623] : memref<1025x256xf32, #tpu.memory_space<hbm>> -> memref<1025x256xf32, #tpu.memory_space<hbm>>
    tpu.wait_indirect_dma semaphore(%arg12 : memref<!tpu.dma_semaphore, #tpu.memory_space<semaphore_mem>>) src(%dma_wait3A_624 : memref<1025x256xf32, #tpu.memory_space<hbm>>) dst(%dma_wait3A_618 : memref<32x256xf32, #tpu.memory_space<vmem>>)
    %dma_wait3A_625 = arith.constant 1 : i32
    %dma_wait3A_626 = arith.constant 4 : i32
    %dma_wait3A_627 = arith.constant 1 : i32
    %dma_wait3A_628 = arith.constant 32 : i32
    %dma_wait3A_629 = arith.constant 0 : i32
    %dma_wait3A_630 = tpu.memref_slice %arg9[%dma_wait3A_627, %dma_wait3A_628, %dma_wait3A_629] : memref<3x64x256xf32, #tpu.memory_space<vmem>> -> memref<1x32x256xf32, #tpu.memory_space<vmem>>
    %dma_wait3A_631 = tpu.memref_squeeze %dma_wait3A_630 : memref<1x32x256xf32, #tpu.memory_space<vmem>> -> memref<32x256xf32, #tpu.memory_space<vmem>>
    %dma_wait3A_632 = arith.constant 0 : i32
    %dma_wait3A_633 = tpu.memref_slice %arg10[%dma_wait3A_625, %dma_wait3A_626, %dma_wait3A_632] : memref<2x16x32xi32, #tpu.memory_space<vmem>> -> memref<1x1x32xi32, #tpu.memory_space<vmem>>
    %dma_wait3A_634 = tpu.memref_squeeze %dma_wait3A_633 : memref<1x1x32xi32, #tpu.memory_space<vmem>> -> memref<32xi32, #tpu.memory_space<vmem>>
    %dma_wait3A_635 = arith.constant 0 : i32
    %dma_wait3A_636 = arith.constant 0 : i32
    %dma_wait3A_637 = tpu.memref_slice %arg6[%dma_wait3A_635, %dma_wait3A_636] : memref<1025x256xf32, #tpu.memory_space<hbm>> -> memref<1025x256xf32, #tpu.memory_space<hbm>>
    tpu.wait_indirect_dma semaphore(%arg12 : memref<!tpu.dma_semaphore, #tpu.memory_space<semaphore_mem>>) src(%dma_wait3A_637 : memref<1025x256xf32, #tpu.memory_space<hbm>>) dst(%dma_wait3A_631 : memref<32x256xf32, #tpu.memory_space<vmem>>)
    %parallel_loop3A_638 = arith.constant 0 : i32
    %parallel_loop3A_639 = arith.constant 16 : i32
    %parallel_loop3A_640 = arith.constant 1 : i32
    %parallel_loop3A_641 = arith.constant 1 : i32
    %parallel_loop3A_642 = arith.constant 1 : i32
    scf.for %parallel_loop3A_1930 = %parallel_loop3A_638 to %parallel_loop3A_639 step %parallel_loop3A_640  : i32 {
      %parallel_loop3A_1931 = vector.broadcast %parallel_loop3A_1930 : i32 to vector<16xi32>
      %parallel_loop3A_1932 = arith.addi %add3A_60, %parallel_loop3A_1931 : vector<16xi32>
      %parallel_loop3A_1933 = arith.constant 0 : i32
      %parallel_loop3A_1934 = arith.constant 64 : i32
      %parallel_loop3A_1935 = arith.constant 1 : i32
      scf.for %parallel_loop3A_1936 = %parallel_loop3A_1933 to %parallel_loop3A_1934 step %parallel_loop3A_1935  : i32 {
        %parallel_loop3A_1937 = arith.constant 4 : i32
        %parallel_loop3A_1938 = arith.muli %parallel_loop3A_1937, %parallel_loop3A_1936 : i32
        %parallel_loop3A_1939 = vector.broadcast %parallel_loop3A_1938 : i32 to vector<16xi32>
        %parallel_loop3A_1940 = arith.addi %select_n3A_48, %parallel_loop3A_1939 : vector<16xi32>
        %parallel_loop3A_1941 = arith.constant 0 : i32
        %parallel_loop3A_1942 = arith.constant 0 : i32
        %parallel_loop3A_1943 = tpu.memref_slice %arg9[%parallel_loop3A_641, %parallel_loop3A_1941, %parallel_loop3A_1942] : memref<3x64x256xf32, #tpu.memory_space<vmem>> -> memref<1x64x256xf32, #tpu.memory_space<vmem>>
        %parallel_loop3A_1944 = tpu.memref_squeeze %parallel_loop3A_1943 : memref<1x64x256xf32, #tpu.memory_space<vmem>> -> memref<64x256xf32, #tpu.memory_space<vmem>>
        %parallel_loop3A_1945 = tpu.vector_load_idx %parallel_loop3A_1944[%parallel_loop3A_1932, %parallel_loop3A_1940] : memref<64x256xf32, #tpu.memory_space<vmem>>[vector<16xi32>, vector<16xi32>], vector<16xf32>,
        %parallel_loop3A_1946 = arith.constant 16 : i32
        %parallel_loop3A_1947 = arith.muli %parallel_loop3A_1946, %parallel_loop3A_1936 : i32
        %parallel_loop3A_1948 = arith.constant 0 : i32
        %parallel_loop3A_1949 = arith.constant 0 : i32
        %parallel_loop3A_1950 = tpu.memref_slice %arg8[%parallel_loop3A_642, %parallel_loop3A_1948, %parallel_loop3A_1949] : memref<3x16x1024xf32, #tpu.memory_space<vmem>> -> memref<1x16x1024xf32, #tpu.memory_space<vmem>>
        %parallel_loop3A_1951 = tpu.memref_squeeze %parallel_loop3A_1950 : memref<1x16x1024xf32, #tpu.memory_space<vmem>> -> memref<16x1024xf32, #tpu.memory_space<vmem>>
        %parallel_loop3A_1952 = arith.index_cast %parallel_loop3A_1930 : i32 to index
        %parallel_loop3A_1953 = arith.index_cast %parallel_loop3A_1947 : i32 to index
        %parallel_loop3A_1954 = tpu.vector_load %parallel_loop3A_1951[%parallel_loop3A_1952, %parallel_loop3A_1953] {strides = array<i32>} : memref<16x1024xf32, #tpu.memory_space<vmem>>, vector<16xf32>,
        tpu.vector_store %parallel_loop3A_1951[%parallel_loop3A_1952, %parallel_loop3A_1953], %parallel_loop3A_1945 {add = true, strides = array<i32>} : memref<16x1024xf32, #tpu.memory_space<vmem>>, vector<16xf32>,
      } {sc.loop_unroll_factor = 8 : i64, sc.parallel_access}
    } {sc.loop_unroll_factor = 1 : i64, sc.parallel_access}
    %mul3A_643 = arith.constant 256 : i32
    %mul3A_644 = arith.muli %add3A, %mul3A_643 : i32
    %add3A_645 = arith.constant 64 : i32
    %add3A_646 = arith.addi %mul3A_644, %add3A_645 : i32
    %dma_start3A_647 = arith.constant 1 : i32
    %dma_start3A_648 = arith.constant 0 : i32
    %dma_start3A_649 = arith.constant 0 : i32
    %dma_start3A_650 = tpu.memref_slice %arg8[%dma_start3A_647, %dma_start3A_648, %dma_start3A_649] : memref<3x16x1024xf32, #tpu.memory_space<vmem>> -> memref<1x16x1024xf32, #tpu.memory_space<vmem>>
    %dma_start3A_651 = tpu.memref_squeeze %dma_start3A_650 : memref<1x16x1024xf32, #tpu.memory_space<vmem>> -> memref<16x1024xf32, #tpu.memory_space<vmem>>
    %dma_start3A_652 = arith.constant 0 : i32
    %dma_start3A_653 = tpu.memref_slice %arg7[%add3A_646, %dma_start3A_652] : memref<8192x1024xf32, #tpu.memory_space<hbm>> -> memref<16x1024xf32, #tpu.memory_space<hbm>>
    %dma_start3A_654 = arith.constant 0 : i32
    %dma_start3A_655 = tpu.memref_slice %arg7[%add3A_646, %dma_start3A_654] : memref<8192x1024xf32, #tpu.memory_space<hbm>> -> memref<16x1024xf32, #tpu.memory_space<hbm>>
    %dma_start3A_656 = arith.constant 0 : i32
    %dma_start3A_657 = arith.constant 0 : i32
    %dma_start3A_658 = tpu.memref_slice %arg8[%dma_start3A_647, %dma_start3A_656, %dma_start3A_657] : memref<3x16x1024xf32, #tpu.memory_space<vmem>> -> memref<1x16x1024xf32, #tpu.memory_space<vmem>>
    %dma_start3A_659 = tpu.memref_squeeze %dma_start3A_658 : memref<1x16x1024xf32, #tpu.memory_space<vmem>> -> memref<16x1024xf32, #tpu.memory_space<vmem>>
    tpu.enqueue_dma source(%dma_start3A_659 : memref<16x1024xf32, #tpu.memory_space<vmem>>) target(%dma_start3A_655 : memref<16x1024xf32, #tpu.memory_space<hbm>>) target_semaphore(%arg13 : memref<!tpu.dma_semaphore, #tpu.memory_space<semaphore_mem>>)
    %dma_wait3A_660 = arith.constant 0 : i32
    %dma_wait3A_661 = arith.constant 0 : i32
    %dma_wait3A_662 = arith.constant 0 : i32
    %dma_wait3A_663 = tpu.memref_slice %arg8[%dma_wait3A_660, %dma_wait3A_661, %dma_wait3A_662] : memref<3x16x1024xf32, #tpu.memory_space<vmem>> -> memref<1x16x1024xf32, #tpu.memory_space<vmem>>
    %dma_wait3A_664 = tpu.memref_squeeze %dma_wait3A_663 : memref<1x16x1024xf32, #tpu.memory_space<vmem>> -> memref<16x1024xf32, #tpu.memory_space<vmem>>
    %dma_wait3A_665 = arith.constant 0 : i32
    %dma_wait3A_666 = tpu.memref_slice %arg7[%add3A_529, %dma_wait3A_665] : memref<8192x1024xf32, #tpu.memory_space<hbm>> -> memref<16x1024xf32, #tpu.memory_space<hbm>>
    %dma_wait3A_667 = arith.constant 0 : i32
    %dma_wait3A_668 = tpu.memref_slice %arg7[%add3A_529, %dma_wait3A_667] : memref<8192x1024xf32, #tpu.memory_space<hbm>> -> memref<16x1024xf32, #tpu.memory_space<hbm>>
    %dma_wait3A_669 = arith.constant 0 : i32
    %dma_wait3A_670 = arith.constant 0 : i32
    %dma_wait3A_671 = tpu.memref_slice %arg8[%dma_wait3A_660, %dma_wait3A_669, %dma_wait3A_670] : memref<3x16x1024xf32, #tpu.memory_space<vmem>> -> memref<1x16x1024xf32, #tpu.memory_space<vmem>>
    %dma_wait3A_672 = tpu.memref_squeeze %dma_wait3A_671 : memref<1x16x1024xf32, #tpu.memory_space<vmem>> -> memref<16x1024xf32, #tpu.memory_space<vmem>>
    tpu.wait_dma2 semaphore(%arg13 : memref<!tpu.dma_semaphore, #tpu.memory_space<semaphore_mem>>) src(%dma_wait3A_672 : memref<16x1024xf32, #tpu.memory_space<vmem>>) dst(%dma_wait3A_668 : memref<16x1024xf32, #tpu.memory_space<hbm>>)
    %mul3A_673 = arith.constant 256 : i32
    %mul3A_674 = arith.muli %add3A, %mul3A_673 : i32
    %add3A_675 = arith.constant 96 : i32
    %add3A_676 = arith.addi %mul3A_674, %add3A_675 : i32
    %dma_start3A_677 = arith.constant 0 : i32
    %dma_start3A_678 = arith.constant 0 : i32
    %dma_start3A_679 = arith.constant 0 : i32
    %dma_start3A_680 = tpu.memref_slice %arg8[%dma_start3A_677, %dma_start3A_678, %dma_start3A_679] : memref<3x16x1024xf32, #tpu.memory_space<vmem>> -> memref<1x16x1024xf32, #tpu.memory_space<vmem>>
    %dma_start3A_681 = tpu.memref_squeeze %dma_start3A_680 : memref<1x16x1024xf32, #tpu.memory_space<vmem>> -> memref<16x1024xf32, #tpu.memory_space<vmem>>
    %dma_start3A_682 = arith.constant 0 : i32
    %dma_start3A_683 = tpu.memref_slice %arg2[%add3A_676, %dma_start3A_682] : memref<8192x1024xf32, #tpu.memory_space<hbm>> -> memref<16x1024xf32, #tpu.memory_space<hbm>>
    %dma_start3A_684 = arith.constant 0 : i32
    %dma_start3A_685 = arith.constant 0 : i32
    %dma_start3A_686 = tpu.memref_slice %arg8[%dma_start3A_677, %dma_start3A_684, %dma_start3A_685] : memref<3x16x1024xf32, #tpu.memory_space<vmem>> -> memref<1x16x1024xf32, #tpu.memory_space<vmem>>
    %dma_start3A_687 = tpu.memref_squeeze %dma_start3A_686 : memref<1x16x1024xf32, #tpu.memory_space<vmem>> -> memref<16x1024xf32, #tpu.memory_space<vmem>>
    %dma_start3A_688 = arith.constant 0 : i32
    %dma_start3A_689 = tpu.memref_slice %arg2[%add3A_676, %dma_start3A_688] : memref<8192x1024xf32, #tpu.memory_space<hbm>> -> memref<16x1024xf32, #tpu.memory_space<hbm>>
    tpu.enqueue_dma source(%dma_start3A_689 : memref<16x1024xf32, #tpu.memory_space<hbm>>) target(%dma_start3A_687 : memref<16x1024xf32, #tpu.memory_space<vmem>>) target_semaphore(%arg11 : memref<!tpu.dma_semaphore, #tpu.memory_space<semaphore_mem>>)
    %dma_start3A_690 = arith.constant 0 : i32
    %dma_start3A_691 = arith.constant 6 : i32
    %dma_start3A_692 = arith.constant 0 : i32
    %dma_start3A_693 = arith.constant 0 : i32
    %dma_start3A_694 = arith.constant 0 : i32
    %dma_start3A_695 = tpu.memref_slice %arg9[%dma_start3A_692, %dma_start3A_693, %dma_start3A_694] : memref<3x64x256xf32, #tpu.memory_space<vmem>> -> memref<1x32x256xf32, #tpu.memory_space<vmem>>
    %dma_start3A_696 = tpu.memref_squeeze %dma_start3A_695 : memref<1x32x256xf32, #tpu.memory_space<vmem>> -> memref<32x256xf32, #tpu.memory_space<vmem>>
    %dma_start3A_697 = arith.constant 0 : i32
    %dma_start3A_698 = tpu.memref_slice %arg10[%dma_start3A_690, %dma_start3A_691, %dma_start3A_697] : memref<2x16x32xi32, #tpu.memory_space<vmem>> -> memref<1x1x32xi32, #tpu.memory_space<vmem>>
    %dma_start3A_699 = tpu.memref_squeeze %dma_start3A_698 : memref<1x1x32xi32, #tpu.memory_space<vmem>> -> memref<32xi32, #tpu.memory_space<vmem>>
    %dma_start3A_700 = arith.constant 0 : i32
    %dma_start3A_701 = arith.constant 0 : i32
    %dma_start3A_702 = tpu.memref_slice %arg5[%dma_start3A_700, %dma_start3A_701] : memref<1025x256xf32, #tpu.memory_space<hbm>> -> memref<1025x256xf32, #tpu.memory_space<hbm>>
    tpu.enqueue_indirect_dma source(%dma_start3A_702 : memref<1025x256xf32, #tpu.memory_space<hbm>>) target(%dma_start3A_696 : memref<32x256xf32, #tpu.memory_space<vmem>>) offsets(%dma_start3A_699 : memref<32xi32, #tpu.memory_space<vmem>>) semaphore(%arg12 : memref<!tpu.dma_semaphore, #tpu.memory_space<semaphore_mem>>)
    %dma_start3A_703 = arith.constant 1 : i32
    %dma_start3A_704 = arith.constant 6 : i32
    %dma_start3A_705 = arith.constant 0 : i32
    %dma_start3A_706 = arith.constant 32 : i32
    %dma_start3A_707 = arith.constant 0 : i32
    %dma_start3A_708 = tpu.memref_slice %arg9[%dma_start3A_705, %dma_start3A_706, %dma_start3A_707] : memref<3x64x256xf32, #tpu.memory_space<vmem>> -> memref<1x32x256xf32, #tpu.memory_space<vmem>>
    %dma_start3A_709 = tpu.memref_squeeze %dma_start3A_708 : memref<1x32x256xf32, #tpu.memory_space<vmem>> -> memref<32x256xf32, #tpu.memory_space<vmem>>
    %dma_start3A_710 = arith.constant 0 : i32
    %dma_start3A_711 = tpu.memref_slice %arg10[%dma_start3A_703, %dma_start3A_704, %dma_start3A_710] : memref<2x16x32xi32, #tpu.memory_space<vmem>> -> memref<1x1x32xi32, #tpu.memory_space<vmem>>
    %dma_start3A_712 = tpu.memref_squeeze %dma_start3A_711 : memref<1x1x32xi32, #tpu.memory_space<vmem>> -> memref<32xi32, #tpu.memory_space<vmem>>
    %dma_start3A_713 = arith.constant 0 : i32
    %dma_start3A_714 = arith.constant 0 : i32
    %dma_start3A_715 = tpu.memref_slice %arg6[%dma_start3A_713, %dma_start3A_714] : memref<1025x256xf32, #tpu.memory_space<hbm>> -> memref<1025x256xf32, #tpu.memory_space<hbm>>
    tpu.enqueue_indirect_dma source(%dma_start3A_715 : memref<1025x256xf32, #tpu.memory_space<hbm>>) target(%dma_start3A_709 : memref<32x256xf32, #tpu.memory_space<vmem>>) offsets(%dma_start3A_712 : memref<32xi32, #tpu.memory_space<vmem>>) semaphore(%arg12 : memref<!tpu.dma_semaphore, #tpu.memory_space<semaphore_mem>>)
    %dma_wait3A_716 = arith.constant 2 : i32
    %dma_wait3A_717 = arith.constant 0 : i32
    %dma_wait3A_718 = arith.constant 0 : i32
    %dma_wait3A_719 = tpu.memref_slice %arg8[%dma_wait3A_716, %dma_wait3A_717, %dma_wait3A_718] : memref<3x16x1024xf32, #tpu.memory_space<vmem>> -> memref<1x16x1024xf32, #tpu.memory_space<vmem>>
    %dma_wait3A_720 = tpu.memref_squeeze %dma_wait3A_719 : memref<1x16x1024xf32, #tpu.memory_space<vmem>> -> memref<16x1024xf32, #tpu.memory_space<vmem>>
    %dma_wait3A_721 = arith.constant 0 : i32
    %dma_wait3A_722 = tpu.memref_slice %arg2[%add3A_559, %dma_wait3A_721] : memref<8192x1024xf32, #tpu.memory_space<hbm>> -> memref<16x1024xf32, #tpu.memory_space<hbm>>
    %dma_wait3A_723 = arith.constant 0 : i32
    %dma_wait3A_724 = arith.constant 0 : i32
    %dma_wait3A_725 = tpu.memref_slice %arg8[%dma_wait3A_716, %dma_wait3A_723, %dma_wait3A_724] : memref<3x16x1024xf32, #tpu.memory_space<vmem>> -> memref<1x16x1024xf32, #tpu.memory_space<vmem>>
    %dma_wait3A_726 = tpu.memref_squeeze %dma_wait3A_725 : memref<1x16x1024xf32, #tpu.memory_space<vmem>> -> memref<16x1024xf32, #tpu.memory_space<vmem>>
    %dma_wait3A_727 = arith.constant 0 : i32
    %dma_wait3A_728 = tpu.memref_slice %arg2[%add3A_559, %dma_wait3A_727] : memref<8192x1024xf32, #tpu.memory_space<hbm>> -> memref<16x1024xf32, #tpu.memory_space<hbm>>
    tpu.wait_dma2 semaphore(%arg11 : memref<!tpu.dma_semaphore, #tpu.memory_space<semaphore_mem>>) src(%dma_wait3A_728 : memref<16x1024xf32, #tpu.memory_space<hbm>>) dst(%dma_wait3A_726 : memref<16x1024xf32, #tpu.memory_space<vmem>>)
    %dma_wait3A_729 = arith.constant 0 : i32
    %dma_wait3A_730 = arith.constant 5 : i32
    %dma_wait3A_731 = arith.constant 2 : i32
    %dma_wait3A_732 = arith.constant 0 : i32
    %dma_wait3A_733 = arith.constant 0 : i32
    %dma_wait3A_734 = tpu.memref_slice %arg9[%dma_wait3A_731, %dma_wait3A_732, %dma_wait3A_733] : memref<3x64x256xf32, #tpu.memory_space<vmem>> -> memref<1x32x256xf32, #tpu.memory_space<vmem>>
    %dma_wait3A_735 = tpu.memref_squeeze %dma_wait3A_734 : memref<1x32x256xf32, #tpu.memory_space<vmem>> -> memref<32x256xf32, #tpu.memory_space<vmem>>
    %dma_wait3A_736 = arith.constant 0 : i32
    %dma_wait3A_737 = tpu.memref_slice %arg10[%dma_wait3A_729, %dma_wait3A_730, %dma_wait3A_736] : memref<2x16x32xi32, #tpu.memory_space<vmem>> -> memref<1x1x32xi32, #tpu.memory_space<vmem>>
    %dma_wait3A_738 = tpu.memref_squeeze %dma_wait3A_737 : memref<1x1x32xi32, #tpu.memory_space<vmem>> -> memref<32xi32, #tpu.memory_space<vmem>>
    %dma_wait3A_739 = arith.constant 0 : i32
    %dma_wait3A_740 = arith.constant 0 : i32
    %dma_wait3A_741 = tpu.memref_slice %arg5[%dma_wait3A_739, %dma_wait3A_740] : memref<1025x256xf32, #tpu.memory_space<hbm>> -> memref<1025x256xf32, #tpu.memory_space<hbm>>
    tpu.wait_indirect_dma semaphore(%arg12 : memref<!tpu.dma_semaphore, #tpu.memory_space<semaphore_mem>>) src(%dma_wait3A_741 : memref<1025x256xf32, #tpu.memory_space<hbm>>) dst(%dma_wait3A_735 : memref<32x256xf32, #tpu.memory_space<vmem>>)
    %dma_wait3A_742 = arith.constant 1 : i32
    %dma_wait3A_743 = arith.constant 5 : i32
    %dma_wait3A_744 = arith.constant 2 : i32
    %dma_wait3A_745 = arith.constant 32 : i32
    %dma_wait3A_746 = arith.constant 0 : i32
    %dma_wait3A_747 = tpu.memref_slice %arg9[%dma_wait3A_744, %dma_wait3A_745, %dma_wait3A_746] : memref<3x64x256xf32, #tpu.memory_space<vmem>> -> memref<1x32x256xf32, #tpu.memory_space<vmem>>
    %dma_wait3A_748 = tpu.memref_squeeze %dma_wait3A_747 : memref<1x32x256xf32, #tpu.memory_space<vmem>> -> memref<32x256xf32, #tpu.memory_space<vmem>>
    %dma_wait3A_749 = arith.constant 0 : i32
    %dma_wait3A_750 = tpu.memref_slice %arg10[%dma_wait3A_742, %dma_wait3A_743, %dma_wait3A_749] : memref<2x16x32xi32, #tpu.memory_space<vmem>> -> memref<1x1x32xi32, #tpu.memory_space<vmem>>
    %dma_wait3A_751 = tpu.memref_squeeze %dma_wait3A_750 : memref<1x1x32xi32, #tpu.memory_space<vmem>> -> memref<32xi32, #tpu.memory_space<vmem>>
    %dma_wait3A_752 = arith.constant 0 : i32
    %dma_wait3A_753 = arith.constant 0 : i32
    %dma_wait3A_754 = tpu.memref_slice %arg6[%dma_wait3A_752, %dma_wait3A_753] : memref<1025x256xf32, #tpu.memory_space<hbm>> -> memref<1025x256xf32, #tpu.memory_space<hbm>>
    tpu.wait_indirect_dma semaphore(%arg12 : memref<!tpu.dma_semaphore, #tpu.memory_space<semaphore_mem>>) src(%dma_wait3A_754 : memref<1025x256xf32, #tpu.memory_space<hbm>>) dst(%dma_wait3A_748 : memref<32x256xf32, #tpu.memory_space<vmem>>)
    %parallel_loop3A_755 = arith.constant 0 : i32
    %parallel_loop3A_756 = arith.constant 16 : i32
    %parallel_loop3A_757 = arith.constant 1 : i32
    %parallel_loop3A_758 = arith.constant 2 : i32
    %parallel_loop3A_759 = arith.constant 2 : i32
    scf.for %parallel_loop3A_1930 = %parallel_loop3A_755 to %parallel_loop3A_756 step %parallel_loop3A_757  : i32 {
      %parallel_loop3A_1931 = vector.broadcast %parallel_loop3A_1930 : i32 to vector<16xi32>
      %parallel_loop3A_1932 = arith.addi %add3A_60, %parallel_loop3A_1931 : vector<16xi32>
      %parallel_loop3A_1933 = arith.constant 0 : i32
      %parallel_loop3A_1934 = arith.constant 64 : i32
      %parallel_loop3A_1935 = arith.constant 1 : i32
      scf.for %parallel_loop3A_1936 = %parallel_loop3A_1933 to %parallel_loop3A_1934 step %parallel_loop3A_1935  : i32 {
        %parallel_loop3A_1937 = arith.constant 4 : i32
        %parallel_loop3A_1938 = arith.muli %parallel_loop3A_1937, %parallel_loop3A_1936 : i32
        %parallel_loop3A_1939 = vector.broadcast %parallel_loop3A_1938 : i32 to vector<16xi32>
        %parallel_loop3A_1940 = arith.addi %select_n3A_48, %parallel_loop3A_1939 : vector<16xi32>
        %parallel_loop3A_1941 = arith.constant 0 : i32
        %parallel_loop3A_1942 = arith.constant 0 : i32
        %parallel_loop3A_1943 = tpu.memref_slice %arg9[%parallel_loop3A_758, %parallel_loop3A_1941, %parallel_loop3A_1942] : memref<3x64x256xf32, #tpu.memory_space<vmem>> -> memref<1x64x256xf32, #tpu.memory_space<vmem>>
        %parallel_loop3A_1944 = tpu.memref_squeeze %parallel_loop3A_1943 : memref<1x64x256xf32, #tpu.memory_space<vmem>> -> memref<64x256xf32, #tpu.memory_space<vmem>>
        %parallel_loop3A_1945 = tpu.vector_load_idx %parallel_loop3A_1944[%parallel_loop3A_1932, %parallel_loop3A_1940] : memref<64x256xf32, #tpu.memory_space<vmem>>[vector<16xi32>, vector<16xi32>], vector<16xf32>,
        %parallel_loop3A_1946 = arith.constant 16 : i32
        %parallel_loop3A_1947 = arith.muli %parallel_loop3A_1946, %parallel_loop3A_1936 : i32
        %parallel_loop3A_1948 = arith.constant 0 : i32
        %parallel_loop3A_1949 = arith.constant 0 : i32
        %parallel_loop3A_1950 = tpu.memref_slice %arg8[%parallel_loop3A_759, %parallel_loop3A_1948, %parallel_loop3A_1949] : memref<3x16x1024xf32, #tpu.memory_space<vmem>> -> memref<1x16x1024xf32, #tpu.memory_space<vmem>>
        %parallel_loop3A_1951 = tpu.memref_squeeze %parallel_loop3A_1950 : memref<1x16x1024xf32, #tpu.memory_space<vmem>> -> memref<16x1024xf32, #tpu.memory_space<vmem>>
        %parallel_loop3A_1952 = arith.index_cast %parallel_loop3A_1930 : i32 to index
        %parallel_loop3A_1953 = arith.index_cast %parallel_loop3A_1947 : i32 to index
        %parallel_loop3A_1954 = tpu.vector_load %parallel_loop3A_1951[%parallel_loop3A_1952, %parallel_loop3A_1953] {strides = array<i32>} : memref<16x1024xf32, #tpu.memory_space<vmem>>, vector<16xf32>,
        tpu.vector_store %parallel_loop3A_1951[%parallel_loop3A_1952, %parallel_loop3A_1953], %parallel_loop3A_1945 {add = true, strides = array<i32>} : memref<16x1024xf32, #tpu.memory_space<vmem>>, vector<16xf32>,
      } {sc.loop_unroll_factor = 8 : i64, sc.parallel_access}
    } {sc.loop_unroll_factor = 1 : i64, sc.parallel_access}
    %mul3A_760 = arith.constant 256 : i32
    %mul3A_761 = arith.muli %add3A, %mul3A_760 : i32
    %add3A_762 = arith.constant 80 : i32
    %add3A_763 = arith.addi %mul3A_761, %add3A_762 : i32
    %dma_start3A_764 = arith.constant 2 : i32
    %dma_start3A_765 = arith.constant 0 : i32
    %dma_start3A_766 = arith.constant 0 : i32
    %dma_start3A_767 = tpu.memref_slice %arg8[%dma_start3A_764, %dma_start3A_765, %dma_start3A_766] : memref<3x16x1024xf32, #tpu.memory_space<vmem>> -> memref<1x16x1024xf32, #tpu.memory_space<vmem>>
    %dma_start3A_768 = tpu.memref_squeeze %dma_start3A_767 : memref<1x16x1024xf32, #tpu.memory_space<vmem>> -> memref<16x1024xf32, #tpu.memory_space<vmem>>
    %dma_start3A_769 = arith.constant 0 : i32
    %dma_start3A_770 = tpu.memref_slice %arg7[%add3A_763, %dma_start3A_769] : memref<8192x1024xf32, #tpu.memory_space<hbm>> -> memref<16x1024xf32, #tpu.memory_space<hbm>>
    %dma_start3A_771 = arith.constant 0 : i32
    %dma_start3A_772 = tpu.memref_slice %arg7[%add3A_763, %dma_start3A_771] : memref<8192x1024xf32, #tpu.memory_space<hbm>> -> memref<16x1024xf32, #tpu.memory_space<hbm>>
    %dma_start3A_773 = arith.constant 0 : i32
    %dma_start3A_774 = arith.constant 0 : i32
    %dma_start3A_775 = tpu.memref_slice %arg8[%dma_start3A_764, %dma_start3A_773, %dma_start3A_774] : memref<3x16x1024xf32, #tpu.memory_space<vmem>> -> memref<1x16x1024xf32, #tpu.memory_space<vmem>>
    %dma_start3A_776 = tpu.memref_squeeze %dma_start3A_775 : memref<1x16x1024xf32, #tpu.memory_space<vmem>> -> memref<16x1024xf32, #tpu.memory_space<vmem>>
    tpu.enqueue_dma source(%dma_start3A_776 : memref<16x1024xf32, #tpu.memory_space<vmem>>) target(%dma_start3A_772 : memref<16x1024xf32, #tpu.memory_space<hbm>>) target_semaphore(%arg13 : memref<!tpu.dma_semaphore, #tpu.memory_space<semaphore_mem>>)
    %dma_wait3A_777 = arith.constant 1 : i32
    %dma_wait3A_778 = arith.constant 0 : i32
    %dma_wait3A_779 = arith.constant 0 : i32
    %dma_wait3A_780 = tpu.memref_slice %arg8[%dma_wait3A_777, %dma_wait3A_778, %dma_wait3A_779] : memref<3x16x1024xf32, #tpu.memory_space<vmem>> -> memref<1x16x1024xf32, #tpu.memory_space<vmem>>
    %dma_wait3A_781 = tpu.memref_squeeze %dma_wait3A_780 : memref<1x16x1024xf32, #tpu.memory_space<vmem>> -> memref<16x1024xf32, #tpu.memory_space<vmem>>
    %dma_wait3A_782 = arith.constant 0 : i32
    %dma_wait3A_783 = tpu.memref_slice %arg7[%add3A_646, %dma_wait3A_782] : memref<8192x1024xf32, #tpu.memory_space<hbm>> -> memref<16x1024xf32, #tpu.memory_space<hbm>>
    %dma_wait3A_784 = arith.constant 0 : i32
    %dma_wait3A_785 = tpu.memref_slice %arg7[%add3A_646, %dma_wait3A_784] : memref<8192x1024xf32, #tpu.memory_space<hbm>> -> memref<16x1024xf32, #tpu.memory_space<hbm>>
    %dma_wait3A_786 = arith.constant 0 : i32
    %dma_wait3A_787 = arith.constant 0 : i32
    %dma_wait3A_788 = tpu.memref_slice %arg8[%dma_wait3A_777, %dma_wait3A_786, %dma_wait3A_787] : memref<3x16x1024xf32, #tpu.memory_space<vmem>> -> memref<1x16x1024xf32, #tpu.memory_space<vmem>>
    %dma_wait3A_789 = tpu.memref_squeeze %dma_wait3A_788 : memref<1x16x1024xf32, #tpu.memory_space<vmem>> -> memref<16x1024xf32, #tpu.memory_space<vmem>>
    tpu.wait_dma2 semaphore(%arg13 : memref<!tpu.dma_semaphore, #tpu.memory_space<semaphore_mem>>) src(%dma_wait3A_789 : memref<16x1024xf32, #tpu.memory_space<vmem>>) dst(%dma_wait3A_785 : memref<16x1024xf32, #tpu.memory_space<hbm>>)
    %mul3A_790 = arith.constant 256 : i32
    %mul3A_791 = arith.muli %add3A, %mul3A_790 : i32
    %add3A_792 = arith.constant 112 : i32
    %add3A_793 = arith.addi %mul3A_791, %add3A_792 : i32
    %dma_start3A_794 = arith.constant 1 : i32
    %dma_start3A_795 = arith.constant 0 : i32
    %dma_start3A_796 = arith.constant 0 : i32
    %dma_start3A_797 = tpu.memref_slice %arg8[%dma_start3A_794, %dma_start3A_795, %dma_start3A_796] : memref<3x16x1024xf32, #tpu.memory_space<vmem>> -> memref<1x16x1024xf32, #tpu.memory_space<vmem>>
    %dma_start3A_798 = tpu.memref_squeeze %dma_start3A_797 : memref<1x16x1024xf32, #tpu.memory_space<vmem>> -> memref<16x1024xf32, #tpu.memory_space<vmem>>
    %dma_start3A_799 = arith.constant 0 : i32
    %dma_start3A_800 = tpu.memref_slice %arg2[%add3A_793, %dma_start3A_799] : memref<8192x1024xf32, #tpu.memory_space<hbm>> -> memref<16x1024xf32, #tpu.memory_space<hbm>>
    %dma_start3A_801 = arith.constant 0 : i32
    %dma_start3A_802 = arith.constant 0 : i32
    %dma_start3A_803 = tpu.memref_slice %arg8[%dma_start3A_794, %dma_start3A_801, %dma_start3A_802] : memref<3x16x1024xf32, #tpu.memory_space<vmem>> -> memref<1x16x1024xf32, #tpu.memory_space<vmem>>
    %dma_start3A_804 = tpu.memref_squeeze %dma_start3A_803 : memref<1x16x1024xf32, #tpu.memory_space<vmem>> -> memref<16x1024xf32, #tpu.memory_space<vmem>>
    %dma_start3A_805 = arith.constant 0 : i32
    %dma_start3A_806 = tpu.memref_slice %arg2[%add3A_793, %dma_start3A_805] : memref<8192x1024xf32, #tpu.memory_space<hbm>> -> memref<16x1024xf32, #tpu.memory_space<hbm>>
    tpu.enqueue_dma source(%dma_start3A_806 : memref<16x1024xf32, #tpu.memory_space<hbm>>) target(%dma_start3A_804 : memref<16x1024xf32, #tpu.memory_space<vmem>>) target_semaphore(%arg11 : memref<!tpu.dma_semaphore, #tpu.memory_space<semaphore_mem>>)
    %dma_start3A_807 = arith.constant 0 : i32
    %dma_start3A_808 = arith.constant 7 : i32
    %dma_start3A_809 = arith.constant 1 : i32
    %dma_start3A_810 = arith.constant 0 : i32
    %dma_start3A_811 = arith.constant 0 : i32
    %dma_start3A_812 = tpu.memref_slice %arg9[%dma_start3A_809, %dma_start3A_810, %dma_start3A_811] : memref<3x64x256xf32, #tpu.memory_space<vmem>> -> memref<1x32x256xf32, #tpu.memory_space<vmem>>
    %dma_start3A_813 = tpu.memref_squeeze %dma_start3A_812 : memref<1x32x256xf32, #tpu.memory_space<vmem>> -> memref<32x256xf32, #tpu.memory_space<vmem>>
    %dma_start3A_814 = arith.constant 0 : i32
    %dma_start3A_815 = tpu.memref_slice %arg10[%dma_start3A_807, %dma_start3A_808, %dma_start3A_814] : memref<2x16x32xi32, #tpu.memory_space<vmem>> -> memref<1x1x32xi32, #tpu.memory_space<vmem>>
    %dma_start3A_816 = tpu.memref_squeeze %dma_start3A_815 : memref<1x1x32xi32, #tpu.memory_space<vmem>> -> memref<32xi32, #tpu.memory_space<vmem>>
    %dma_start3A_817 = arith.constant 0 : i32
    %dma_start3A_818 = arith.constant 0 : i32
    %dma_start3A_819 = tpu.memref_slice %arg5[%dma_start3A_817, %dma_start3A_818] : memref<1025x256xf32, #tpu.memory_space<hbm>> -> memref<1025x256xf32, #tpu.memory_space<hbm>>
    tpu.enqueue_indirect_dma source(%dma_start3A_819 : memref<1025x256xf32, #tpu.memory_space<hbm>>) target(%dma_start3A_813 : memref<32x256xf32, #tpu.memory_space<vmem>>) offsets(%dma_start3A_816 : memref<32xi32, #tpu.memory_space<vmem>>) semaphore(%arg12 : memref<!tpu.dma_semaphore, #tpu.memory_space<semaphore_mem>>)
    %dma_start3A_820 = arith.constant 1 : i32
    %dma_start3A_821 = arith.constant 7 : i32
    %dma_start3A_822 = arith.constant 1 : i32
    %dma_start3A_823 = arith.constant 32 : i32
    %dma_start3A_824 = arith.constant 0 : i32
    %dma_start3A_825 = tpu.memref_slice %arg9[%dma_start3A_822, %dma_start3A_823, %dma_start3A_824] : memref<3x64x256xf32, #tpu.memory_space<vmem>> -> memref<1x32x256xf32, #tpu.memory_space<vmem>>
    %dma_start3A_826 = tpu.memref_squeeze %dma_start3A_825 : memref<1x32x256xf32, #tpu.memory_space<vmem>> -> memref<32x256xf32, #tpu.memory_space<vmem>>
    %dma_start3A_827 = arith.constant 0 : i32
    %dma_start3A_828 = tpu.memref_slice %arg10[%dma_start3A_820, %dma_start3A_821, %dma_start3A_827] : memref<2x16x32xi32, #tpu.memory_space<vmem>> -> memref<1x1x32xi32, #tpu.memory_space<vmem>>
    %dma_start3A_829 = tpu.memref_squeeze %dma_start3A_828 : memref<1x1x32xi32, #tpu.memory_space<vmem>> -> memref<32xi32, #tpu.memory_space<vmem>>
    %dma_start3A_830 = arith.constant 0 : i32
    %dma_start3A_831 = arith.constant 0 : i32
    %dma_start3A_832 = tpu.memref_slice %arg6[%dma_start3A_830, %dma_start3A_831] : memref<1025x256xf32, #tpu.memory_space<hbm>> -> memref<1025x256xf32, #tpu.memory_space<hbm>>
    tpu.enqueue_indirect_dma source(%dma_start3A_832 : memref<1025x256xf32, #tpu.memory_space<hbm>>) target(%dma_start3A_826 : memref<32x256xf32, #tpu.memory_space<vmem>>) offsets(%dma_start3A_829 : memref<32xi32, #tpu.memory_space<vmem>>) semaphore(%arg12 : memref<!tpu.dma_semaphore, #tpu.memory_space<semaphore_mem>>)
    %dma_wait3A_833 = arith.constant 0 : i32
    %dma_wait3A_834 = arith.constant 0 : i32
    %dma_wait3A_835 = arith.constant 0 : i32
    %dma_wait3A_836 = tpu.memref_slice %arg8[%dma_wait3A_833, %dma_wait3A_834, %dma_wait3A_835] : memref<3x16x1024xf32, #tpu.memory_space<vmem>> -> memref<1x16x1024xf32, #tpu.memory_space<vmem>>
    %dma_wait3A_837 = tpu.memref_squeeze %dma_wait3A_836 : memref<1x16x1024xf32, #tpu.memory_space<vmem>> -> memref<16x1024xf32, #tpu.memory_space<vmem>>
    %dma_wait3A_838 = arith.constant 0 : i32
    %dma_wait3A_839 = tpu.memref_slice %arg2[%add3A_676, %dma_wait3A_838] : memref<8192x1024xf32, #tpu.memory_space<hbm>> -> memref<16x1024xf32, #tpu.memory_space<hbm>>
    %dma_wait3A_840 = arith.constant 0 : i32
    %dma_wait3A_841 = arith.constant 0 : i32
    %dma_wait3A_842 = tpu.memref_slice %arg8[%dma_wait3A_833, %dma_wait3A_840, %dma_wait3A_841] : memref<3x16x1024xf32, #tpu.memory_space<vmem>> -> memref<1x16x1024xf32, #tpu.memory_space<vmem>>
    %dma_wait3A_843 = tpu.memref_squeeze %dma_wait3A_842 : memref<1x16x1024xf32, #tpu.memory_space<vmem>> -> memref<16x1024xf32, #tpu.memory_space<vmem>>
    %dma_wait3A_844 = arith.constant 0 : i32
    %dma_wait3A_845 = tpu.memref_slice %arg2[%add3A_676, %dma_wait3A_844] : memref<8192x1024xf32, #tpu.memory_space<hbm>> -> memref<16x1024xf32, #tpu.memory_space<hbm>>
    tpu.wait_dma2 semaphore(%arg11 : memref<!tpu.dma_semaphore, #tpu.memory_space<semaphore_mem>>) src(%dma_wait3A_845 : memref<16x1024xf32, #tpu.memory_space<hbm>>) dst(%dma_wait3A_843 : memref<16x1024xf32, #tpu.memory_space<vmem>>)
    %dma_wait3A_846 = arith.constant 0 : i32
    %dma_wait3A_847 = arith.constant 6 : i32
    %dma_wait3A_848 = arith.constant 0 : i32
    %dma_wait3A_849 = arith.constant 0 : i32
    %dma_wait3A_850 = arith.constant 0 : i32
    %dma_wait3A_851 = tpu.memref_slice %arg9[%dma_wait3A_848, %dma_wait3A_849, %dma_wait3A_850] : memref<3x64x256xf32, #tpu.memory_space<vmem>> -> memref<1x32x256xf32, #tpu.memory_space<vmem>>
    %dma_wait3A_852 = tpu.memref_squeeze %dma_wait3A_851 : memref<1x32x256xf32, #tpu.memory_space<vmem>> -> memref<32x256xf32, #tpu.memory_space<vmem>>
    %dma_wait3A_853 = arith.constant 0 : i32
    %dma_wait3A_854 = tpu.memref_slice %arg10[%dma_wait3A_846, %dma_wait3A_847, %dma_wait3A_853] : memref<2x16x32xi32, #tpu.memory_space<vmem>> -> memref<1x1x32xi32, #tpu.memory_space<vmem>>
    %dma_wait3A_855 = tpu.memref_squeeze %dma_wait3A_854 : memref<1x1x32xi32, #tpu.memory_space<vmem>> -> memref<32xi32, #tpu.memory_space<vmem>>
    %dma_wait3A_856 = arith.constant 0 : i32
    %dma_wait3A_857 = arith.constant 0 : i32
    %dma_wait3A_858 = tpu.memref_slice %arg5[%dma_wait3A_856, %dma_wait3A_857] : memref<1025x256xf32, #tpu.memory_space<hbm>> -> memref<1025x256xf32, #tpu.memory_space<hbm>>
    tpu.wait_indirect_dma semaphore(%arg12 : memref<!tpu.dma_semaphore, #tpu.memory_space<semaphore_mem>>) src(%dma_wait3A_858 : memref<1025x256xf32, #tpu.memory_space<hbm>>) dst(%dma_wait3A_852 : memref<32x256xf32, #tpu.memory_space<vmem>>)
    %dma_wait3A_859 = arith.constant 1 : i32
    %dma_wait3A_860 = arith.constant 6 : i32
    %dma_wait3A_861 = arith.constant 0 : i32
    %dma_wait3A_862 = arith.constant 32 : i32
    %dma_wait3A_863 = arith.constant 0 : i32
    %dma_wait3A_864 = tpu.memref_slice %arg9[%dma_wait3A_861, %dma_wait3A_862, %dma_wait3A_863] : memref<3x64x256xf32, #tpu.memory_space<vmem>> -> memref<1x32x256xf32, #tpu.memory_space<vmem>>
    %dma_wait3A_865 = tpu.memref_squeeze %dma_wait3A_864 : memref<1x32x256xf32, #tpu.memory_space<vmem>> -> memref<32x256xf32, #tpu.memory_space<vmem>>
    %dma_wait3A_866 = arith.constant 0 : i32
    %dma_wait3A_867 = tpu.memref_slice %arg10[%dma_wait3A_859, %dma_wait3A_860, %dma_wait3A_866] : memref<2x16x32xi32, #tpu.memory_space<vmem>> -> memref<1x1x32xi32, #tpu.memory_space<vmem>>
    %dma_wait3A_868 = tpu.memref_squeeze %dma_wait3A_867 : memref<1x1x32xi32, #tpu.memory_space<vmem>> -> memref<32xi32, #tpu.memory_space<vmem>>
    %dma_wait3A_869 = arith.constant 0 : i32
    %dma_wait3A_870 = arith.constant 0 : i32
    %dma_wait3A_871 = tpu.memref_slice %arg6[%dma_wait3A_869, %dma_wait3A_870] : memref<1025x256xf32, #tpu.memory_space<hbm>> -> memref<1025x256xf32, #tpu.memory_space<hbm>>
    tpu.wait_indirect_dma semaphore(%arg12 : memref<!tpu.dma_semaphore, #tpu.memory_space<semaphore_mem>>) src(%dma_wait3A_871 : memref<1025x256xf32, #tpu.memory_space<hbm>>) dst(%dma_wait3A_865 : memref<32x256xf32, #tpu.memory_space<vmem>>)
    %parallel_loop3A_872 = arith.constant 0 : i32
    %parallel_loop3A_873 = arith.constant 16 : i32
    %parallel_loop3A_874 = arith.constant 1 : i32
    %parallel_loop3A_875 = arith.constant 0 : i32
    %parallel_loop3A_876 = arith.constant 0 : i32
    scf.for %parallel_loop3A_1930 = %parallel_loop3A_872 to %parallel_loop3A_873 step %parallel_loop3A_874  : i32 {
      %parallel_loop3A_1931 = vector.broadcast %parallel_loop3A_1930 : i32 to vector<16xi32>
      %parallel_loop3A_1932 = arith.addi %add3A_60, %parallel_loop3A_1931 : vector<16xi32>
      %parallel_loop3A_1933 = arith.constant 0 : i32
      %parallel_loop3A_1934 = arith.constant 64 : i32
      %parallel_loop3A_1935 = arith.constant 1 : i32
      scf.for %parallel_loop3A_1936 = %parallel_loop3A_1933 to %parallel_loop3A_1934 step %parallel_loop3A_1935  : i32 {
        %parallel_loop3A_1937 = arith.constant 4 : i32
        %parallel_loop3A_1938 = arith.muli %parallel_loop3A_1937, %parallel_loop3A_1936 : i32
        %parallel_loop3A_1939 = vector.broadcast %parallel_loop3A_1938 : i32 to vector<16xi32>
        %parallel_loop3A_1940 = arith.addi %select_n3A_48, %parallel_loop3A_1939 : vector<16xi32>
        %parallel_loop3A_1941 = arith.constant 0 : i32
        %parallel_loop3A_1942 = arith.constant 0 : i32
        %parallel_loop3A_1943 = tpu.memref_slice %arg9[%parallel_loop3A_875, %parallel_loop3A_1941, %parallel_loop3A_1942] : memref<3x64x256xf32, #tpu.memory_space<vmem>> -> memref<1x64x256xf32, #tpu.memory_space<vmem>>
        %parallel_loop3A_1944 = tpu.memref_squeeze %parallel_loop3A_1943 : memref<1x64x256xf32, #tpu.memory_space<vmem>> -> memref<64x256xf32, #tpu.memory_space<vmem>>
        %parallel_loop3A_1945 = tpu.vector_load_idx %parallel_loop3A_1944[%parallel_loop3A_1932, %parallel_loop3A_1940] : memref<64x256xf32, #tpu.memory_space<vmem>>[vector<16xi32>, vector<16xi32>], vector<16xf32>,
        %parallel_loop3A_1946 = arith.constant 16 : i32
        %parallel_loop3A_1947 = arith.muli %parallel_loop3A_1946, %parallel_loop3A_1936 : i32
        %parallel_loop3A_1948 = arith.constant 0 : i32
        %parallel_loop3A_1949 = arith.constant 0 : i32
        %parallel_loop3A_1950 = tpu.memref_slice %arg8[%parallel_loop3A_876, %parallel_loop3A_1948, %parallel_loop3A_1949] : memref<3x16x1024xf32, #tpu.memory_space<vmem>> -> memref<1x16x1024xf32, #tpu.memory_space<vmem>>
        %parallel_loop3A_1951 = tpu.memref_squeeze %parallel_loop3A_1950 : memref<1x16x1024xf32, #tpu.memory_space<vmem>> -> memref<16x1024xf32, #tpu.memory_space<vmem>>
        %parallel_loop3A_1952 = arith.index_cast %parallel_loop3A_1930 : i32 to index
        %parallel_loop3A_1953 = arith.index_cast %parallel_loop3A_1947 : i32 to index
        %parallel_loop3A_1954 = tpu.vector_load %parallel_loop3A_1951[%parallel_loop3A_1952, %parallel_loop3A_1953] {strides = array<i32>} : memref<16x1024xf32, #tpu.memory_space<vmem>>, vector<16xf32>,
        tpu.vector_store %parallel_loop3A_1951[%parallel_loop3A_1952, %parallel_loop3A_1953], %parallel_loop3A_1945 {add = true, strides = array<i32>} : memref<16x1024xf32, #tpu.memory_space<vmem>>, vector<16xf32>,
      } {sc.loop_unroll_factor = 8 : i64, sc.parallel_access}
    } {sc.loop_unroll_factor = 1 : i64, sc.parallel_access}
    %mul3A_877 = arith.constant 256 : i32
    %mul3A_878 = arith.muli %add3A, %mul3A_877 : i32
    %add3A_879 = arith.constant 96 : i32
    %add3A_880 = arith.addi %mul3A_878, %add3A_879 : i32
    %dma_start3A_881 = arith.constant 0 : i32
    %dma_start3A_882 = arith.constant 0 : i32
    %dma_start3A_883 = arith.constant 0 : i32
    %dma_start3A_884 = tpu.memref_slice %arg8[%dma_start3A_881, %dma_start3A_882, %dma_start3A_883] : memref<3x16x1024xf32, #tpu.memory_space<vmem>> -> memref<1x16x1024xf32, #tpu.memory_space<vmem>>
    %dma_start3A_885 = tpu.memref_squeeze %dma_start3A_884 : memref<1x16x1024xf32, #tpu.memory_space<vmem>> -> memref<16x1024xf32, #tpu.memory_space<vmem>>
    %dma_start3A_886 = arith.constant 0 : i32
    %dma_start3A_887 = tpu.memref_slice %arg7[%add3A_880, %dma_start3A_886] : memref<8192x1024xf32, #tpu.memory_space<hbm>> -> memref<16x1024xf32, #tpu.memory_space<hbm>>
    %dma_start3A_888 = arith.constant 0 : i32
    %dma_start3A_889 = tpu.memref_slice %arg7[%add3A_880, %dma_start3A_888] : memref<8192x1024xf32, #tpu.memory_space<hbm>> -> memref<16x1024xf32, #tpu.memory_space<hbm>>
    %dma_start3A_890 = arith.constant 0 : i32
    %dma_start3A_891 = arith.constant 0 : i32
    %dma_start3A_892 = tpu.memref_slice %arg8[%dma_start3A_881, %dma_start3A_890, %dma_start3A_891] : memref<3x16x1024xf32, #tpu.memory_space<vmem>> -> memref<1x16x1024xf32, #tpu.memory_space<vmem>>
    %dma_start3A_893 = tpu.memref_squeeze %dma_start3A_892 : memref<1x16x1024xf32, #tpu.memory_space<vmem>> -> memref<16x1024xf32, #tpu.memory_space<vmem>>
    tpu.enqueue_dma source(%dma_start3A_893 : memref<16x1024xf32, #tpu.memory_space<vmem>>) target(%dma_start3A_889 : memref<16x1024xf32, #tpu.memory_space<hbm>>) target_semaphore(%arg13 : memref<!tpu.dma_semaphore, #tpu.memory_space<semaphore_mem>>)
    %dma_wait3A_894 = arith.constant 2 : i32
    %dma_wait3A_895 = arith.constant 0 : i32
    %dma_wait3A_896 = arith.constant 0 : i32
    %dma_wait3A_897 = tpu.memref_slice %arg8[%dma_wait3A_894, %dma_wait3A_895, %dma_wait3A_896] : memref<3x16x1024xf32, #tpu.memory_space<vmem>> -> memref<1x16x1024xf32, #tpu.memory_space<vmem>>
    %dma_wait3A_898 = tpu.memref_squeeze %dma_wait3A_897 : memref<1x16x1024xf32, #tpu.memory_space<vmem>> -> memref<16x1024xf32, #tpu.memory_space<vmem>>
    %dma_wait3A_899 = arith.constant 0 : i32
    %dma_wait3A_900 = tpu.memref_slice %arg7[%add3A_763, %dma_wait3A_899] : memref<8192x1024xf32, #tpu.memory_space<hbm>> -> memref<16x1024xf32, #tpu.memory_space<hbm>>
    %dma_wait3A_901 = arith.constant 0 : i32
    %dma_wait3A_902 = tpu.memref_slice %arg7[%add3A_763, %dma_wait3A_901] : memref<8192x1024xf32, #tpu.memory_space<hbm>> -> memref<16x1024xf32, #tpu.memory_space<hbm>>
    %dma_wait3A_903 = arith.constant 0 : i32
    %dma_wait3A_904 = arith.constant 0 : i32
    %dma_wait3A_905 = tpu.memref_slice %arg8[%dma_wait3A_894, %dma_wait3A_903, %dma_wait3A_904] : memref<3x16x1024xf32, #tpu.memory_space<vmem>> -> memref<1x16x1024xf32, #tpu.memory_space<vmem>>
    %dma_wait3A_906 = tpu.memref_squeeze %dma_wait3A_905 : memref<1x16x1024xf32, #tpu.memory_space<vmem>> -> memref<16x1024xf32, #tpu.memory_space<vmem>>
    tpu.wait_dma2 semaphore(%arg13 : memref<!tpu.dma_semaphore, #tpu.memory_space<semaphore_mem>>) src(%dma_wait3A_906 : memref<16x1024xf32, #tpu.memory_space<vmem>>) dst(%dma_wait3A_902 : memref<16x1024xf32, #tpu.memory_space<hbm>>)
    %mul3A_907 = arith.constant 256 : i32
    %mul3A_908 = arith.muli %add3A, %mul3A_907 : i32
    %add3A_909 = arith.constant 128 : i32
    %add3A_910 = arith.addi %mul3A_908, %add3A_909 : i32
    %dma_start3A_911 = arith.constant 2 : i32
    %dma_start3A_912 = arith.constant 0 : i32
    %dma_start3A_913 = arith.constant 0 : i32
    %dma_start3A_914 = tpu.memref_slice %arg8[%dma_start3A_911, %dma_start3A_912, %dma_start3A_913] : memref<3x16x1024xf32, #tpu.memory_space<vmem>> -> memref<1x16x1024xf32, #tpu.memory_space<vmem>>
    %dma_start3A_915 = tpu.memref_squeeze %dma_start3A_914 : memref<1x16x1024xf32, #tpu.memory_space<vmem>> -> memref<16x1024xf32, #tpu.memory_space<vmem>>
    %dma_start3A_916 = arith.constant 0 : i32
    %dma_start3A_917 = tpu.memref_slice %arg2[%add3A_910, %dma_start3A_916] : memref<8192x1024xf32, #tpu.memory_space<hbm>> -> memref<16x1024xf32, #tpu.memory_space<hbm>>
    %dma_start3A_918 = arith.constant 0 : i32
    %dma_start3A_919 = arith.constant 0 : i32
    %dma_start3A_920 = tpu.memref_slice %arg8[%dma_start3A_911, %dma_start3A_918, %dma_start3A_919] : memref<3x16x1024xf32, #tpu.memory_space<vmem>> -> memref<1x16x1024xf32, #tpu.memory_space<vmem>>
    %dma_start3A_921 = tpu.memref_squeeze %dma_start3A_920 : memref<1x16x1024xf32, #tpu.memory_space<vmem>> -> memref<16x1024xf32, #tpu.memory_space<vmem>>
    %dma_start3A_922 = arith.constant 0 : i32
    %dma_start3A_923 = tpu.memref_slice %arg2[%add3A_910, %dma_start3A_922] : memref<8192x1024xf32, #tpu.memory_space<hbm>> -> memref<16x1024xf32, #tpu.memory_space<hbm>>
    tpu.enqueue_dma source(%dma_start3A_923 : memref<16x1024xf32, #tpu.memory_space<hbm>>) target(%dma_start3A_921 : memref<16x1024xf32, #tpu.memory_space<vmem>>) target_semaphore(%arg11 : memref<!tpu.dma_semaphore, #tpu.memory_space<semaphore_mem>>)
    %dma_start3A_924 = arith.constant 0 : i32
    %dma_start3A_925 = arith.constant 8 : i32
    %dma_start3A_926 = arith.constant 2 : i32
    %dma_start3A_927 = arith.constant 0 : i32
    %dma_start3A_928 = arith.constant 0 : i32
    %dma_start3A_929 = tpu.memref_slice %arg9[%dma_start3A_926, %dma_start3A_927, %dma_start3A_928] : memref<3x64x256xf32, #tpu.memory_space<vmem>> -> memref<1x32x256xf32, #tpu.memory_space<vmem>>
    %dma_start3A_930 = tpu.memref_squeeze %dma_start3A_929 : memref<1x32x256xf32, #tpu.memory_space<vmem>> -> memref<32x256xf32, #tpu.memory_space<vmem>>
    %dma_start3A_931 = arith.constant 0 : i32
    %dma_start3A_932 = tpu.memref_slice %arg10[%dma_start3A_924, %dma_start3A_925, %dma_start3A_931] : memref<2x16x32xi32, #tpu.memory_space<vmem>> -> memref<1x1x32xi32, #tpu.memory_space<vmem>>
    %dma_start3A_933 = tpu.memref_squeeze %dma_start3A_932 : memref<1x1x32xi32, #tpu.memory_space<vmem>> -> memref<32xi32, #tpu.memory_space<vmem>>
    %dma_start3A_934 = arith.constant 0 : i32
    %dma_start3A_935 = arith.constant 0 : i32
    %dma_start3A_936 = tpu.memref_slice %arg5[%dma_start3A_934, %dma_start3A_935] : memref<1025x256xf32, #tpu.memory_space<hbm>> -> memref<1025x256xf32, #tpu.memory_space<hbm>>
    tpu.enqueue_indirect_dma source(%dma_start3A_936 : memref<1025x256xf32, #tpu.memory_space<hbm>>) target(%dma_start3A_930 : memref<32x256xf32, #tpu.memory_space<vmem>>) offsets(%dma_start3A_933 : memref<32xi32, #tpu.memory_space<vmem>>) semaphore(%arg12 : memref<!tpu.dma_semaphore, #tpu.memory_space<semaphore_mem>>)
    %dma_start3A_937 = arith.constant 1 : i32
    %dma_start3A_938 = arith.constant 8 : i32
    %dma_start3A_939 = arith.constant 2 : i32
    %dma_start3A_940 = arith.constant 32 : i32
    %dma_start3A_941 = arith.constant 0 : i32
    %dma_start3A_942 = tpu.memref_slice %arg9[%dma_start3A_939, %dma_start3A_940, %dma_start3A_941] : memref<3x64x256xf32, #tpu.memory_space<vmem>> -> memref<1x32x256xf32, #tpu.memory_space<vmem>>
    %dma_start3A_943 = tpu.memref_squeeze %dma_start3A_942 : memref<1x32x256xf32, #tpu.memory_space<vmem>> -> memref<32x256xf32, #tpu.memory_space<vmem>>
    %dma_start3A_944 = arith.constant 0 : i32
    %dma_start3A_945 = tpu.memref_slice %arg10[%dma_start3A_937, %dma_start3A_938, %dma_start3A_944] : memref<2x16x32xi32, #tpu.memory_space<vmem>> -> memref<1x1x32xi32, #tpu.memory_space<vmem>>
    %dma_start3A_946 = tpu.memref_squeeze %dma_start3A_945 : memref<1x1x32xi32, #tpu.memory_space<vmem>> -> memref<32xi32, #tpu.memory_space<vmem>>
    %dma_start3A_947 = arith.constant 0 : i32
    %dma_start3A_948 = arith.constant 0 : i32
    %dma_start3A_949 = tpu.memref_slice %arg6[%dma_start3A_947, %dma_start3A_948] : memref<1025x256xf32, #tpu.memory_space<hbm>> -> memref<1025x256xf32, #tpu.memory_space<hbm>>
    tpu.enqueue_indirect_dma source(%dma_start3A_949 : memref<1025x256xf32, #tpu.memory_space<hbm>>) target(%dma_start3A_943 : memref<32x256xf32, #tpu.memory_space<vmem>>) offsets(%dma_start3A_946 : memref<32xi32, #tpu.memory_space<vmem>>) semaphore(%arg12 : memref<!tpu.dma_semaphore, #tpu.memory_space<semaphore_mem>>)
    %dma_wait3A_950 = arith.constant 1 : i32
    %dma_wait3A_951 = arith.constant 0 : i32
    %dma_wait3A_952 = arith.constant 0 : i32
    %dma_wait3A_953 = tpu.memref_slice %arg8[%dma_wait3A_950, %dma_wait3A_951, %dma_wait3A_952] : memref<3x16x1024xf32, #tpu.memory_space<vmem>> -> memref<1x16x1024xf32, #tpu.memory_space<vmem>>
    %dma_wait3A_954 = tpu.memref_squeeze %dma_wait3A_953 : memref<1x16x1024xf32, #tpu.memory_space<vmem>> -> memref<16x1024xf32, #tpu.memory_space<vmem>>
    %dma_wait3A_955 = arith.constant 0 : i32
    %dma_wait3A_956 = tpu.memref_slice %arg2[%add3A_793, %dma_wait3A_955] : memref<8192x1024xf32, #tpu.memory_space<hbm>> -> memref<16x1024xf32, #tpu.memory_space<hbm>>
    %dma_wait3A_957 = arith.constant 0 : i32
    %dma_wait3A_958 = arith.constant 0 : i32
    %dma_wait3A_959 = tpu.memref_slice %arg8[%dma_wait3A_950, %dma_wait3A_957, %dma_wait3A_958] : memref<3x16x1024xf32, #tpu.memory_space<vmem>> -> memref<1x16x1024xf32, #tpu.memory_space<vmem>>
    %dma_wait3A_960 = tpu.memref_squeeze %dma_wait3A_959 : memref<1x16x1024xf32, #tpu.memory_space<vmem>> -> memref<16x1024xf32, #tpu.memory_space<vmem>>
    %dma_wait3A_961 = arith.constant 0 : i32
    %dma_wait3A_962 = tpu.memref_slice %arg2[%add3A_793, %dma_wait3A_961] : memref<8192x1024xf32, #tpu.memory_space<hbm>> -> memref<16x1024xf32, #tpu.memory_space<hbm>>
    tpu.wait_dma2 semaphore(%arg11 : memref<!tpu.dma_semaphore, #tpu.memory_space<semaphore_mem>>) src(%dma_wait3A_962 : memref<16x1024xf32, #tpu.memory_space<hbm>>) dst(%dma_wait3A_960 : memref<16x1024xf32, #tpu.memory_space<vmem>>)
    %dma_wait3A_963 = arith.constant 0 : i32
    %dma_wait3A_964 = arith.constant 7 : i32
    %dma_wait3A_965 = arith.constant 1 : i32
    %dma_wait3A_966 = arith.constant 0 : i32
    %dma_wait3A_967 = arith.constant 0 : i32
    %dma_wait3A_968 = tpu.memref_slice %arg9[%dma_wait3A_965, %dma_wait3A_966, %dma_wait3A_967] : memref<3x64x256xf32, #tpu.memory_space<vmem>> -> memref<1x32x256xf32, #tpu.memory_space<vmem>>
    %dma_wait3A_969 = tpu.memref_squeeze %dma_wait3A_968 : memref<1x32x256xf32, #tpu.memory_space<vmem>> -> memref<32x256xf32, #tpu.memory_space<vmem>>
    %dma_wait3A_970 = arith.constant 0 : i32
    %dma_wait3A_971 = tpu.memref_slice %arg10[%dma_wait3A_963, %dma_wait3A_964, %dma_wait3A_970] : memref<2x16x32xi32, #tpu.memory_space<vmem>> -> memref<1x1x32xi32, #tpu.memory_space<vmem>>
    %dma_wait3A_972 = tpu.memref_squeeze %dma_wait3A_971 : memref<1x1x32xi32, #tpu.memory_space<vmem>> -> memref<32xi32, #tpu.memory_space<vmem>>
    %dma_wait3A_973 = arith.constant 0 : i32
    %dma_wait3A_974 = arith.constant 0 : i32
    %dma_wait3A_975 = tpu.memref_slice %arg5[%dma_wait3A_973, %dma_wait3A_974] : memref<1025x256xf32, #tpu.memory_space<hbm>> -> memref<1025x256xf32, #tpu.memory_space<hbm>>
    tpu.wait_indirect_dma semaphore(%arg12 : memref<!tpu.dma_semaphore, #tpu.memory_space<semaphore_mem>>) src(%dma_wait3A_975 : memref<1025x256xf32, #tpu.memory_space<hbm>>) dst(%dma_wait3A_969 : memref<32x256xf32, #tpu.memory_space<vmem>>)
    %dma_wait3A_976 = arith.constant 1 : i32
    %dma_wait3A_977 = arith.constant 7 : i32
    %dma_wait3A_978 = arith.constant 1 : i32
    %dma_wait3A_979 = arith.constant 32 : i32
    %dma_wait3A_980 = arith.constant 0 : i32
    %dma_wait3A_981 = tpu.memref_slice %arg9[%dma_wait3A_978, %dma_wait3A_979, %dma_wait3A_980] : memref<3x64x256xf32, #tpu.memory_space<vmem>> -> memref<1x32x256xf32, #tpu.memory_space<vmem>>
    %dma_wait3A_982 = tpu.memref_squeeze %dma_wait3A_981 : memref<1x32x256xf32, #tpu.memory_space<vmem>> -> memref<32x256xf32, #tpu.memory_space<vmem>>
    %dma_wait3A_983 = arith.constant 0 : i32
    %dma_wait3A_984 = tpu.memref_slice %arg10[%dma_wait3A_976, %dma_wait3A_977, %dma_wait3A_983] : memref<2x16x32xi32, #tpu.memory_space<vmem>> -> memref<1x1x32xi32, #tpu.memory_space<vmem>>
    %dma_wait3A_985 = tpu.memref_squeeze %dma_wait3A_984 : memref<1x1x32xi32, #tpu.memory_space<vmem>> -> memref<32xi32, #tpu.memory_space<vmem>>
    %dma_wait3A_986 = arith.constant 0 : i32
    %dma_wait3A_987 = arith.constant 0 : i32
    %dma_wait3A_988 = tpu.memref_slice %arg6[%dma_wait3A_986, %dma_wait3A_987] : memref<1025x256xf32, #tpu.memory_space<hbm>> -> memref<1025x256xf32, #tpu.memory_space<hbm>>
    tpu.wait_indirect_dma semaphore(%arg12 : memref<!tpu.dma_semaphore, #tpu.memory_space<semaphore_mem>>) src(%dma_wait3A_988 : memref<1025x256xf32, #tpu.memory_space<hbm>>) dst(%dma_wait3A_982 : memref<32x256xf32, #tpu.memory_space<vmem>>)
    %parallel_loop3A_989 = arith.constant 0 : i32
    %parallel_loop3A_990 = arith.constant 16 : i32
    %parallel_loop3A_991 = arith.constant 1 : i32
    %parallel_loop3A_992 = arith.constant 1 : i32
    %parallel_loop3A_993 = arith.constant 1 : i32
    scf.for %parallel_loop3A_1930 = %parallel_loop3A_989 to %parallel_loop3A_990 step %parallel_loop3A_991  : i32 {
      %parallel_loop3A_1931 = vector.broadcast %parallel_loop3A_1930 : i32 to vector<16xi32>
      %parallel_loop3A_1932 = arith.addi %add3A_60, %parallel_loop3A_1931 : vector<16xi32>
      %parallel_loop3A_1933 = arith.constant 0 : i32
      %parallel_loop3A_1934 = arith.constant 64 : i32
      %parallel_loop3A_1935 = arith.constant 1 : i32
      scf.for %parallel_loop3A_1936 = %parallel_loop3A_1933 to %parallel_loop3A_1934 step %parallel_loop3A_1935  : i32 {
        %parallel_loop3A_1937 = arith.constant 4 : i32
        %parallel_loop3A_1938 = arith.muli %parallel_loop3A_1937, %parallel_loop3A_1936 : i32
        %parallel_loop3A_1939 = vector.broadcast %parallel_loop3A_1938 : i32 to vector<16xi32>
        %parallel_loop3A_1940 = arith.addi %select_n3A_48, %parallel_loop3A_1939 : vector<16xi32>
        %parallel_loop3A_1941 = arith.constant 0 : i32
        %parallel_loop3A_1942 = arith.constant 0 : i32
        %parallel_loop3A_1943 = tpu.memref_slice %arg9[%parallel_loop3A_992, %parallel_loop3A_1941, %parallel_loop3A_1942] : memref<3x64x256xf32, #tpu.memory_space<vmem>> -> memref<1x64x256xf32, #tpu.memory_space<vmem>>
        %parallel_loop3A_1944 = tpu.memref_squeeze %parallel_loop3A_1943 : memref<1x64x256xf32, #tpu.memory_space<vmem>> -> memref<64x256xf32, #tpu.memory_space<vmem>>
        %parallel_loop3A_1945 = tpu.vector_load_idx %parallel_loop3A_1944[%parallel_loop3A_1932, %parallel_loop3A_1940] : memref<64x256xf32, #tpu.memory_space<vmem>>[vector<16xi32>, vector<16xi32>], vector<16xf32>,
        %parallel_loop3A_1946 = arith.constant 16 : i32
        %parallel_loop3A_1947 = arith.muli %parallel_loop3A_1946, %parallel_loop3A_1936 : i32
        %parallel_loop3A_1948 = arith.constant 0 : i32
        %parallel_loop3A_1949 = arith.constant 0 : i32
        %parallel_loop3A_1950 = tpu.memref_slice %arg8[%parallel_loop3A_993, %parallel_loop3A_1948, %parallel_loop3A_1949] : memref<3x16x1024xf32, #tpu.memory_space<vmem>> -> memref<1x16x1024xf32, #tpu.memory_space<vmem>>
        %parallel_loop3A_1951 = tpu.memref_squeeze %parallel_loop3A_1950 : memref<1x16x1024xf32, #tpu.memory_space<vmem>> -> memref<16x1024xf32, #tpu.memory_space<vmem>>
        %parallel_loop3A_1952 = arith.index_cast %parallel_loop3A_1930 : i32 to index
        %parallel_loop3A_1953 = arith.index_cast %parallel_loop3A_1947 : i32 to index
        %parallel_loop3A_1954 = tpu.vector_load %parallel_loop3A_1951[%parallel_loop3A_1952, %parallel_loop3A_1953] {strides = array<i32>} : memref<16x1024xf32, #tpu.memory_space<vmem>>, vector<16xf32>,
        tpu.vector_store %parallel_loop3A_1951[%parallel_loop3A_1952, %parallel_loop3A_1953], %parallel_loop3A_1945 {add = true, strides = array<i32>} : memref<16x1024xf32, #tpu.memory_space<vmem>>, vector<16xf32>,
      } {sc.loop_unroll_factor = 8 : i64, sc.parallel_access}
    } {sc.loop_unroll_factor = 1 : i64, sc.parallel_access}
    %mul3A_994 = arith.constant 256 : i32
    %mul3A_995 = arith.muli %add3A, %mul3A_994 : i32
    %add3A_996 = arith.constant 112 : i32
    %add3A_997 = arith.addi %mul3A_995, %add3A_996 : i32
    %dma_start3A_998 = arith.constant 1 : i32
    %dma_start3A_999 = arith.constant 0 : i32
    %dma_start3A_1000 = arith.constant 0 : i32
    %dma_start3A_1001 = tpu.memref_slice %arg8[%dma_start3A_998, %dma_start3A_999, %dma_start3A_1000] : memref<3x16x1024xf32, #tpu.memory_space<vmem>> -> memref<1x16x1024xf32, #tpu.memory_space<vmem>>
    %dma_start3A_1002 = tpu.memref_squeeze %dma_start3A_1001 : memref<1x16x1024xf32, #tpu.memory_space<vmem>> -> memref<16x1024xf32, #tpu.memory_space<vmem>>
    %dma_start3A_1003 = arith.constant 0 : i32
    %dma_start3A_1004 = tpu.memref_slice %arg7[%add3A_997, %dma_start3A_1003] : memref<8192x1024xf32, #tpu.memory_space<hbm>> -> memref<16x1024xf32, #tpu.memory_space<hbm>>
    %dma_start3A_1005 = arith.constant 0 : i32
    %dma_start3A_1006 = tpu.memref_slice %arg7[%add3A_997, %dma_start3A_1005] : memref<8192x1024xf32, #tpu.memory_space<hbm>> -> memref<16x1024xf32, #tpu.memory_space<hbm>>
    %dma_start3A_1007 = arith.constant 0 : i32
    %dma_start3A_1008 = arith.constant 0 : i32
    %dma_start3A_1009 = tpu.memref_slice %arg8[%dma_start3A_998, %dma_start3A_1007, %dma_start3A_1008] : memref<3x16x1024xf32, #tpu.memory_space<vmem>> -> memref<1x16x1024xf32, #tpu.memory_space<vmem>>
    %dma_start3A_1010 = tpu.memref_squeeze %dma_start3A_1009 : memref<1x16x1024xf32, #tpu.memory_space<vmem>> -> memref<16x1024xf32, #tpu.memory_space<vmem>>
    tpu.enqueue_dma source(%dma_start3A_1010 : memref<16x1024xf32, #tpu.memory_space<vmem>>) target(%dma_start3A_1006 : memref<16x1024xf32, #tpu.memory_space<hbm>>) target_semaphore(%arg13 : memref<!tpu.dma_semaphore, #tpu.memory_space<semaphore_mem>>)
    %dma_wait3A_1011 = arith.constant 0 : i32
    %dma_wait3A_1012 = arith.constant 0 : i32
    %dma_wait3A_1013 = arith.constant 0 : i32
    %dma_wait3A_1014 = tpu.memref_slice %arg8[%dma_wait3A_1011, %dma_wait3A_1012, %dma_wait3A_1013] : memref<3x16x1024xf32, #tpu.memory_space<vmem>> -> memref<1x16x1024xf32, #tpu.memory_space<vmem>>
    %dma_wait3A_1015 = tpu.memref_squeeze %dma_wait3A_1014 : memref<1x16x1024xf32, #tpu.memory_space<vmem>> -> memref<16x1024xf32, #tpu.memory_space<vmem>>
    %dma_wait3A_1016 = arith.constant 0 : i32
    %dma_wait3A_1017 = tpu.memref_slice %arg7[%add3A_880, %dma_wait3A_1016] : memref<8192x1024xf32, #tpu.memory_space<hbm>> -> memref<16x1024xf32, #tpu.memory_space<hbm>>
    %dma_wait3A_1018 = arith.constant 0 : i32
    %dma_wait3A_1019 = tpu.memref_slice %arg7[%add3A_880, %dma_wait3A_1018] : memref<8192x1024xf32, #tpu.memory_space<hbm>> -> memref<16x1024xf32, #tpu.memory_space<hbm>>
    %dma_wait3A_1020 = arith.constant 0 : i32
    %dma_wait3A_1021 = arith.constant 0 : i32
    %dma_wait3A_1022 = tpu.memref_slice %arg8[%dma_wait3A_1011, %dma_wait3A_1020, %dma_wait3A_1021] : memref<3x16x1024xf32, #tpu.memory_space<vmem>> -> memref<1x16x1024xf32, #tpu.memory_space<vmem>>
    %dma_wait3A_1023 = tpu.memref_squeeze %dma_wait3A_1022 : memref<1x16x1024xf32, #tpu.memory_space<vmem>> -> memref<16x1024xf32, #tpu.memory_space<vmem>>
    tpu.wait_dma2 semaphore(%arg13 : memref<!tpu.dma_semaphore, #tpu.memory_space<semaphore_mem>>) src(%dma_wait3A_1023 : memref<16x1024xf32, #tpu.memory_space<vmem>>) dst(%dma_wait3A_1019 : memref<16x1024xf32, #tpu.memory_space<hbm>>)
    %mul3A_1024 = arith.constant 256 : i32
    %mul3A_1025 = arith.muli %add3A, %mul3A_1024 : i32
    %add3A_1026 = arith.constant 144 : i32
    %add3A_1027 = arith.addi %mul3A_1025, %add3A_1026 : i32
    %dma_start3A_1028 = arith.constant 0 : i32
    %dma_start3A_1029 = arith.constant 0 : i32
    %dma_start3A_1030 = arith.constant 0 : i32
    %dma_start3A_1031 = tpu.memref_slice %arg8[%dma_start3A_1028, %dma_start3A_1029, %dma_start3A_1030] : memref<3x16x1024xf32, #tpu.memory_space<vmem>> -> memref<1x16x1024xf32, #tpu.memory_space<vmem>>
    %dma_start3A_1032 = tpu.memref_squeeze %dma_start3A_1031 : memref<1x16x1024xf32, #tpu.memory_space<vmem>> -> memref<16x1024xf32, #tpu.memory_space<vmem>>
    %dma_start3A_1033 = arith.constant 0 : i32
    %dma_start3A_1034 = tpu.memref_slice %arg2[%add3A_1027, %dma_start3A_1033] : memref<8192x1024xf32, #tpu.memory_space<hbm>> -> memref<16x1024xf32, #tpu.memory_space<hbm>>
    %dma_start3A_1035 = arith.constant 0 : i32
    %dma_start3A_1036 = arith.constant 0 : i32
    %dma_start3A_1037 = tpu.memref_slice %arg8[%dma_start3A_1028, %dma_start3A_1035, %dma_start3A_1036] : memref<3x16x1024xf32, #tpu.memory_space<vmem>> -> memref<1x16x1024xf32, #tpu.memory_space<vmem>>
    %dma_start3A_1038 = tpu.memref_squeeze %dma_start3A_1037 : memref<1x16x1024xf32, #tpu.memory_space<vmem>> -> memref<16x1024xf32, #tpu.memory_space<vmem>>
    %dma_start3A_1039 = arith.constant 0 : i32
    %dma_start3A_1040 = tpu.memref_slice %arg2[%add3A_1027, %dma_start3A_1039] : memref<8192x1024xf32, #tpu.memory_space<hbm>> -> memref<16x1024xf32, #tpu.memory_space<hbm>>
    tpu.enqueue_dma source(%dma_start3A_1040 : memref<16x1024xf32, #tpu.memory_space<hbm>>) target(%dma_start3A_1038 : memref<16x1024xf32, #tpu.memory_space<vmem>>) target_semaphore(%arg11 : memref<!tpu.dma_semaphore, #tpu.memory_space<semaphore_mem>>)
    %dma_start3A_1041 = arith.constant 0 : i32
    %dma_start3A_1042 = arith.constant 9 : i32
    %dma_start3A_1043 = arith.constant 0 : i32
    %dma_start3A_1044 = arith.constant 0 : i32
    %dma_start3A_1045 = arith.constant 0 : i32
    %dma_start3A_1046 = tpu.memref_slice %arg9[%dma_start3A_1043, %dma_start3A_1044, %dma_start3A_1045] : memref<3x64x256xf32, #tpu.memory_space<vmem>> -> memref<1x32x256xf32, #tpu.memory_space<vmem>>
    %dma_start3A_1047 = tpu.memref_squeeze %dma_start3A_1046 : memref<1x32x256xf32, #tpu.memory_space<vmem>> -> memref<32x256xf32, #tpu.memory_space<vmem>>
    %dma_start3A_1048 = arith.constant 0 : i32
    %dma_start3A_1049 = tpu.memref_slice %arg10[%dma_start3A_1041, %dma_start3A_1042, %dma_start3A_1048] : memref<2x16x32xi32, #tpu.memory_space<vmem>> -> memref<1x1x32xi32, #tpu.memory_space<vmem>>
    %dma_start3A_1050 = tpu.memref_squeeze %dma_start3A_1049 : memref<1x1x32xi32, #tpu.memory_space<vmem>> -> memref<32xi32, #tpu.memory_space<vmem>>
    %dma_start3A_1051 = arith.constant 0 : i32
    %dma_start3A_1052 = arith.constant 0 : i32
    %dma_start3A_1053 = tpu.memref_slice %arg5[%dma_start3A_1051, %dma_start3A_1052] : memref<1025x256xf32, #tpu.memory_space<hbm>> -> memref<1025x256xf32, #tpu.memory_space<hbm>>
    tpu.enqueue_indirect_dma source(%dma_start3A_1053 : memref<1025x256xf32, #tpu.memory_space<hbm>>) target(%dma_start3A_1047 : memref<32x256xf32, #tpu.memory_space<vmem>>) offsets(%dma_start3A_1050 : memref<32xi32, #tpu.memory_space<vmem>>) semaphore(%arg12 : memref<!tpu.dma_semaphore, #tpu.memory_space<semaphore_mem>>)
    %dma_start3A_1054 = arith.constant 1 : i32
    %dma_start3A_1055 = arith.constant 9 : i32
    %dma_start3A_1056 = arith.constant 0 : i32
    %dma_start3A_1057 = arith.constant 32 : i32
    %dma_start3A_1058 = arith.constant 0 : i32
    %dma_start3A_1059 = tpu.memref_slice %arg9[%dma_start3A_1056, %dma_start3A_1057, %dma_start3A_1058] : memref<3x64x256xf32, #tpu.memory_space<vmem>> -> memref<1x32x256xf32, #tpu.memory_space<vmem>>
    %dma_start3A_1060 = tpu.memref_squeeze %dma_start3A_1059 : memref<1x32x256xf32, #tpu.memory_space<vmem>> -> memref<32x256xf32, #tpu.memory_space<vmem>>
    %dma_start3A_1061 = arith.constant 0 : i32
    %dma_start3A_1062 = tpu.memref_slice %arg10[%dma_start3A_1054, %dma_start3A_1055, %dma_start3A_1061] : memref<2x16x32xi32, #tpu.memory_space<vmem>> -> memref<1x1x32xi32, #tpu.memory_space<vmem>>
    %dma_start3A_1063 = tpu.memref_squeeze %dma_start3A_1062 : memref<1x1x32xi32, #tpu.memory_space<vmem>> -> memref<32xi32, #tpu.memory_space<vmem>>
    %dma_start3A_1064 = arith.constant 0 : i32
    %dma_start3A_1065 = arith.constant 0 : i32
    %dma_start3A_1066 = tpu.memref_slice %arg6[%dma_start3A_1064, %dma_start3A_1065] : memref<1025x256xf32, #tpu.memory_space<hbm>> -> memref<1025x256xf32, #tpu.memory_space<hbm>>
    tpu.enqueue_indirect_dma source(%dma_start3A_1066 : memref<1025x256xf32, #tpu.memory_space<hbm>>) target(%dma_start3A_1060 : memref<32x256xf32, #tpu.memory_space<vmem>>) offsets(%dma_start3A_1063 : memref<32xi32, #tpu.memory_space<vmem>>) semaphore(%arg12 : memref<!tpu.dma_semaphore, #tpu.memory_space<semaphore_mem>>)
    %dma_wait3A_1067 = arith.constant 2 : i32
    %dma_wait3A_1068 = arith.constant 0 : i32
    %dma_wait3A_1069 = arith.constant 0 : i32
    %dma_wait3A_1070 = tpu.memref_slice %arg8[%dma_wait3A_1067, %dma_wait3A_1068, %dma_wait3A_1069] : memref<3x16x1024xf32, #tpu.memory_space<vmem>> -> memref<1x16x1024xf32, #tpu.memory_space<vmem>>
    %dma_wait3A_1071 = tpu.memref_squeeze %dma_wait3A_1070 : memref<1x16x1024xf32, #tpu.memory_space<vmem>> -> memref<16x1024xf32, #tpu.memory_space<vmem>>
    %dma_wait3A_1072 = arith.constant 0 : i32
    %dma_wait3A_1073 = tpu.memref_slice %arg2[%add3A_910, %dma_wait3A_1072] : memref<8192x1024xf32, #tpu.memory_space<hbm>> -> memref<16x1024xf32, #tpu.memory_space<hbm>>
    %dma_wait3A_1074 = arith.constant 0 : i32
    %dma_wait3A_1075 = arith.constant 0 : i32
    %dma_wait3A_1076 = tpu.memref_slice %arg8[%dma_wait3A_1067, %dma_wait3A_1074, %dma_wait3A_1075] : memref<3x16x1024xf32, #tpu.memory_space<vmem>> -> memref<1x16x1024xf32, #tpu.memory_space<vmem>>
    %dma_wait3A_1077 = tpu.memref_squeeze %dma_wait3A_1076 : memref<1x16x1024xf32, #tpu.memory_space<vmem>> -> memref<16x1024xf32, #tpu.memory_space<vmem>>
    %dma_wait3A_1078 = arith.constant 0 : i32
    %dma_wait3A_1079 = tpu.memref_slice %arg2[%add3A_910, %dma_wait3A_1078] : memref<8192x1024xf32, #tpu.memory_space<hbm>> -> memref<16x1024xf32, #tpu.memory_space<hbm>>
    tpu.wait_dma2 semaphore(%arg11 : memref<!tpu.dma_semaphore, #tpu.memory_space<semaphore_mem>>) src(%dma_wait3A_1079 : memref<16x1024xf32, #tpu.memory_space<hbm>>) dst(%dma_wait3A_1077 : memref<16x1024xf32, #tpu.memory_space<vmem>>)
    %dma_wait3A_1080 = arith.constant 0 : i32
    %dma_wait3A_1081 = arith.constant 8 : i32
    %dma_wait3A_1082 = arith.constant 2 : i32
    %dma_wait3A_1083 = arith.constant 0 : i32
    %dma_wait3A_1084 = arith.constant 0 : i32
    %dma_wait3A_1085 = tpu.memref_slice %arg9[%dma_wait3A_1082, %dma_wait3A_1083, %dma_wait3A_1084] : memref<3x64x256xf32, #tpu.memory_space<vmem>> -> memref<1x32x256xf32, #tpu.memory_space<vmem>>
    %dma_wait3A_1086 = tpu.memref_squeeze %dma_wait3A_1085 : memref<1x32x256xf32, #tpu.memory_space<vmem>> -> memref<32x256xf32, #tpu.memory_space<vmem>>
    %dma_wait3A_1087 = arith.constant 0 : i32
    %dma_wait3A_1088 = tpu.memref_slice %arg10[%dma_wait3A_1080, %dma_wait3A_1081, %dma_wait3A_1087] : memref<2x16x32xi32, #tpu.memory_space<vmem>> -> memref<1x1x32xi32, #tpu.memory_space<vmem>>
    %dma_wait3A_1089 = tpu.memref_squeeze %dma_wait3A_1088 : memref<1x1x32xi32, #tpu.memory_space<vmem>> -> memref<32xi32, #tpu.memory_space<vmem>>
    %dma_wait3A_1090 = arith.constant 0 : i32
    %dma_wait3A_1091 = arith.constant 0 : i32
    %dma_wait3A_1092 = tpu.memref_slice %arg5[%dma_wait3A_1090, %dma_wait3A_1091] : memref<1025x256xf32, #tpu.memory_space<hbm>> -> memref<1025x256xf32, #tpu.memory_space<hbm>>
    tpu.wait_indirect_dma semaphore(%arg12 : memref<!tpu.dma_semaphore, #tpu.memory_space<semaphore_mem>>) src(%dma_wait3A_1092 : memref<1025x256xf32, #tpu.memory_space<hbm>>) dst(%dma_wait3A_1086 : memref<32x256xf32, #tpu.memory_space<vmem>>)
    %dma_wait3A_1093 = arith.constant 1 : i32
    %dma_wait3A_1094 = arith.constant 8 : i32
    %dma_wait3A_1095 = arith.constant 2 : i32
    %dma_wait3A_1096 = arith.constant 32 : i32
    %dma_wait3A_1097 = arith.constant 0 : i32
    %dma_wait3A_1098 = tpu.memref_slice %arg9[%dma_wait3A_1095, %dma_wait3A_1096, %dma_wait3A_1097] : memref<3x64x256xf32, #tpu.memory_space<vmem>> -> memref<1x32x256xf32, #tpu.memory_space<vmem>>
    %dma_wait3A_1099 = tpu.memref_squeeze %dma_wait3A_1098 : memref<1x32x256xf32, #tpu.memory_space<vmem>> -> memref<32x256xf32, #tpu.memory_space<vmem>>
    %dma_wait3A_1100 = arith.constant 0 : i32
    %dma_wait3A_1101 = tpu.memref_slice %arg10[%dma_wait3A_1093, %dma_wait3A_1094, %dma_wait3A_1100] : memref<2x16x32xi32, #tpu.memory_space<vmem>> -> memref<1x1x32xi32, #tpu.memory_space<vmem>>
    %dma_wait3A_1102 = tpu.memref_squeeze %dma_wait3A_1101 : memref<1x1x32xi32, #tpu.memory_space<vmem>> -> memref<32xi32, #tpu.memory_space<vmem>>
    %dma_wait3A_1103 = arith.constant 0 : i32
    %dma_wait3A_1104 = arith.constant 0 : i32
    %dma_wait3A_1105 = tpu.memref_slice %arg6[%dma_wait3A_1103, %dma_wait3A_1104] : memref<1025x256xf32, #tpu.memory_space<hbm>> -> memref<1025x256xf32, #tpu.memory_space<hbm>>
    tpu.wait_indirect_dma semaphore(%arg12 : memref<!tpu.dma_semaphore, #tpu.memory_space<semaphore_mem>>) src(%dma_wait3A_1105 : memref<1025x256xf32, #tpu.memory_space<hbm>>) dst(%dma_wait3A_1099 : memref<32x256xf32, #tpu.memory_space<vmem>>)
    %parallel_loop3A_1106 = arith.constant 0 : i32
    %parallel_loop3A_1107 = arith.constant 16 : i32
    %parallel_loop3A_1108 = arith.constant 1 : i32
    %parallel_loop3A_1109 = arith.constant 2 : i32
    %parallel_loop3A_1110 = arith.constant 2 : i32
    scf.for %parallel_loop3A_1930 = %parallel_loop3A_1106 to %parallel_loop3A_1107 step %parallel_loop3A_1108  : i32 {
      %parallel_loop3A_1931 = vector.broadcast %parallel_loop3A_1930 : i32 to vector<16xi32>
      %parallel_loop3A_1932 = arith.addi %add3A_60, %parallel_loop3A_1931 : vector<16xi32>
      %parallel_loop3A_1933 = arith.constant 0 : i32
      %parallel_loop3A_1934 = arith.constant 64 : i32
      %parallel_loop3A_1935 = arith.constant 1 : i32
      scf.for %parallel_loop3A_1936 = %parallel_loop3A_1933 to %parallel_loop3A_1934 step %parallel_loop3A_1935  : i32 {
        %parallel_loop3A_1937 = arith.constant 4 : i32
        %parallel_loop3A_1938 = arith.muli %parallel_loop3A_1937, %parallel_loop3A_1936 : i32
        %parallel_loop3A_1939 = vector.broadcast %parallel_loop3A_1938 : i32 to vector<16xi32>
        %parallel_loop3A_1940 = arith.addi %select_n3A_48, %parallel_loop3A_1939 : vector<16xi32>
        %parallel_loop3A_1941 = arith.constant 0 : i32
        %parallel_loop3A_1942 = arith.constant 0 : i32
        %parallel_loop3A_1943 = tpu.memref_slice %arg9[%parallel_loop3A_1109, %parallel_loop3A_1941, %parallel_loop3A_1942] : memref<3x64x256xf32, #tpu.memory_space<vmem>> -> memref<1x64x256xf32, #tpu.memory_space<vmem>>
        %parallel_loop3A_1944 = tpu.memref_squeeze %parallel_loop3A_1943 : memref<1x64x256xf32, #tpu.memory_space<vmem>> -> memref<64x256xf32, #tpu.memory_space<vmem>>
        %parallel_loop3A_1945 = tpu.vector_load_idx %parallel_loop3A_1944[%parallel_loop3A_1932, %parallel_loop3A_1940] : memref<64x256xf32, #tpu.memory_space<vmem>>[vector<16xi32>, vector<16xi32>], vector<16xf32>,
        %parallel_loop3A_1946 = arith.constant 16 : i32
        %parallel_loop3A_1947 = arith.muli %parallel_loop3A_1946, %parallel_loop3A_1936 : i32
        %parallel_loop3A_1948 = arith.constant 0 : i32
        %parallel_loop3A_1949 = arith.constant 0 : i32
        %parallel_loop3A_1950 = tpu.memref_slice %arg8[%parallel_loop3A_1110, %parallel_loop3A_1948, %parallel_loop3A_1949] : memref<3x16x1024xf32, #tpu.memory_space<vmem>> -> memref<1x16x1024xf32, #tpu.memory_space<vmem>>
        %parallel_loop3A_1951 = tpu.memref_squeeze %parallel_loop3A_1950 : memref<1x16x1024xf32, #tpu.memory_space<vmem>> -> memref<16x1024xf32, #tpu.memory_space<vmem>>
        %parallel_loop3A_1952 = arith.index_cast %parallel_loop3A_1930 : i32 to index
        %parallel_loop3A_1953 = arith.index_cast %parallel_loop3A_1947 : i32 to index
        %parallel_loop3A_1954 = tpu.vector_load %parallel_loop3A_1951[%parallel_loop3A_1952, %parallel_loop3A_1953] {strides = array<i32>} : memref<16x1024xf32, #tpu.memory_space<vmem>>, vector<16xf32>,
        tpu.vector_store %parallel_loop3A_1951[%parallel_loop3A_1952, %parallel_loop3A_1953], %parallel_loop3A_1945 {add = true, strides = array<i32>} : memref<16x1024xf32, #tpu.memory_space<vmem>>, vector<16xf32>,
      } {sc.loop_unroll_factor = 8 : i64, sc.parallel_access}
    } {sc.loop_unroll_factor = 1 : i64, sc.parallel_access}
    %mul3A_1111 = arith.constant 256 : i32
    %mul3A_1112 = arith.muli %add3A, %mul3A_1111 : i32
    %add3A_1113 = arith.constant 128 : i32
    %add3A_1114 = arith.addi %mul3A_1112, %add3A_1113 : i32
    %dma_start3A_1115 = arith.constant 2 : i32
    %dma_start3A_1116 = arith.constant 0 : i32
    %dma_start3A_1117 = arith.constant 0 : i32
    %dma_start3A_1118 = tpu.memref_slice %arg8[%dma_start3A_1115, %dma_start3A_1116, %dma_start3A_1117] : memref<3x16x1024xf32, #tpu.memory_space<vmem>> -> memref<1x16x1024xf32, #tpu.memory_space<vmem>>
    %dma_start3A_1119 = tpu.memref_squeeze %dma_start3A_1118 : memref<1x16x1024xf32, #tpu.memory_space<vmem>> -> memref<16x1024xf32, #tpu.memory_space<vmem>>
    %dma_start3A_1120 = arith.constant 0 : i32
    %dma_start3A_1121 = tpu.memref_slice %arg7[%add3A_1114, %dma_start3A_1120] : memref<8192x1024xf32, #tpu.memory_space<hbm>> -> memref<16x1024xf32, #tpu.memory_space<hbm>>
    %dma_start3A_1122 = arith.constant 0 : i32
    %dma_start3A_1123 = tpu.memref_slice %arg7[%add3A_1114, %dma_start3A_1122] : memref<8192x1024xf32, #tpu.memory_space<hbm>> -> memref<16x1024xf32, #tpu.memory_space<hbm>>
    %dma_start3A_1124 = arith.constant 0 : i32
    %dma_start3A_1125 = arith.constant 0 : i32
    %dma_start3A_1126 = tpu.memref_slice %arg8[%dma_start3A_1115, %dma_start3A_1124, %dma_start3A_1125] : memref<3x16x1024xf32, #tpu.memory_space<vmem>> -> memref<1x16x1024xf32, #tpu.memory_space<vmem>>
    %dma_start3A_1127 = tpu.memref_squeeze %dma_start3A_1126 : memref<1x16x1024xf32, #tpu.memory_space<vmem>> -> memref<16x1024xf32, #tpu.memory_space<vmem>>
    tpu.enqueue_dma source(%dma_start3A_1127 : memref<16x1024xf32, #tpu.memory_space<vmem>>) target(%dma_start3A_1123 : memref<16x1024xf32, #tpu.memory_space<hbm>>) target_semaphore(%arg13 : memref<!tpu.dma_semaphore, #tpu.memory_space<semaphore_mem>>)
    %dma_wait3A_1128 = arith.constant 1 : i32
    %dma_wait3A_1129 = arith.constant 0 : i32
    %dma_wait3A_1130 = arith.constant 0 : i32
    %dma_wait3A_1131 = tpu.memref_slice %arg8[%dma_wait3A_1128, %dma_wait3A_1129, %dma_wait3A_1130] : memref<3x16x1024xf32, #tpu.memory_space<vmem>> -> memref<1x16x1024xf32, #tpu.memory_space<vmem>>
    %dma_wait3A_1132 = tpu.memref_squeeze %dma_wait3A_1131 : memref<1x16x1024xf32, #tpu.memory_space<vmem>> -> memref<16x1024xf32, #tpu.memory_space<vmem>>
    %dma_wait3A_1133 = arith.constant 0 : i32
    %dma_wait3A_1134 = tpu.memref_slice %arg7[%add3A_997, %dma_wait3A_1133] : memref<8192x1024xf32, #tpu.memory_space<hbm>> -> memref<16x1024xf32, #tpu.memory_space<hbm>>
    %dma_wait3A_1135 = arith.constant 0 : i32
    %dma_wait3A_1136 = tpu.memref_slice %arg7[%add3A_997, %dma_wait3A_1135] : memref<8192x1024xf32, #tpu.memory_space<hbm>> -> memref<16x1024xf32, #tpu.memory_space<hbm>>
    %dma_wait3A_1137 = arith.constant 0 : i32
    %dma_wait3A_1138 = arith.constant 0 : i32
    %dma_wait3A_1139 = tpu.memref_slice %arg8[%dma_wait3A_1128, %dma_wait3A_1137, %dma_wait3A_1138] : memref<3x16x1024xf32, #tpu.memory_space<vmem>> -> memref<1x16x1024xf32, #tpu.memory_space<vmem>>
    %dma_wait3A_1140 = tpu.memref_squeeze %dma_wait3A_1139 : memref<1x16x1024xf32, #tpu.memory_space<vmem>> -> memref<16x1024xf32, #tpu.memory_space<vmem>>
    tpu.wait_dma2 semaphore(%arg13 : memref<!tpu.dma_semaphore, #tpu.memory_space<semaphore_mem>>) src(%dma_wait3A_1140 : memref<16x1024xf32, #tpu.memory_space<vmem>>) dst(%dma_wait3A_1136 : memref<16x1024xf32, #tpu.memory_space<hbm>>)
    %mul3A_1141 = arith.constant 256 : i32
    %mul3A_1142 = arith.muli %add3A, %mul3A_1141 : i32
    %add3A_1143 = arith.constant 160 : i32
    %add3A_1144 = arith.addi %mul3A_1142, %add3A_1143 : i32
    %dma_start3A_1145 = arith.constant 1 : i32
    %dma_start3A_1146 = arith.constant 0 : i32
    %dma_start3A_1147 = arith.constant 0 : i32
    %dma_start3A_1148 = tpu.memref_slice %arg8[%dma_start3A_1145, %dma_start3A_1146, %dma_start3A_1147] : memref<3x16x1024xf32, #tpu.memory_space<vmem>> -> memref<1x16x1024xf32, #tpu.memory_space<vmem>>
    %dma_start3A_1149 = tpu.memref_squeeze %dma_start3A_1148 : memref<1x16x1024xf32, #tpu.memory_space<vmem>> -> memref<16x1024xf32, #tpu.memory_space<vmem>>
    %dma_start3A_1150 = arith.constant 0 : i32
    %dma_start3A_1151 = tpu.memref_slice %arg2[%add3A_1144, %dma_start3A_1150] : memref<8192x1024xf32, #tpu.memory_space<hbm>> -> memref<16x1024xf32, #tpu.memory_space<hbm>>
    %dma_start3A_1152 = arith.constant 0 : i32
    %dma_start3A_1153 = arith.constant 0 : i32
    %dma_start3A_1154 = tpu.memref_slice %arg8[%dma_start3A_1145, %dma_start3A_1152, %dma_start3A_1153] : memref<3x16x1024xf32, #tpu.memory_space<vmem>> -> memref<1x16x1024xf32, #tpu.memory_space<vmem>>
    %dma_start3A_1155 = tpu.memref_squeeze %dma_start3A_1154 : memref<1x16x1024xf32, #tpu.memory_space<vmem>> -> memref<16x1024xf32, #tpu.memory_space<vmem>>
    %dma_start3A_1156 = arith.constant 0 : i32
    %dma_start3A_1157 = tpu.memref_slice %arg2[%add3A_1144, %dma_start3A_1156] : memref<8192x1024xf32, #tpu.memory_space<hbm>> -> memref<16x1024xf32, #tpu.memory_space<hbm>>
    tpu.enqueue_dma source(%dma_start3A_1157 : memref<16x1024xf32, #tpu.memory_space<hbm>>) target(%dma_start3A_1155 : memref<16x1024xf32, #tpu.memory_space<vmem>>) target_semaphore(%arg11 : memref<!tpu.dma_semaphore, #tpu.memory_space<semaphore_mem>>)
    %dma_start3A_1158 = arith.constant 0 : i32
    %dma_start3A_1159 = arith.constant 10 : i32
    %dma_start3A_1160 = arith.constant 1 : i32
    %dma_start3A_1161 = arith.constant 0 : i32
    %dma_start3A_1162 = arith.constant 0 : i32
    %dma_start3A_1163 = tpu.memref_slice %arg9[%dma_start3A_1160, %dma_start3A_1161, %dma_start3A_1162] : memref<3x64x256xf32, #tpu.memory_space<vmem>> -> memref<1x32x256xf32, #tpu.memory_space<vmem>>
    %dma_start3A_1164 = tpu.memref_squeeze %dma_start3A_1163 : memref<1x32x256xf32, #tpu.memory_space<vmem>> -> memref<32x256xf32, #tpu.memory_space<vmem>>
    %dma_start3A_1165 = arith.constant 0 : i32
    %dma_start3A_1166 = tpu.memref_slice %arg10[%dma_start3A_1158, %dma_start3A_1159, %dma_start3A_1165] : memref<2x16x32xi32, #tpu.memory_space<vmem>> -> memref<1x1x32xi32, #tpu.memory_space<vmem>>
    %dma_start3A_1167 = tpu.memref_squeeze %dma_start3A_1166 : memref<1x1x32xi32, #tpu.memory_space<vmem>> -> memref<32xi32, #tpu.memory_space<vmem>>
    %dma_start3A_1168 = arith.constant 0 : i32
    %dma_start3A_1169 = arith.constant 0 : i32
    %dma_start3A_1170 = tpu.memref_slice %arg5[%dma_start3A_1168, %dma_start3A_1169] : memref<1025x256xf32, #tpu.memory_space<hbm>> -> memref<1025x256xf32, #tpu.memory_space<hbm>>
    tpu.enqueue_indirect_dma source(%dma_start3A_1170 : memref<1025x256xf32, #tpu.memory_space<hbm>>) target(%dma_start3A_1164 : memref<32x256xf32, #tpu.memory_space<vmem>>) offsets(%dma_start3A_1167 : memref<32xi32, #tpu.memory_space<vmem>>) semaphore(%arg12 : memref<!tpu.dma_semaphore, #tpu.memory_space<semaphore_mem>>)
    %dma_start3A_1171 = arith.constant 1 : i32
    %dma_start3A_1172 = arith.constant 10 : i32
    %dma_start3A_1173 = arith.constant 1 : i32
    %dma_start3A_1174 = arith.constant 32 : i32
    %dma_start3A_1175 = arith.constant 0 : i32
    %dma_start3A_1176 = tpu.memref_slice %arg9[%dma_start3A_1173, %dma_start3A_1174, %dma_start3A_1175] : memref<3x64x256xf32, #tpu.memory_space<vmem>> -> memref<1x32x256xf32, #tpu.memory_space<vmem>>
    %dma_start3A_1177 = tpu.memref_squeeze %dma_start3A_1176 : memref<1x32x256xf32, #tpu.memory_space<vmem>> -> memref<32x256xf32, #tpu.memory_space<vmem>>
    %dma_start3A_1178 = arith.constant 0 : i32
    %dma_start3A_1179 = tpu.memref_slice %arg10[%dma_start3A_1171, %dma_start3A_1172, %dma_start3A_1178] : memref<2x16x32xi32, #tpu.memory_space<vmem>> -> memref<1x1x32xi32, #tpu.memory_space<vmem>>
    %dma_start3A_1180 = tpu.memref_squeeze %dma_start3A_1179 : memref<1x1x32xi32, #tpu.memory_space<vmem>> -> memref<32xi32, #tpu.memory_space<vmem>>
    %dma_start3A_1181 = arith.constant 0 : i32
    %dma_start3A_1182 = arith.constant 0 : i32
    %dma_start3A_1183 = tpu.memref_slice %arg6[%dma_start3A_1181, %dma_start3A_1182] : memref<1025x256xf32, #tpu.memory_space<hbm>> -> memref<1025x256xf32, #tpu.memory_space<hbm>>
    tpu.enqueue_indirect_dma source(%dma_start3A_1183 : memref<1025x256xf32, #tpu.memory_space<hbm>>) target(%dma_start3A_1177 : memref<32x256xf32, #tpu.memory_space<vmem>>) offsets(%dma_start3A_1180 : memref<32xi32, #tpu.memory_space<vmem>>) semaphore(%arg12 : memref<!tpu.dma_semaphore, #tpu.memory_space<semaphore_mem>>)
    %dma_wait3A_1184 = arith.constant 0 : i32
    %dma_wait3A_1185 = arith.constant 0 : i32
    %dma_wait3A_1186 = arith.constant 0 : i32
    %dma_wait3A_1187 = tpu.memref_slice %arg8[%dma_wait3A_1184, %dma_wait3A_1185, %dma_wait3A_1186] : memref<3x16x1024xf32, #tpu.memory_space<vmem>> -> memref<1x16x1024xf32, #tpu.memory_space<vmem>>
    %dma_wait3A_1188 = tpu.memref_squeeze %dma_wait3A_1187 : memref<1x16x1024xf32, #tpu.memory_space<vmem>> -> memref<16x1024xf32, #tpu.memory_space<vmem>>
    %dma_wait3A_1189 = arith.constant 0 : i32
    %dma_wait3A_1190 = tpu.memref_slice %arg2[%add3A_1027, %dma_wait3A_1189] : memref<8192x1024xf32, #tpu.memory_space<hbm>> -> memref<16x1024xf32, #tpu.memory_space<hbm>>
    %dma_wait3A_1191 = arith.constant 0 : i32
    %dma_wait3A_1192 = arith.constant 0 : i32
    %dma_wait3A_1193 = tpu.memref_slice %arg8[%dma_wait3A_1184, %dma_wait3A_1191, %dma_wait3A_1192] : memref<3x16x1024xf32, #tpu.memory_space<vmem>> -> memref<1x16x1024xf32, #tpu.memory_space<vmem>>
    %dma_wait3A_1194 = tpu.memref_squeeze %dma_wait3A_1193 : memref<1x16x1024xf32, #tpu.memory_space<vmem>> -> memref<16x1024xf32, #tpu.memory_space<vmem>>
    %dma_wait3A_1195 = arith.constant 0 : i32
    %dma_wait3A_1196 = tpu.memref_slice %arg2[%add3A_1027, %dma_wait3A_1195] : memref<8192x1024xf32, #tpu.memory_space<hbm>> -> memref<16x1024xf32, #tpu.memory_space<hbm>>
    tpu.wait_dma2 semaphore(%arg11 : memref<!tpu.dma_semaphore, #tpu.memory_space<semaphore_mem>>) src(%dma_wait3A_1196 : memref<16x1024xf32, #tpu.memory_space<hbm>>) dst(%dma_wait3A_1194 : memref<16x1024xf32, #tpu.memory_space<vmem>>)
    %dma_wait3A_1197 = arith.constant 0 : i32
    %dma_wait3A_1198 = arith.constant 9 : i32
    %dma_wait3A_1199 = arith.constant 0 : i32
    %dma_wait3A_1200 = arith.constant 0 : i32
    %dma_wait3A_1201 = arith.constant 0 : i32
    %dma_wait3A_1202 = tpu.memref_slice %arg9[%dma_wait3A_1199, %dma_wait3A_1200, %dma_wait3A_1201] : memref<3x64x256xf32, #tpu.memory_space<vmem>> -> memref<1x32x256xf32, #tpu.memory_space<vmem>>
    %dma_wait3A_1203 = tpu.memref_squeeze %dma_wait3A_1202 : memref<1x32x256xf32, #tpu.memory_space<vmem>> -> memref<32x256xf32, #tpu.memory_space<vmem>>
    %dma_wait3A_1204 = arith.constant 0 : i32
    %dma_wait3A_1205 = tpu.memref_slice %arg10[%dma_wait3A_1197, %dma_wait3A_1198, %dma_wait3A_1204] : memref<2x16x32xi32, #tpu.memory_space<vmem>> -> memref<1x1x32xi32, #tpu.memory_space<vmem>>
    %dma_wait3A_1206 = tpu.memref_squeeze %dma_wait3A_1205 : memref<1x1x32xi32, #tpu.memory_space<vmem>> -> memref<32xi32, #tpu.memory_space<vmem>>
    %dma_wait3A_1207 = arith.constant 0 : i32
    %dma_wait3A_1208 = arith.constant 0 : i32
    %dma_wait3A_1209 = tpu.memref_slice %arg5[%dma_wait3A_1207, %dma_wait3A_1208] : memref<1025x256xf32, #tpu.memory_space<hbm>> -> memref<1025x256xf32, #tpu.memory_space<hbm>>
    tpu.wait_indirect_dma semaphore(%arg12 : memref<!tpu.dma_semaphore, #tpu.memory_space<semaphore_mem>>) src(%dma_wait3A_1209 : memref<1025x256xf32, #tpu.memory_space<hbm>>) dst(%dma_wait3A_1203 : memref<32x256xf32, #tpu.memory_space<vmem>>)
    %dma_wait3A_1210 = arith.constant 1 : i32
    %dma_wait3A_1211 = arith.constant 9 : i32
    %dma_wait3A_1212 = arith.constant 0 : i32
    %dma_wait3A_1213 = arith.constant 32 : i32
    %dma_wait3A_1214 = arith.constant 0 : i32
    %dma_wait3A_1215 = tpu.memref_slice %arg9[%dma_wait3A_1212, %dma_wait3A_1213, %dma_wait3A_1214] : memref<3x64x256xf32, #tpu.memory_space<vmem>> -> memref<1x32x256xf32, #tpu.memory_space<vmem>>
    %dma_wait3A_1216 = tpu.memref_squeeze %dma_wait3A_1215 : memref<1x32x256xf32, #tpu.memory_space<vmem>> -> memref<32x256xf32, #tpu.memory_space<vmem>>
    %dma_wait3A_1217 = arith.constant 0 : i32
    %dma_wait3A_1218 = tpu.memref_slice %arg10[%dma_wait3A_1210, %dma_wait3A_1211, %dma_wait3A_1217] : memref<2x16x32xi32, #tpu.memory_space<vmem>> -> memref<1x1x32xi32, #tpu.memory_space<vmem>>
    %dma_wait3A_1219 = tpu.memref_squeeze %dma_wait3A_1218 : memref<1x1x32xi32, #tpu.memory_space<vmem>> -> memref<32xi32, #tpu.memory_space<vmem>>
    %dma_wait3A_1220 = arith.constant 0 : i32
    %dma_wait3A_1221 = arith.constant 0 : i32
    %dma_wait3A_1222 = tpu.memref_slice %arg6[%dma_wait3A_1220, %dma_wait3A_1221] : memref<1025x256xf32, #tpu.memory_space<hbm>> -> memref<1025x256xf32, #tpu.memory_space<hbm>>
    tpu.wait_indirect_dma semaphore(%arg12 : memref<!tpu.dma_semaphore, #tpu.memory_space<semaphore_mem>>) src(%dma_wait3A_1222 : memref<1025x256xf32, #tpu.memory_space<hbm>>) dst(%dma_wait3A_1216 : memref<32x256xf32, #tpu.memory_space<vmem>>)
    %parallel_loop3A_1223 = arith.constant 0 : i32
    %parallel_loop3A_1224 = arith.constant 16 : i32
    %parallel_loop3A_1225 = arith.constant 1 : i32
    %parallel_loop3A_1226 = arith.constant 0 : i32
    %parallel_loop3A_1227 = arith.constant 0 : i32
    scf.for %parallel_loop3A_1930 = %parallel_loop3A_1223 to %parallel_loop3A_1224 step %parallel_loop3A_1225  : i32 {
      %parallel_loop3A_1931 = vector.broadcast %parallel_loop3A_1930 : i32 to vector<16xi32>
      %parallel_loop3A_1932 = arith.addi %add3A_60, %parallel_loop3A_1931 : vector<16xi32>
      %parallel_loop3A_1933 = arith.constant 0 : i32
      %parallel_loop3A_1934 = arith.constant 64 : i32
      %parallel_loop3A_1935 = arith.constant 1 : i32
      scf.for %parallel_loop3A_1936 = %parallel_loop3A_1933 to %parallel_loop3A_1934 step %parallel_loop3A_1935  : i32 {
        %parallel_loop3A_1937 = arith.constant 4 : i32
        %parallel_loop3A_1938 = arith.muli %parallel_loop3A_1937, %parallel_loop3A_1936 : i32
        %parallel_loop3A_1939 = vector.broadcast %parallel_loop3A_1938 : i32 to vector<16xi32>
        %parallel_loop3A_1940 = arith.addi %select_n3A_48, %parallel_loop3A_1939 : vector<16xi32>
        %parallel_loop3A_1941 = arith.constant 0 : i32
        %parallel_loop3A_1942 = arith.constant 0 : i32
        %parallel_loop3A_1943 = tpu.memref_slice %arg9[%parallel_loop3A_1226, %parallel_loop3A_1941, %parallel_loop3A_1942] : memref<3x64x256xf32, #tpu.memory_space<vmem>> -> memref<1x64x256xf32, #tpu.memory_space<vmem>>
        %parallel_loop3A_1944 = tpu.memref_squeeze %parallel_loop3A_1943 : memref<1x64x256xf32, #tpu.memory_space<vmem>> -> memref<64x256xf32, #tpu.memory_space<vmem>>
        %parallel_loop3A_1945 = tpu.vector_load_idx %parallel_loop3A_1944[%parallel_loop3A_1932, %parallel_loop3A_1940] : memref<64x256xf32, #tpu.memory_space<vmem>>[vector<16xi32>, vector<16xi32>], vector<16xf32>,
        %parallel_loop3A_1946 = arith.constant 16 : i32
        %parallel_loop3A_1947 = arith.muli %parallel_loop3A_1946, %parallel_loop3A_1936 : i32
        %parallel_loop3A_1948 = arith.constant 0 : i32
        %parallel_loop3A_1949 = arith.constant 0 : i32
        %parallel_loop3A_1950 = tpu.memref_slice %arg8[%parallel_loop3A_1227, %parallel_loop3A_1948, %parallel_loop3A_1949] : memref<3x16x1024xf32, #tpu.memory_space<vmem>> -> memref<1x16x1024xf32, #tpu.memory_space<vmem>>
        %parallel_loop3A_1951 = tpu.memref_squeeze %parallel_loop3A_1950 : memref<1x16x1024xf32, #tpu.memory_space<vmem>> -> memref<16x1024xf32, #tpu.memory_space<vmem>>
        %parallel_loop3A_1952 = arith.index_cast %parallel_loop3A_1930 : i32 to index
        %parallel_loop3A_1953 = arith.index_cast %parallel_loop3A_1947 : i32 to index
        %parallel_loop3A_1954 = tpu.vector_load %parallel_loop3A_1951[%parallel_loop3A_1952, %parallel_loop3A_1953] {strides = array<i32>} : memref<16x1024xf32, #tpu.memory_space<vmem>>, vector<16xf32>,
        tpu.vector_store %parallel_loop3A_1951[%parallel_loop3A_1952, %parallel_loop3A_1953], %parallel_loop3A_1945 {add = true, strides = array<i32>} : memref<16x1024xf32, #tpu.memory_space<vmem>>, vector<16xf32>,
      } {sc.loop_unroll_factor = 8 : i64, sc.parallel_access}
    } {sc.loop_unroll_factor = 1 : i64, sc.parallel_access}
    %mul3A_1228 = arith.constant 256 : i32
    %mul3A_1229 = arith.muli %add3A, %mul3A_1228 : i32
    %add3A_1230 = arith.constant 144 : i32
    %add3A_1231 = arith.addi %mul3A_1229, %add3A_1230 : i32
    %dma_start3A_1232 = arith.constant 0 : i32
    %dma_start3A_1233 = arith.constant 0 : i32
    %dma_start3A_1234 = arith.constant 0 : i32
    %dma_start3A_1235 = tpu.memref_slice %arg8[%dma_start3A_1232, %dma_start3A_1233, %dma_start3A_1234] : memref<3x16x1024xf32, #tpu.memory_space<vmem>> -> memref<1x16x1024xf32, #tpu.memory_space<vmem>>
    %dma_start3A_1236 = tpu.memref_squeeze %dma_start3A_1235 : memref<1x16x1024xf32, #tpu.memory_space<vmem>> -> memref<16x1024xf32, #tpu.memory_space<vmem>>
    %dma_start3A_1237 = arith.constant 0 : i32
    %dma_start3A_1238 = tpu.memref_slice %arg7[%add3A_1231, %dma_start3A_1237] : memref<8192x1024xf32, #tpu.memory_space<hbm>> -> memref<16x1024xf32, #tpu.memory_space<hbm>>
    %dma_start3A_1239 = arith.constant 0 : i32
    %dma_start3A_1240 = tpu.memref_slice %arg7[%add3A_1231, %dma_start3A_1239] : memref<8192x1024xf32, #tpu.memory_space<hbm>> -> memref<16x1024xf32, #tpu.memory_space<hbm>>
    %dma_start3A_1241 = arith.constant 0 : i32
    %dma_start3A_1242 = arith.constant 0 : i32
    %dma_start3A_1243 = tpu.memref_slice %arg8[%dma_start3A_1232, %dma_start3A_1241, %dma_start3A_1242] : memref<3x16x1024xf32, #tpu.memory_space<vmem>> -> memref<1x16x1024xf32, #tpu.memory_space<vmem>>
    %dma_start3A_1244 = tpu.memref_squeeze %dma_start3A_1243 : memref<1x16x1024xf32, #tpu.memory_space<vmem>> -> memref<16x1024xf32, #tpu.memory_space<vmem>>
    tpu.enqueue_dma source(%dma_start3A_1244 : memref<16x1024xf32, #tpu.memory_space<vmem>>) target(%dma_start3A_1240 : memref<16x1024xf32, #tpu.memory_space<hbm>>) target_semaphore(%arg13 : memref<!tpu.dma_semaphore, #tpu.memory_space<semaphore_mem>>)
    %dma_wait3A_1245 = arith.constant 2 : i32
    %dma_wait3A_1246 = arith.constant 0 : i32
    %dma_wait3A_1247 = arith.constant 0 : i32
    %dma_wait3A_1248 = tpu.memref_slice %arg8[%dma_wait3A_1245, %dma_wait3A_1246, %dma_wait3A_1247] : memref<3x16x1024xf32, #tpu.memory_space<vmem>> -> memref<1x16x1024xf32, #tpu.memory_space<vmem>>
    %dma_wait3A_1249 = tpu.memref_squeeze %dma_wait3A_1248 : memref<1x16x1024xf32, #tpu.memory_space<vmem>> -> memref<16x1024xf32, #tpu.memory_space<vmem>>
    %dma_wait3A_1250 = arith.constant 0 : i32
    %dma_wait3A_1251 = tpu.memref_slice %arg7[%add3A_1114, %dma_wait3A_1250] : memref<8192x1024xf32, #tpu.memory_space<hbm>> -> memref<16x1024xf32, #tpu.memory_space<hbm>>
    %dma_wait3A_1252 = arith.constant 0 : i32
    %dma_wait3A_1253 = tpu.memref_slice %arg7[%add3A_1114, %dma_wait3A_1252] : memref<8192x1024xf32, #tpu.memory_space<hbm>> -> memref<16x1024xf32, #tpu.memory_space<hbm>>
    %dma_wait3A_1254 = arith.constant 0 : i32
    %dma_wait3A_1255 = arith.constant 0 : i32
    %dma_wait3A_1256 = tpu.memref_slice %arg8[%dma_wait3A_1245, %dma_wait3A_1254, %dma_wait3A_1255] : memref<3x16x1024xf32, #tpu.memory_space<vmem>> -> memref<1x16x1024xf32, #tpu.memory_space<vmem>>
    %dma_wait3A_1257 = tpu.memref_squeeze %dma_wait3A_1256 : memref<1x16x1024xf32, #tpu.memory_space<vmem>> -> memref<16x1024xf32, #tpu.memory_space<vmem>>
    tpu.wait_dma2 semaphore(%arg13 : memref<!tpu.dma_semaphore, #tpu.memory_space<semaphore_mem>>) src(%dma_wait3A_1257 : memref<16x1024xf32, #tpu.memory_space<vmem>>) dst(%dma_wait3A_1253 : memref<16x1024xf32, #tpu.memory_space<hbm>>)
    %mul3A_1258 = arith.constant 256 : i32
    %mul3A_1259 = arith.muli %add3A, %mul3A_1258 : i32
    %add3A_1260 = arith.constant 176 : i32
    %add3A_1261 = arith.addi %mul3A_1259, %add3A_1260 : i32
    %dma_start3A_1262 = arith.constant 2 : i32
    %dma_start3A_1263 = arith.constant 0 : i32
    %dma_start3A_1264 = arith.constant 0 : i32
    %dma_start3A_1265 = tpu.memref_slice %arg8[%dma_start3A_1262, %dma_start3A_1263, %dma_start3A_1264] : memref<3x16x1024xf32, #tpu.memory_space<vmem>> -> memref<1x16x1024xf32, #tpu.memory_space<vmem>>
    %dma_start3A_1266 = tpu.memref_squeeze %dma_start3A_1265 : memref<1x16x1024xf32, #tpu.memory_space<vmem>> -> memref<16x1024xf32, #tpu.memory_space<vmem>>
    %dma_start3A_1267 = arith.constant 0 : i32
    %dma_start3A_1268 = tpu.memref_slice %arg2[%add3A_1261, %dma_start3A_1267] : memref<8192x1024xf32, #tpu.memory_space<hbm>> -> memref<16x1024xf32, #tpu.memory_space<hbm>>
    %dma_start3A_1269 = arith.constant 0 : i32
    %dma_start3A_1270 = arith.constant 0 : i32
    %dma_start3A_1271 = tpu.memref_slice %arg8[%dma_start3A_1262, %dma_start3A_1269, %dma_start3A_1270] : memref<3x16x1024xf32, #tpu.memory_space<vmem>> -> memref<1x16x1024xf32, #tpu.memory_space<vmem>>
    %dma_start3A_1272 = tpu.memref_squeeze %dma_start3A_1271 : memref<1x16x1024xf32, #tpu.memory_space<vmem>> -> memref<16x1024xf32, #tpu.memory_space<vmem>>
    %dma_start3A_1273 = arith.constant 0 : i32
    %dma_start3A_1274 = tpu.memref_slice %arg2[%add3A_1261, %dma_start3A_1273] : memref<8192x1024xf32, #tpu.memory_space<hbm>> -> memref<16x1024xf32, #tpu.memory_space<hbm>>
    tpu.enqueue_dma source(%dma_start3A_1274 : memref<16x1024xf32, #tpu.memory_space<hbm>>) target(%dma_start3A_1272 : memref<16x1024xf32, #tpu.memory_space<vmem>>) target_semaphore(%arg11 : memref<!tpu.dma_semaphore, #tpu.memory_space<semaphore_mem>>)
    %dma_start3A_1275 = arith.constant 0 : i32
    %dma_start3A_1276 = arith.constant 11 : i32
    %dma_start3A_1277 = arith.constant 2 : i32
    %dma_start3A_1278 = arith.constant 0 : i32
    %dma_start3A_1279 = arith.constant 0 : i32
    %dma_start3A_1280 = tpu.memref_slice %arg9[%dma_start3A_1277, %dma_start3A_1278, %dma_start3A_1279] : memref<3x64x256xf32, #tpu.memory_space<vmem>> -> memref<1x32x256xf32, #tpu.memory_space<vmem>>
    %dma_start3A_1281 = tpu.memref_squeeze %dma_start3A_1280 : memref<1x32x256xf32, #tpu.memory_space<vmem>> -> memref<32x256xf32, #tpu.memory_space<vmem>>
    %dma_start3A_1282 = arith.constant 0 : i32
    %dma_start3A_1283 = tpu.memref_slice %arg10[%dma_start3A_1275, %dma_start3A_1276, %dma_start3A_1282] : memref<2x16x32xi32, #tpu.memory_space<vmem>> -> memref<1x1x32xi32, #tpu.memory_space<vmem>>
    %dma_start3A_1284 = tpu.memref_squeeze %dma_start3A_1283 : memref<1x1x32xi32, #tpu.memory_space<vmem>> -> memref<32xi32, #tpu.memory_space<vmem>>
    %dma_start3A_1285 = arith.constant 0 : i32
    %dma_start3A_1286 = arith.constant 0 : i32
    %dma_start3A_1287 = tpu.memref_slice %arg5[%dma_start3A_1285, %dma_start3A_1286] : memref<1025x256xf32, #tpu.memory_space<hbm>> -> memref<1025x256xf32, #tpu.memory_space<hbm>>
    tpu.enqueue_indirect_dma source(%dma_start3A_1287 : memref<1025x256xf32, #tpu.memory_space<hbm>>) target(%dma_start3A_1281 : memref<32x256xf32, #tpu.memory_space<vmem>>) offsets(%dma_start3A_1284 : memref<32xi32, #tpu.memory_space<vmem>>) semaphore(%arg12 : memref<!tpu.dma_semaphore, #tpu.memory_space<semaphore_mem>>)
    %dma_start3A_1288 = arith.constant 1 : i32
    %dma_start3A_1289 = arith.constant 11 : i32
    %dma_start3A_1290 = arith.constant 2 : i32
    %dma_start3A_1291 = arith.constant 32 : i32
    %dma_start3A_1292 = arith.constant 0 : i32
    %dma_start3A_1293 = tpu.memref_slice %arg9[%dma_start3A_1290, %dma_start3A_1291, %dma_start3A_1292] : memref<3x64x256xf32, #tpu.memory_space<vmem>> -> memref<1x32x256xf32, #tpu.memory_space<vmem>>
    %dma_start3A_1294 = tpu.memref_squeeze %dma_start3A_1293 : memref<1x32x256xf32, #tpu.memory_space<vmem>> -> memref<32x256xf32, #tpu.memory_space<vmem>>
    %dma_start3A_1295 = arith.constant 0 : i32
    %dma_start3A_1296 = tpu.memref_slice %arg10[%dma_start3A_1288, %dma_start3A_1289, %dma_start3A_1295] : memref<2x16x32xi32, #tpu.memory_space<vmem>> -> memref<1x1x32xi32, #tpu.memory_space<vmem>>
    %dma_start3A_1297 = tpu.memref_squeeze %dma_start3A_1296 : memref<1x1x32xi32, #tpu.memory_space<vmem>> -> memref<32xi32, #tpu.memory_space<vmem>>
    %dma_start3A_1298 = arith.constant 0 : i32
    %dma_start3A_1299 = arith.constant 0 : i32
    %dma_start3A_1300 = tpu.memref_slice %arg6[%dma_start3A_1298, %dma_start3A_1299] : memref<1025x256xf32, #tpu.memory_space<hbm>> -> memref<1025x256xf32, #tpu.memory_space<hbm>>
    tpu.enqueue_indirect_dma source(%dma_start3A_1300 : memref<1025x256xf32, #tpu.memory_space<hbm>>) target(%dma_start3A_1294 : memref<32x256xf32, #tpu.memory_space<vmem>>) offsets(%dma_start3A_1297 : memref<32xi32, #tpu.memory_space<vmem>>) semaphore(%arg12 : memref<!tpu.dma_semaphore, #tpu.memory_space<semaphore_mem>>)
    %dma_wait3A_1301 = arith.constant 1 : i32
    %dma_wait3A_1302 = arith.constant 0 : i32
    %dma_wait3A_1303 = arith.constant 0 : i32
    %dma_wait3A_1304 = tpu.memref_slice %arg8[%dma_wait3A_1301, %dma_wait3A_1302, %dma_wait3A_1303] : memref<3x16x1024xf32, #tpu.memory_space<vmem>> -> memref<1x16x1024xf32, #tpu.memory_space<vmem>>
    %dma_wait3A_1305 = tpu.memref_squeeze %dma_wait3A_1304 : memref<1x16x1024xf32, #tpu.memory_space<vmem>> -> memref<16x1024xf32, #tpu.memory_space<vmem>>
    %dma_wait3A_1306 = arith.constant 0 : i32
    %dma_wait3A_1307 = tpu.memref_slice %arg2[%add3A_1144, %dma_wait3A_1306] : memref<8192x1024xf32, #tpu.memory_space<hbm>> -> memref<16x1024xf32, #tpu.memory_space<hbm>>
    %dma_wait3A_1308 = arith.constant 0 : i32
    %dma_wait3A_1309 = arith.constant 0 : i32
    %dma_wait3A_1310 = tpu.memref_slice %arg8[%dma_wait3A_1301, %dma_wait3A_1308, %dma_wait3A_1309] : memref<3x16x1024xf32, #tpu.memory_space<vmem>> -> memref<1x16x1024xf32, #tpu.memory_space<vmem>>
    %dma_wait3A_1311 = tpu.memref_squeeze %dma_wait3A_1310 : memref<1x16x1024xf32, #tpu.memory_space<vmem>> -> memref<16x1024xf32, #tpu.memory_space<vmem>>
    %dma_wait3A_1312 = arith.constant 0 : i32
    %dma_wait3A_1313 = tpu.memref_slice %arg2[%add3A_1144, %dma_wait3A_1312] : memref<8192x1024xf32, #tpu.memory_space<hbm>> -> memref<16x1024xf32, #tpu.memory_space<hbm>>
    tpu.wait_dma2 semaphore(%arg11 : memref<!tpu.dma_semaphore, #tpu.memory_space<semaphore_mem>>) src(%dma_wait3A_1313 : memref<16x1024xf32, #tpu.memory_space<hbm>>) dst(%dma_wait3A_1311 : memref<16x1024xf32, #tpu.memory_space<vmem>>)
    %dma_wait3A_1314 = arith.constant 0 : i32
    %dma_wait3A_1315 = arith.constant 10 : i32
    %dma_wait3A_1316 = arith.constant 1 : i32
    %dma_wait3A_1317 = arith.constant 0 : i32
    %dma_wait3A_1318 = arith.constant 0 : i32
    %dma_wait3A_1319 = tpu.memref_slice %arg9[%dma_wait3A_1316, %dma_wait3A_1317, %dma_wait3A_1318] : memref<3x64x256xf32, #tpu.memory_space<vmem>> -> memref<1x32x256xf32, #tpu.memory_space<vmem>>
    %dma_wait3A_1320 = tpu.memref_squeeze %dma_wait3A_1319 : memref<1x32x256xf32, #tpu.memory_space<vmem>> -> memref<32x256xf32, #tpu.memory_space<vmem>>
    %dma_wait3A_1321 = arith.constant 0 : i32
    %dma_wait3A_1322 = tpu.memref_slice %arg10[%dma_wait3A_1314, %dma_wait3A_1315, %dma_wait3A_1321] : memref<2x16x32xi32, #tpu.memory_space<vmem>> -> memref<1x1x32xi32, #tpu.memory_space<vmem>>
    %dma_wait3A_1323 = tpu.memref_squeeze %dma_wait3A_1322 : memref<1x1x32xi32, #tpu.memory_space<vmem>> -> memref<32xi32, #tpu.memory_space<vmem>>
    %dma_wait3A_1324 = arith.constant 0 : i32
    %dma_wait3A_1325 = arith.constant 0 : i32
    %dma_wait3A_1326 = tpu.memref_slice %arg5[%dma_wait3A_1324, %dma_wait3A_1325] : memref<1025x256xf32, #tpu.memory_space<hbm>> -> memref<1025x256xf32, #tpu.memory_space<hbm>>
    tpu.wait_indirect_dma semaphore(%arg12 : memref<!tpu.dma_semaphore, #tpu.memory_space<semaphore_mem>>) src(%dma_wait3A_1326 : memref<1025x256xf32, #tpu.memory_space<hbm>>) dst(%dma_wait3A_1320 : memref<32x256xf32, #tpu.memory_space<vmem>>)
    %dma_wait3A_1327 = arith.constant 1 : i32
    %dma_wait3A_1328 = arith.constant 10 : i32
    %dma_wait3A_1329 = arith.constant 1 : i32
    %dma_wait3A_1330 = arith.constant 32 : i32
    %dma_wait3A_1331 = arith.constant 0 : i32
    %dma_wait3A_1332 = tpu.memref_slice %arg9[%dma_wait3A_1329, %dma_wait3A_1330, %dma_wait3A_1331] : memref<3x64x256xf32, #tpu.memory_space<vmem>> -> memref<1x32x256xf32, #tpu.memory_space<vmem>>
    %dma_wait3A_1333 = tpu.memref_squeeze %dma_wait3A_1332 : memref<1x32x256xf32, #tpu.memory_space<vmem>> -> memref<32x256xf32, #tpu.memory_space<vmem>>
    %dma_wait3A_1334 = arith.constant 0 : i32
    %dma_wait3A_1335 = tpu.memref_slice %arg10[%dma_wait3A_1327, %dma_wait3A_1328, %dma_wait3A_1334] : memref<2x16x32xi32, #tpu.memory_space<vmem>> -> memref<1x1x32xi32, #tpu.memory_space<vmem>>
    %dma_wait3A_1336 = tpu.memref_squeeze %dma_wait3A_1335 : memref<1x1x32xi32, #tpu.memory_space<vmem>> -> memref<32xi32, #tpu.memory_space<vmem>>
    %dma_wait3A_1337 = arith.constant 0 : i32
    %dma_wait3A_1338 = arith.constant 0 : i32
    %dma_wait3A_1339 = tpu.memref_slice %arg6[%dma_wait3A_1337, %dma_wait3A_1338] : memref<1025x256xf32, #tpu.memory_space<hbm>> -> memref<1025x256xf32, #tpu.memory_space<hbm>>
    tpu.wait_indirect_dma semaphore(%arg12 : memref<!tpu.dma_semaphore, #tpu.memory_space<semaphore_mem>>) src(%dma_wait3A_1339 : memref<1025x256xf32, #tpu.memory_space<hbm>>) dst(%dma_wait3A_1333 : memref<32x256xf32, #tpu.memory_space<vmem>>)
    %parallel_loop3A_1340 = arith.constant 0 : i32
    %parallel_loop3A_1341 = arith.constant 16 : i32
    %parallel_loop3A_1342 = arith.constant 1 : i32
    %parallel_loop3A_1343 = arith.constant 1 : i32
    %parallel_loop3A_1344 = arith.constant 1 : i32
    scf.for %parallel_loop3A_1930 = %parallel_loop3A_1340 to %parallel_loop3A_1341 step %parallel_loop3A_1342  : i32 {
      %parallel_loop3A_1931 = vector.broadcast %parallel_loop3A_1930 : i32 to vector<16xi32>
      %parallel_loop3A_1932 = arith.addi %add3A_60, %parallel_loop3A_1931 : vector<16xi32>
      %parallel_loop3A_1933 = arith.constant 0 : i32
      %parallel_loop3A_1934 = arith.constant 64 : i32
      %parallel_loop3A_1935 = arith.constant 1 : i32
      scf.for %parallel_loop3A_1936 = %parallel_loop3A_1933 to %parallel_loop3A_1934 step %parallel_loop3A_1935  : i32 {
        %parallel_loop3A_1937 = arith.constant 4 : i32
        %parallel_loop3A_1938 = arith.muli %parallel_loop3A_1937, %parallel_loop3A_1936 : i32
        %parallel_loop3A_1939 = vector.broadcast %parallel_loop3A_1938 : i32 to vector<16xi32>
        %parallel_loop3A_1940 = arith.addi %select_n3A_48, %parallel_loop3A_1939 : vector<16xi32>
        %parallel_loop3A_1941 = arith.constant 0 : i32
        %parallel_loop3A_1942 = arith.constant 0 : i32
        %parallel_loop3A_1943 = tpu.memref_slice %arg9[%parallel_loop3A_1343, %parallel_loop3A_1941, %parallel_loop3A_1942] : memref<3x64x256xf32, #tpu.memory_space<vmem>> -> memref<1x64x256xf32, #tpu.memory_space<vmem>>
        %parallel_loop3A_1944 = tpu.memref_squeeze %parallel_loop3A_1943 : memref<1x64x256xf32, #tpu.memory_space<vmem>> -> memref<64x256xf32, #tpu.memory_space<vmem>>
        %parallel_loop3A_1945 = tpu.vector_load_idx %parallel_loop3A_1944[%parallel_loop3A_1932, %parallel_loop3A_1940] : memref<64x256xf32, #tpu.memory_space<vmem>>[vector<16xi32>, vector<16xi32>], vector<16xf32>,
        %parallel_loop3A_1946 = arith.constant 16 : i32
        %parallel_loop3A_1947 = arith.muli %parallel_loop3A_1946, %parallel_loop3A_1936 : i32
        %parallel_loop3A_1948 = arith.constant 0 : i32
        %parallel_loop3A_1949 = arith.constant 0 : i32
        %parallel_loop3A_1950 = tpu.memref_slice %arg8[%parallel_loop3A_1344, %parallel_loop3A_1948, %parallel_loop3A_1949] : memref<3x16x1024xf32, #tpu.memory_space<vmem>> -> memref<1x16x1024xf32, #tpu.memory_space<vmem>>
        %parallel_loop3A_1951 = tpu.memref_squeeze %parallel_loop3A_1950 : memref<1x16x1024xf32, #tpu.memory_space<vmem>> -> memref<16x1024xf32, #tpu.memory_space<vmem>>
        %parallel_loop3A_1952 = arith.index_cast %parallel_loop3A_1930 : i32 to index
        %parallel_loop3A_1953 = arith.index_cast %parallel_loop3A_1947 : i32 to index
        %parallel_loop3A_1954 = tpu.vector_load %parallel_loop3A_1951[%parallel_loop3A_1952, %parallel_loop3A_1953] {strides = array<i32>} : memref<16x1024xf32, #tpu.memory_space<vmem>>, vector<16xf32>,
        tpu.vector_store %parallel_loop3A_1951[%parallel_loop3A_1952, %parallel_loop3A_1953], %parallel_loop3A_1945 {add = true, strides = array<i32>} : memref<16x1024xf32, #tpu.memory_space<vmem>>, vector<16xf32>,
      } {sc.loop_unroll_factor = 8 : i64, sc.parallel_access}
    } {sc.loop_unroll_factor = 1 : i64, sc.parallel_access}
    %mul3A_1345 = arith.constant 256 : i32
    %mul3A_1346 = arith.muli %add3A, %mul3A_1345 : i32
    %add3A_1347 = arith.constant 160 : i32
    %add3A_1348 = arith.addi %mul3A_1346, %add3A_1347 : i32
    %dma_start3A_1349 = arith.constant 1 : i32
    %dma_start3A_1350 = arith.constant 0 : i32
    %dma_start3A_1351 = arith.constant 0 : i32
    %dma_start3A_1352 = tpu.memref_slice %arg8[%dma_start3A_1349, %dma_start3A_1350, %dma_start3A_1351] : memref<3x16x1024xf32, #tpu.memory_space<vmem>> -> memref<1x16x1024xf32, #tpu.memory_space<vmem>>
    %dma_start3A_1353 = tpu.memref_squeeze %dma_start3A_1352 : memref<1x16x1024xf32, #tpu.memory_space<vmem>> -> memref<16x1024xf32, #tpu.memory_space<vmem>>
    %dma_start3A_1354 = arith.constant 0 : i32
    %dma_start3A_1355 = tpu.memref_slice %arg7[%add3A_1348, %dma_start3A_1354] : memref<8192x1024xf32, #tpu.memory_space<hbm>> -> memref<16x1024xf32, #tpu.memory_space<hbm>>
    %dma_start3A_1356 = arith.constant 0 : i32
    %dma_start3A_1357 = tpu.memref_slice %arg7[%add3A_1348, %dma_start3A_1356] : memref<8192x1024xf32, #tpu.memory_space<hbm>> -> memref<16x1024xf32, #tpu.memory_space<hbm>>
    %dma_start3A_1358 = arith.constant 0 : i32
    %dma_start3A_1359 = arith.constant 0 : i32
    %dma_start3A_1360 = tpu.memref_slice %arg8[%dma_start3A_1349, %dma_start3A_1358, %dma_start3A_1359] : memref<3x16x1024xf32, #tpu.memory_space<vmem>> -> memref<1x16x1024xf32, #tpu.memory_space<vmem>>
    %dma_start3A_1361 = tpu.memref_squeeze %dma_start3A_1360 : memref<1x16x1024xf32, #tpu.memory_space<vmem>> -> memref<16x1024xf32, #tpu.memory_space<vmem>>
    tpu.enqueue_dma source(%dma_start3A_1361 : memref<16x1024xf32, #tpu.memory_space<vmem>>) target(%dma_start3A_1357 : memref<16x1024xf32, #tpu.memory_space<hbm>>) target_semaphore(%arg13 : memref<!tpu.dma_semaphore, #tpu.memory_space<semaphore_mem>>)
    %dma_wait3A_1362 = arith.constant 0 : i32
    %dma_wait3A_1363 = arith.constant 0 : i32
    %dma_wait3A_1364 = arith.constant 0 : i32
    %dma_wait3A_1365 = tpu.memref_slice %arg8[%dma_wait3A_1362, %dma_wait3A_1363, %dma_wait3A_1364] : memref<3x16x1024xf32, #tpu.memory_space<vmem>> -> memref<1x16x1024xf32, #tpu.memory_space<vmem>>
    %dma_wait3A_1366 = tpu.memref_squeeze %dma_wait3A_1365 : memref<1x16x1024xf32, #tpu.memory_space<vmem>> -> memref<16x1024xf32, #tpu.memory_space<vmem>>
    %dma_wait3A_1367 = arith.constant 0 : i32
    %dma_wait3A_1368 = tpu.memref_slice %arg7[%add3A_1231, %dma_wait3A_1367] : memref<8192x1024xf32, #tpu.memory_space<hbm>> -> memref<16x1024xf32, #tpu.memory_space<hbm>>
    %dma_wait3A_1369 = arith.constant 0 : i32
    %dma_wait3A_1370 = tpu.memref_slice %arg7[%add3A_1231, %dma_wait3A_1369] : memref<8192x1024xf32, #tpu.memory_space<hbm>> -> memref<16x1024xf32, #tpu.memory_space<hbm>>
    %dma_wait3A_1371 = arith.constant 0 : i32
    %dma_wait3A_1372 = arith.constant 0 : i32
    %dma_wait3A_1373 = tpu.memref_slice %arg8[%dma_wait3A_1362, %dma_wait3A_1371, %dma_wait3A_1372] : memref<3x16x1024xf32, #tpu.memory_space<vmem>> -> memref<1x16x1024xf32, #tpu.memory_space<vmem>>
    %dma_wait3A_1374 = tpu.memref_squeeze %dma_wait3A_1373 : memref<1x16x1024xf32, #tpu.memory_space<vmem>> -> memref<16x1024xf32, #tpu.memory_space<vmem>>
    tpu.wait_dma2 semaphore(%arg13 : memref<!tpu.dma_semaphore, #tpu.memory_space<semaphore_mem>>) src(%dma_wait3A_1374 : memref<16x1024xf32, #tpu.memory_space<vmem>>) dst(%dma_wait3A_1370 : memref<16x1024xf32, #tpu.memory_space<hbm>>)
    %mul3A_1375 = arith.constant 256 : i32
    %mul3A_1376 = arith.muli %add3A, %mul3A_1375 : i32
    %add3A_1377 = arith.constant 192 : i32
    %add3A_1378 = arith.addi %mul3A_1376, %add3A_1377 : i32
    %dma_start3A_1379 = arith.constant 0 : i32
    %dma_start3A_1380 = arith.constant 0 : i32
    %dma_start3A_1381 = arith.constant 0 : i32
    %dma_start3A_1382 = tpu.memref_slice %arg8[%dma_start3A_1379, %dma_start3A_1380, %dma_start3A_1381] : memref<3x16x1024xf32, #tpu.memory_space<vmem>> -> memref<1x16x1024xf32, #tpu.memory_space<vmem>>
    %dma_start3A_1383 = tpu.memref_squeeze %dma_start3A_1382 : memref<1x16x1024xf32, #tpu.memory_space<vmem>> -> memref<16x1024xf32, #tpu.memory_space<vmem>>
    %dma_start3A_1384 = arith.constant 0 : i32
    %dma_start3A_1385 = tpu.memref_slice %arg2[%add3A_1378, %dma_start3A_1384] : memref<8192x1024xf32, #tpu.memory_space<hbm>> -> memref<16x1024xf32, #tpu.memory_space<hbm>>
    %dma_start3A_1386 = arith.constant 0 : i32
    %dma_start3A_1387 = arith.constant 0 : i32
    %dma_start3A_1388 = tpu.memref_slice %arg8[%dma_start3A_1379, %dma_start3A_1386, %dma_start3A_1387] : memref<3x16x1024xf32, #tpu.memory_space<vmem>> -> memref<1x16x1024xf32, #tpu.memory_space<vmem>>
    %dma_start3A_1389 = tpu.memref_squeeze %dma_start3A_1388 : memref<1x16x1024xf32, #tpu.memory_space<vmem>> -> memref<16x1024xf32, #tpu.memory_space<vmem>>
    %dma_start3A_1390 = arith.constant 0 : i32
    %dma_start3A_1391 = tpu.memref_slice %arg2[%add3A_1378, %dma_start3A_1390] : memref<8192x1024xf32, #tpu.memory_space<hbm>> -> memref<16x1024xf32, #tpu.memory_space<hbm>>
    tpu.enqueue_dma source(%dma_start3A_1391 : memref<16x1024xf32, #tpu.memory_space<hbm>>) target(%dma_start3A_1389 : memref<16x1024xf32, #tpu.memory_space<vmem>>) target_semaphore(%arg11 : memref<!tpu.dma_semaphore, #tpu.memory_space<semaphore_mem>>)
    %dma_start3A_1392 = arith.constant 0 : i32
    %dma_start3A_1393 = arith.constant 12 : i32
    %dma_start3A_1394 = arith.constant 0 : i32
    %dma_start3A_1395 = arith.constant 0 : i32
    %dma_start3A_1396 = arith.constant 0 : i32
    %dma_start3A_1397 = tpu.memref_slice %arg9[%dma_start3A_1394, %dma_start3A_1395, %dma_start3A_1396] : memref<3x64x256xf32, #tpu.memory_space<vmem>> -> memref<1x32x256xf32, #tpu.memory_space<vmem>>
    %dma_start3A_1398 = tpu.memref_squeeze %dma_start3A_1397 : memref<1x32x256xf32, #tpu.memory_space<vmem>> -> memref<32x256xf32, #tpu.memory_space<vmem>>
    %dma_start3A_1399 = arith.constant 0 : i32
    %dma_start3A_1400 = tpu.memref_slice %arg10[%dma_start3A_1392, %dma_start3A_1393, %dma_start3A_1399] : memref<2x16x32xi32, #tpu.memory_space<vmem>> -> memref<1x1x32xi32, #tpu.memory_space<vmem>>
    %dma_start3A_1401 = tpu.memref_squeeze %dma_start3A_1400 : memref<1x1x32xi32, #tpu.memory_space<vmem>> -> memref<32xi32, #tpu.memory_space<vmem>>
    %dma_start3A_1402 = arith.constant 0 : i32
    %dma_start3A_1403 = arith.constant 0 : i32
    %dma_start3A_1404 = tpu.memref_slice %arg5[%dma_start3A_1402, %dma_start3A_1403] : memref<1025x256xf32, #tpu.memory_space<hbm>> -> memref<1025x256xf32, #tpu.memory_space<hbm>>
    tpu.enqueue_indirect_dma source(%dma_start3A_1404 : memref<1025x256xf32, #tpu.memory_space<hbm>>) target(%dma_start3A_1398 : memref<32x256xf32, #tpu.memory_space<vmem>>) offsets(%dma_start3A_1401 : memref<32xi32, #tpu.memory_space<vmem>>) semaphore(%arg12 : memref<!tpu.dma_semaphore, #tpu.memory_space<semaphore_mem>>)
    %dma_start3A_1405 = arith.constant 1 : i32
    %dma_start3A_1406 = arith.constant 12 : i32
    %dma_start3A_1407 = arith.constant 0 : i32
    %dma_start3A_1408 = arith.constant 32 : i32
    %dma_start3A_1409 = arith.constant 0 : i32
    %dma_start3A_1410 = tpu.memref_slice %arg9[%dma_start3A_1407, %dma_start3A_1408, %dma_start3A_1409] : memref<3x64x256xf32, #tpu.memory_space<vmem>> -> memref<1x32x256xf32, #tpu.memory_space<vmem>>
    %dma_start3A_1411 = tpu.memref_squeeze %dma_start3A_1410 : memref<1x32x256xf32, #tpu.memory_space<vmem>> -> memref<32x256xf32, #tpu.memory_space<vmem>>
    %dma_start3A_1412 = arith.constant 0 : i32
    %dma_start3A_1413 = tpu.memref_slice %arg10[%dma_start3A_1405, %dma_start3A_1406, %dma_start3A_1412] : memref<2x16x32xi32, #tpu.memory_space<vmem>> -> memref<1x1x32xi32, #tpu.memory_space<vmem>>
    %dma_start3A_1414 = tpu.memref_squeeze %dma_start3A_1413 : memref<1x1x32xi32, #tpu.memory_space<vmem>> -> memref<32xi32, #tpu.memory_space<vmem>>
    %dma_start3A_1415 = arith.constant 0 : i32
    %dma_start3A_1416 = arith.constant 0 : i32
    %dma_start3A_1417 = tpu.memref_slice %arg6[%dma_start3A_1415, %dma_start3A_1416] : memref<1025x256xf32, #tpu.memory_space<hbm>> -> memref<1025x256xf32, #tpu.memory_space<hbm>>
    tpu.enqueue_indirect_dma source(%dma_start3A_1417 : memref<1025x256xf32, #tpu.memory_space<hbm>>) target(%dma_start3A_1411 : memref<32x256xf32, #tpu.memory_space<vmem>>) offsets(%dma_start3A_1414 : memref<32xi32, #tpu.memory_space<vmem>>) semaphore(%arg12 : memref<!tpu.dma_semaphore, #tpu.memory_space<semaphore_mem>>)
    %dma_wait3A_1418 = arith.constant 2 : i32
    %dma_wait3A_1419 = arith.constant 0 : i32
    %dma_wait3A_1420 = arith.constant 0 : i32
    %dma_wait3A_1421 = tpu.memref_slice %arg8[%dma_wait3A_1418, %dma_wait3A_1419, %dma_wait3A_1420] : memref<3x16x1024xf32, #tpu.memory_space<vmem>> -> memref<1x16x1024xf32, #tpu.memory_space<vmem>>
    %dma_wait3A_1422 = tpu.memref_squeeze %dma_wait3A_1421 : memref<1x16x1024xf32, #tpu.memory_space<vmem>> -> memref<16x1024xf32, #tpu.memory_space<vmem>>
    %dma_wait3A_1423 = arith.constant 0 : i32
    %dma_wait3A_1424 = tpu.memref_slice %arg2[%add3A_1261, %dma_wait3A_1423] : memref<8192x1024xf32, #tpu.memory_space<hbm>> -> memref<16x1024xf32, #tpu.memory_space<hbm>>
    %dma_wait3A_1425 = arith.constant 0 : i32
    %dma_wait3A_1426 = arith.constant 0 : i32
    %dma_wait3A_1427 = tpu.memref_slice %arg8[%dma_wait3A_1418, %dma_wait3A_1425, %dma_wait3A_1426] : memref<3x16x1024xf32, #tpu.memory_space<vmem>> -> memref<1x16x1024xf32, #tpu.memory_space<vmem>>
    %dma_wait3A_1428 = tpu.memref_squeeze %dma_wait3A_1427 : memref<1x16x1024xf32, #tpu.memory_space<vmem>> -> memref<16x1024xf32, #tpu.memory_space<vmem>>
    %dma_wait3A_1429 = arith.constant 0 : i32
    %dma_wait3A_1430 = tpu.memref_slice %arg2[%add3A_1261, %dma_wait3A_1429] : memref<8192x1024xf32, #tpu.memory_space<hbm>> -> memref<16x1024xf32, #tpu.memory_space<hbm>>
    tpu.wait_dma2 semaphore(%arg11 : memref<!tpu.dma_semaphore, #tpu.memory_space<semaphore_mem>>) src(%dma_wait3A_1430 : memref<16x1024xf32, #tpu.memory_space<hbm>>) dst(%dma_wait3A_1428 : memref<16x1024xf32, #tpu.memory_space<vmem>>)
    %dma_wait3A_1431 = arith.constant 0 : i32
    %dma_wait3A_1432 = arith.constant 11 : i32
    %dma_wait3A_1433 = arith.constant 2 : i32
    %dma_wait3A_1434 = arith.constant 0 : i32
    %dma_wait3A_1435 = arith.constant 0 : i32
    %dma_wait3A_1436 = tpu.memref_slice %arg9[%dma_wait3A_1433, %dma_wait3A_1434, %dma_wait3A_1435] : memref<3x64x256xf32, #tpu.memory_space<vmem>> -> memref<1x32x256xf32, #tpu.memory_space<vmem>>
    %dma_wait3A_1437 = tpu.memref_squeeze %dma_wait3A_1436 : memref<1x32x256xf32, #tpu.memory_space<vmem>> -> memref<32x256xf32, #tpu.memory_space<vmem>>
    %dma_wait3A_1438 = arith.constant 0 : i32
    %dma_wait3A_1439 = tpu.memref_slice %arg10[%dma_wait3A_1431, %dma_wait3A_1432, %dma_wait3A_1438] : memref<2x16x32xi32, #tpu.memory_space<vmem>> -> memref<1x1x32xi32, #tpu.memory_space<vmem>>
    %dma_wait3A_1440 = tpu.memref_squeeze %dma_wait3A_1439 : memref<1x1x32xi32, #tpu.memory_space<vmem>> -> memref<32xi32, #tpu.memory_space<vmem>>
    %dma_wait3A_1441 = arith.constant 0 : i32
    %dma_wait3A_1442 = arith.constant 0 : i32
    %dma_wait3A_1443 = tpu.memref_slice %arg5[%dma_wait3A_1441, %dma_wait3A_1442] : memref<1025x256xf32, #tpu.memory_space<hbm>> -> memref<1025x256xf32, #tpu.memory_space<hbm>>
    tpu.wait_indirect_dma semaphore(%arg12 : memref<!tpu.dma_semaphore, #tpu.memory_space<semaphore_mem>>) src(%dma_wait3A_1443 : memref<1025x256xf32, #tpu.memory_space<hbm>>) dst(%dma_wait3A_1437 : memref<32x256xf32, #tpu.memory_space<vmem>>)
    %dma_wait3A_1444 = arith.constant 1 : i32
    %dma_wait3A_1445 = arith.constant 11 : i32
    %dma_wait3A_1446 = arith.constant 2 : i32
    %dma_wait3A_1447 = arith.constant 32 : i32
    %dma_wait3A_1448 = arith.constant 0 : i32
    %dma_wait3A_1449 = tpu.memref_slice %arg9[%dma_wait3A_1446, %dma_wait3A_1447, %dma_wait3A_1448] : memref<3x64x256xf32, #tpu.memory_space<vmem>> -> memref<1x32x256xf32, #tpu.memory_space<vmem>>
    %dma_wait3A_1450 = tpu.memref_squeeze %dma_wait3A_1449 : memref<1x32x256xf32, #tpu.memory_space<vmem>> -> memref<32x256xf32, #tpu.memory_space<vmem>>
    %dma_wait3A_1451 = arith.constant 0 : i32
    %dma_wait3A_1452 = tpu.memref_slice %arg10[%dma_wait3A_1444, %dma_wait3A_1445, %dma_wait3A_1451] : memref<2x16x32xi32, #tpu.memory_space<vmem>> -> memref<1x1x32xi32, #tpu.memory_space<vmem>>
    %dma_wait3A_1453 = tpu.memref_squeeze %dma_wait3A_1452 : memref<1x1x32xi32, #tpu.memory_space<vmem>> -> memref<32xi32, #tpu.memory_space<vmem>>
    %dma_wait3A_1454 = arith.constant 0 : i32
    %dma_wait3A_1455 = arith.constant 0 : i32
    %dma_wait3A_1456 = tpu.memref_slice %arg6[%dma_wait3A_1454, %dma_wait3A_1455] : memref<1025x256xf32, #tpu.memory_space<hbm>> -> memref<1025x256xf32, #tpu.memory_space<hbm>>
    tpu.wait_indirect_dma semaphore(%arg12 : memref<!tpu.dma_semaphore, #tpu.memory_space<semaphore_mem>>) src(%dma_wait3A_1456 : memref<1025x256xf32, #tpu.memory_space<hbm>>) dst(%dma_wait3A_1450 : memref<32x256xf32, #tpu.memory_space<vmem>>)
    %parallel_loop3A_1457 = arith.constant 0 : i32
    %parallel_loop3A_1458 = arith.constant 16 : i32
    %parallel_loop3A_1459 = arith.constant 1 : i32
    %parallel_loop3A_1460 = arith.constant 2 : i32
    %parallel_loop3A_1461 = arith.constant 2 : i32
    scf.for %parallel_loop3A_1930 = %parallel_loop3A_1457 to %parallel_loop3A_1458 step %parallel_loop3A_1459  : i32 {
      %parallel_loop3A_1931 = vector.broadcast %parallel_loop3A_1930 : i32 to vector<16xi32>
      %parallel_loop3A_1932 = arith.addi %add3A_60, %parallel_loop3A_1931 : vector<16xi32>
      %parallel_loop3A_1933 = arith.constant 0 : i32
      %parallel_loop3A_1934 = arith.constant 64 : i32
      %parallel_loop3A_1935 = arith.constant 1 : i32
      scf.for %parallel_loop3A_1936 = %parallel_loop3A_1933 to %parallel_loop3A_1934 step %parallel_loop3A_1935  : i32 {
        %parallel_loop3A_1937 = arith.constant 4 : i32
        %parallel_loop3A_1938 = arith.muli %parallel_loop3A_1937, %parallel_loop3A_1936 : i32
        %parallel_loop3A_1939 = vector.broadcast %parallel_loop3A_1938 : i32 to vector<16xi32>
        %parallel_loop3A_1940 = arith.addi %select_n3A_48, %parallel_loop3A_1939 : vector<16xi32>
        %parallel_loop3A_1941 = arith.constant 0 : i32
        %parallel_loop3A_1942 = arith.constant 0 : i32
        %parallel_loop3A_1943 = tpu.memref_slice %arg9[%parallel_loop3A_1460, %parallel_loop3A_1941, %parallel_loop3A_1942] : memref<3x64x256xf32, #tpu.memory_space<vmem>> -> memref<1x64x256xf32, #tpu.memory_space<vmem>>
        %parallel_loop3A_1944 = tpu.memref_squeeze %parallel_loop3A_1943 : memref<1x64x256xf32, #tpu.memory_space<vmem>> -> memref<64x256xf32, #tpu.memory_space<vmem>>
        %parallel_loop3A_1945 = tpu.vector_load_idx %parallel_loop3A_1944[%parallel_loop3A_1932, %parallel_loop3A_1940] : memref<64x256xf32, #tpu.memory_space<vmem>>[vector<16xi32>, vector<16xi32>], vector<16xf32>,
        %parallel_loop3A_1946 = arith.constant 16 : i32
        %parallel_loop3A_1947 = arith.muli %parallel_loop3A_1946, %parallel_loop3A_1936 : i32
        %parallel_loop3A_1948 = arith.constant 0 : i32
        %parallel_loop3A_1949 = arith.constant 0 : i32
        %parallel_loop3A_1950 = tpu.memref_slice %arg8[%parallel_loop3A_1461, %parallel_loop3A_1948, %parallel_loop3A_1949] : memref<3x16x1024xf32, #tpu.memory_space<vmem>> -> memref<1x16x1024xf32, #tpu.memory_space<vmem>>
        %parallel_loop3A_1951 = tpu.memref_squeeze %parallel_loop3A_1950 : memref<1x16x1024xf32, #tpu.memory_space<vmem>> -> memref<16x1024xf32, #tpu.memory_space<vmem>>
        %parallel_loop3A_1952 = arith.index_cast %parallel_loop3A_1930 : i32 to index
        %parallel_loop3A_1953 = arith.index_cast %parallel_loop3A_1947 : i32 to index
        %parallel_loop3A_1954 = tpu.vector_load %parallel_loop3A_1951[%parallel_loop3A_1952, %parallel_loop3A_1953] {strides = array<i32>} : memref<16x1024xf32, #tpu.memory_space<vmem>>, vector<16xf32>,
        tpu.vector_store %parallel_loop3A_1951[%parallel_loop3A_1952, %parallel_loop3A_1953], %parallel_loop3A_1945 {add = true, strides = array<i32>} : memref<16x1024xf32, #tpu.memory_space<vmem>>, vector<16xf32>,
      } {sc.loop_unroll_factor = 8 : i64, sc.parallel_access}
    } {sc.loop_unroll_factor = 1 : i64, sc.parallel_access}
    %mul3A_1462 = arith.constant 256 : i32
    %mul3A_1463 = arith.muli %add3A, %mul3A_1462 : i32
    %add3A_1464 = arith.constant 176 : i32
    %add3A_1465 = arith.addi %mul3A_1463, %add3A_1464 : i32
    %dma_start3A_1466 = arith.constant 2 : i32
    %dma_start3A_1467 = arith.constant 0 : i32
    %dma_start3A_1468 = arith.constant 0 : i32
    %dma_start3A_1469 = tpu.memref_slice %arg8[%dma_start3A_1466, %dma_start3A_1467, %dma_start3A_1468] : memref<3x16x1024xf32, #tpu.memory_space<vmem>> -> memref<1x16x1024xf32, #tpu.memory_space<vmem>>
    %dma_start3A_1470 = tpu.memref_squeeze %dma_start3A_1469 : memref<1x16x1024xf32, #tpu.memory_space<vmem>> -> memref<16x1024xf32, #tpu.memory_space<vmem>>
    %dma_start3A_1471 = arith.constant 0 : i32
    %dma_start3A_1472 = tpu.memref_slice %arg7[%add3A_1465, %dma_start3A_1471] : memref<8192x1024xf32, #tpu.memory_space<hbm>> -> memref<16x1024xf32, #tpu.memory_space<hbm>>
    %dma_start3A_1473 = arith.constant 0 : i32
    %dma_start3A_1474 = tpu.memref_slice %arg7[%add3A_1465, %dma_start3A_1473] : memref<8192x1024xf32, #tpu.memory_space<hbm>> -> memref<16x1024xf32, #tpu.memory_space<hbm>>
    %dma_start3A_1475 = arith.constant 0 : i32
    %dma_start3A_1476 = arith.constant 0 : i32
    %dma_start3A_1477 = tpu.memref_slice %arg8[%dma_start3A_1466, %dma_start3A_1475, %dma_start3A_1476] : memref<3x16x1024xf32, #tpu.memory_space<vmem>> -> memref<1x16x1024xf32, #tpu.memory_space<vmem>>
    %dma_start3A_1478 = tpu.memref_squeeze %dma_start3A_1477 : memref<1x16x1024xf32, #tpu.memory_space<vmem>> -> memref<16x1024xf32, #tpu.memory_space<vmem>>
    tpu.enqueue_dma source(%dma_start3A_1478 : memref<16x1024xf32, #tpu.memory_space<vmem>>) target(%dma_start3A_1474 : memref<16x1024xf32, #tpu.memory_space<hbm>>) target_semaphore(%arg13 : memref<!tpu.dma_semaphore, #tpu.memory_space<semaphore_mem>>)
    %dma_wait3A_1479 = arith.constant 1 : i32
    %dma_wait3A_1480 = arith.constant 0 : i32
    %dma_wait3A_1481 = arith.constant 0 : i32
    %dma_wait3A_1482 = tpu.memref_slice %arg8[%dma_wait3A_1479, %dma_wait3A_1480, %dma_wait3A_1481] : memref<3x16x1024xf32, #tpu.memory_space<vmem>> -> memref<1x16x1024xf32, #tpu.memory_space<vmem>>
    %dma_wait3A_1483 = tpu.memref_squeeze %dma_wait3A_1482 : memref<1x16x1024xf32, #tpu.memory_space<vmem>> -> memref<16x1024xf32, #tpu.memory_space<vmem>>
    %dma_wait3A_1484 = arith.constant 0 : i32
    %dma_wait3A_1485 = tpu.memref_slice %arg7[%add3A_1348, %dma_wait3A_1484] : memref<8192x1024xf32, #tpu.memory_space<hbm>> -> memref<16x1024xf32, #tpu.memory_space<hbm>>
    %dma_wait3A_1486 = arith.constant 0 : i32
    %dma_wait3A_1487 = tpu.memref_slice %arg7[%add3A_1348, %dma_wait3A_1486] : memref<8192x1024xf32, #tpu.memory_space<hbm>> -> memref<16x1024xf32, #tpu.memory_space<hbm>>
    %dma_wait3A_1488 = arith.constant 0 : i32
    %dma_wait3A_1489 = arith.constant 0 : i32
    %dma_wait3A_1490 = tpu.memref_slice %arg8[%dma_wait3A_1479, %dma_wait3A_1488, %dma_wait3A_1489] : memref<3x16x1024xf32, #tpu.memory_space<vmem>> -> memref<1x16x1024xf32, #tpu.memory_space<vmem>>
    %dma_wait3A_1491 = tpu.memref_squeeze %dma_wait3A_1490 : memref<1x16x1024xf32, #tpu.memory_space<vmem>> -> memref<16x1024xf32, #tpu.memory_space<vmem>>
    tpu.wait_dma2 semaphore(%arg13 : memref<!tpu.dma_semaphore, #tpu.memory_space<semaphore_mem>>) src(%dma_wait3A_1491 : memref<16x1024xf32, #tpu.memory_space<vmem>>) dst(%dma_wait3A_1487 : memref<16x1024xf32, #tpu.memory_space<hbm>>)
    %mul3A_1492 = arith.constant 256 : i32
    %mul3A_1493 = arith.muli %add3A, %mul3A_1492 : i32
    %add3A_1494 = arith.constant 208 : i32
    %add3A_1495 = arith.addi %mul3A_1493, %add3A_1494 : i32
    %dma_start3A_1496 = arith.constant 1 : i32
    %dma_start3A_1497 = arith.constant 0 : i32
    %dma_start3A_1498 = arith.constant 0 : i32
    %dma_start3A_1499 = tpu.memref_slice %arg8[%dma_start3A_1496, %dma_start3A_1497, %dma_start3A_1498] : memref<3x16x1024xf32, #tpu.memory_space<vmem>> -> memref<1x16x1024xf32, #tpu.memory_space<vmem>>
    %dma_start3A_1500 = tpu.memref_squeeze %dma_start3A_1499 : memref<1x16x1024xf32, #tpu.memory_space<vmem>> -> memref<16x1024xf32, #tpu.memory_space<vmem>>
    %dma_start3A_1501 = arith.constant 0 : i32
    %dma_start3A_1502 = tpu.memref_slice %arg2[%add3A_1495, %dma_start3A_1501] : memref<8192x1024xf32, #tpu.memory_space<hbm>> -> memref<16x1024xf32, #tpu.memory_space<hbm>>
    %dma_start3A_1503 = arith.constant 0 : i32
    %dma_start3A_1504 = arith.constant 0 : i32
    %dma_start3A_1505 = tpu.memref_slice %arg8[%dma_start3A_1496, %dma_start3A_1503, %dma_start3A_1504] : memref<3x16x1024xf32, #tpu.memory_space<vmem>> -> memref<1x16x1024xf32, #tpu.memory_space<vmem>>
    %dma_start3A_1506 = tpu.memref_squeeze %dma_start3A_1505 : memref<1x16x1024xf32, #tpu.memory_space<vmem>> -> memref<16x1024xf32, #tpu.memory_space<vmem>>
    %dma_start3A_1507 = arith.constant 0 : i32
    %dma_start3A_1508 = tpu.memref_slice %arg2[%add3A_1495, %dma_start3A_1507] : memref<8192x1024xf32, #tpu.memory_space<hbm>> -> memref<16x1024xf32, #tpu.memory_space<hbm>>
    tpu.enqueue_dma source(%dma_start3A_1508 : memref<16x1024xf32, #tpu.memory_space<hbm>>) target(%dma_start3A_1506 : memref<16x1024xf32, #tpu.memory_space<vmem>>) target_semaphore(%arg11 : memref<!tpu.dma_semaphore, #tpu.memory_space<semaphore_mem>>)
    %dma_start3A_1509 = arith.constant 0 : i32
    %dma_start3A_1510 = arith.constant 13 : i32
    %dma_start3A_1511 = arith.constant 1 : i32
    %dma_start3A_1512 = arith.constant 0 : i32
    %dma_start3A_1513 = arith.constant 0 : i32
    %dma_start3A_1514 = tpu.memref_slice %arg9[%dma_start3A_1511, %dma_start3A_1512, %dma_start3A_1513] : memref<3x64x256xf32, #tpu.memory_space<vmem>> -> memref<1x32x256xf32, #tpu.memory_space<vmem>>
    %dma_start3A_1515 = tpu.memref_squeeze %dma_start3A_1514 : memref<1x32x256xf32, #tpu.memory_space<vmem>> -> memref<32x256xf32, #tpu.memory_space<vmem>>
    %dma_start3A_1516 = arith.constant 0 : i32
    %dma_start3A_1517 = tpu.memref_slice %arg10[%dma_start3A_1509, %dma_start3A_1510, %dma_start3A_1516] : memref<2x16x32xi32, #tpu.memory_space<vmem>> -> memref<1x1x32xi32, #tpu.memory_space<vmem>>
    %dma_start3A_1518 = tpu.memref_squeeze %dma_start3A_1517 : memref<1x1x32xi32, #tpu.memory_space<vmem>> -> memref<32xi32, #tpu.memory_space<vmem>>
    %dma_start3A_1519 = arith.constant 0 : i32
    %dma_start3A_1520 = arith.constant 0 : i32
    %dma_start3A_1521 = tpu.memref_slice %arg5[%dma_start3A_1519, %dma_start3A_1520] : memref<1025x256xf32, #tpu.memory_space<hbm>> -> memref<1025x256xf32, #tpu.memory_space<hbm>>
    tpu.enqueue_indirect_dma source(%dma_start3A_1521 : memref<1025x256xf32, #tpu.memory_space<hbm>>) target(%dma_start3A_1515 : memref<32x256xf32, #tpu.memory_space<vmem>>) offsets(%dma_start3A_1518 : memref<32xi32, #tpu.memory_space<vmem>>) semaphore(%arg12 : memref<!tpu.dma_semaphore, #tpu.memory_space<semaphore_mem>>)
    %dma_start3A_1522 = arith.constant 1 : i32
    %dma_start3A_1523 = arith.constant 13 : i32
    %dma_start3A_1524 = arith.constant 1 : i32
    %dma_start3A_1525 = arith.constant 32 : i32
    %dma_start3A_1526 = arith.constant 0 : i32
    %dma_start3A_1527 = tpu.memref_slice %arg9[%dma_start3A_1524, %dma_start3A_1525, %dma_start3A_1526] : memref<3x64x256xf32, #tpu.memory_space<vmem>> -> memref<1x32x256xf32, #tpu.memory_space<vmem>>
    %dma_start3A_1528 = tpu.memref_squeeze %dma_start3A_1527 : memref<1x32x256xf32, #tpu.memory_space<vmem>> -> memref<32x256xf32, #tpu.memory_space<vmem>>
    %dma_start3A_1529 = arith.constant 0 : i32
    %dma_start3A_1530 = tpu.memref_slice %arg10[%dma_start3A_1522, %dma_start3A_1523, %dma_start3A_1529] : memref<2x16x32xi32, #tpu.memory_space<vmem>> -> memref<1x1x32xi32, #tpu.memory_space<vmem>>
    %dma_start3A_1531 = tpu.memref_squeeze %dma_start3A_1530 : memref<1x1x32xi32, #tpu.memory_space<vmem>> -> memref<32xi32, #tpu.memory_space<vmem>>
    %dma_start3A_1532 = arith.constant 0 : i32
    %dma_start3A_1533 = arith.constant 0 : i32
    %dma_start3A_1534 = tpu.memref_slice %arg6[%dma_start3A_1532, %dma_start3A_1533] : memref<1025x256xf32, #tpu.memory_space<hbm>> -> memref<1025x256xf32, #tpu.memory_space<hbm>>
    tpu.enqueue_indirect_dma source(%dma_start3A_1534 : memref<1025x256xf32, #tpu.memory_space<hbm>>) target(%dma_start3A_1528 : memref<32x256xf32, #tpu.memory_space<vmem>>) offsets(%dma_start3A_1531 : memref<32xi32, #tpu.memory_space<vmem>>) semaphore(%arg12 : memref<!tpu.dma_semaphore, #tpu.memory_space<semaphore_mem>>)
    %dma_wait3A_1535 = arith.constant 0 : i32
    %dma_wait3A_1536 = arith.constant 0 : i32
    %dma_wait3A_1537 = arith.constant 0 : i32
    %dma_wait3A_1538 = tpu.memref_slice %arg8[%dma_wait3A_1535, %dma_wait3A_1536, %dma_wait3A_1537] : memref<3x16x1024xf32, #tpu.memory_space<vmem>> -> memref<1x16x1024xf32, #tpu.memory_space<vmem>>
    %dma_wait3A_1539 = tpu.memref_squeeze %dma_wait3A_1538 : memref<1x16x1024xf32, #tpu.memory_space<vmem>> -> memref<16x1024xf32, #tpu.memory_space<vmem>>
    %dma_wait3A_1540 = arith.constant 0 : i32
    %dma_wait3A_1541 = tpu.memref_slice %arg2[%add3A_1378, %dma_wait3A_1540] : memref<8192x1024xf32, #tpu.memory_space<hbm>> -> memref<16x1024xf32, #tpu.memory_space<hbm>>
    %dma_wait3A_1542 = arith.constant 0 : i32
    %dma_wait3A_1543 = arith.constant 0 : i32
    %dma_wait3A_1544 = tpu.memref_slice %arg8[%dma_wait3A_1535, %dma_wait3A_1542, %dma_wait3A_1543] : memref<3x16x1024xf32, #tpu.memory_space<vmem>> -> memref<1x16x1024xf32, #tpu.memory_space<vmem>>
    %dma_wait3A_1545 = tpu.memref_squeeze %dma_wait3A_1544 : memref<1x16x1024xf32, #tpu.memory_space<vmem>> -> memref<16x1024xf32, #tpu.memory_space<vmem>>
    %dma_wait3A_1546 = arith.constant 0 : i32
    %dma_wait3A_1547 = tpu.memref_slice %arg2[%add3A_1378, %dma_wait3A_1546] : memref<8192x1024xf32, #tpu.memory_space<hbm>> -> memref<16x1024xf32, #tpu.memory_space<hbm>>
    tpu.wait_dma2 semaphore(%arg11 : memref<!tpu.dma_semaphore, #tpu.memory_space<semaphore_mem>>) src(%dma_wait3A_1547 : memref<16x1024xf32, #tpu.memory_space<hbm>>) dst(%dma_wait3A_1545 : memref<16x1024xf32, #tpu.memory_space<vmem>>)
    %dma_wait3A_1548 = arith.constant 0 : i32
    %dma_wait3A_1549 = arith.constant 12 : i32
    %dma_wait3A_1550 = arith.constant 0 : i32
    %dma_wait3A_1551 = arith.constant 0 : i32
    %dma_wait3A_1552 = arith.constant 0 : i32
    %dma_wait3A_1553 = tpu.memref_slice %arg9[%dma_wait3A_1550, %dma_wait3A_1551, %dma_wait3A_1552] : memref<3x64x256xf32, #tpu.memory_space<vmem>> -> memref<1x32x256xf32, #tpu.memory_space<vmem>>
    %dma_wait3A_1554 = tpu.memref_squeeze %dma_wait3A_1553 : memref<1x32x256xf32, #tpu.memory_space<vmem>> -> memref<32x256xf32, #tpu.memory_space<vmem>>
    %dma_wait3A_1555 = arith.constant 0 : i32
    %dma_wait3A_1556 = tpu.memref_slice %arg10[%dma_wait3A_1548, %dma_wait3A_1549, %dma_wait3A_1555] : memref<2x16x32xi32, #tpu.memory_space<vmem>> -> memref<1x1x32xi32, #tpu.memory_space<vmem>>
    %dma_wait3A_1557 = tpu.memref_squeeze %dma_wait3A_1556 : memref<1x1x32xi32, #tpu.memory_space<vmem>> -> memref<32xi32, #tpu.memory_space<vmem>>
    %dma_wait3A_1558 = arith.constant 0 : i32
    %dma_wait3A_1559 = arith.constant 0 : i32
    %dma_wait3A_1560 = tpu.memref_slice %arg5[%dma_wait3A_1558, %dma_wait3A_1559] : memref<1025x256xf32, #tpu.memory_space<hbm>> -> memref<1025x256xf32, #tpu.memory_space<hbm>>
    tpu.wait_indirect_dma semaphore(%arg12 : memref<!tpu.dma_semaphore, #tpu.memory_space<semaphore_mem>>) src(%dma_wait3A_1560 : memref<1025x256xf32, #tpu.memory_space<hbm>>) dst(%dma_wait3A_1554 : memref<32x256xf32, #tpu.memory_space<vmem>>)
    %dma_wait3A_1561 = arith.constant 1 : i32
    %dma_wait3A_1562 = arith.constant 12 : i32
    %dma_wait3A_1563 = arith.constant 0 : i32
    %dma_wait3A_1564 = arith.constant 32 : i32
    %dma_wait3A_1565 = arith.constant 0 : i32
    %dma_wait3A_1566 = tpu.memref_slice %arg9[%dma_wait3A_1563, %dma_wait3A_1564, %dma_wait3A_1565] : memref<3x64x256xf32, #tpu.memory_space<vmem>> -> memref<1x32x256xf32, #tpu.memory_space<vmem>>
    %dma_wait3A_1567 = tpu.memref_squeeze %dma_wait3A_1566 : memref<1x32x256xf32, #tpu.memory_space<vmem>> -> memref<32x256xf32, #tpu.memory_space<vmem>>
    %dma_wait3A_1568 = arith.constant 0 : i32
    %dma_wait3A_1569 = tpu.memref_slice %arg10[%dma_wait3A_1561, %dma_wait3A_1562, %dma_wait3A_1568] : memref<2x16x32xi32, #tpu.memory_space<vmem>> -> memref<1x1x32xi32, #tpu.memory_space<vmem>>
    %dma_wait3A_1570 = tpu.memref_squeeze %dma_wait3A_1569 : memref<1x1x32xi32, #tpu.memory_space<vmem>> -> memref<32xi32, #tpu.memory_space<vmem>>
    %dma_wait3A_1571 = arith.constant 0 : i32
    %dma_wait3A_1572 = arith.constant 0 : i32
    %dma_wait3A_1573 = tpu.memref_slice %arg6[%dma_wait3A_1571, %dma_wait3A_1572] : memref<1025x256xf32, #tpu.memory_space<hbm>> -> memref<1025x256xf32, #tpu.memory_space<hbm>>
    tpu.wait_indirect_dma semaphore(%arg12 : memref<!tpu.dma_semaphore, #tpu.memory_space<semaphore_mem>>) src(%dma_wait3A_1573 : memref<1025x256xf32, #tpu.memory_space<hbm>>) dst(%dma_wait3A_1567 : memref<32x256xf32, #tpu.memory_space<vmem>>)
    %parallel_loop3A_1574 = arith.constant 0 : i32
    %parallel_loop3A_1575 = arith.constant 16 : i32
    %parallel_loop3A_1576 = arith.constant 1 : i32
    %parallel_loop3A_1577 = arith.constant 0 : i32
    %parallel_loop3A_1578 = arith.constant 0 : i32
    scf.for %parallel_loop3A_1930 = %parallel_loop3A_1574 to %parallel_loop3A_1575 step %parallel_loop3A_1576  : i32 {
      %parallel_loop3A_1931 = vector.broadcast %parallel_loop3A_1930 : i32 to vector<16xi32>
      %parallel_loop3A_1932 = arith.addi %add3A_60, %parallel_loop3A_1931 : vector<16xi32>
      %parallel_loop3A_1933 = arith.constant 0 : i32
      %parallel_loop3A_1934 = arith.constant 64 : i32
      %parallel_loop3A_1935 = arith.constant 1 : i32
      scf.for %parallel_loop3A_1936 = %parallel_loop3A_1933 to %parallel_loop3A_1934 step %parallel_loop3A_1935  : i32 {
        %parallel_loop3A_1937 = arith.constant 4 : i32
        %parallel_loop3A_1938 = arith.muli %parallel_loop3A_1937, %parallel_loop3A_1936 : i32
        %parallel_loop3A_1939 = vector.broadcast %parallel_loop3A_1938 : i32 to vector<16xi32>
        %parallel_loop3A_1940 = arith.addi %select_n3A_48, %parallel_loop3A_1939 : vector<16xi32>
        %parallel_loop3A_1941 = arith.constant 0 : i32
        %parallel_loop3A_1942 = arith.constant 0 : i32
        %parallel_loop3A_1943 = tpu.memref_slice %arg9[%parallel_loop3A_1577, %parallel_loop3A_1941, %parallel_loop3A_1942] : memref<3x64x256xf32, #tpu.memory_space<vmem>> -> memref<1x64x256xf32, #tpu.memory_space<vmem>>
        %parallel_loop3A_1944 = tpu.memref_squeeze %parallel_loop3A_1943 : memref<1x64x256xf32, #tpu.memory_space<vmem>> -> memref<64x256xf32, #tpu.memory_space<vmem>>
        %parallel_loop3A_1945 = tpu.vector_load_idx %parallel_loop3A_1944[%parallel_loop3A_1932, %parallel_loop3A_1940] : memref<64x256xf32, #tpu.memory_space<vmem>>[vector<16xi32>, vector<16xi32>], vector<16xf32>,
        %parallel_loop3A_1946 = arith.constant 16 : i32
        %parallel_loop3A_1947 = arith.muli %parallel_loop3A_1946, %parallel_loop3A_1936 : i32
        %parallel_loop3A_1948 = arith.constant 0 : i32
        %parallel_loop3A_1949 = arith.constant 0 : i32
        %parallel_loop3A_1950 = tpu.memref_slice %arg8[%parallel_loop3A_1578, %parallel_loop3A_1948, %parallel_loop3A_1949] : memref<3x16x1024xf32, #tpu.memory_space<vmem>> -> memref<1x16x1024xf32, #tpu.memory_space<vmem>>
        %parallel_loop3A_1951 = tpu.memref_squeeze %parallel_loop3A_1950 : memref<1x16x1024xf32, #tpu.memory_space<vmem>> -> memref<16x1024xf32, #tpu.memory_space<vmem>>
        %parallel_loop3A_1952 = arith.index_cast %parallel_loop3A_1930 : i32 to index
        %parallel_loop3A_1953 = arith.index_cast %parallel_loop3A_1947 : i32 to index
        %parallel_loop3A_1954 = tpu.vector_load %parallel_loop3A_1951[%parallel_loop3A_1952, %parallel_loop3A_1953] {strides = array<i32>} : memref<16x1024xf32, #tpu.memory_space<vmem>>, vector<16xf32>,
        tpu.vector_store %parallel_loop3A_1951[%parallel_loop3A_1952, %parallel_loop3A_1953], %parallel_loop3A_1945 {add = true, strides = array<i32>} : memref<16x1024xf32, #tpu.memory_space<vmem>>, vector<16xf32>,
      } {sc.loop_unroll_factor = 8 : i64, sc.parallel_access}
    } {sc.loop_unroll_factor = 1 : i64, sc.parallel_access}
    %mul3A_1579 = arith.constant 256 : i32
    %mul3A_1580 = arith.muli %add3A, %mul3A_1579 : i32
    %add3A_1581 = arith.constant 192 : i32
    %add3A_1582 = arith.addi %mul3A_1580, %add3A_1581 : i32
    %dma_start3A_1583 = arith.constant 0 : i32
    %dma_start3A_1584 = arith.constant 0 : i32
    %dma_start3A_1585 = arith.constant 0 : i32
    %dma_start3A_1586 = tpu.memref_slice %arg8[%dma_start3A_1583, %dma_start3A_1584, %dma_start3A_1585] : memref<3x16x1024xf32, #tpu.memory_space<vmem>> -> memref<1x16x1024xf32, #tpu.memory_space<vmem>>
    %dma_start3A_1587 = tpu.memref_squeeze %dma_start3A_1586 : memref<1x16x1024xf32, #tpu.memory_space<vmem>> -> memref<16x1024xf32, #tpu.memory_space<vmem>>
    %dma_start3A_1588 = arith.constant 0 : i32
    %dma_start3A_1589 = tpu.memref_slice %arg7[%add3A_1582, %dma_start3A_1588] : memref<8192x1024xf32, #tpu.memory_space<hbm>> -> memref<16x1024xf32, #tpu.memory_space<hbm>>
    %dma_start3A_1590 = arith.constant 0 : i32
    %dma_start3A_1591 = tpu.memref_slice %arg7[%add3A_1582, %dma_start3A_1590] : memref<8192x1024xf32, #tpu.memory_space<hbm>> -> memref<16x1024xf32, #tpu.memory_space<hbm>>
    %dma_start3A_1592 = arith.constant 0 : i32
    %dma_start3A_1593 = arith.constant 0 : i32
    %dma_start3A_1594 = tpu.memref_slice %arg8[%dma_start3A_1583, %dma_start3A_1592, %dma_start3A_1593] : memref<3x16x1024xf32, #tpu.memory_space<vmem>> -> memref<1x16x1024xf32, #tpu.memory_space<vmem>>
    %dma_start3A_1595 = tpu.memref_squeeze %dma_start3A_1594 : memref<1x16x1024xf32, #tpu.memory_space<vmem>> -> memref<16x1024xf32, #tpu.memory_space<vmem>>
    tpu.enqueue_dma source(%dma_start3A_1595 : memref<16x1024xf32, #tpu.memory_space<vmem>>) target(%dma_start3A_1591 : memref<16x1024xf32, #tpu.memory_space<hbm>>) target_semaphore(%arg13 : memref<!tpu.dma_semaphore, #tpu.memory_space<semaphore_mem>>)
    %dma_wait3A_1596 = arith.constant 2 : i32
    %dma_wait3A_1597 = arith.constant 0 : i32
    %dma_wait3A_1598 = arith.constant 0 : i32
    %dma_wait3A_1599 = tpu.memref_slice %arg8[%dma_wait3A_1596, %dma_wait3A_1597, %dma_wait3A_1598] : memref<3x16x1024xf32, #tpu.memory_space<vmem>> -> memref<1x16x1024xf32, #tpu.memory_space<vmem>>
    %dma_wait3A_1600 = tpu.memref_squeeze %dma_wait3A_1599 : memref<1x16x1024xf32, #tpu.memory_space<vmem>> -> memref<16x1024xf32, #tpu.memory_space<vmem>>
    %dma_wait3A_1601 = arith.constant 0 : i32
    %dma_wait3A_1602 = tpu.memref_slice %arg7[%add3A_1465, %dma_wait3A_1601] : memref<8192x1024xf32, #tpu.memory_space<hbm>> -> memref<16x1024xf32, #tpu.memory_space<hbm>>
    %dma_wait3A_1603 = arith.constant 0 : i32
    %dma_wait3A_1604 = tpu.memref_slice %arg7[%add3A_1465, %dma_wait3A_1603] : memref<8192x1024xf32, #tpu.memory_space<hbm>> -> memref<16x1024xf32, #tpu.memory_space<hbm>>
    %dma_wait3A_1605 = arith.constant 0 : i32
    %dma_wait3A_1606 = arith.constant 0 : i32
    %dma_wait3A_1607 = tpu.memref_slice %arg8[%dma_wait3A_1596, %dma_wait3A_1605, %dma_wait3A_1606] : memref<3x16x1024xf32, #tpu.memory_space<vmem>> -> memref<1x16x1024xf32, #tpu.memory_space<vmem>>
    %dma_wait3A_1608 = tpu.memref_squeeze %dma_wait3A_1607 : memref<1x16x1024xf32, #tpu.memory_space<vmem>> -> memref<16x1024xf32, #tpu.memory_space<vmem>>
    tpu.wait_dma2 semaphore(%arg13 : memref<!tpu.dma_semaphore, #tpu.memory_space<semaphore_mem>>) src(%dma_wait3A_1608 : memref<16x1024xf32, #tpu.memory_space<vmem>>) dst(%dma_wait3A_1604 : memref<16x1024xf32, #tpu.memory_space<hbm>>)
    %mul3A_1609 = arith.constant 256 : i32
    %mul3A_1610 = arith.muli %add3A, %mul3A_1609 : i32
    %add3A_1611 = arith.constant 224 : i32
    %add3A_1612 = arith.addi %mul3A_1610, %add3A_1611 : i32
    %dma_start3A_1613 = arith.constant 2 : i32
    %dma_start3A_1614 = arith.constant 0 : i32
    %dma_start3A_1615 = arith.constant 0 : i32
    %dma_start3A_1616 = tpu.memref_slice %arg8[%dma_start3A_1613, %dma_start3A_1614, %dma_start3A_1615] : memref<3x16x1024xf32, #tpu.memory_space<vmem>> -> memref<1x16x1024xf32, #tpu.memory_space<vmem>>
    %dma_start3A_1617 = tpu.memref_squeeze %dma_start3A_1616 : memref<1x16x1024xf32, #tpu.memory_space<vmem>> -> memref<16x1024xf32, #tpu.memory_space<vmem>>
    %dma_start3A_1618 = arith.constant 0 : i32
    %dma_start3A_1619 = tpu.memref_slice %arg2[%add3A_1612, %dma_start3A_1618] : memref<8192x1024xf32, #tpu.memory_space<hbm>> -> memref<16x1024xf32, #tpu.memory_space<hbm>>
    %dma_start3A_1620 = arith.constant 0 : i32
    %dma_start3A_1621 = arith.constant 0 : i32
    %dma_start3A_1622 = tpu.memref_slice %arg8[%dma_start3A_1613, %dma_start3A_1620, %dma_start3A_1621] : memref<3x16x1024xf32, #tpu.memory_space<vmem>> -> memref<1x16x1024xf32, #tpu.memory_space<vmem>>
    %dma_start3A_1623 = tpu.memref_squeeze %dma_start3A_1622 : memref<1x16x1024xf32, #tpu.memory_space<vmem>> -> memref<16x1024xf32, #tpu.memory_space<vmem>>
    %dma_start3A_1624 = arith.constant 0 : i32
    %dma_start3A_1625 = tpu.memref_slice %arg2[%add3A_1612, %dma_start3A_1624] : memref<8192x1024xf32, #tpu.memory_space<hbm>> -> memref<16x1024xf32, #tpu.memory_space<hbm>>
    tpu.enqueue_dma source(%dma_start3A_1625 : memref<16x1024xf32, #tpu.memory_space<hbm>>) target(%dma_start3A_1623 : memref<16x1024xf32, #tpu.memory_space<vmem>>) target_semaphore(%arg11 : memref<!tpu.dma_semaphore, #tpu.memory_space<semaphore_mem>>)
    %dma_start3A_1626 = arith.constant 0 : i32
    %dma_start3A_1627 = arith.constant 14 : i32
    %dma_start3A_1628 = arith.constant 2 : i32
    %dma_start3A_1629 = arith.constant 0 : i32
    %dma_start3A_1630 = arith.constant 0 : i32
    %dma_start3A_1631 = tpu.memref_slice %arg9[%dma_start3A_1628, %dma_start3A_1629, %dma_start3A_1630] : memref<3x64x256xf32, #tpu.memory_space<vmem>> -> memref<1x32x256xf32, #tpu.memory_space<vmem>>
    %dma_start3A_1632 = tpu.memref_squeeze %dma_start3A_1631 : memref<1x32x256xf32, #tpu.memory_space<vmem>> -> memref<32x256xf32, #tpu.memory_space<vmem>>
    %dma_start3A_1633 = arith.constant 0 : i32
    %dma_start3A_1634 = tpu.memref_slice %arg10[%dma_start3A_1626, %dma_start3A_1627, %dma_start3A_1633] : memref<2x16x32xi32, #tpu.memory_space<vmem>> -> memref<1x1x32xi32, #tpu.memory_space<vmem>>
    %dma_start3A_1635 = tpu.memref_squeeze %dma_start3A_1634 : memref<1x1x32xi32, #tpu.memory_space<vmem>> -> memref<32xi32, #tpu.memory_space<vmem>>
    %dma_start3A_1636 = arith.constant 0 : i32
    %dma_start3A_1637 = arith.constant 0 : i32
    %dma_start3A_1638 = tpu.memref_slice %arg5[%dma_start3A_1636, %dma_start3A_1637] : memref<1025x256xf32, #tpu.memory_space<hbm>> -> memref<1025x256xf32, #tpu.memory_space<hbm>>
    tpu.enqueue_indirect_dma source(%dma_start3A_1638 : memref<1025x256xf32, #tpu.memory_space<hbm>>) target(%dma_start3A_1632 : memref<32x256xf32, #tpu.memory_space<vmem>>) offsets(%dma_start3A_1635 : memref<32xi32, #tpu.memory_space<vmem>>) semaphore(%arg12 : memref<!tpu.dma_semaphore, #tpu.memory_space<semaphore_mem>>)
    %dma_start3A_1639 = arith.constant 1 : i32
    %dma_start3A_1640 = arith.constant 14 : i32
    %dma_start3A_1641 = arith.constant 2 : i32
    %dma_start3A_1642 = arith.constant 32 : i32
    %dma_start3A_1643 = arith.constant 0 : i32
    %dma_start3A_1644 = tpu.memref_slice %arg9[%dma_start3A_1641, %dma_start3A_1642, %dma_start3A_1643] : memref<3x64x256xf32, #tpu.memory_space<vmem>> -> memref<1x32x256xf32, #tpu.memory_space<vmem>>
    %dma_start3A_1645 = tpu.memref_squeeze %dma_start3A_1644 : memref<1x32x256xf32, #tpu.memory_space<vmem>> -> memref<32x256xf32, #tpu.memory_space<vmem>>
    %dma_start3A_1646 = arith.constant 0 : i32
    %dma_start3A_1647 = tpu.memref_slice %arg10[%dma_start3A_1639, %dma_start3A_1640, %dma_start3A_1646] : memref<2x16x32xi32, #tpu.memory_space<vmem>> -> memref<1x1x32xi32, #tpu.memory_space<vmem>>
    %dma_start3A_1648 = tpu.memref_squeeze %dma_start3A_1647 : memref<1x1x32xi32, #tpu.memory_space<vmem>> -> memref<32xi32, #tpu.memory_space<vmem>>
    %dma_start3A_1649 = arith.constant 0 : i32
    %dma_start3A_1650 = arith.constant 0 : i32
    %dma_start3A_1651 = tpu.memref_slice %arg6[%dma_start3A_1649, %dma_start3A_1650] : memref<1025x256xf32, #tpu.memory_space<hbm>> -> memref<1025x256xf32, #tpu.memory_space<hbm>>
    tpu.enqueue_indirect_dma source(%dma_start3A_1651 : memref<1025x256xf32, #tpu.memory_space<hbm>>) target(%dma_start3A_1645 : memref<32x256xf32, #tpu.memory_space<vmem>>) offsets(%dma_start3A_1648 : memref<32xi32, #tpu.memory_space<vmem>>) semaphore(%arg12 : memref<!tpu.dma_semaphore, #tpu.memory_space<semaphore_mem>>)
    %dma_wait3A_1652 = arith.constant 1 : i32
    %dma_wait3A_1653 = arith.constant 0 : i32
    %dma_wait3A_1654 = arith.constant 0 : i32
    %dma_wait3A_1655 = tpu.memref_slice %arg8[%dma_wait3A_1652, %dma_wait3A_1653, %dma_wait3A_1654] : memref<3x16x1024xf32, #tpu.memory_space<vmem>> -> memref<1x16x1024xf32, #tpu.memory_space<vmem>>
    %dma_wait3A_1656 = tpu.memref_squeeze %dma_wait3A_1655 : memref<1x16x1024xf32, #tpu.memory_space<vmem>> -> memref<16x1024xf32, #tpu.memory_space<vmem>>
    %dma_wait3A_1657 = arith.constant 0 : i32
    %dma_wait3A_1658 = tpu.memref_slice %arg2[%add3A_1495, %dma_wait3A_1657] : memref<8192x1024xf32, #tpu.memory_space<hbm>> -> memref<16x1024xf32, #tpu.memory_space<hbm>>
    %dma_wait3A_1659 = arith.constant 0 : i32
    %dma_wait3A_1660 = arith.constant 0 : i32
    %dma_wait3A_1661 = tpu.memref_slice %arg8[%dma_wait3A_1652, %dma_wait3A_1659, %dma_wait3A_1660] : memref<3x16x1024xf32, #tpu.memory_space<vmem>> -> memref<1x16x1024xf32, #tpu.memory_space<vmem>>
    %dma_wait3A_1662 = tpu.memref_squeeze %dma_wait3A_1661 : memref<1x16x1024xf32, #tpu.memory_space<vmem>> -> memref<16x1024xf32, #tpu.memory_space<vmem>>
    %dma_wait3A_1663 = arith.constant 0 : i32
    %dma_wait3A_1664 = tpu.memref_slice %arg2[%add3A_1495, %dma_wait3A_1663] : memref<8192x1024xf32, #tpu.memory_space<hbm>> -> memref<16x1024xf32, #tpu.memory_space<hbm>>
    tpu.wait_dma2 semaphore(%arg11 : memref<!tpu.dma_semaphore, #tpu.memory_space<semaphore_mem>>) src(%dma_wait3A_1664 : memref<16x1024xf32, #tpu.memory_space<hbm>>) dst(%dma_wait3A_1662 : memref<16x1024xf32, #tpu.memory_space<vmem>>)
    %dma_wait3A_1665 = arith.constant 0 : i32
    %dma_wait3A_1666 = arith.constant 13 : i32
    %dma_wait3A_1667 = arith.constant 1 : i32
    %dma_wait3A_1668 = arith.constant 0 : i32
    %dma_wait3A_1669 = arith.constant 0 : i32
    %dma_wait3A_1670 = tpu.memref_slice %arg9[%dma_wait3A_1667, %dma_wait3A_1668, %dma_wait3A_1669] : memref<3x64x256xf32, #tpu.memory_space<vmem>> -> memref<1x32x256xf32, #tpu.memory_space<vmem>>
    %dma_wait3A_1671 = tpu.memref_squeeze %dma_wait3A_1670 : memref<1x32x256xf32, #tpu.memory_space<vmem>> -> memref<32x256xf32, #tpu.memory_space<vmem>>
    %dma_wait3A_1672 = arith.constant 0 : i32
    %dma_wait3A_1673 = tpu.memref_slice %arg10[%dma_wait3A_1665, %dma_wait3A_1666, %dma_wait3A_1672] : memref<2x16x32xi32, #tpu.memory_space<vmem>> -> memref<1x1x32xi32, #tpu.memory_space<vmem>>
    %dma_wait3A_1674 = tpu.memref_squeeze %dma_wait3A_1673 : memref<1x1x32xi32, #tpu.memory_space<vmem>> -> memref<32xi32, #tpu.memory_space<vmem>>
    %dma_wait3A_1675 = arith.constant 0 : i32
    %dma_wait3A_1676 = arith.constant 0 : i32
    %dma_wait3A_1677 = tpu.memref_slice %arg5[%dma_wait3A_1675, %dma_wait3A_1676] : memref<1025x256xf32, #tpu.memory_space<hbm>> -> memref<1025x256xf32, #tpu.memory_space<hbm>>
    tpu.wait_indirect_dma semaphore(%arg12 : memref<!tpu.dma_semaphore, #tpu.memory_space<semaphore_mem>>) src(%dma_wait3A_1677 : memref<1025x256xf32, #tpu.memory_space<hbm>>) dst(%dma_wait3A_1671 : memref<32x256xf32, #tpu.memory_space<vmem>>)
    %dma_wait3A_1678 = arith.constant 1 : i32
    %dma_wait3A_1679 = arith.constant 13 : i32
    %dma_wait3A_1680 = arith.constant 1 : i32
    %dma_wait3A_1681 = arith.constant 32 : i32
    %dma_wait3A_1682 = arith.constant 0 : i32
    %dma_wait3A_1683 = tpu.memref_slice %arg9[%dma_wait3A_1680, %dma_wait3A_1681, %dma_wait3A_1682] : memref<3x64x256xf32, #tpu.memory_space<vmem>> -> memref<1x32x256xf32, #tpu.memory_space<vmem>>
    %dma_wait3A_1684 = tpu.memref_squeeze %dma_wait3A_1683 : memref<1x32x256xf32, #tpu.memory_space<vmem>> -> memref<32x256xf32, #tpu.memory_space<vmem>>
    %dma_wait3A_1685 = arith.constant 0 : i32
    %dma_wait3A_1686 = tpu.memref_slice %arg10[%dma_wait3A_1678, %dma_wait3A_1679, %dma_wait3A_1685] : memref<2x16x32xi32, #tpu.memory_space<vmem>> -> memref<1x1x32xi32, #tpu.memory_space<vmem>>
    %dma_wait3A_1687 = tpu.memref_squeeze %dma_wait3A_1686 : memref<1x1x32xi32, #tpu.memory_space<vmem>> -> memref<32xi32, #tpu.memory_space<vmem>>
    %dma_wait3A_1688 = arith.constant 0 : i32
    %dma_wait3A_1689 = arith.constant 0 : i32
    %dma_wait3A_1690 = tpu.memref_slice %arg6[%dma_wait3A_1688, %dma_wait3A_1689] : memref<1025x256xf32, #tpu.memory_space<hbm>> -> memref<1025x256xf32, #tpu.memory_space<hbm>>
    tpu.wait_indirect_dma semaphore(%arg12 : memref<!tpu.dma_semaphore, #tpu.memory_space<semaphore_mem>>) src(%dma_wait3A_1690 : memref<1025x256xf32, #tpu.memory_space<hbm>>) dst(%dma_wait3A_1684 : memref<32x256xf32, #tpu.memory_space<vmem>>)
    %parallel_loop3A_1691 = arith.constant 0 : i32
    %parallel_loop3A_1692 = arith.constant 16 : i32
    %parallel_loop3A_1693 = arith.constant 1 : i32
    %parallel_loop3A_1694 = arith.constant 1 : i32
    %parallel_loop3A_1695 = arith.constant 1 : i32
    scf.for %parallel_loop3A_1930 = %parallel_loop3A_1691 to %parallel_loop3A_1692 step %parallel_loop3A_1693  : i32 {
      %parallel_loop3A_1931 = vector.broadcast %parallel_loop3A_1930 : i32 to vector<16xi32>
      %parallel_loop3A_1932 = arith.addi %add3A_60, %parallel_loop3A_1931 : vector<16xi32>
      %parallel_loop3A_1933 = arith.constant 0 : i32
      %parallel_loop3A_1934 = arith.constant 64 : i32
      %parallel_loop3A_1935 = arith.constant 1 : i32
      scf.for %parallel_loop3A_1936 = %parallel_loop3A_1933 to %parallel_loop3A_1934 step %parallel_loop3A_1935  : i32 {
        %parallel_loop3A_1937 = arith.constant 4 : i32
        %parallel_loop3A_1938 = arith.muli %parallel_loop3A_1937, %parallel_loop3A_1936 : i32
        %parallel_loop3A_1939 = vector.broadcast %parallel_loop3A_1938 : i32 to vector<16xi32>
        %parallel_loop3A_1940 = arith.addi %select_n3A_48, %parallel_loop3A_1939 : vector<16xi32>
        %parallel_loop3A_1941 = arith.constant 0 : i32
        %parallel_loop3A_1942 = arith.constant 0 : i32
        %parallel_loop3A_1943 = tpu.memref_slice %arg9[%parallel_loop3A_1694, %parallel_loop3A_1941, %parallel_loop3A_1942] : memref<3x64x256xf32, #tpu.memory_space<vmem>> -> memref<1x64x256xf32, #tpu.memory_space<vmem>>
        %parallel_loop3A_1944 = tpu.memref_squeeze %parallel_loop3A_1943 : memref<1x64x256xf32, #tpu.memory_space<vmem>> -> memref<64x256xf32, #tpu.memory_space<vmem>>
        %parallel_loop3A_1945 = tpu.vector_load_idx %parallel_loop3A_1944[%parallel_loop3A_1932, %parallel_loop3A_1940] : memref<64x256xf32, #tpu.memory_space<vmem>>[vector<16xi32>, vector<16xi32>], vector<16xf32>,
        %parallel_loop3A_1946 = arith.constant 16 : i32
        %parallel_loop3A_1947 = arith.muli %parallel_loop3A_1946, %parallel_loop3A_1936 : i32
        %parallel_loop3A_1948 = arith.constant 0 : i32
        %parallel_loop3A_1949 = arith.constant 0 : i32
        %parallel_loop3A_1950 = tpu.memref_slice %arg8[%parallel_loop3A_1695, %parallel_loop3A_1948, %parallel_loop3A_1949] : memref<3x16x1024xf32, #tpu.memory_space<vmem>> -> memref<1x16x1024xf32, #tpu.memory_space<vmem>>
        %parallel_loop3A_1951 = tpu.memref_squeeze %parallel_loop3A_1950 : memref<1x16x1024xf32, #tpu.memory_space<vmem>> -> memref<16x1024xf32, #tpu.memory_space<vmem>>
        %parallel_loop3A_1952 = arith.index_cast %parallel_loop3A_1930 : i32 to index
        %parallel_loop3A_1953 = arith.index_cast %parallel_loop3A_1947 : i32 to index
        %parallel_loop3A_1954 = tpu.vector_load %parallel_loop3A_1951[%parallel_loop3A_1952, %parallel_loop3A_1953] {strides = array<i32>} : memref<16x1024xf32, #tpu.memory_space<vmem>>, vector<16xf32>,
        tpu.vector_store %parallel_loop3A_1951[%parallel_loop3A_1952, %parallel_loop3A_1953], %parallel_loop3A_1945 {add = true, strides = array<i32>} : memref<16x1024xf32, #tpu.memory_space<vmem>>, vector<16xf32>,
      } {sc.loop_unroll_factor = 8 : i64, sc.parallel_access}
    } {sc.loop_unroll_factor = 1 : i64, sc.parallel_access}
    %mul3A_1696 = arith.constant 256 : i32
    %mul3A_1697 = arith.muli %add3A, %mul3A_1696 : i32
    %add3A_1698 = arith.constant 208 : i32
    %add3A_1699 = arith.addi %mul3A_1697, %add3A_1698 : i32
    %dma_start3A_1700 = arith.constant 1 : i32
    %dma_start3A_1701 = arith.constant 0 : i32
    %dma_start3A_1702 = arith.constant 0 : i32
    %dma_start3A_1703 = tpu.memref_slice %arg8[%dma_start3A_1700, %dma_start3A_1701, %dma_start3A_1702] : memref<3x16x1024xf32, #tpu.memory_space<vmem>> -> memref<1x16x1024xf32, #tpu.memory_space<vmem>>
    %dma_start3A_1704 = tpu.memref_squeeze %dma_start3A_1703 : memref<1x16x1024xf32, #tpu.memory_space<vmem>> -> memref<16x1024xf32, #tpu.memory_space<vmem>>
    %dma_start3A_1705 = arith.constant 0 : i32
    %dma_start3A_1706 = tpu.memref_slice %arg7[%add3A_1699, %dma_start3A_1705] : memref<8192x1024xf32, #tpu.memory_space<hbm>> -> memref<16x1024xf32, #tpu.memory_space<hbm>>
    %dma_start3A_1707 = arith.constant 0 : i32
    %dma_start3A_1708 = tpu.memref_slice %arg7[%add3A_1699, %dma_start3A_1707] : memref<8192x1024xf32, #tpu.memory_space<hbm>> -> memref<16x1024xf32, #tpu.memory_space<hbm>>
    %dma_start3A_1709 = arith.constant 0 : i32
    %dma_start3A_1710 = arith.constant 0 : i32
    %dma_start3A_1711 = tpu.memref_slice %arg8[%dma_start3A_1700, %dma_start3A_1709, %dma_start3A_1710] : memref<3x16x1024xf32, #tpu.memory_space<vmem>> -> memref<1x16x1024xf32, #tpu.memory_space<vmem>>
    %dma_start3A_1712 = tpu.memref_squeeze %dma_start3A_1711 : memref<1x16x1024xf32, #tpu.memory_space<vmem>> -> memref<16x1024xf32, #tpu.memory_space<vmem>>
    tpu.enqueue_dma source(%dma_start3A_1712 : memref<16x1024xf32, #tpu.memory_space<vmem>>) target(%dma_start3A_1708 : memref<16x1024xf32, #tpu.memory_space<hbm>>) target_semaphore(%arg13 : memref<!tpu.dma_semaphore, #tpu.memory_space<semaphore_mem>>)
    %dma_wait3A_1713 = arith.constant 0 : i32
    %dma_wait3A_1714 = arith.constant 0 : i32
    %dma_wait3A_1715 = arith.constant 0 : i32
    %dma_wait3A_1716 = tpu.memref_slice %arg8[%dma_wait3A_1713, %dma_wait3A_1714, %dma_wait3A_1715] : memref<3x16x1024xf32, #tpu.memory_space<vmem>> -> memref<1x16x1024xf32, #tpu.memory_space<vmem>>
    %dma_wait3A_1717 = tpu.memref_squeeze %dma_wait3A_1716 : memref<1x16x1024xf32, #tpu.memory_space<vmem>> -> memref<16x1024xf32, #tpu.memory_space<vmem>>
    %dma_wait3A_1718 = arith.constant 0 : i32
    %dma_wait3A_1719 = tpu.memref_slice %arg7[%add3A_1582, %dma_wait3A_1718] : memref<8192x1024xf32, #tpu.memory_space<hbm>> -> memref<16x1024xf32, #tpu.memory_space<hbm>>
    %dma_wait3A_1720 = arith.constant 0 : i32
    %dma_wait3A_1721 = tpu.memref_slice %arg7[%add3A_1582, %dma_wait3A_1720] : memref<8192x1024xf32, #tpu.memory_space<hbm>> -> memref<16x1024xf32, #tpu.memory_space<hbm>>
    %dma_wait3A_1722 = arith.constant 0 : i32
    %dma_wait3A_1723 = arith.constant 0 : i32
    %dma_wait3A_1724 = tpu.memref_slice %arg8[%dma_wait3A_1713, %dma_wait3A_1722, %dma_wait3A_1723] : memref<3x16x1024xf32, #tpu.memory_space<vmem>> -> memref<1x16x1024xf32, #tpu.memory_space<vmem>>
    %dma_wait3A_1725 = tpu.memref_squeeze %dma_wait3A_1724 : memref<1x16x1024xf32, #tpu.memory_space<vmem>> -> memref<16x1024xf32, #tpu.memory_space<vmem>>
    tpu.wait_dma2 semaphore(%arg13 : memref<!tpu.dma_semaphore, #tpu.memory_space<semaphore_mem>>) src(%dma_wait3A_1725 : memref<16x1024xf32, #tpu.memory_space<vmem>>) dst(%dma_wait3A_1721 : memref<16x1024xf32, #tpu.memory_space<hbm>>)
    %mul3A_1726 = arith.constant 256 : i32
    %mul3A_1727 = arith.muli %add3A, %mul3A_1726 : i32
    %add3A_1728 = arith.constant 240 : i32
    %add3A_1729 = arith.addi %mul3A_1727, %add3A_1728 : i32
    %dma_start3A_1730 = arith.constant 0 : i32
    %dma_start3A_1731 = arith.constant 0 : i32
    %dma_start3A_1732 = arith.constant 0 : i32
    %dma_start3A_1733 = tpu.memref_slice %arg8[%dma_start3A_1730, %dma_start3A_1731, %dma_start3A_1732] : memref<3x16x1024xf32, #tpu.memory_space<vmem>> -> memref<1x16x1024xf32, #tpu.memory_space<vmem>>
    %dma_start3A_1734 = tpu.memref_squeeze %dma_start3A_1733 : memref<1x16x1024xf32, #tpu.memory_space<vmem>> -> memref<16x1024xf32, #tpu.memory_space<vmem>>
    %dma_start3A_1735 = arith.constant 0 : i32
    %dma_start3A_1736 = tpu.memref_slice %arg2[%add3A_1729, %dma_start3A_1735] : memref<8192x1024xf32, #tpu.memory_space<hbm>> -> memref<16x1024xf32, #tpu.memory_space<hbm>>
    %dma_start3A_1737 = arith.constant 0 : i32
    %dma_start3A_1738 = arith.constant 0 : i32
    %dma_start3A_1739 = tpu.memref_slice %arg8[%dma_start3A_1730, %dma_start3A_1737, %dma_start3A_1738] : memref<3x16x1024xf32, #tpu.memory_space<vmem>> -> memref<1x16x1024xf32, #tpu.memory_space<vmem>>
    %dma_start3A_1740 = tpu.memref_squeeze %dma_start3A_1739 : memref<1x16x1024xf32, #tpu.memory_space<vmem>> -> memref<16x1024xf32, #tpu.memory_space<vmem>>
    %dma_start3A_1741 = arith.constant 0 : i32
    %dma_start3A_1742 = tpu.memref_slice %arg2[%add3A_1729, %dma_start3A_1741] : memref<8192x1024xf32, #tpu.memory_space<hbm>> -> memref<16x1024xf32, #tpu.memory_space<hbm>>
    tpu.enqueue_dma source(%dma_start3A_1742 : memref<16x1024xf32, #tpu.memory_space<hbm>>) target(%dma_start3A_1740 : memref<16x1024xf32, #tpu.memory_space<vmem>>) target_semaphore(%arg11 : memref<!tpu.dma_semaphore, #tpu.memory_space<semaphore_mem>>)
    %dma_start3A_1743 = arith.constant 0 : i32
    %dma_start3A_1744 = arith.constant 15 : i32
    %dma_start3A_1745 = arith.constant 0 : i32
    %dma_start3A_1746 = arith.constant 0 : i32
    %dma_start3A_1747 = arith.constant 0 : i32
    %dma_start3A_1748 = tpu.memref_slice %arg9[%dma_start3A_1745, %dma_start3A_1746, %dma_start3A_1747] : memref<3x64x256xf32, #tpu.memory_space<vmem>> -> memref<1x32x256xf32, #tpu.memory_space<vmem>>
    %dma_start3A_1749 = tpu.memref_squeeze %dma_start3A_1748 : memref<1x32x256xf32, #tpu.memory_space<vmem>> -> memref<32x256xf32, #tpu.memory_space<vmem>>
    %dma_start3A_1750 = arith.constant 0 : i32
    %dma_start3A_1751 = tpu.memref_slice %arg10[%dma_start3A_1743, %dma_start3A_1744, %dma_start3A_1750] : memref<2x16x32xi32, #tpu.memory_space<vmem>> -> memref<1x1x32xi32, #tpu.memory_space<vmem>>
    %dma_start3A_1752 = tpu.memref_squeeze %dma_start3A_1751 : memref<1x1x32xi32, #tpu.memory_space<vmem>> -> memref<32xi32, #tpu.memory_space<vmem>>
    %dma_start3A_1753 = arith.constant 0 : i32
    %dma_start3A_1754 = arith.constant 0 : i32
    %dma_start3A_1755 = tpu.memref_slice %arg5[%dma_start3A_1753, %dma_start3A_1754] : memref<1025x256xf32, #tpu.memory_space<hbm>> -> memref<1025x256xf32, #tpu.memory_space<hbm>>
    tpu.enqueue_indirect_dma source(%dma_start3A_1755 : memref<1025x256xf32, #tpu.memory_space<hbm>>) target(%dma_start3A_1749 : memref<32x256xf32, #tpu.memory_space<vmem>>) offsets(%dma_start3A_1752 : memref<32xi32, #tpu.memory_space<vmem>>) semaphore(%arg12 : memref<!tpu.dma_semaphore, #tpu.memory_space<semaphore_mem>>)
    %dma_start3A_1756 = arith.constant 1 : i32
    %dma_start3A_1757 = arith.constant 15 : i32
    %dma_start3A_1758 = arith.constant 0 : i32
    %dma_start3A_1759 = arith.constant 32 : i32
    %dma_start3A_1760 = arith.constant 0 : i32
    %dma_start3A_1761 = tpu.memref_slice %arg9[%dma_start3A_1758, %dma_start3A_1759, %dma_start3A_1760] : memref<3x64x256xf32, #tpu.memory_space<vmem>> -> memref<1x32x256xf32, #tpu.memory_space<vmem>>
    %dma_start3A_1762 = tpu.memref_squeeze %dma_start3A_1761 : memref<1x32x256xf32, #tpu.memory_space<vmem>> -> memref<32x256xf32, #tpu.memory_space<vmem>>
    %dma_start3A_1763 = arith.constant 0 : i32
    %dma_start3A_1764 = tpu.memref_slice %arg10[%dma_start3A_1756, %dma_start3A_1757, %dma_start3A_1763] : memref<2x16x32xi32, #tpu.memory_space<vmem>> -> memref<1x1x32xi32, #tpu.memory_space<vmem>>
    %dma_start3A_1765 = tpu.memref_squeeze %dma_start3A_1764 : memref<1x1x32xi32, #tpu.memory_space<vmem>> -> memref<32xi32, #tpu.memory_space<vmem>>
    %dma_start3A_1766 = arith.constant 0 : i32
    %dma_start3A_1767 = arith.constant 0 : i32
    %dma_start3A_1768 = tpu.memref_slice %arg6[%dma_start3A_1766, %dma_start3A_1767] : memref<1025x256xf32, #tpu.memory_space<hbm>> -> memref<1025x256xf32, #tpu.memory_space<hbm>>
    tpu.enqueue_indirect_dma source(%dma_start3A_1768 : memref<1025x256xf32, #tpu.memory_space<hbm>>) target(%dma_start3A_1762 : memref<32x256xf32, #tpu.memory_space<vmem>>) offsets(%dma_start3A_1765 : memref<32xi32, #tpu.memory_space<vmem>>) semaphore(%arg12 : memref<!tpu.dma_semaphore, #tpu.memory_space<semaphore_mem>>)
    %dma_wait3A_1769 = arith.constant 2 : i32
    %dma_wait3A_1770 = arith.constant 0 : i32
    %dma_wait3A_1771 = arith.constant 0 : i32
    %dma_wait3A_1772 = tpu.memref_slice %arg8[%dma_wait3A_1769, %dma_wait3A_1770, %dma_wait3A_1771] : memref<3x16x1024xf32, #tpu.memory_space<vmem>> -> memref<1x16x1024xf32, #tpu.memory_space<vmem>>
    %dma_wait3A_1773 = tpu.memref_squeeze %dma_wait3A_1772 : memref<1x16x1024xf32, #tpu.memory_space<vmem>> -> memref<16x1024xf32, #tpu.memory_space<vmem>>
    %dma_wait3A_1774 = arith.constant 0 : i32
    %dma_wait3A_1775 = tpu.memref_slice %arg2[%add3A_1612, %dma_wait3A_1774] : memref<8192x1024xf32, #tpu.memory_space<hbm>> -> memref<16x1024xf32, #tpu.memory_space<hbm>>
    %dma_wait3A_1776 = arith.constant 0 : i32
    %dma_wait3A_1777 = arith.constant 0 : i32
    %dma_wait3A_1778 = tpu.memref_slice %arg8[%dma_wait3A_1769, %dma_wait3A_1776, %dma_wait3A_1777] : memref<3x16x1024xf32, #tpu.memory_space<vmem>> -> memref<1x16x1024xf32, #tpu.memory_space<vmem>>
    %dma_wait3A_1779 = tpu.memref_squeeze %dma_wait3A_1778 : memref<1x16x1024xf32, #tpu.memory_space<vmem>> -> memref<16x1024xf32, #tpu.memory_space<vmem>>
    %dma_wait3A_1780 = arith.constant 0 : i32
    %dma_wait3A_1781 = tpu.memref_slice %arg2[%add3A_1612, %dma_wait3A_1780] : memref<8192x1024xf32, #tpu.memory_space<hbm>> -> memref<16x1024xf32, #tpu.memory_space<hbm>>
    tpu.wait_dma2 semaphore(%arg11 : memref<!tpu.dma_semaphore, #tpu.memory_space<semaphore_mem>>) src(%dma_wait3A_1781 : memref<16x1024xf32, #tpu.memory_space<hbm>>) dst(%dma_wait3A_1779 : memref<16x1024xf32, #tpu.memory_space<vmem>>)
    %dma_wait3A_1782 = arith.constant 0 : i32
    %dma_wait3A_1783 = arith.constant 14 : i32
    %dma_wait3A_1784 = arith.constant 2 : i32
    %dma_wait3A_1785 = arith.constant 0 : i32
    %dma_wait3A_1786 = arith.constant 0 : i32
    %dma_wait3A_1787 = tpu.memref_slice %arg9[%dma_wait3A_1784, %dma_wait3A_1785, %dma_wait3A_1786] : memref<3x64x256xf32, #tpu.memory_space<vmem>> -> memref<1x32x256xf32, #tpu.memory_space<vmem>>
    %dma_wait3A_1788 = tpu.memref_squeeze %dma_wait3A_1787 : memref<1x32x256xf32, #tpu.memory_space<vmem>> -> memref<32x256xf32, #tpu.memory_space<vmem>>
    %dma_wait3A_1789 = arith.constant 0 : i32
    %dma_wait3A_1790 = tpu.memref_slice %arg10[%dma_wait3A_1782, %dma_wait3A_1783, %dma_wait3A_1789] : memref<2x16x32xi32, #tpu.memory_space<vmem>> -> memref<1x1x32xi32, #tpu.memory_space<vmem>>
    %dma_wait3A_1791 = tpu.memref_squeeze %dma_wait3A_1790 : memref<1x1x32xi32, #tpu.memory_space<vmem>> -> memref<32xi32, #tpu.memory_space<vmem>>
    %dma_wait3A_1792 = arith.constant 0 : i32
    %dma_wait3A_1793 = arith.constant 0 : i32
    %dma_wait3A_1794 = tpu.memref_slice %arg5[%dma_wait3A_1792, %dma_wait3A_1793] : memref<1025x256xf32, #tpu.memory_space<hbm>> -> memref<1025x256xf32, #tpu.memory_space<hbm>>
    tpu.wait_indirect_dma semaphore(%arg12 : memref<!tpu.dma_semaphore, #tpu.memory_space<semaphore_mem>>) src(%dma_wait3A_1794 : memref<1025x256xf32, #tpu.memory_space<hbm>>) dst(%dma_wait3A_1788 : memref<32x256xf32, #tpu.memory_space<vmem>>)
    %dma_wait3A_1795 = arith.constant 1 : i32
    %dma_wait3A_1796 = arith.constant 14 : i32
    %dma_wait3A_1797 = arith.constant 2 : i32
    %dma_wait3A_1798 = arith.constant 32 : i32
    %dma_wait3A_1799 = arith.constant 0 : i32
    %dma_wait3A_1800 = tpu.memref_slice %arg9[%dma_wait3A_1797, %dma_wait3A_1798, %dma_wait3A_1799] : memref<3x64x256xf32, #tpu.memory_space<vmem>> -> memref<1x32x256xf32, #tpu.memory_space<vmem>>
    %dma_wait3A_1801 = tpu.memref_squeeze %dma_wait3A_1800 : memref<1x32x256xf32, #tpu.memory_space<vmem>> -> memref<32x256xf32, #tpu.memory_space<vmem>>
    %dma_wait3A_1802 = arith.constant 0 : i32
    %dma_wait3A_1803 = tpu.memref_slice %arg10[%dma_wait3A_1795, %dma_wait3A_1796, %dma_wait3A_1802] : memref<2x16x32xi32, #tpu.memory_space<vmem>> -> memref<1x1x32xi32, #tpu.memory_space<vmem>>
    %dma_wait3A_1804 = tpu.memref_squeeze %dma_wait3A_1803 : memref<1x1x32xi32, #tpu.memory_space<vmem>> -> memref<32xi32, #tpu.memory_space<vmem>>
    %dma_wait3A_1805 = arith.constant 0 : i32
    %dma_wait3A_1806 = arith.constant 0 : i32
    %dma_wait3A_1807 = tpu.memref_slice %arg6[%dma_wait3A_1805, %dma_wait3A_1806] : memref<1025x256xf32, #tpu.memory_space<hbm>> -> memref<1025x256xf32, #tpu.memory_space<hbm>>
    tpu.wait_indirect_dma semaphore(%arg12 : memref<!tpu.dma_semaphore, #tpu.memory_space<semaphore_mem>>) src(%dma_wait3A_1807 : memref<1025x256xf32, #tpu.memory_space<hbm>>) dst(%dma_wait3A_1801 : memref<32x256xf32, #tpu.memory_space<vmem>>)
    %parallel_loop3A_1808 = arith.constant 0 : i32
    %parallel_loop3A_1809 = arith.constant 16 : i32
    %parallel_loop3A_1810 = arith.constant 1 : i32
    %parallel_loop3A_1811 = arith.constant 2 : i32
    %parallel_loop3A_1812 = arith.constant 2 : i32
    scf.for %parallel_loop3A_1930 = %parallel_loop3A_1808 to %parallel_loop3A_1809 step %parallel_loop3A_1810  : i32 {
      %parallel_loop3A_1931 = vector.broadcast %parallel_loop3A_1930 : i32 to vector<16xi32>
      %parallel_loop3A_1932 = arith.addi %add3A_60, %parallel_loop3A_1931 : vector<16xi32>
      %parallel_loop3A_1933 = arith.constant 0 : i32
      %parallel_loop3A_1934 = arith.constant 64 : i32
      %parallel_loop3A_1935 = arith.constant 1 : i32
      scf.for %parallel_loop3A_1936 = %parallel_loop3A_1933 to %parallel_loop3A_1934 step %parallel_loop3A_1935  : i32 {
        %parallel_loop3A_1937 = arith.constant 4 : i32
        %parallel_loop3A_1938 = arith.muli %parallel_loop3A_1937, %parallel_loop3A_1936 : i32
        %parallel_loop3A_1939 = vector.broadcast %parallel_loop3A_1938 : i32 to vector<16xi32>
        %parallel_loop3A_1940 = arith.addi %select_n3A_48, %parallel_loop3A_1939 : vector<16xi32>
        %parallel_loop3A_1941 = arith.constant 0 : i32
        %parallel_loop3A_1942 = arith.constant 0 : i32
        %parallel_loop3A_1943 = tpu.memref_slice %arg9[%parallel_loop3A_1811, %parallel_loop3A_1941, %parallel_loop3A_1942] : memref<3x64x256xf32, #tpu.memory_space<vmem>> -> memref<1x64x256xf32, #tpu.memory_space<vmem>>
        %parallel_loop3A_1944 = tpu.memref_squeeze %parallel_loop3A_1943 : memref<1x64x256xf32, #tpu.memory_space<vmem>> -> memref<64x256xf32, #tpu.memory_space<vmem>>
        %parallel_loop3A_1945 = tpu.vector_load_idx %parallel_loop3A_1944[%parallel_loop3A_1932, %parallel_loop3A_1940] : memref<64x256xf32, #tpu.memory_space<vmem>>[vector<16xi32>, vector<16xi32>], vector<16xf32>,
        %parallel_loop3A_1946 = arith.constant 16 : i32
        %parallel_loop3A_1947 = arith.muli %parallel_loop3A_1946, %parallel_loop3A_1936 : i32
        %parallel_loop3A_1948 = arith.constant 0 : i32
        %parallel_loop3A_1949 = arith.constant 0 : i32
        %parallel_loop3A_1950 = tpu.memref_slice %arg8[%parallel_loop3A_1812, %parallel_loop3A_1948, %parallel_loop3A_1949] : memref<3x16x1024xf32, #tpu.memory_space<vmem>> -> memref<1x16x1024xf32, #tpu.memory_space<vmem>>
        %parallel_loop3A_1951 = tpu.memref_squeeze %parallel_loop3A_1950 : memref<1x16x1024xf32, #tpu.memory_space<vmem>> -> memref<16x1024xf32, #tpu.memory_space<vmem>>
        %parallel_loop3A_1952 = arith.index_cast %parallel_loop3A_1930 : i32 to index
        %parallel_loop3A_1953 = arith.index_cast %parallel_loop3A_1947 : i32 to index
        %parallel_loop3A_1954 = tpu.vector_load %parallel_loop3A_1951[%parallel_loop3A_1952, %parallel_loop3A_1953] {strides = array<i32>} : memref<16x1024xf32, #tpu.memory_space<vmem>>, vector<16xf32>,
        tpu.vector_store %parallel_loop3A_1951[%parallel_loop3A_1952, %parallel_loop3A_1953], %parallel_loop3A_1945 {add = true, strides = array<i32>} : memref<16x1024xf32, #tpu.memory_space<vmem>>, vector<16xf32>,
      } {sc.loop_unroll_factor = 8 : i64, sc.parallel_access}
    } {sc.loop_unroll_factor = 1 : i64, sc.parallel_access}
    %mul3A_1813 = arith.constant 256 : i32
    %mul3A_1814 = arith.muli %add3A, %mul3A_1813 : i32
    %add3A_1815 = arith.constant 224 : i32
    %add3A_1816 = arith.addi %mul3A_1814, %add3A_1815 : i32
    %dma_start3A_1817 = arith.constant 2 : i32
    %dma_start3A_1818 = arith.constant 0 : i32
    %dma_start3A_1819 = arith.constant 0 : i32
    %dma_start3A_1820 = tpu.memref_slice %arg8[%dma_start3A_1817, %dma_start3A_1818, %dma_start3A_1819] : memref<3x16x1024xf32, #tpu.memory_space<vmem>> -> memref<1x16x1024xf32, #tpu.memory_space<vmem>>
    %dma_start3A_1821 = tpu.memref_squeeze %dma_start3A_1820 : memref<1x16x1024xf32, #tpu.memory_space<vmem>> -> memref<16x1024xf32, #tpu.memory_space<vmem>>
    %dma_start3A_1822 = arith.constant 0 : i32
    %dma_start3A_1823 = tpu.memref_slice %arg7[%add3A_1816, %dma_start3A_1822] : memref<8192x1024xf32, #tpu.memory_space<hbm>> -> memref<16x1024xf32, #tpu.memory_space<hbm>>
    %dma_start3A_1824 = arith.constant 0 : i32
    %dma_start3A_1825 = tpu.memref_slice %arg7[%add3A_1816, %dma_start3A_1824] : memref<8192x1024xf32, #tpu.memory_space<hbm>> -> memref<16x1024xf32, #tpu.memory_space<hbm>>
    %dma_start3A_1826 = arith.constant 0 : i32
    %dma_start3A_1827 = arith.constant 0 : i32
    %dma_start3A_1828 = tpu.memref_slice %arg8[%dma_start3A_1817, %dma_start3A_1826, %dma_start3A_1827] : memref<3x16x1024xf32, #tpu.memory_space<vmem>> -> memref<1x16x1024xf32, #tpu.memory_space<vmem>>
    %dma_start3A_1829 = tpu.memref_squeeze %dma_start3A_1828 : memref<1x16x1024xf32, #tpu.memory_space<vmem>> -> memref<16x1024xf32, #tpu.memory_space<vmem>>
    tpu.enqueue_dma source(%dma_start3A_1829 : memref<16x1024xf32, #tpu.memory_space<vmem>>) target(%dma_start3A_1825 : memref<16x1024xf32, #tpu.memory_space<hbm>>) target_semaphore(%arg13 : memref<!tpu.dma_semaphore, #tpu.memory_space<semaphore_mem>>)
    %dma_wait3A_1830 = arith.constant 0 : i32
    %dma_wait3A_1831 = arith.constant 0 : i32
    %dma_wait3A_1832 = arith.constant 0 : i32
    %dma_wait3A_1833 = tpu.memref_slice %arg8[%dma_wait3A_1830, %dma_wait3A_1831, %dma_wait3A_1832] : memref<3x16x1024xf32, #tpu.memory_space<vmem>> -> memref<1x16x1024xf32, #tpu.memory_space<vmem>>
    %dma_wait3A_1834 = tpu.memref_squeeze %dma_wait3A_1833 : memref<1x16x1024xf32, #tpu.memory_space<vmem>> -> memref<16x1024xf32, #tpu.memory_space<vmem>>
    %dma_wait3A_1835 = arith.constant 0 : i32
    %dma_wait3A_1836 = tpu.memref_slice %arg2[%add3A_1729, %dma_wait3A_1835] : memref<8192x1024xf32, #tpu.memory_space<hbm>> -> memref<16x1024xf32, #tpu.memory_space<hbm>>
    %dma_wait3A_1837 = arith.constant 0 : i32
    %dma_wait3A_1838 = arith.constant 0 : i32
    %dma_wait3A_1839 = tpu.memref_slice %arg8[%dma_wait3A_1830, %dma_wait3A_1837, %dma_wait3A_1838] : memref<3x16x1024xf32, #tpu.memory_space<vmem>> -> memref<1x16x1024xf32, #tpu.memory_space<vmem>>
    %dma_wait3A_1840 = tpu.memref_squeeze %dma_wait3A_1839 : memref<1x16x1024xf32, #tpu.memory_space<vmem>> -> memref<16x1024xf32, #tpu.memory_space<vmem>>
    %dma_wait3A_1841 = arith.constant 0 : i32
    %dma_wait3A_1842 = tpu.memref_slice %arg2[%add3A_1729, %dma_wait3A_1841] : memref<8192x1024xf32, #tpu.memory_space<hbm>> -> memref<16x1024xf32, #tpu.memory_space<hbm>>
    tpu.wait_dma2 semaphore(%arg11 : memref<!tpu.dma_semaphore, #tpu.memory_space<semaphore_mem>>) src(%dma_wait3A_1842 : memref<16x1024xf32, #tpu.memory_space<hbm>>) dst(%dma_wait3A_1840 : memref<16x1024xf32, #tpu.memory_space<vmem>>)
    %dma_wait3A_1843 = arith.constant 0 : i32
    %dma_wait3A_1844 = arith.constant 15 : i32
    %dma_wait3A_1845 = arith.constant 0 : i32
    %dma_wait3A_1846 = arith.constant 0 : i32
    %dma_wait3A_1847 = arith.constant 0 : i32
    %dma_wait3A_1848 = tpu.memref_slice %arg9[%dma_wait3A_1845, %dma_wait3A_1846, %dma_wait3A_1847] : memref<3x64x256xf32, #tpu.memory_space<vmem>> -> memref<1x32x256xf32, #tpu.memory_space<vmem>>
    %dma_wait3A_1849 = tpu.memref_squeeze %dma_wait3A_1848 : memref<1x32x256xf32, #tpu.memory_space<vmem>> -> memref<32x256xf32, #tpu.memory_space<vmem>>
    %dma_wait3A_1850 = arith.constant 0 : i32
    %dma_wait3A_1851 = tpu.memref_slice %arg10[%dma_wait3A_1843, %dma_wait3A_1844, %dma_wait3A_1850] : memref<2x16x32xi32, #tpu.memory_space<vmem>> -> memref<1x1x32xi32, #tpu.memory_space<vmem>>
    %dma_wait3A_1852 = tpu.memref_squeeze %dma_wait3A_1851 : memref<1x1x32xi32, #tpu.memory_space<vmem>> -> memref<32xi32, #tpu.memory_space<vmem>>
    %dma_wait3A_1853 = arith.constant 0 : i32
    %dma_wait3A_1854 = arith.constant 0 : i32
    %dma_wait3A_1855 = tpu.memref_slice %arg5[%dma_wait3A_1853, %dma_wait3A_1854] : memref<1025x256xf32, #tpu.memory_space<hbm>> -> memref<1025x256xf32, #tpu.memory_space<hbm>>
    tpu.wait_indirect_dma semaphore(%arg12 : memref<!tpu.dma_semaphore, #tpu.memory_space<semaphore_mem>>) src(%dma_wait3A_1855 : memref<1025x256xf32, #tpu.memory_space<hbm>>) dst(%dma_wait3A_1849 : memref<32x256xf32, #tpu.memory_space<vmem>>)
    %dma_wait3A_1856 = arith.constant 1 : i32
    %dma_wait3A_1857 = arith.constant 15 : i32
    %dma_wait3A_1858 = arith.constant 0 : i32
    %dma_wait3A_1859 = arith.constant 32 : i32
    %dma_wait3A_1860 = arith.constant 0 : i32
    %dma_wait3A_1861 = tpu.memref_slice %arg9[%dma_wait3A_1858, %dma_wait3A_1859, %dma_wait3A_1860] : memref<3x64x256xf32, #tpu.memory_space<vmem>> -> memref<1x32x256xf32, #tpu.memory_space<vmem>>
    %dma_wait3A_1862 = tpu.memref_squeeze %dma_wait3A_1861 : memref<1x32x256xf32, #tpu.memory_space<vmem>> -> memref<32x256xf32, #tpu.memory_space<vmem>>
    %dma_wait3A_1863 = arith.constant 0 : i32
    %dma_wait3A_1864 = tpu.memref_slice %arg10[%dma_wait3A_1856, %dma_wait3A_1857, %dma_wait3A_1863] : memref<2x16x32xi32, #tpu.memory_space<vmem>> -> memref<1x1x32xi32, #tpu.memory_space<vmem>>
    %dma_wait3A_1865 = tpu.memref_squeeze %dma_wait3A_1864 : memref<1x1x32xi32, #tpu.memory_space<vmem>> -> memref<32xi32, #tpu.memory_space<vmem>>
    %dma_wait3A_1866 = arith.constant 0 : i32
    %dma_wait3A_1867 = arith.constant 0 : i32
    %dma_wait3A_1868 = tpu.memref_slice %arg6[%dma_wait3A_1866, %dma_wait3A_1867] : memref<1025x256xf32, #tpu.memory_space<hbm>> -> memref<1025x256xf32, #tpu.memory_space<hbm>>
    tpu.wait_indirect_dma semaphore(%arg12 : memref<!tpu.dma_semaphore, #tpu.memory_space<semaphore_mem>>) src(%dma_wait3A_1868 : memref<1025x256xf32, #tpu.memory_space<hbm>>) dst(%dma_wait3A_1862 : memref<32x256xf32, #tpu.memory_space<vmem>>)
    %parallel_loop3A_1869 = arith.constant 0 : i32
    %parallel_loop3A_1870 = arith.constant 16 : i32
    %parallel_loop3A_1871 = arith.constant 1 : i32
    %parallel_loop3A_1872 = arith.constant 0 : i32
    %parallel_loop3A_1873 = arith.constant 0 : i32
    scf.for %parallel_loop3A_1930 = %parallel_loop3A_1869 to %parallel_loop3A_1870 step %parallel_loop3A_1871  : i32 {
      %parallel_loop3A_1931 = vector.broadcast %parallel_loop3A_1930 : i32 to vector<16xi32>
      %parallel_loop3A_1932 = arith.addi %add3A_60, %parallel_loop3A_1931 : vector<16xi32>
      %parallel_loop3A_1933 = arith.constant 0 : i32
      %parallel_loop3A_1934 = arith.constant 64 : i32
      %parallel_loop3A_1935 = arith.constant 1 : i32
      scf.for %parallel_loop3A_1936 = %parallel_loop3A_1933 to %parallel_loop3A_1934 step %parallel_loop3A_1935  : i32 {
        %parallel_loop3A_1937 = arith.constant 4 : i32
        %parallel_loop3A_1938 = arith.muli %parallel_loop3A_1937, %parallel_loop3A_1936 : i32
        %parallel_loop3A_1939 = vector.broadcast %parallel_loop3A_1938 : i32 to vector<16xi32>
        %parallel_loop3A_1940 = arith.addi %select_n3A_48, %parallel_loop3A_1939 : vector<16xi32>
        %parallel_loop3A_1941 = arith.constant 0 : i32
        %parallel_loop3A_1942 = arith.constant 0 : i32
        %parallel_loop3A_1943 = tpu.memref_slice %arg9[%parallel_loop3A_1872, %parallel_loop3A_1941, %parallel_loop3A_1942] : memref<3x64x256xf32, #tpu.memory_space<vmem>> -> memref<1x64x256xf32, #tpu.memory_space<vmem>>
        %parallel_loop3A_1944 = tpu.memref_squeeze %parallel_loop3A_1943 : memref<1x64x256xf32, #tpu.memory_space<vmem>> -> memref<64x256xf32, #tpu.memory_space<vmem>>
        %parallel_loop3A_1945 = tpu.vector_load_idx %parallel_loop3A_1944[%parallel_loop3A_1932, %parallel_loop3A_1940] : memref<64x256xf32, #tpu.memory_space<vmem>>[vector<16xi32>, vector<16xi32>], vector<16xf32>,
        %parallel_loop3A_1946 = arith.constant 16 : i32
        %parallel_loop3A_1947 = arith.muli %parallel_loop3A_1946, %parallel_loop3A_1936 : i32
        %parallel_loop3A_1948 = arith.constant 0 : i32
        %parallel_loop3A_1949 = arith.constant 0 : i32
        %parallel_loop3A_1950 = tpu.memref_slice %arg8[%parallel_loop3A_1873, %parallel_loop3A_1948, %parallel_loop3A_1949] : memref<3x16x1024xf32, #tpu.memory_space<vmem>> -> memref<1x16x1024xf32, #tpu.memory_space<vmem>>
        %parallel_loop3A_1951 = tpu.memref_squeeze %parallel_loop3A_1950 : memref<1x16x1024xf32, #tpu.memory_space<vmem>> -> memref<16x1024xf32, #tpu.memory_space<vmem>>
        %parallel_loop3A_1952 = arith.index_cast %parallel_loop3A_1930 : i32 to index
        %parallel_loop3A_1953 = arith.index_cast %parallel_loop3A_1947 : i32 to index
        %parallel_loop3A_1954 = tpu.vector_load %parallel_loop3A_1951[%parallel_loop3A_1952, %parallel_loop3A_1953] {strides = array<i32>} : memref<16x1024xf32, #tpu.memory_space<vmem>>, vector<16xf32>,
        tpu.vector_store %parallel_loop3A_1951[%parallel_loop3A_1952, %parallel_loop3A_1953], %parallel_loop3A_1945 {add = true, strides = array<i32>} : memref<16x1024xf32, #tpu.memory_space<vmem>>, vector<16xf32>,
      } {sc.loop_unroll_factor = 8 : i64, sc.parallel_access}
    } {sc.loop_unroll_factor = 1 : i64, sc.parallel_access}
    %mul3A_1874 = arith.constant 256 : i32
    %mul3A_1875 = arith.muli %add3A, %mul3A_1874 : i32
    %add3A_1876 = arith.constant 240 : i32
    %add3A_1877 = arith.addi %mul3A_1875, %add3A_1876 : i32
    %dma_start3A_1878 = arith.constant 0 : i32
    %dma_start3A_1879 = arith.constant 0 : i32
    %dma_start3A_1880 = arith.constant 0 : i32
    %dma_start3A_1881 = tpu.memref_slice %arg8[%dma_start3A_1878, %dma_start3A_1879, %dma_start3A_1880] : memref<3x16x1024xf32, #tpu.memory_space<vmem>> -> memref<1x16x1024xf32, #tpu.memory_space<vmem>>
    %dma_start3A_1882 = tpu.memref_squeeze %dma_start3A_1881 : memref<1x16x1024xf32, #tpu.memory_space<vmem>> -> memref<16x1024xf32, #tpu.memory_space<vmem>>
    %dma_start3A_1883 = arith.constant 0 : i32
    %dma_start3A_1884 = tpu.memref_slice %arg7[%add3A_1877, %dma_start3A_1883] : memref<8192x1024xf32, #tpu.memory_space<hbm>> -> memref<16x1024xf32, #tpu.memory_space<hbm>>
    %dma_start3A_1885 = arith.constant 0 : i32
    %dma_start3A_1886 = tpu.memref_slice %arg7[%add3A_1877, %dma_start3A_1885] : memref<8192x1024xf32, #tpu.memory_space<hbm>> -> memref<16x1024xf32, #tpu.memory_space<hbm>>
    %dma_start3A_1887 = arith.constant 0 : i32
    %dma_start3A_1888 = arith.constant 0 : i32
    %dma_start3A_1889 = tpu.memref_slice %arg8[%dma_start3A_1878, %dma_start3A_1887, %dma_start3A_1888] : memref<3x16x1024xf32, #tpu.memory_space<vmem>> -> memref<1x16x1024xf32, #tpu.memory_space<vmem>>
    %dma_start3A_1890 = tpu.memref_squeeze %dma_start3A_1889 : memref<1x16x1024xf32, #tpu.memory_space<vmem>> -> memref<16x1024xf32, #tpu.memory_space<vmem>>
    tpu.enqueue_dma source(%dma_start3A_1890 : memref<16x1024xf32, #tpu.memory_space<vmem>>) target(%dma_start3A_1886 : memref<16x1024xf32, #tpu.memory_space<hbm>>) target_semaphore(%arg13 : memref<!tpu.dma_semaphore, #tpu.memory_space<semaphore_mem>>)
    %dma_wait3A_1891 = arith.constant 1 : i32
    %dma_wait3A_1892 = arith.constant 0 : i32
    %dma_wait3A_1893 = arith.constant 0 : i32
    %dma_wait3A_1894 = tpu.memref_slice %arg8[%dma_wait3A_1891, %dma_wait3A_1892, %dma_wait3A_1893] : memref<3x16x1024xf32, #tpu.memory_space<vmem>> -> memref<1x16x1024xf32, #tpu.memory_space<vmem>>
    %dma_wait3A_1895 = tpu.memref_squeeze %dma_wait3A_1894 : memref<1x16x1024xf32, #tpu.memory_space<vmem>> -> memref<16x1024xf32, #tpu.memory_space<vmem>>
    %dma_wait3A_1896 = arith.constant 0 : i32
    %dma_wait3A_1897 = tpu.memref_slice %arg7[%add3A_1699, %dma_wait3A_1896] : memref<8192x1024xf32, #tpu.memory_space<hbm>> -> memref<16x1024xf32, #tpu.memory_space<hbm>>
    %dma_wait3A_1898 = arith.constant 0 : i32
    %dma_wait3A_1899 = tpu.memref_slice %arg7[%add3A_1699, %dma_wait3A_1898] : memref<8192x1024xf32, #tpu.memory_space<hbm>> -> memref<16x1024xf32, #tpu.memory_space<hbm>>
    %dma_wait3A_1900 = arith.constant 0 : i32
    %dma_wait3A_1901 = arith.constant 0 : i32
    %dma_wait3A_1902 = tpu.memref_slice %arg8[%dma_wait3A_1891, %dma_wait3A_1900, %dma_wait3A_1901] : memref<3x16x1024xf32, #tpu.memory_space<vmem>> -> memref<1x16x1024xf32, #tpu.memory_space<vmem>>
    %dma_wait3A_1903 = tpu.memref_squeeze %dma_wait3A_1902 : memref<1x16x1024xf32, #tpu.memory_space<vmem>> -> memref<16x1024xf32, #tpu.memory_space<vmem>>
    tpu.wait_dma2 semaphore(%arg13 : memref<!tpu.dma_semaphore, #tpu.memory_space<semaphore_mem>>) src(%dma_wait3A_1903 : memref<16x1024xf32, #tpu.memory_space<vmem>>) dst(%dma_wait3A_1899 : memref<16x1024xf32, #tpu.memory_space<hbm>>)
    %dma_wait3A_1904 = arith.constant 2 : i32
    %dma_wait3A_1905 = arith.constant 0 : i32
    %dma_wait3A_1906 = arith.constant 0 : i32
    %dma_wait3A_1907 = tpu.memref_slice %arg8[%dma_wait3A_1904, %dma_wait3A_1905, %dma_wait3A_1906] : memref<3x16x1024xf32, #tpu.memory_space<vmem>> -> memref<1x16x1024xf32, #tpu.memory_space<vmem>>
    %dma_wait3A_1908 = tpu.memref_squeeze %dma_wait3A_1907 : memref<1x16x1024xf32, #tpu.memory_space<vmem>> -> memref<16x1024xf32, #tpu.memory_space<vmem>>
    %dma_wait3A_1909 = arith.constant 0 : i32
    %dma_wait3A_1910 = tpu.memref_slice %arg7[%add3A_1816, %dma_wait3A_1909] : memref<8192x1024xf32, #tpu.memory_space<hbm>> -> memref<16x1024xf32, #tpu.memory_space<hbm>>
    %dma_wait3A_1911 = arith.constant 0 : i32
    %dma_wait3A_1912 = tpu.memref_slice %arg7[%add3A_1816, %dma_wait3A_1911] : memref<8192x1024xf32, #tpu.memory_space<hbm>> -> memref<16x1024xf32, #tpu.memory_space<hbm>>
    %dma_wait3A_1913 = arith.constant 0 : i32
    %dma_wait3A_1914 = arith.constant 0 : i32
    %dma_wait3A_1915 = tpu.memref_slice %arg8[%dma_wait3A_1904, %dma_wait3A_1913, %dma_wait3A_1914] : memref<3x16x1024xf32, #tpu.memory_space<vmem>> -> memref<1x16x1024xf32, #tpu.memory_space<vmem>>
    %dma_wait3A_1916 = tpu.memref_squeeze %dma_wait3A_1915 : memref<1x16x1024xf32, #tpu.memory_space<vmem>> -> memref<16x1024xf32, #tpu.memory_space<vmem>>
    tpu.wait_dma2 semaphore(%arg13 : memref<!tpu.dma_semaphore, #tpu.memory_space<semaphore_mem>>) src(%dma_wait3A_1916 : memref<16x1024xf32, #tpu.memory_space<vmem>>) dst(%dma_wait3A_1912 : memref<16x1024xf32, #tpu.memory_space<hbm>>)
    %dma_wait3A_1917 = arith.constant 0 : i32
    %dma_wait3A_1918 = arith.constant 0 : i32
    %dma_wait3A_1919 = arith.constant 0 : i32
    %dma_wait3A_1920 = tpu.memref_slice %arg8[%dma_wait3A_1917, %dma_wait3A_1918, %dma_wait3A_1919] : memref<3x16x1024xf32, #tpu.memory_space<vmem>> -> memref<1x16x1024xf32, #tpu.memory_space<vmem>>
    %dma_wait3A_1921 = tpu.memref_squeeze %dma_wait3A_1920 : memref<1x16x1024xf32, #tpu.memory_space<vmem>> -> memref<16x1024xf32, #tpu.memory_space<vmem>>
    %dma_wait3A_1922 = arith.constant 0 : i32
    %dma_wait3A_1923 = tpu.memref_slice %arg7[%add3A_1877, %dma_wait3A_1922] : memref<8192x1024xf32, #tpu.memory_space<hbm>> -> memref<16x1024xf32, #tpu.memory_space<hbm>>
    %dma_wait3A_1924 = arith.constant 0 : i32
    %dma_wait3A_1925 = tpu.memref_slice %arg7[%add3A_1877, %dma_wait3A_1924] : memref<8192x1024xf32, #tpu.memory_space<hbm>> -> memref<16x1024xf32, #tpu.memory_space<hbm>>
    %dma_wait3A_1926 = arith.constant 0 : i32
    %dma_wait3A_1927 = arith.constant 0 : i32
    %dma_wait3A_1928 = tpu.memref_slice %arg8[%dma_wait3A_1917, %dma_wait3A_1926, %dma_wait3A_1927] : memref<3x16x1024xf32, #tpu.memory_space<vmem>> -> memref<1x16x1024xf32, #tpu.memory_space<vmem>>
    %dma_wait3A_1929 = tpu.memref_squeeze %dma_wait3A_1928 : memref<1x16x1024xf32, #tpu.memory_space<vmem>> -> memref<16x1024xf32, #tpu.memory_space<vmem>>
    tpu.wait_dma2 semaphore(%arg13 : memref<!tpu.dma_semaphore, #tpu.memory_space<semaphore_mem>>) src(%dma_wait3A_1929 : memref<16x1024xf32, #tpu.memory_space<vmem>>) dst(%dma_wait3A_1925 : memref<16x1024xf32, #tpu.memory_space<hbm>>)
    return
  }
}

</mosaic_0001>

<sc_bundles>
// kernel: kernel.3.cloned.1.call-start
scs
__scs_entry_jumppad:
0x0: {  	(pc) =	sbr.rel $0x88, $3  }
0x1: {  	(tag) =	ssettag $0x0;
	lr =	simm.s32 $0x1  }
0x2: {  	[smem:$0x3F9D] =	sst lr;
	_ =	strace $0xD0000000  }
0x3: {  	_ = 	snop  }
0x4: {  	_ = 	snop  }
0x5: {  	_ = 	snop  }
0x6: {  	_ = 	snop  }
0x7: {  	_ = 	snop  }
__scs_overlays_trampoline_lowered:
0x8: {  	[smem:$0x3FAC] =	sst s0  }
0x9: {  	[smem:$0x3FAD] =	sst s1  }
0xa: {  	[smem:$0x3FAE] =	sst s2  }
0xb: {  	[smem:$0x3FAF] =	sst s3  }
0xc: {  	[smem:$0x3FB0] =	sst s4  }
0xd: {  	[smem:$0x3FB1] =	sst s5  }
0xe: {  	[smem:$0x3FB2] =	sst s6  }
0xf: {  	[smem:$0x3FB3] =	sst s7  }
0x10: {  	[smem:$0x3FB4] =	sst s8  }
0x11: {  	[smem:$0x3FB5] =	sst s9;
	s0 =	simm.s32 @!p0 $0x0  }
0x12: {  	s1 =	sld [smem:$0x3F9B];
	s0 =	simm.s32 @p0 $0x1  }
0x13: {  	[smem:$0x3FB6] =	sst s0;
	s0 =	simm.s32 @!p1 $0x0  }
0x14: {  	s2 =	sld [smem:$0x3F9A];
	s0 =	simm.s32 @p1 $0x1  }
0x15: {  	[smem:$0x3FB7] =	sst s0;
	s0 =	simm.s32 @!p2 $0x0  }
0x16: {  	s3 =	sld [smem:$0x3FDB];
	s0 =	simm.s32 @p2 $0x1  }
0x17: {  	s4 =	simm.s32 $0x1BF5;
	[smem:$0x3FB9] =	sst s0  }
0x18: {  	s0 =	sld [smem:$0x3F9C];
	_ =	swait.ge [sflag:s4], $0x0  }
0x19: {  	s7 =	sld [smem:$0x3F9D]  }
0x1a: {  	s8 =	sadd.s32 $0xFFFFE003, lr  }
0x1b: {  	s9 =	sadd.s32 $0xFFFFFEF7, lr;
	s5 =	simm.s32 $0xFFFFFFFF;
	p2 =	slt.u32 s8, $0xFFFFF086  }
0x1c: {  	p1 =	slt.u32 s9, $0xF7A;
	s5 =	simm.s32 @!p2 $0x0  }
0x1d: {  	s5 =	simm.s32 @p1 $0x1;
	p0 =	seq.s32 s7, s2  }
0x1e: {  	s7 =	smul.u32 @!p0 $0xF7A, s2;
	p2 =	seq.s32 @!p0 s5, $0x0  }
0x1f: {  	s9 =	smul.u32 $0xF7A, s1;
	s8 =	simm.s32 @!p0 $0x1BF5;
	p2 =	por !p2, p0  }
0x20: {  	[sflag:s8] =	ssyncset.s32 @!p0 $0xFFFFF086;
	s6 =	sadd.s32 @!p0 s3, s7;
	s7 =	simm.s32 @!p0 $0x108  }
0x21: {  	s3 =	sadd.s32 s3, s9;
	s6 =	sadd.s32 @!p0 $0x88, s6;
	s7 =	simm.s32 @p2 $0x1082  }
0x22: {  	[simem:s7], [sflag:s8] =	dma.local @!p0 [hbm:s6], $0xF7A  }
0x23: {  	s9 =	sor.u32 $0xD0000000, s2;
	s6 =	simm.s32 $0x108;
	_ =	swait.ge @!p0 [sflag:s8], $0x0  }
0x24: {  	s3 =	sadd.s32 $0x88, s3;
	s6 =	simm.s32 @!p1 $0x1082;
	[sflag:s4] =	ssyncset.s32 $0xFFFFF086  }
0x25: {  	[simem:s6], [sflag:s4] =	dma.local [hbm:s3], $0xF7A  }
0x26: {  	[smem:$0x3F9D] =	sst s1;
	(tag) =	ssettag s2;
	_ =	strace s9  }
0x27: {  	s1 =	sld [smem:$0x3FAD]  }
0x28: {  	s2 =	sld [smem:$0x3FAE]  }
0x29: {  	s4 =	sld [smem:$0x3FB0]  }
0x2a: {  	p0 =	seq.s32 s5, $0x0;
	s5 =	sld [smem:$0x3FB1]  }
0x2b: {  	s6 =	sld [smem:$0x3FB2]  }
0x2c: {  	s7 =	sld [smem:$0x3FB3]  }
0x2d: {  	s3 =	simm.s32 $0x108;
	s8 =	sld [smem:$0x3FB4]  }
0x2e: {  	s3 =	simm.s32 @!p0 $0x1082;
	s9 =	sld [smem:$0x3FB5]  }
0x2f: {  	lr =	sadd.s32 s0, s3;
	s0 =	sld [smem:$0x3FAC]  }
0x30: {  	s3 =	sld [smem:$0x3FAF]  }
0x31: {  	[smem:$0x3FB8] =	sst s10  }
0x32: {  	s10 =	sld [smem:$0x3FB6];
	_ =	sdelay $0x3  }
0x33: {  	p0 =	seq.s32 s10, $0x1;
	s10 =	sld [smem:$0x3FB8];
	_ =	sdelay $0x3  }
0x34: {  	[smem:$0x3FB8] =	sst s10  }
0x35: {  	s10 =	sld [smem:$0x3FB7];
	_ =	sdelay $0x3  }
0x36: {  	p1 =	seq.s32 s10, $0x1;
	s10 =	sld [smem:$0x3FB8];
	_ =	sdelay $0x3  }
0x37: {  	[smem:$0x3FB8] =	sst s10  }
0x38: {  	s10 =	sld [smem:$0x3FB9]  }
0x39: {  	_ = 	snop;
	(pc) =	sbr.ind lr, $3  }
0x3a: {  	_ = 	snop  }
0x3b: {  	_ = 	snop  }
0x3c: {  	p2 =	seq.s32 s10, $0x1;
	s10 =	sld [smem:$0x3FB8]  }
0x3d: {  	_ =	shalt  }
0x3e: {  	_ =	shalt  }
0x3f: {  	_ =	shalt  }
0x40: {  	_ =	shalt  }
0x41: {  	_ =	shalt  }
0x42: {  	_ =	shalt  }
0x43: {  	_ =	shalt  }
0x44: {  	_ =	shalt  }
0x45: {  	_ =	shalt  }
0x46: {  	_ =	shalt  }
0x47: {  	_ =	shalt  }
0x48: {  	_ =	shalt  }
0x49: {  	_ =	shalt  }
0x4a: {  	_ =	shalt  }
0x4b: {  	_ =	shalt  }
0x4c: {  	_ =	shalt  }
0x4d: {  	_ =	shalt  }
0x4e: {  	_ =	shalt  }
0x4f: {  	_ =	shalt  }
0x50: {  	_ =	shalt  }
0x51: {  	_ =	shalt  }
0x52: {  	_ =	shalt  }
0x53: {  	_ =	shalt  }
0x54: {  	_ =	shalt  }
0x55: {  	_ =	shalt  }
0x56: {  	_ =	shalt  }
0x57: {  	_ =	shalt  }
0x58: {  	_ =	shalt  }
0x59: {  	_ =	shalt  }
0x5a: {  	_ =	shalt  }
0x5b: {  	_ =	shalt  }
0x5c: {  	_ =	shalt  }
0x5d: {  	_ =	shalt  }
0x5e: {  	_ =	shalt  }
0x5f: {  	_ =	shalt  }
0x60: {  	_ =	shalt  }
0x61: {  	_ =	shalt  }
0x62: {  	_ =	shalt  }
0x63: {  	_ =	shalt  }
0x64: {  	_ =	shalt  }
0x65: {  	_ =	shalt  }
0x66: {  	_ =	shalt  }
0x67: {  	_ =	shalt  }
0x68: {  	_ =	shalt  }
0x69: {  	_ =	shalt  }
0x6a: {  	_ =	shalt  }
0x6b: {  	_ =	shalt  }
0x6c: {  	_ =	shalt  }
0x6d: {  	_ =	shalt  }
0x6e: {  	_ =	shalt  }
0x6f: {  	_ =	shalt  }
0x70: {  	_ =	shalt  }
0x71: {  	_ =	shalt  }
0x72: {  	_ =	shalt  }
0x73: {  	_ =	shalt  }
0x74: {  	_ =	shalt  }
0x75: {  	_ =	shalt  }
0x76: {  	_ =	shalt  }
0x77: {  	_ =	shalt  }
0x78: {  	_ =	shalt  }
0x79: {  	_ =	shalt  }
0x7a: {  	_ =	shalt  }
0x7b: {  	_ =	shalt  }
0x7c: {  	_ =	shalt  }
0x7d: {  	_ =	shalt  }
0x7e: {  	_ =	shalt  }
0x7f: {  	_ =	shalt  }
0x80: {  	_ =	shalt  }
0x81: {  	_ =	shalt  }
0x82: {  	_ =	shalt  }
0x83: {  	_ =	shalt  }
0x84: {  	_ =	shalt  }
0x85: {  	_ =	shalt  }
0x86: {  	_ =	shalt  }
0x87: {  	_ =	shalt  }
.Lfunc_end0:
.L_simem_size_0:
called_computation_lowered:
.L_overlay_start_0:
0x88: {  	s2 =	sld [smem:$0x3FD9]  }
0x89: {  	s3 =	sld [smem:$0x3FFE];
	_ =	sdelay $0x1  }
0x8a: {  	s1 =	srdreg.scid  }
0x8b: {  	s0 =	sand.u32 $0x1, s1  }
0x8c: {  	s17 =	sshll.u32 s0, $0xA;
	s2 =	sadd.s32 s3, s2  }
0x8d: {  	s2 =	sadd.s32 s2, s17  }
0x8e: {  	[smem:$0x3FC4] =	sst s2  }
0x8f: {  	_ = 	snop  }
0x90: {  	s2 =	sld [smem:$0x3FC7]  }
0x91: {  	s18 =	sld [smem:$0x3FC6]  }
0x92: {  	s4 =	sld [smem:$0x3FD0];
	(tm) =	ssettm $0x1  }
0x93: {  	s5 =	sld [smem:$0x3FFB];
	_ =	sdelay $0x3  }
0x94: {  	_ =	strace s5  }
0x95: {  	s5 =	sld [smem:$0x3FFC];
	_ =	sdelay $0x3  }
0x96: {  	_ =	strace s5  }
0x97: {  	s5 =	sld [smem:$0x3FFD];
	_ =	sdelay $0x3  }
0x98: {  	_ =	strace s5  }
0x99: {  	_ =	strace $0x8FFFFFFF  }
0x9a: {  	s19 =	sld [smem:$0x3FDB];
	_ =	sdelay $0x1  }
0x9b: {  	s6 =	simm.s32 $_scs_section_size  }
0x9c: {  	s7 =	simm.s32 $_size__tile_overlayer_lowered;
	s8 =	simm.s32 $_tile_overlayer_lowered  }
0x9d: {  	s22 =	simm.s32 $0x1BFF;
	s21 =	sshll.u32 s8, $0x1;
	s5 =	sadd.s32 s6, s19  }
0x9e: {  	s9 =	simm.s32 $0x0;
	s20 =	sshll.u32 s7, $0x1;
	s7 =	sadd.s32 s21, s5  }
0x9f: {  	[timem:s9], [sflag:s22] =	dma.local [hbm:s7], s20  }
0xa0: {  	_ =	swait.ge [sflag:s22], s20  }
0xa1: {  	s6 =	ssub.s32 $0x0, s20;
	[sflag:s22] =	ssyncset.done $0x0  }
0xa2: {  	[sflag:s22] =	ssyncadd.s32 s6;
	_ =	sdelay $0x1  }
0xa3: {  	s23 =	simm.s32 $0x1B8B  }
0xa4: {  	_ =	swait.ge [sflag:s23], $0x1  }
0xa5: {  	[sflag:s23] =	ssyncset.done $0x0  }
0xa6: {  	s25 =	simm.s32 $0x1B8E;
	s24 =	sld [smem:$0x3FFE];
	[sflag:s23] =	ssyncadd.s32 $0xFFFFFFFF  }
0xa7: {  	s26 =	simm.s32 $execute0_lowered;
	[smem:$0x3FD2] =	sst s25  }
0xa8: {  	s7 =	sshll.u32 s26, $0x1;
	_ =	strace $0x80000046;
	[dreg:$0x1] =	wrdreg $0xFFFFFFFF  }
0xa9: {  	s28 =	simm.s32 $_size_execute0_lowered;
	s5 =	sadd.s32 s5, s7;
	[dreg:$0x0] =	wrdreg $0x0  }
0xaa: {  	s7 =	sshll.u32 s28, $0x1;
	[dreg:$0x2] =	wrdreg s5  }
0xab: {  	[dreg:$0x3] =	wrdreg s7  }
0xac: {  	[dreg:$0x4] =	wrdreg $0xC0  }
0xad: {  	_ =	task [dreg:s9], $0x5FFFF  }
0xae: {  	[dreg:$0x1] =	wrdreg $0xFFFFFFFF  }
0xaf: {  	[dreg:$0x0] =	wrdreg $0x60  }
0xb0: {  	[dreg:$0x2] =	wrdreg s4  }
0xb1: {  	[dreg:$0x3] =	wrdreg s24  }
0xb2: {  	[dreg:$0x4] =	wrdreg s2  }
0xb3: {  	[dreg:$0x5] =	wrdreg s18  }
0xb4: {  	[dreg:$0x6] =	wrdreg $0x9  }
0xb5: {  	_ =	task.clear_ibuf [dreg:s9], $0x7FFFF;
	_ =	strace $0x90000046  }
0xb6: {  	s29 =	simm.s32 $0x9;
	_ =	strace $0x80000048  }
0xb7: {  	_ =	swait.ge [sflag:s29], $0x1  }
0xb8: {  	[sflag:s29] =	ssyncadd.s32 $0xFFFFFFFF  }
0xb9: {  	_ =	strace $0x90000048  }
0xba: {  	_ =	sfence  }
0xbb: {  	s30 =	sld [smem:$0x0];
	_ =	sdelay $0x2  }
0xbc: {  	s31 =	sshll.u32 s1, $0xD;
	s1 =	sshrl.u32 s1, $0x2  }
0xbd: {  	s3 =	sand.u32 $0x4000, s31;
	s1 =	sadd.s32 s1, s30  }
0xbe: {  	s0 =	sor.u32 s3, s0;
	s1 =	sshll.u32 s1, $0x11  }
0xbf: {  	s0 =	sor.u32 s1, s0  }
0xc0: {  	s0 =	sadd.s32 $0x8F2B, s0  }
0xc1: {  	[sflag:s0] =	ssyncadd.remote.s32 $0x1  }
0xc2: {  	_ =	sfence.sel $0xFFFF  }
0xc3: {  	[dreg:$0x0] =	wrdreg $0xFFFFFFFF;
	(pc) =	sbr.abs _section_cstart, $3  }
0xc4: {  	[dreg:$0x1] =	wrdreg $0xFFFFFFFF  }
0xc5: {  	_ =	task.clear_ibuf [dreg:s9], $0x2FFFF;
	_ =	strace $0x9FFFFFFF  }
0xc6: {  	(tm) =	ssettm $0x7FFFFFFF  }
0xc7: {  	_ =	shalt  }
tec
execute0_lowered:
.L_overlay_start_1:
0x0: {  	(tag) =	ssettag $0x1  }
0x1: {  	s0 =	srdreg.scid  }
0x2: {  	s1 =	stileid.u32;
	s2 =	rddreg [dreg:$0x0]  }
0x3: {  	s4 =	rddreg [dreg:$0x1];
	s0 =	sand.u32 $0x1, s0;
	s3 =	sshll.u32 s1, $0x1  }
0x4: {  	s29 =	rddreg [dreg:$0x2];
	s1 =	simm.s32 $0x0;
	s3 =	sor.u32 s0, s3  }
0x5: {  	s0 =	ssub.s32 $0x2, s0;
	s5 =	sshll.u32 s3, $0x8;
	s3 =	sshll.u32 s3, $0xF  }
0x6: {  	[smem:$0x7FF] =	sst s1;
	s6 =	sshrl.u32 s0, $0x1;
	s7 =	sor.u32 $0x800, s3  }
0x7: {  	s5 =	sadd.s32 s5, s4;
	s12 =	sor.u32 $0x1000, s3;
	s11 =	sadd.s32 s2, s7  }
0x8: {  	s4 =	sadd.s32 $0x4800, s4;
	s8 =	sadd.s32 s2, s12;
	[dreg:$0x5] =	wrdreg s11  }
0x9: {  	s13 =	sor.u32 $0x1800, s3;
	s7 =	sadd.s32 s4, s7;
	[dreg:$0x6] =	wrdreg s8  }
0xa: {  	s6 =	ssub.s32 s0, s6;
	s14 =	sadd.s32 s2, s13;
	[dreg:$0x7] =	wrdreg s7  }
0xb: {  	s15 =	sor.u32 $0x2000, s3;
	s0 =	sadd.s32 s4, s12;
	[dreg:$0x8] =	wrdreg s14  }
0xc: {  	s17 =	sor.u32 $0x2800, s3;
	s16 =	sadd.s32 s2, s15;
	[dreg:$0x9] =	wrdreg s0  }
0xd: {  	s19 =	sor.u32 $0x3000, s3;
	s18 =	sadd.s32 s2, s17;
	[dreg:$0xa] =	wrdreg s16  }
0xe: {  	s21 =	sor.u32 $0x3800, s3;
	s20 =	sadd.s32 s2, s19;
	[dreg:$0xc] =	wrdreg s18  }
0xf: {  	s23 =	sor.u32 $0x4000, s3;
	s22 =	sadd.s32 s2, s21;
	[dreg:$0xe] =	wrdreg s20  }
0x10: {  	s25 =	sor.u32 $0x4800, s3;
	s24 =	sadd.s32 s2, s23;
	[dreg:$0x10] =	wrdreg s22  }
0x11: {  	s9 =	sor.u32 $0x5000, s3;
	s26 =	sadd.s32 s2, s25;
	[dreg:$0x12] =	wrdreg s24  }
0x12: {  	s10 =	sadd.s32 s2, s9;
	[dreg:$0x14] =	wrdreg s26  }
0x13: {  	s7 =	sadd.s32 s4, s13;
	[dreg:$0x17] =	wrdreg s10  }
0x14: {  	s0 =	sadd.s32 s4, s15;
	[dreg:$0xb] =	wrdreg s7  }
0x15: {  	s18 =	sadd.s32 s2, s3;
	[dreg:$0xd] =	wrdreg s0  }
0x16: {  	s7 =	sadd.s32 s4, s17;
	[dreg:$0x1f] =	wrdreg s18  }
0x17: {  	s11 =	sor.u32 $0x5800, s3;
	s0 =	sadd.s32 s4, s19;
	[dreg:$0xf] =	wrdreg s7  }
0x18: {  	s13 =	sor.u32 $0x6000, s3;
	s12 =	sadd.s32 s2, s11;
	[dreg:$0x11] =	wrdreg s0  }
0x19: {  	s15 =	sor.u32 $0x6800, s3;
	s14 =	sadd.s32 s2, s13;
	[dreg:$0x19] =	wrdreg s12  }
0x1a: {  	s16 =	sadd.s32 s2, s15;
	[dreg:$0x1b] =	wrdreg s14  }
0x1b: {  	s17 =	sadd.s32 s4, s15;
	[dreg:$0x1d] =	wrdreg s16  }
0x1c: {  	s20 =	sor.u32 $0x7000, s3;
	s19 =	sadd.s32 s4, s3;
	[dreg:$0x1e] =	wrdreg s17  }
0x1d: {  	s28 =	simm.s32 $0x1;
	s22 =	sadd.s32 s4, s20;
	[smem:$0x7F6] =	sst s19  }
0x1e: {  	s30 =	simm.s32 $0x2;
	s7 =	sadd.s32 s4, s21;
	[smem:$0x7F9] =	sst s22  }
0x1f: {  	v0 =	vimm.s32 $0x3000;
	vm0 =	vcmask $0x300;
	s31 =	simm.s32 $0x8000;
	s0 =	sadd.s32 s4, s23;
	[dreg:$0x13] =	wrdreg s7  }
0x20: {  	v0 =	vsel vm0, $0x0, v0;
	vm0 =	vcmask $0x704;
	s3 =	sor.u32 $0x7800, s3;
	s21 =	sadd.s32 s2, s20;
	[dreg:$0x15] =	wrdreg s0  }
0x21: {  	v0 =	vsel vm0, $0x2000, v0;
	vm0 =	vcmask $0xB08;
	s24 =	sadd.s32 $0x800, s5;
	s2 =	sadd.s32 s2, s3;
	[smem:$0x7F7] =	sst s21  }
0x22: {  	v0 =	vsel vm0, $0x1000, v0;
	vm0 =	vcmask $0x1310;
	s26 =	smax.u32 s6, $0x1;
	s23 =	sadd.s32 s4, s3;
	[smem:$0x7F8] =	sst s2  }
0x23: {  	v0 =	vsel vm0, $0x0, v0;
	vm0 =	vcmask $0x1714;
	s10 =	simm.s32 $0xC000;
	s7 =	sadd.s32 s4, s25;
	[smem:$0x7FA] =	sst s23  }
0x24: {  	v0 =	vsel vm0, $0x2000, v0;
	vm0 =	vcmask $0x1B18;
	s15 =	simm.s32 $0xE800;
	s0 =	sadd.s32 s4, s9;
	[dreg:$0x16] =	wrdreg s7  }
0x25: {  	v0 =	vsel vm0, $0x1000, v0;
	vm0 =	vcmask $0x2320;
	s18 =	simm.s32 $0x4000;
	[dreg:$0x18] =	wrdreg s0;
	s7 =	sadd.s32 s4, s11  }
0x26: {  	v4 =	vlaneseq.u32;
	v1 =	vsel vm0, $0x0, v0;
	vm0 =	vcmask $0x2724;
	s12 =	simm.s32 $0xD000;
	s0 =	sadd.s32 s4, s13;
	[dreg:$0x1a] =	wrdreg s7  }
0x27: {  	vm1 =	vcmask $0x3734;
	s14 =	simm.s32 $0xE000;
	s16 =	simm.s32 $0xF000;
	v1 =	vsel vm0, $0x2000, v1;
	vm0 =	vcmask $0x2B28;
	[dreg:$0x1c] =	wrdreg s0  }
0x28: {  	v2 =	vshrl.u32 v4, $0x3;
	s17 =	simm.s32 $0xF800;
	s19 =	simm.s32 $0x10000;
	v3 =	vsel vm0, $0x1000, v1;
	vm0 =	vcmask $0x3330;
	s0 =	rddreg [dreg:$0x3]  }
0x29: {  	v0 =	vand.u32 $0x7, v4;
	s25 =	sadd.s32 $0x2800, s5;
	v1 =	vmul.u32 $0x8, v2;
	v2 =	vsel vm0, $0x0, v3;
	_ =	strace $0x80000047;
	[smem:$0x7FB] =	sst s24  }
0x2a: {  	s22 =	simm.s32 $0x0;
	s2 =	simm.s32 $0x14000;
	vm0 =	vmmov $0xffff;
	v3 =	vsel vm1, $0x2000, v2;
	vm1 =	vcmask $0x3B38;
	[smem:$0x7FC] =	sst s25  }
0x2b: {  	s21 =	simm.s32 $0x3;
	s13 =	simm.s32 $0xD800;
	v2 =	vor.u32 $0x8, v4;
	v4 =	vshrl.u32 v4, $0x2;
	[smem:$0x7FD] =	sst s26;
	v3 =	vsel vm1, $0x1000, v3  }
.LBB2_1:
0x2c: {  	s3 =	sld [smem:$0x7FB];
	_ =	sdelay $0x1  }
0x2d: {  	s4 =	simm.s32 $0x18000;
	s25 =	simm.s32 $0x4  }
0x2e: {  	[tilespmem:s4], [sflag:$0x4] =	stream.linear.gather [hbm4b:s3+s1], $0x800, $0x38;
	[tilespmem:$0x19000] =	vst v63  }
0x2f: {  	_ =	swait.ge [sflag:s25], $0x800  }
0x30: {  	s26 =	sld [smem:$0x7FC]  }
0x31: {  	[sflag:s25] =	ssyncset.done $0x0  }
0x32: {  	s5 =	simm.s32 $0x18800;
	[sflag:s25] =	ssyncadd.s32 $0xFFFFF800  }
0x33: {  	[tilespmem:s5], [sflag:$0x4] =	stream.linear.gather [hbm4b:s26+s1], $0x800, $0x38;
	[tilespmem:$0x19000] =	vst v63  }
0x34: {  	_ =	swait.ge [sflag:s25], $0x800  }
0x35: {  	[sflag:s25] =	ssyncset.done $0x0  }
0x36: {  	s6 =	rddreg [dreg:$0x1f];
	[sflag:s25] =	ssyncadd.s32 $0xFFFFF800  }
0x37: {  	[tilespmem:s1], [sflag:$0x1] =	stream.linear.gather [hbm4b:s6+s1], $0x4000, $0x38;
	[tilespmem:$0x19000] =	vst v63  }
0x38: {  	v5 =	vld [tilespmem:$0x18000];
	_ =	sdelay $0x4  }
0x39: {  	v6 =	vshll.u32 v5, $0x1  }
0x3a: {  	v5 =	vand.u32 $0x7, v5;
	v6 =	vand.u32 $0xFFFFFFF0, v6  }
0x3b: {  	v5 =	vor.u32 v5, v6  }
0x3c: {  	v6 =	vperm.xlane v5, v0;
	_ =	sdelay $0x1  }
0x3d: {  	v5 =	vperm.xlane v5, v2;
	v6 =	vadd.s32 v1, v6;
	_ =	sdelay $0x1  }
0x3e: {  	v5 =	vadd.s32 v1, v5;
	_ =	sdelay $0x2  }
0x3f: {  	[tilespmem:s10], [sflag:$0x2] =	stream.indirect_vreg.gather [hbm4b:s29+s1], $0x80, v6, vm0, $0xb8;
	[tilespmem:$0x19000] =	vst v63  }
0x40: {  	s7 =	simm.s32 $0xC800  }
0x41: {  	[tilespmem:s7], [sflag:$0x2] =	stream.indirect_vreg.gather [hbm4b:s29+s1], $0x80, v5, vm0, $0xb8;
	[tilespmem:$0x19000] =	vst v63  }
0x42: {  	v5 =	vld [tilespmem:$0x18010];
	_ =	sdelay $0x4  }
0x43: {  	v6 =	vshll.u32 v5, $0x1  }
0x44: {  	v5 =	vand.u32 $0x7, v5;
	v6 =	vand.u32 $0xFFFFFFF0, v6  }
0x45: {  	v5 =	vor.u32 v5, v6  }
0x46: {  	v6 =	vperm.xlane v5, v0;
	_ =	sdelay $0x1  }
0x47: {  	v5 =	vperm.xlane v5, v2;
	v6 =	vadd.s32 v1, v6;
	_ =	sdelay $0x1  }
0x48: {  	v5 =	vadd.s32 v1, v5;
	_ =	sdelay $0x2  }
0x49: {  	[tilespmem:s12], [sflag:$0x2] =	stream.indirect_vreg.gather [hbm4b:s29+s1], $0x80, v6, vm0, $0xb8;
	[tilespmem:$0x19000] =	vst v63  }
0x4a: {  	_ = 	snop  }
0x4b: {  	[tilespmem:s13], [sflag:$0x2] =	stream.indirect_vreg.gather [hbm4b:s29+s1], $0x80, v5, vm0, $0xb8;
	[tilespmem:$0x19000] =	vst v63  }
0x4c: {  	v5 =	vld [tilespmem:$0x18800];
	_ =	sdelay $0x4  }
0x4d: {  	v6 =	vshll.u32 v5, $0x1  }
0x4e: {  	v5 =	vand.u32 $0x7, v5;
	v6 =	vand.u32 $0xFFFFFFF0, v6  }
0x4f: {  	v5 =	vor.u32 v5, v6  }
0x50: {  	v6 =	vperm.xlane v5, v0;
	_ =	sdelay $0x1  }
0x51: {  	v5 =	vperm.xlane v5, v2;
	v6 =	vadd.s32 v1, v6;
	_ =	sdelay $0x1  }
0x52: {  	v5 =	vadd.s32 v1, v5;
	_ =	sdelay $0x2  }
0x53: {  	[tilespmem:s14], [sflag:$0x2] =	stream.indirect_vreg.gather [hbm4b:s0+s1], $0x80, v6, vm0, $0xb8;
	[tilespmem:$0x19000] =	vst v63  }
0x54: {  	_ = 	snop  }
0x55: {  	[tilespmem:s15], [sflag:$0x2] =	stream.indirect_vreg.gather [hbm4b:s0+s1], $0x80, v5, vm0, $0xb8;
	[tilespmem:$0x19000] =	vst v63  }
0x56: {  	v5 =	vld [tilespmem:$0x18810];
	_ =	sdelay $0x4  }
0x57: {  	v6 =	vshll.u32 v5, $0x1  }
0x58: {  	v5 =	vand.u32 $0x7, v5;
	v6 =	vand.u32 $0xFFFFFFF0, v6  }
0x59: {  	v5 =	vor.u32 v5, v6  }
0x5a: {  	v6 =	vperm.xlane v5, v0;
	_ =	sdelay $0x1  }
0x5b: {  	v5 =	vperm.xlane v5, v2;
	v6 =	vadd.s32 v1, v6;
	_ =	sdelay $0x1  }
0x5c: {  	v5 =	vadd.s32 v1, v5;
	_ =	sdelay $0x2  }
0x5d: {  	[tilespmem:s16], [sflag:$0x2] =	stream.indirect_vreg.gather [hbm4b:s0+s1], $0x80, v6, vm0, $0xb8;
	[tilespmem:$0x19000] =	vst v63  }
0x5e: {  	_ = 	snop  }
0x5f: {  	[tilespmem:s17], [sflag:$0x2] =	stream.indirect_vreg.gather [hbm4b:s0+s1], $0x80, v5, vm0, $0xb8;
	[tilespmem:$0x19000] =	vst v63  }
0x60: {  	s8 =	rddreg [dreg:$0x5]  }
0x61: {  	[tilespmem:s18], [sflag:$0x1] =	stream.linear.gather [hbm4b:s8+s1], $0x4000, $0x38;
	[tilespmem:$0x19000] =	vst v63  }
0x62: {  	v5 =	vld [tilespmem:$0x18080];
	_ =	sdelay $0x4  }
0x63: {  	v6 =	vshll.u32 v5, $0x1  }
0x64: {  	v5 =	vand.u32 $0x7, v5;
	v6 =	vand.u32 $0xFFFFFFF0, v6  }
0x65: {  	v5 =	vor.u32 v5, v6  }
0x66: {  	v6 =	vperm.xlane v5, v0;
	_ =	sdelay $0x1  }
0x67: {  	v5 =	vperm.xlane v5, v2;
	v6 =	vadd.s32 v1, v6;
	_ =	sdelay $0x1  }
0x68: {  	v5 =	vadd.s32 v1, v5;
	_ =	sdelay $0x2  }
0x69: {  	[tilespmem:s19], [sflag:$0x2] =	stream.indirect_vreg.gather [hbm4b:s29+s1], $0x80, v6, vm0, $0xb8;
	[tilespmem:$0x19000] =	vst v63  }
0x6a: {  	s9 =	simm.s32 $0x10800  }
0x6b: {  	[tilespmem:s9], [sflag:$0x2] =	stream.indirect_vreg.gather [hbm4b:s29+s1], $0x80, v5, vm0, $0xb8;
	[tilespmem:$0x19000] =	vst v63  }
0x6c: {  	v5 =	vld [tilespmem:$0x18090];
	_ =	sdelay $0x4  }
0x6d: {  	v6 =	vshll.u32 v5, $0x1  }
0x6e: {  	v5 =	vand.u32 $0x7, v5;
	v6 =	vand.u32 $0xFFFFFFF0, v6  }
0x6f: {  	v5 =	vor.u32 v5, v6  }
0x70: {  	v6 =	vperm.xlane v5, v0;
	_ =	sdelay $0x1  }
0x71: {  	v5 =	vperm.xlane v5, v2;
	v6 =	vadd.s32 v1, v6;
	_ =	sdelay $0x1  }
0x72: {  	v5 =	vadd.s32 v1, v5;
	_ =	sdelay $0x1  }
0x73: {  	s11 =	simm.s32 $0x11000  }
0x74: {  	[tilespmem:s11], [sflag:$0x2] =	stream.indirect_vreg.gather [hbm4b:s29+s1], $0x80, v6, vm0, $0xb8;
	[tilespmem:$0x19000] =	vst v63  }
0x75: {  	s20 =	simm.s32 $0x11800  }
0x76: {  	[tilespmem:s20], [sflag:$0x2] =	stream.indirect_vreg.gather [hbm4b:s29+s1], $0x80, v5, vm0, $0xb8;
	[tilespmem:$0x19000] =	vst v63  }
0x77: {  	v5 =	vld [tilespmem:$0x18880];
	_ =	sdelay $0x4  }
0x78: {  	v6 =	vshll.u32 v5, $0x1  }
0x79: {  	v5 =	vand.u32 $0x7, v5;
	v6 =	vand.u32 $0xFFFFFFF0, v6  }
0x7a: {  	v5 =	vor.u32 v5, v6  }
0x7b: {  	v6 =	vperm.xlane v5, v0;
	_ =	sdelay $0x1  }
0x7c: {  	v5 =	vperm.xlane v5, v2;
	v6 =	vadd.s32 v1, v6;
	_ =	sdelay $0x1  }
0x7d: {  	v5 =	vadd.s32 v1, v5;
	_ =	sdelay $0x1  }
0x7e: {  	s23 =	simm.s32 $0x12000  }
0x7f: {  	[tilespmem:s23], [sflag:$0x2] =	stream.indirect_vreg.gather [hbm4b:s0+s1], $0x80, v6, vm0, $0xb8;
	[tilespmem:$0x19000] =	vst v63  }
0x80: {  	s24 =	simm.s32 $0x12800  }
0x81: {  	[tilespmem:s24], [sflag:$0x2] =	stream.indirect_vreg.gather [hbm4b:s0+s1], $0x80, v5, vm0, $0xb8;
	[tilespmem:$0x19000] =	vst v63  }
0x82: {  	v5 =	vld [tilespmem:$0x18890];
	_ =	sdelay $0x4  }
0x83: {  	v6 =	vshll.u32 v5, $0x1  }
0x84: {  	v5 =	vand.u32 $0x7, v5;
	v6 =	vand.u32 $0xFFFFFFF0, v6  }
0x85: {  	v5 =	vor.u32 v5, v6  }
0x86: {  	v6 =	vperm.xlane v5, v0;
	_ =	sdelay $0x1  }
0x87: {  	v5 =	vperm.xlane v5, v2;
	v6 =	vadd.s32 v1, v6;
	_ =	sdelay $0x1  }
0x88: {  	v5 =	vadd.s32 v1, v5;
	_ =	sdelay $0x1  }
0x89: {  	s25 =	simm.s32 $0x13000  }
0x8a: {  	[tilespmem:s25], [sflag:$0x2] =	stream.indirect_vreg.gather [hbm4b:s0+s1], $0x80, v6, vm0, $0xb8;
	[tilespmem:$0x19000] =	vst v63  }
0x8b: {  	s26 =	simm.s32 $0x13800  }
0x8c: {  	[tilespmem:s26], [sflag:$0x2] =	stream.indirect_vreg.gather [hbm4b:s0+s1], $0x80, v5, vm0, $0xb8;
	[tilespmem:$0x19000] =	vst v63  }
0x8d: {  	_ =	swait.ge [sflag:s28], $0x4000  }
0x8e: {  	[sflag:s28] =	ssyncset.done $0x0  }
0x8f: {  	[sflag:s28] =	ssyncadd.s32 $0xFFFFC000  }
0x90: {  	_ =	swait.ge [sflag:s30], $0x2000  }
0x91: {  	[sflag:s30] =	ssyncset.done $0x0  }
0x92: {  	[sflag:s30] =	ssyncadd.s32 $0xFFFFE000  }
0x93: {  	_ =	swait.ge [sflag:s30], $0x2000  }
0x94: {  	s23 =	simm.s32 $0x0;
	[sflag:s30] =	ssyncset.done $0x0  }
0x95: {  	s24 =	simm.s32 $0x0;
	s25 =	simm.s32 $0x0;
	[sflag:s30] =	ssyncadd.s32 $0xFFFFE000  }
.LBB2_2:
0x96: {  	v5 =	vmov s25  }
0x97: {  	s3 =	simm.s32 $0x1C;
	s4 =	simm.s32 $0x4;
	v6 =	vshll.u32 v5, $0x8;
	v5 =	vshll.u32 v5, $0x7  }
0x98: {  	s5 =	simm.s32 $0x18;
	s8 =	simm.s32 $0x8;
	v7 =	vor.u32 s3, v4;
	v8 =	vmov s4;
	v9 =	vor.u32 s4, v4  }
0x99: {  	s9 =	simm.s32 $0x0;
	s11 =	simm.s32 $0xC;
	s26 =	simm.s32 $0x10;
	v10 =	vmov s5;
	v11 =	vmov s8;
	v12 =	vor.u32 s5, v4  }
0x9a: {  	v13 =	vmov s9;
	v14 =	vmov s11;
	v15 =	vmov s26  }
0x9b: {  	s6 =	simm.s32 $0x14;
	v16 =	vor.u32 s9, v4;
	v17 =	vor.u32 s8, v4;
	v18 =	vor.u32 s11, v4  }
0x9c: {  	v19 =	vor.u32 s26, v4;
	v20 =	vor.u32 s6, v4;
	v6 =	vadd.s32 v3, v6  }
0x9d: {  	v5 =	vand.u32 $0x380, v5;
	v10 =	vshll.u32 v10, $0x3;
	v12 =	vand.u32 $0x7B, v12  }
0x9e: {  	v8 =	vshll.u32 v8, $0x3;
	v11 =	vshll.u32 v11, $0x3;
	v14 =	vshll.u32 v14, $0x3  }
0x9f: {  	v15 =	vshll.u32 v15, $0x3;
	v6 =	vand.u32 $0x3800, v6;
	v10 =	vand.u32 $0x400, v10  }
0xa0: {  	v16 =	vand.u32 $0x63, v16;
	v5 =	vor.u32 v6, v5;
	v10 =	vor.u32 v10, v12  }
0xa1: {  	v9 =	vand.u32 $0x67, v9;
	v17 =	vand.u32 $0x6B, v17;
	v10 =	vor.u32 v5, v10  }
0xa2: {  	v18 =	vand.u32 $0x6F, v18;
	v63 =	vand.u32 $0x77, v20;
	v7 =	vand.u32 $0x7F, v7  }
0xa3: {  	v8 =	vand.u32 $0x400, v8;
	v11 =	vand.u32 $0x400, v11;
	v14 =	vand.u32 $0x400, v14  }
0xa4: {  	v15 =	vand.u32 $0x400, v15;
	v6 =	vmov s3;
	v12 =	vshll.u32 v13, $0x3  }
0xa5: {  	v13 =	vmov s6;
	v8 =	vor.u32 v8, v9;
	v9 =	vor.u32 v11, v17  }
0xa6: {  	v14 =	vor.u32 v14, v18;
	v13 =	vshll.u32 v13, $0x3;
	v12 =	vand.u32 $0x400, v12;
	v21 =	vld.idx.msk [tilespmem:v10+s10+$0x0], $0xffff  }
0xa7: {  	s20 =	sshll.u32 s24, $0x2;
	s26 =	sand.u32 $0x7, s23;
	v6 =	vshll.u32 v6, $0x3;
	v13 =	vand.u32 $0x400, v13;
	v12 =	vor.u32 v12, v16  }
0xa8: {  	s4 =	sshll.u32 s26, $0x9;
	s3 =	sand.u32 $0xFFFF8000, s20;
	v6 =	vand.u32 $0x400, v6;
	v11 =	vor.u32 v5, v12;
	v13 =	vor.u32 v13, v63  }
0xa9: {  	s3 =	sor.u32 s4, s3;
	v6 =	vor.u32 v6, v7;
	v12 =	vor.u32 v5, v8;
	v10 =	vand.u32 $0x73, v19  }
0xaa: {  	s26 =	sshrl.u32 s3, $0x2;
	v8 =	vor.u32 v5, v14;
	v7 =	vor.u32 v5, v13;
	v15 =	vor.u32 v15, v10  }
0xab: {  	s5 =	simm.s32 $0x3C;
	s4 =	simm.s32 $0x0;
	s3 =	smov.u32 s26;
	v6 =	vor.u32 v5, v6;
	v10 =	vor.u32 v5, v9;
	v9 =	vor.u32 v5, v15;
	[tilespmem:s26+$0x60] =	vst.add.f32.msk $0xffff, v21  }
.LBB2_3:
0xac: {  	s6 =	sadd.s32 $0xFFFFFFE8, s5;
	s7 =	sadd.s32 $0xFFFFFFFC, s5;
	v13 =	vmov s5;
	v14 =	vor.u32 s5, v4;
	s4 =	sadd.s32 $0x8, s4  }
0xad: {  	s8 =	sadd.s32 $0xFFFFFFF0, s5;
	v15 =	vmov s6;
	v16 =	vor.u32 s6, v4;
	s6 =	sadd.s32 $0xFFFFFFEC, s5;
	v17 =	vmov s7;
	p0 =	slt.u32 s4, $0x38  }
0xae: {  	s20 =	sadd.s32 $0xFFFFFFE4, s5;
	s9 =	sadd.s32 $0xFFFFFFF4, s5;
	s11 =	sadd.s32 $0xFFFFFFF8, s5;
	v19 =	vor.u32 s7, v4;
	v18 =	vmov s6;
	v17 =	vshll.u32 v17, $0x3;
	v11 =	vld.idx.msk [tilespmem:v11+s10+$0x0], $0xffff  }
0xaf: {  	v20 =	vmov s20;
	v19 =	vand.u32 $0x7B, v19;
	v17 =	vand.u32 $0x400, v17;
	v12 =	vld.idx.msk [tilespmem:v12+s10+$0x0], $0xffff  }
0xb0: {  	v21 =	vmov s8;
	v22 =	vmov s9;
	v17 =	vor.u32 v17, v19;
	v10 =	vld.idx.msk [tilespmem:v10+s10+$0x0], $0xffff  }
0xb1: {  	v19 =	vshll.u32 v20, $0x3;
	v20 =	vmov s11;
	v17 =	vor.u32 v5, v17;
	v8 =	vld.idx.msk [tilespmem:v8+s10+$0x0], $0xffff  }
0xb2: {  	v15 =	vshll.u32 v15, $0x3;
	v21 =	vshll.u32 v21, $0x3;
	v18 =	vshll.u32 v18, $0x3;
	v9 =	vld.idx.msk [tilespmem:v9+s10+$0x0], $0xffff  }
0xb3: {  	v23 =	vor.u32 s20, v4;
	v22 =	vshll.u32 v22, $0x3;
	v20 =	vshll.u32 v20, $0x3;
	v7 =	vld.idx.msk [tilespmem:v7+s10+$0x0], $0xffff  }
0xb4: {  	v25 =	vor.u32 s8, v4;
	v26 =	vor.u32 s9, v4;
	v24 =	vor.u32 s6, v4;
	v6 =	vld.idx.msk [tilespmem:v6+s10+$0x0], $0xffff  }
0xb5: {  	v27 =	vor.u32 s11, v4;
	v13 =	vshll.u32 v13, $0x3;
	v19 =	vand.u32 $0x400, v19;
	[tilespmem:s26+$0x0] =	vst.add.f32.msk $0xffff, v11  }
0xb6: {  	v11 =	vand.u32 $0x400, v15;
	v15 =	vand.u32 $0x400, v18;
	v18 =	vand.u32 $0x400, v21;
	v17 =	vld.idx.msk [tilespmem:v17+s10+$0x0], $0xffff  }
0xb7: {  	v22 =	vand.u32 $0x400, v22;
	v20 =	vand.u32 $0x400, v20;
	v21 =	vand.u32 $0x63, v23;
	[tilespmem:s26+$0x10] =	vst.add.f32.msk $0xffff, v12  }
0xb8: {  	v23 =	vand.u32 $0x6F, v25;
	v12 =	vand.u32 $0x67, v16;
	v16 =	vand.u32 $0x6B, v24;
	[tilespmem:s26+$0x20] =	vst.add.f32.msk $0xffff, v10  }
0xb9: {  	v13 =	vand.u32 $0x400, v13;
	v24 =	vand.u32 $0x77, v27;
	v10 =	vand.u32 $0x73, v26;
	[tilespmem:s26+$0x30] =	vst.add.f32.msk $0xffff, v8  }
.Ltmp0:
0xba: {  	v14 =	vand.u32 $0x7F, v14;
	v12 =	vor.u32 v11, v12;
	v8 =	vor.u32 v19, v21;
	[tilespmem:s26+$0x40] =	vst.add.f32.msk $0xffff, v9;
	(pc) =	sbr.rel @p0 .LBB2_3-.Ltmp0, $4  }
0xbb: {  	v9 =	vor.u32 v15, v16;
	v15 =	vor.u32 v18, v23;
	v16 =	vor.u32 v22, v10;
	s26 =	sadd.s32 $0x400, s26;
	[tilespmem:s3+$0x50] =	vst.add.f32.msk $0xffff, v7  }
0xbc: {  	v13 =	vor.u32 v13, v14;
	v11 =	vor.u32 v5, v8;
	v7 =	vor.u32 v20, v24;
	[tilespmem:s26+$0x60] =	vst.add.f32.msk $0xffff, v17  }
0xbd: {  	v12 =	vor.u32 v5, v12;
	v10 =	vor.u32 v5, v9;
	v8 =	vor.u32 v5, v15;
	[tilespmem:s3+$0x70] =	vst.add.f32.msk $0xffff, v6;
	s3 =	smov.u32 s26  }
0xbe: {  	s5 =	sadd.s32 $0x20, s5;
	v9 =	vor.u32 v5, v16;
	v7 =	vor.u32 v5, v7;
	v6 =	vor.u32 v5, v13  }
0xbf: {  	_ =	sdelay $0x3  }
0xc0: {  	v5 =	vld.idx.msk [tilespmem:v11+s10+$0x0], $0xffff  }
0xc1: {  	v63 =	vld.idx.msk [tilespmem:v12+s10+$0x0], $0xffff  }
0xc2: {  	v10 =	vld.idx.msk [tilespmem:v10+s10+$0x0], $0xffff  }
0xc3: {  	v8 =	vld.idx.msk [tilespmem:v8+s10+$0x0], $0xffff  }
0xc4: {  	v9 =	vld.idx.msk [tilespmem:v9+s10+$0x0], $0xffff  }
0xc5: {  	v7 =	vld.idx.msk [tilespmem:v7+s10+$0x0], $0xffff  }
0xc6: {  	v6 =	vld.idx.msk [tilespmem:v6+s10+$0x0], $0xffff  }
0xc7: {  	s25 =	sadd.s32 $0x1, s25;
	[tilespmem:s26+$0x0] =	vst.add.f32.msk $0xffff, v5  }
0xc8: {  	p0 =	sne.s32 s25, $0x10;
	[tilespmem:s26+$0x10] =	vst.add.f32.msk $0xffff, v63  }
.Ltmp1:
0xc9: {  	[tilespmem:s26+$0x20] =	vst.add.f32.msk $0xffff, v10;
	(pc) =	sbr.rel @p0 .LBB2_2-.Ltmp1, $4  }
0xca: {  	[tilespmem:s26+$0x30] =	vst.add.f32.msk $0xffff, v8  }
0xcb: {  	[tilespmem:s26+$0x40] =	vst.add.f32.msk $0xffff, v9  }
0xcc: {  	[tilespmem:s3+$0x50] =	vst.add.f32.msk $0xffff, v7  }
0xcd: {  	s24 =	sadd.s32 $0x400, s24;
	s23 =	sadd.s32 $0x1, s23;
	[tilespmem:s3+$0x70] =	vst.add.f32.msk $0xffff, v6  }
0xce: {  	s3 =	sld [smem:$0x7F6];
	_ =	sdelay $0x1  }
0xcf: {  	s23 =	simm.s32 $0x0  }
0xd0: {  	[hbm4b:s3+s23] =	stream.linear.scatter [tilespmem:s23], [sflag:$0x3], $0x4000, $0x38;
	[tilespmem:$0x19000] =	vst v63  }
0xd1: {  	s7 =	rddreg [dreg:$0x6]  }
0xd2: {  	[tilespmem:s31], [sflag:$0x1] =	stream.linear.gather [hbm4b:s7+s23], $0x4000, $0x38;
	[tilespmem:$0x19000] =	vst v63  }
0xd3: {  	v5 =	vld [tilespmem:$0x18100];
	_ =	sdelay $0x4  }
0xd4: {  	v6 =	vshll.u32 v5, $0x1  }
0xd5: {  	v5 =	vand.u32 $0x7, v5;
	v6 =	vand.u32 $0xFFFFFFF0, v6  }
0xd6: {  	v5 =	vor.u32 v5, v6  }
0xd7: {  	v6 =	vperm.xlane v5, v0;
	_ =	sdelay $0x1  }
0xd8: {  	v5 =	vperm.xlane v5, v2;
	v6 =	vadd.s32 v1, v6;
	_ =	sdelay $0x1  }
0xd9: {  	v5 =	vadd.s32 v1, v5;
	_ =	sdelay $0x2  }
0xda: {  	[tilespmem:s2], [sflag:$0x2] =	stream.indirect_vreg.gather [hbm4b:s29+s23], $0x80, v6, vm0, $0xb8;
	[tilespmem:$0x19000] =	vst v63  }
0xdb: {  	s8 =	simm.s32 $0x14800  }
0xdc: {  	[tilespmem:s8], [sflag:$0x2] =	stream.indirect_vreg.gather [hbm4b:s29+s23], $0x80, v5, vm0, $0xb8;
	[tilespmem:$0x19000] =	vst v63  }
0xdd: {  	v5 =	vld [tilespmem:$0x18110];
	_ =	sdelay $0x4  }
0xde: {  	v6 =	vshll.u32 v5, $0x1  }
0xdf: {  	v5 =	vand.u32 $0x7, v5;
	v6 =	vand.u32 $0xFFFFFFF0, v6  }
0xe0: {  	v5 =	vor.u32 v5, v6  }
0xe1: {  	v6 =	vperm.xlane v5, v0;
	_ =	sdelay $0x1  }
0xe2: {  	v5 =	vperm.xlane v5, v2;
	v6 =	vadd.s32 v1, v6;
	_ =	sdelay $0x1  }
0xe3: {  	v5 =	vadd.s32 v1, v5;
	_ =	sdelay $0x1  }
0xe4: {  	s9 =	simm.s32 $0x15000  }
0xe5: {  	[tilespmem:s9], [sflag:$0x2] =	stream.indirect_vreg.gather [hbm4b:s29+s23], $0x80, v6, vm0, $0xb8;
	[tilespmem:$0x19000] =	vst v63  }
0xe6: {  	s11 =	simm.s32 $0x15800  }
0xe7: {  	[tilespmem:s11], [sflag:$0x2] =	stream.indirect_vreg.gather [hbm4b:s29+s23], $0x80, v5, vm0, $0xb8;
	[tilespmem:$0x19000] =	vst v63  }
0xe8: {  	v5 =	vld [tilespmem:$0x18900];
	_ =	sdelay $0x4  }
0xe9: {  	v6 =	vshll.u32 v5, $0x1  }
0xea: {  	v5 =	vand.u32 $0x7, v5;
	v6 =	vand.u32 $0xFFFFFFF0, v6  }
0xeb: {  	v5 =	vor.u32 v5, v6  }
0xec: {  	v6 =	vperm.xlane v5, v0;
	_ =	sdelay $0x1  }
0xed: {  	v5 =	vperm.xlane v5, v2;
	v6 =	vadd.s32 v1, v6;
	_ =	sdelay $0x1  }
0xee: {  	v5 =	vadd.s32 v1, v5;
	_ =	sdelay $0x1  }
0xef: {  	s20 =	simm.s32 $0x16000  }
0xf0: {  	[tilespmem:s20], [sflag:$0x2] =	stream.indirect_vreg.gather [hbm4b:s0+s23], $0x80, v6, vm0, $0xb8;
	[tilespmem:$0x19000] =	vst v63  }
0xf1: {  	s24 =	simm.s32 $0x16800  }
0xf2: {  	[tilespmem:s24], [sflag:$0x2] =	stream.indirect_vreg.gather [hbm4b:s0+s23], $0x80, v5, vm0, $0xb8;
	[tilespmem:$0x19000] =	vst v63  }
0xf3: {  	v5 =	vld [tilespmem:$0x18910];
	_ =	sdelay $0x4  }
0xf4: {  	v6 =	vshll.u32 v5, $0x1  }
0xf5: {  	v5 =	vand.u32 $0x7, v5;
	v6 =	vand.u32 $0xFFFFFFF0, v6  }
0xf6: {  	v5 =	vor.u32 v5, v6  }
0xf7: {  	v6 =	vperm.xlane v5, v0;
	_ =	sdelay $0x1  }
0xf8: {  	v5 =	vperm.xlane v5, v2;
	v6 =	vadd.s32 v1, v6;
	_ =	sdelay $0x1  }
0xf9: {  	v5 =	vadd.s32 v1, v5;
	_ =	sdelay $0x1  }
0xfa: {  	s25 =	simm.s32 $0x17000  }
0xfb: {  	[tilespmem:s25], [sflag:$0x2] =	stream.indirect_vreg.gather [hbm4b:s0+s23], $0x80, v6, vm0, $0xb8;
	[tilespmem:$0x19000] =	vst v63  }
0xfc: {  	s26 =	simm.s32 $0x17800  }
0xfd: {  	[tilespmem:s26], [sflag:$0x2] =	stream.indirect_vreg.gather [hbm4b:s0+s23], $0x80, v5, vm0, $0xb8;
	[tilespmem:$0x19000] =	vst v63  }
0xfe: {  	_ =	swait.ge [sflag:s28], $0x4000  }
0xff: {  	[sflag:s28] =	ssyncset.done $0x0  }
0x100: {  	[sflag:s28] =	ssyncadd.s32 $0xFFFFC000  }
0x101: {  	_ =	swait.ge [sflag:s30], $0x2000  }
0x102: {  	[sflag:s30] =	ssyncset.done $0x0  }
0x103: {  	[sflag:s30] =	ssyncadd.s32 $0xFFFFE000  }
0x104: {  	_ =	swait.ge [sflag:s30], $0x2000  }
0x105: {  	[sflag:s30] =	ssyncset.done $0x0  }
0x106: {  	s24 =	simm.s32 $0x0;
	s25 =	simm.s32 $0x0;
	[sflag:s30] =	ssyncadd.s32 $0xFFFFE000  }
.LBB2_6:
0x107: {  	v5 =	vmov s25  }
0x108: {  	s3 =	simm.s32 $0x1C;
	s4 =	simm.s32 $0x4;
	v6 =	vshll.u32 v5, $0x8;
	v5 =	vshll.u32 v5, $0x7  }
0x109: {  	s5 =	simm.s32 $0x18;
	s8 =	simm.s32 $0x8;
	v7 =	vor.u32 s3, v4;
	v8 =	vmov s4;
	v9 =	vor.u32 s4, v4  }
0x10a: {  	s9 =	simm.s32 $0x0;
	s11 =	simm.s32 $0xC;
	s6 =	simm.s32 $0x10;
	v10 =	vmov s5;
	v11 =	vmov s8;
	v12 =	vor.u32 s5, v4  }
0x10b: {  	v13 =	vmov s9;
	v14 =	vmov s11;
	v15 =	vmov s6  }
0x10c: {  	s7 =	simm.s32 $0x14;
	v16 =	vor.u32 s9, v4;
	v17 =	vor.u32 s8, v4;
	v18 =	vor.u32 s11, v4  }
0x10d: {  	v19 =	vor.u32 s6, v4;
	v20 =	vor.u32 s7, v4;
	v6 =	vadd.s32 v3, v6  }
0x10e: {  	v5 =	vand.u32 $0x380, v5;
	v10 =	vshll.u32 v10, $0x3;
	v12 =	vand.u32 $0x7B, v12  }
0x10f: {  	v8 =	vshll.u32 v8, $0x3;
	v11 =	vshll.u32 v11, $0x3;
	v14 =	vshll.u32 v14, $0x3  }
0x110: {  	v15 =	vshll.u32 v15, $0x3;
	v6 =	vand.u32 $0x3800, v6;
	v10 =	vand.u32 $0x400, v10  }
0x111: {  	v16 =	vand.u32 $0x63, v16;
	v5 =	vor.u32 v6, v5;
	v10 =	vor.u32 v10, v12  }
0x112: {  	v9 =	vand.u32 $0x67, v9;
	v17 =	vand.u32 $0x6B, v17;
	v10 =	vor.u32 v5, v10  }
0x113: {  	v18 =	vand.u32 $0x6F, v18;
	v63 =	vand.u32 $0x77, v20;
	v7 =	vand.u32 $0x7F, v7  }
0x114: {  	v8 =	vand.u32 $0x400, v8;
	v11 =	vand.u32 $0x400, v11;
	v14 =	vand.u32 $0x400, v14  }
0x115: {  	v15 =	vand.u32 $0x400, v15;
	v6 =	vmov s3;
	v12 =	vshll.u32 v13, $0x3  }
0x116: {  	v13 =	vmov s7;
	v8 =	vor.u32 v8, v9;
	v9 =	vor.u32 v11, v17  }
0x117: {  	s20 =	sshll.u32 s24, $0x2;
	s26 =	sand.u32 $0x7, s23;
	v14 =	vor.u32 v14, v18;
	v13 =	vshll.u32 v13, $0x3;
	v12 =	vand.u32 $0x400, v12;
	v21 =	vld.idx.msk [tilespmem:v10+s19+$0x0], $0xffff  }
0x118: {  	s4 =	sshll.u32 s26, $0x9;
	s3 =	sand.u32 $0xFFFF8000, s20;
	v6 =	vshll.u32 v6, $0x3;
	v13 =	vand.u32 $0x400, v13;
	v12 =	vor.u32 v12, v16  }
0x119: {  	s3 =	sor.u32 s4, s3;
	v6 =	vand.u32 $0x400, v6;
	v11 =	vor.u32 v5, v12;
	v13 =	vor.u32 v13, v63  }
0x11a: {  	s3 =	sshrl.u32 s3, $0x2;
	v6 =	vor.u32 v6, v7;
	v12 =	vor.u32 v5, v8;
	v10 =	vand.u32 $0x73, v19  }
0x11b: {  	s26 =	sadd.s32 $0x4000, s3;
	v8 =	vor.u32 v5, v14;
	v7 =	vor.u32 v5, v13;
	v15 =	vor.u32 v15, v10  }
0x11c: {  	s5 =	simm.s32 $0x3C;
	s4 =	simm.s32 $0x0;
	v6 =	vor.u32 v5, v6;
	s3 =	smov.u32 s26;
	v10 =	vor.u32 v5, v9;
	v9 =	vor.u32 v5, v15;
	[tilespmem:s26+$0x60] =	vst.add.f32.msk $0xffff, v21  }
.LBB2_7:
0x11d: {  	s6 =	sadd.s32 $0xFFFFFFE8, s5;
	s7 =	sadd.s32 $0xFFFFFFFC, s5;
	v13 =	vmov s5;
	v14 =	vor.u32 s5, v4;
	s4 =	sadd.s32 $0x8, s4  }
0x11e: {  	s8 =	sadd.s32 $0xFFFFFFF0, s5;
	v15 =	vmov s6;
	v16 =	vor.u32 s6, v4;
	s6 =	sadd.s32 $0xFFFFFFEC, s5;
	v17 =	vmov s7;
	p0 =	slt.u32 s4, $0x38  }
0x11f: {  	s9 =	sadd.s32 $0xFFFFFFE4, s5;
	s11 =	sadd.s32 $0xFFFFFFF4, s5;
	s20 =	sadd.s32 $0xFFFFFFF8, s5;
	v19 =	vor.u32 s7, v4;
	v18 =	vmov s6;
	v17 =	vshll.u32 v17, $0x3;
	v11 =	vld.idx.msk [tilespmem:v11+s19+$0x0], $0xffff  }
0x120: {  	v20 =	vmov s9;
	v19 =	vand.u32 $0x7B, v19;
	v17 =	vand.u32 $0x400, v17;
	v12 =	vld.idx.msk [tilespmem:v12+s19+$0x0], $0xffff  }
0x121: {  	v21 =	vmov s8;
	v22 =	vmov s11;
	v17 =	vor.u32 v17, v19;
	v10 =	vld.idx.msk [tilespmem:v10+s19+$0x0], $0xffff  }
0x122: {  	v19 =	vshll.u32 v20, $0x3;
	v20 =	vmov s20;
	v17 =	vor.u32 v5, v17;
	v8 =	vld.idx.msk [tilespmem:v8+s19+$0x0], $0xffff  }
0x123: {  	v15 =	vshll.u32 v15, $0x3;
	v21 =	vshll.u32 v21, $0x3;
	v18 =	vshll.u32 v18, $0x3;
	v9 =	vld.idx.msk [tilespmem:v9+s19+$0x0], $0xffff  }
0x124: {  	v23 =	vor.u32 s9, v4;
	v22 =	vshll.u32 v22, $0x3;
	v20 =	vshll.u32 v20, $0x3;
	v7 =	vld.idx.msk [tilespmem:v7+s19+$0x0], $0xffff  }
0x125: {  	v25 =	vor.u32 s8, v4;
	v26 =	vor.u32 s11, v4;
	v24 =	vor.u32 s6, v4;
	v6 =	vld.idx.msk [tilespmem:v6+s19+$0x0], $0xffff  }
0x126: {  	v27 =	vor.u32 s20, v4;
	v13 =	vshll.u32 v13, $0x3;
	v19 =	vand.u32 $0x400, v19;
	[tilespmem:s26+$0x0] =	vst.add.f32.msk $0xffff, v11  }
0x127: {  	v11 =	vand.u32 $0x400, v15;
	v15 =	vand.u32 $0x400, v18;
	v18 =	vand.u32 $0x400, v21;
	v17 =	vld.idx.msk [tilespmem:v17+s19+$0x0], $0xffff  }
0x128: {  	v22 =	vand.u32 $0x400, v22;
	v20 =	vand.u32 $0x400, v20;
	v21 =	vand.u32 $0x63, v23;
	[tilespmem:s26+$0x10] =	vst.add.f32.msk $0xffff, v12  }
0x129: {  	v23 =	vand.u32 $0x6F, v25;
	v12 =	vand.u32 $0x67, v16;
	v16 =	vand.u32 $0x6B, v24;
	[tilespmem:s26+$0x20] =	vst.add.f32.msk $0xffff, v10  }
0x12a: {  	v13 =	vand.u32 $0x400, v13;
	v24 =	vand.u32 $0x77, v27;
	v10 =	vand.u32 $0x73, v26;
	[tilespmem:s26+$0x30] =	vst.add.f32.msk $0xffff, v8  }
.Ltmp2:
0x12b: {  	v14 =	vand.u32 $0x7F, v14;
	v12 =	vor.u32 v11, v12;
	v8 =	vor.u32 v19, v21;
	[tilespmem:s26+$0x40] =	vst.add.f32.msk $0xffff, v9;
	(pc) =	sbr.rel @p0 .LBB2_7-.Ltmp2, $4  }
0x12c: {  	v9 =	vor.u32 v15, v16;
	v15 =	vor.u32 v18, v23;
	v16 =	vor.u32 v22, v10;
	s26 =	sadd.s32 $0x400, s26;
	[tilespmem:s3+$0x50] =	vst.add.f32.msk $0xffff, v7  }
0x12d: {  	v13 =	vor.u32 v13, v14;
	v11 =	vor.u32 v5, v8;
	v7 =	vor.u32 v20, v24;
	[tilespmem:s26+$0x60] =	vst.add.f32.msk $0xffff, v17  }
0x12e: {  	v12 =	vor.u32 v5, v12;
	v10 =	vor.u32 v5, v9;
	v8 =	vor.u32 v5, v15;
	[tilespmem:s3+$0x70] =	vst.add.f32.msk $0xffff, v6;
	s3 =	smov.u32 s26  }
0x12f: {  	s5 =	sadd.s32 $0x20, s5;
	v9 =	vor.u32 v5, v16;
	v7 =	vor.u32 v5, v7;
	v6 =	vor.u32 v5, v13  }
0x130: {  	_ =	sdelay $0x3  }
0x131: {  	v5 =	vld.idx.msk [tilespmem:v11+s19+$0x0], $0xffff  }
0x132: {  	v63 =	vld.idx.msk [tilespmem:v12+s19+$0x0], $0xffff  }
0x133: {  	v10 =	vld.idx.msk [tilespmem:v10+s19+$0x0], $0xffff  }
0x134: {  	v8 =	vld.idx.msk [tilespmem:v8+s19+$0x0], $0xffff  }
0x135: {  	v9 =	vld.idx.msk [tilespmem:v9+s19+$0x0], $0xffff  }
0x136: {  	v7 =	vld.idx.msk [tilespmem:v7+s19+$0x0], $0xffff  }
0x137: {  	v6 =	vld.idx.msk [tilespmem:v6+s19+$0x0], $0xffff  }
0x138: {  	s25 =	sadd.s32 $0x1, s25;
	[tilespmem:s26+$0x0] =	vst.add.f32.msk $0xffff, v5  }
0x139: {  	p0 =	sne.s32 s25, $0x10;
	[tilespmem:s26+$0x10] =	vst.add.f32.msk $0xffff, v63  }
.Ltmp3:
0x13a: {  	[tilespmem:s26+$0x20] =	vst.add.f32.msk $0xffff, v10;
	(pc) =	sbr.rel @p0 .LBB2_6-.Ltmp3, $4  }
0x13b: {  	[tilespmem:s26+$0x30] =	vst.add.f32.msk $0xffff, v8  }
0x13c: {  	[tilespmem:s26+$0x40] =	vst.add.f32.msk $0xffff, v9  }
0x13d: {  	[tilespmem:s3+$0x50] =	vst.add.f32.msk $0xffff, v7  }
0x13e: {  	s24 =	sadd.s32 $0x400, s24;
	s23 =	sadd.s32 $0x1, s23;
	[tilespmem:s3+$0x70] =	vst.add.f32.msk $0xffff, v6  }
0x13f: {  	s23 =	simm.s32 $0x0;
	s3 =	rddreg [dreg:$0x7]  }
0x140: {  	[hbm4b:s3+s23] =	stream.linear.scatter [tilespmem:s18], [sflag:$0x3], $0x4000, $0x38;
	[tilespmem:$0x19000] =	vst v63  }
0x141: {  	_ =	swait.ge [sflag:s21], $0x4000  }
0x142: {  	[sflag:s21] =	ssyncset.done $0x0  }
0x143: {  	s25 =	rddreg [dreg:$0x8];
	[sflag:s21] =	ssyncadd.s32 $0xFFFFC000  }
0x144: {  	[tilespmem:s23], [sflag:$0x1] =	stream.linear.gather [hbm4b:s25+s23], $0x4000, $0x38;
	[tilespmem:$0x19000] =	vst v63  }
0x145: {  	v5 =	vld [tilespmem:$0x18180];
	_ =	sdelay $0x4  }
0x146: {  	v6 =	vshll.u32 v5, $0x1  }
0x147: {  	v5 =	vand.u32 $0x7, v5;
	v6 =	vand.u32 $0xFFFFFFF0, v6  }
0x148: {  	v5 =	vor.u32 v5, v6  }
0x149: {  	v6 =	vperm.xlane v5, v0;
	_ =	sdelay $0x1  }
0x14a: {  	v5 =	vperm.xlane v5, v2;
	v6 =	vadd.s32 v1, v6;
	_ =	sdelay $0x1  }
0x14b: {  	v5 =	vadd.s32 v1, v5;
	_ =	sdelay $0x2  }
0x14c: {  	[tilespmem:s10], [sflag:$0x2] =	stream.indirect_vreg.gather [hbm4b:s29+s23], $0x80, v6, vm0, $0xb8;
	[tilespmem:$0x19000] =	vst v63  }
0x14d: {  	s26 =	simm.s32 $0xC800  }
0x14e: {  	[tilespmem:s26], [sflag:$0x2] =	stream.indirect_vreg.gather [hbm4b:s29+s23], $0x80, v5, vm0, $0xb8;
	[tilespmem:$0x19000] =	vst v63  }
0x14f: {  	v5 =	vld [tilespmem:$0x18190];
	_ =	sdelay $0x4  }
0x150: {  	v6 =	vshll.u32 v5, $0x1  }
0x151: {  	v5 =	vand.u32 $0x7, v5;
	v6 =	vand.u32 $0xFFFFFFF0, v6  }
0x152: {  	v5 =	vor.u32 v5, v6  }
0x153: {  	v6 =	vperm.xlane v5, v0;
	_ =	sdelay $0x1  }
0x154: {  	v5 =	vperm.xlane v5, v2;
	v6 =	vadd.s32 v1, v6;
	_ =	sdelay $0x1  }
0x155: {  	v5 =	vadd.s32 v1, v5;
	_ =	sdelay $0x2  }
0x156: {  	[tilespmem:s12], [sflag:$0x2] =	stream.indirect_vreg.gather [hbm4b:s29+s23], $0x80, v6, vm0, $0xb8;
	[tilespmem:$0x19000] =	vst v63  }
0x157: {  	_ = 	snop  }
0x158: {  	[tilespmem:s13], [sflag:$0x2] =	stream.indirect_vreg.gather [hbm4b:s29+s23], $0x80, v5, vm0, $0xb8;
	[tilespmem:$0x19000] =	vst v63  }
0x159: {  	v5 =	vld [tilespmem:$0x18980];
	_ =	sdelay $0x4  }
0x15a: {  	v6 =	vshll.u32 v5, $0x1  }
0x15b: {  	v5 =	vand.u32 $0x7, v5;
	v6 =	vand.u32 $0xFFFFFFF0, v6  }
0x15c: {  	v5 =	vor.u32 v5, v6  }
0x15d: {  	v6 =	vperm.xlane v5, v0;
	_ =	sdelay $0x1  }
0x15e: {  	v5 =	vperm.xlane v5, v2;
	v6 =	vadd.s32 v1, v6;
	_ =	sdelay $0x1  }
0x15f: {  	v5 =	vadd.s32 v1, v5;
	_ =	sdelay $0x2  }
0x160: {  	[tilespmem:s14], [sflag:$0x2] =	stream.indirect_vreg.gather [hbm4b:s0+s23], $0x80, v6, vm0, $0xb8;
	[tilespmem:$0x19000] =	vst v63  }
0x161: {  	_ = 	snop  }
0x162: {  	[tilespmem:s15], [sflag:$0x2] =	stream.indirect_vreg.gather [hbm4b:s0+s23], $0x80, v5, vm0, $0xb8;
	[tilespmem:$0x19000] =	vst v63  }
0x163: {  	v5 =	vld [tilespmem:$0x18990];
	_ =	sdelay $0x4  }
0x164: {  	v6 =	vshll.u32 v5, $0x1  }
0x165: {  	v5 =	vand.u32 $0x7, v5;
	v6 =	vand.u32 $0xFFFFFFF0, v6  }
0x166: {  	v5 =	vor.u32 v5, v6  }
0x167: {  	v6 =	vperm.xlane v5, v0;
	_ =	sdelay $0x1  }
0x168: {  	v5 =	vperm.xlane v5, v2;
	v6 =	vadd.s32 v1, v6;
	_ =	sdelay $0x1  }
0x169: {  	v5 =	vadd.s32 v1, v5;
	_ =	sdelay $0x2  }
0x16a: {  	[tilespmem:s16], [sflag:$0x2] =	stream.indirect_vreg.gather [hbm4b:s0+s23], $0x80, v6, vm0, $0xb8;
	[tilespmem:$0x19000] =	vst v63  }
0x16b: {  	_ = 	snop  }
0x16c: {  	[tilespmem:s17], [sflag:$0x2] =	stream.indirect_vreg.gather [hbm4b:s0+s23], $0x80, v5, vm0, $0xb8;
	[tilespmem:$0x19000] =	vst v63  }
0x16d: {  	_ =	swait.ge [sflag:s28], $0x4000  }
0x16e: {  	[sflag:s28] =	ssyncset.done $0x0  }
0x16f: {  	[sflag:s28] =	ssyncadd.s32 $0xFFFFC000  }
0x170: {  	_ =	swait.ge [sflag:s30], $0x2000  }
0x171: {  	[sflag:s30] =	ssyncset.done $0x0  }
0x172: {  	[sflag:s30] =	ssyncadd.s32 $0xFFFFE000  }
0x173: {  	_ =	swait.ge [sflag:s30], $0x2000  }
0x174: {  	[sflag:s30] =	ssyncset.done $0x0  }
0x175: {  	s24 =	simm.s32 $0x0;
	s25 =	simm.s32 $0x0;
	[sflag:s30] =	ssyncadd.s32 $0xFFFFE000  }
.LBB2_10:
0x176: {  	v5 =	vmov s25  }
0x177: {  	s3 =	simm.s32 $0x1C;
	s4 =	simm.s32 $0x4;
	v6 =	vshll.u32 v5, $0x8;
	v5 =	vshll.u32 v5, $0x7  }
0x178: {  	s5 =	simm.s32 $0x18;
	s8 =	simm.s32 $0x8;
	v7 =	vor.u32 s3, v4;
	v8 =	vmov s4;
	v9 =	vor.u32 s4, v4  }
0x179: {  	s9 =	simm.s32 $0x0;
	s11 =	simm.s32 $0xC;
	s6 =	simm.s32 $0x10;
	v10 =	vmov s5;
	v11 =	vmov s8;
	v12 =	vor.u32 s5, v4  }
0x17a: {  	v13 =	vmov s9;
	v14 =	vmov s11;
	v15 =	vmov s6  }
0x17b: {  	s7 =	simm.s32 $0x14;
	v16 =	vor.u32 s9, v4;
	v17 =	vor.u32 s8, v4;
	v18 =	vor.u32 s11, v4  }
0x17c: {  	v19 =	vor.u32 s6, v4;
	v20 =	vor.u32 s7, v4;
	v6 =	vadd.s32 v3, v6  }
0x17d: {  	v5 =	vand.u32 $0x380, v5;
	v10 =	vshll.u32 v10, $0x3;
	v12 =	vand.u32 $0x7B, v12  }
0x17e: {  	v8 =	vshll.u32 v8, $0x3;
	v11 =	vshll.u32 v11, $0x3;
	v14 =	vshll.u32 v14, $0x3  }
0x17f: {  	v15 =	vshll.u32 v15, $0x3;
	v6 =	vand.u32 $0x3800, v6;
	v10 =	vand.u32 $0x400, v10  }
0x180: {  	v16 =	vand.u32 $0x63, v16;
	v5 =	vor.u32 v6, v5;
	v10 =	vor.u32 v10, v12  }
0x181: {  	v9 =	vand.u32 $0x67, v9;
	v17 =	vand.u32 $0x6B, v17;
	v10 =	vor.u32 v5, v10  }
0x182: {  	v18 =	vand.u32 $0x6F, v18;
	v63 =	vand.u32 $0x77, v20;
	v7 =	vand.u32 $0x7F, v7  }
0x183: {  	v8 =	vand.u32 $0x400, v8;
	v11 =	vand.u32 $0x400, v11;
	v14 =	vand.u32 $0x400, v14  }
0x184: {  	v15 =	vand.u32 $0x400, v15;
	v6 =	vmov s3;
	v12 =	vshll.u32 v13, $0x3  }
0x185: {  	v13 =	vmov s7;
	v8 =	vor.u32 v8, v9;
	v9 =	vor.u32 v11, v17  }
0x186: {  	s20 =	sshll.u32 s24, $0x2;
	s26 =	sand.u32 $0x7, s23;
	v14 =	vor.u32 v14, v18;
	v13 =	vshll.u32 v13, $0x3;
	v12 =	vand.u32 $0x400, v12;
	v21 =	vld.idx.msk [tilespmem:v10+s2+$0x0], $0xffff  }
0x187: {  	s4 =	sshll.u32 s26, $0x9;
	s3 =	sand.u32 $0xFFFF8000, s20;
	v6 =	vshll.u32 v6, $0x3;
	v13 =	vand.u32 $0x400, v13;
	v12 =	vor.u32 v12, v16  }
0x188: {  	s3 =	sor.u32 s4, s3;
	v6 =	vand.u32 $0x400, v6;
	v11 =	vor.u32 v5, v12;
	v13 =	vor.u32 v13, v63  }
0x189: {  	s3 =	sshrl.u32 s3, $0x2;
	v6 =	vor.u32 v6, v7;
	v12 =	vor.u32 v5, v8;
	v10 =	vand.u32 $0x73, v19  }
0x18a: {  	s26 =	sadd.s32 $0x8000, s3;
	v8 =	vor.u32 v5, v14;
	v7 =	vor.u32 v5, v13;
	v15 =	vor.u32 v15, v10  }
0x18b: {  	s5 =	simm.s32 $0x3C;
	s4 =	simm.s32 $0x0;
	v6 =	vor.u32 v5, v6;
	s3 =	smov.u32 s26;
	v10 =	vor.u32 v5, v9;
	v9 =	vor.u32 v5, v15;
	[tilespmem:s26+$0x60] =	vst.add.f32.msk $0xffff, v21  }
.LBB2_11:
0x18c: {  	s6 =	sadd.s32 $0xFFFFFFE8, s5;
	s7 =	sadd.s32 $0xFFFFFFFC, s5;
	v13 =	vmov s5;
	v14 =	vor.u32 s5, v4;
	s4 =	sadd.s32 $0x8, s4  }
0x18d: {  	s8 =	sadd.s32 $0xFFFFFFF0, s5;
	v15 =	vmov s6;
	v16 =	vor.u32 s6, v4;
	s6 =	sadd.s32 $0xFFFFFFEC, s5;
	v17 =	vmov s7;
	p0 =	slt.u32 s4, $0x38  }
0x18e: {  	s9 =	sadd.s32 $0xFFFFFFE4, s5;
	s11 =	sadd.s32 $0xFFFFFFF4, s5;
	s20 =	sadd.s32 $0xFFFFFFF8, s5;
	v19 =	vor.u32 s7, v4;
	v18 =	vmov s6;
	v17 =	vshll.u32 v17, $0x3;
	v11 =	vld.idx.msk [tilespmem:v11+s2+$0x0], $0xffff  }
0x18f: {  	v20 =	vmov s9;
	v19 =	vand.u32 $0x7B, v19;
	v17 =	vand.u32 $0x400, v17;
	v12 =	vld.idx.msk [tilespmem:v12+s2+$0x0], $0xffff  }
0x190: {  	v21 =	vmov s8;
	v22 =	vmov s11;
	v17 =	vor.u32 v17, v19;
	v10 =	vld.idx.msk [tilespmem:v10+s2+$0x0], $0xffff  }
0x191: {  	v19 =	vshll.u32 v20, $0x3;
	v20 =	vmov s20;
	v17 =	vor.u32 v5, v17;
	v8 =	vld.idx.msk [tilespmem:v8+s2+$0x0], $0xffff  }
0x192: {  	v15 =	vshll.u32 v15, $0x3;
	v21 =	vshll.u32 v21, $0x3;
	v18 =	vshll.u32 v18, $0x3;
	v9 =	vld.idx.msk [tilespmem:v9+s2+$0x0], $0xffff  }
0x193: {  	v23 =	vor.u32 s9, v4;
	v22 =	vshll.u32 v22, $0x3;
	v20 =	vshll.u32 v20, $0x3;
	v7 =	vld.idx.msk [tilespmem:v7+s2+$0x0], $0xffff  }
0x194: {  	v25 =	vor.u32 s8, v4;
	v26 =	vor.u32 s11, v4;
	v24 =	vor.u32 s6, v4;
	v6 =	vld.idx.msk [tilespmem:v6+s2+$0x0], $0xffff  }
0x195: {  	v27 =	vor.u32 s20, v4;
	v13 =	vshll.u32 v13, $0x3;
	v19 =	vand.u32 $0x400, v19;
	[tilespmem:s26+$0x0] =	vst.add.f32.msk $0xffff, v11  }
0x196: {  	v11 =	vand.u32 $0x400, v15;
	v15 =	vand.u32 $0x400, v18;
	v18 =	vand.u32 $0x400, v21;
	v17 =	vld.idx.msk [tilespmem:v17+s2+$0x0], $0xffff  }
0x197: {  	v22 =	vand.u32 $0x400, v22;
	v20 =	vand.u32 $0x400, v20;
	v21 =	vand.u32 $0x63, v23;
	[tilespmem:s26+$0x10] =	vst.add.f32.msk $0xffff, v12  }
0x198: {  	v23 =	vand.u32 $0x6F, v25;
	v12 =	vand.u32 $0x67, v16;
	v16 =	vand.u32 $0x6B, v24;
	[tilespmem:s26+$0x20] =	vst.add.f32.msk $0xffff, v10  }
0x199: {  	v13 =	vand.u32 $0x400, v13;
	v24 =	vand.u32 $0x77, v27;
	v10 =	vand.u32 $0x73, v26;
	[tilespmem:s26+$0x30] =	vst.add.f32.msk $0xffff, v8  }
.Ltmp4:
0x19a: {  	v14 =	vand.u32 $0x7F, v14;
	v12 =	vor.u32 v11, v12;
	v8 =	vor.u32 v19, v21;
	[tilespmem:s26+$0x40] =	vst.add.f32.msk $0xffff, v9;
	(pc) =	sbr.rel @p0 .LBB2_11-.Ltmp4, $4  }
0x19b: {  	v9 =	vor.u32 v15, v16;
	v15 =	vor.u32 v18, v23;
	v16 =	vor.u32 v22, v10;
	s26 =	sadd.s32 $0x400, s26;
	[tilespmem:s3+$0x50] =	vst.add.f32.msk $0xffff, v7  }
0x19c: {  	v13 =	vor.u32 v13, v14;
	v11 =	vor.u32 v5, v8;
	v7 =	vor.u32 v20, v24;
	[tilespmem:s26+$0x60] =	vst.add.f32.msk $0xffff, v17  }
0x19d: {  	v12 =	vor.u32 v5, v12;
	v10 =	vor.u32 v5, v9;
	v8 =	vor.u32 v5, v15;
	[tilespmem:s3+$0x70] =	vst.add.f32.msk $0xffff, v6;
	s3 =	smov.u32 s26  }
0x19e: {  	s5 =	sadd.s32 $0x20, s5;
	v9 =	vor.u32 v5, v16;
	v7 =	vor.u32 v5, v7;
	v6 =	vor.u32 v5, v13  }
0x19f: {  	_ =	sdelay $0x3  }
0x1a0: {  	v5 =	vld.idx.msk [tilespmem:v11+s2+$0x0], $0xffff  }
0x1a1: {  	v63 =	vld.idx.msk [tilespmem:v12+s2+$0x0], $0xffff  }
0x1a2: {  	v10 =	vld.idx.msk [tilespmem:v10+s2+$0x0], $0xffff  }
0x1a3: {  	v8 =	vld.idx.msk [tilespmem:v8+s2+$0x0], $0xffff  }
0x1a4: {  	v9 =	vld.idx.msk [tilespmem:v9+s2+$0x0], $0xffff  }
0x1a5: {  	v7 =	vld.idx.msk [tilespmem:v7+s2+$0x0], $0xffff  }
0x1a6: {  	v6 =	vld.idx.msk [tilespmem:v6+s2+$0x0], $0xffff  }
0x1a7: {  	s25 =	sadd.s32 $0x1, s25;
	[tilespmem:s26+$0x0] =	vst.add.f32.msk $0xffff, v5  }
0x1a8: {  	p0 =	sne.s32 s25, $0x10;
	[tilespmem:s26+$0x10] =	vst.add.f32.msk $0xffff, v63  }
.Ltmp5:
0x1a9: {  	[tilespmem:s26+$0x20] =	vst.add.f32.msk $0xffff, v10;
	(pc) =	sbr.rel @p0 .LBB2_10-.Ltmp5, $4  }
0x1aa: {  	[tilespmem:s26+$0x30] =	vst.add.f32.msk $0xffff, v8  }
0x1ab: {  	[tilespmem:s26+$0x40] =	vst.add.f32.msk $0xffff, v9  }
0x1ac: {  	[tilespmem:s3+$0x50] =	vst.add.f32.msk $0xffff, v7  }
0x1ad: {  	s24 =	sadd.s32 $0x400, s24;
	s23 =	sadd.s32 $0x1, s23;
	[tilespmem:s3+$0x70] =	vst.add.f32.msk $0xffff, v6  }
0x1ae: {  	s23 =	simm.s32 $0x0;
	s3 =	rddreg [dreg:$0x9]  }
0x1af: {  	[hbm4b:s3+s23] =	stream.linear.scatter [tilespmem:s31], [sflag:$0x3], $0x4000, $0x38;
	[tilespmem:$0x19000] =	vst v63  }
0x1b0: {  	_ =	swait.ge [sflag:s21], $0x4000  }
0x1b1: {  	[sflag:s21] =	ssyncset.done $0x0  }
0x1b2: {  	s7 =	rddreg [dreg:$0xa];
	[sflag:s21] =	ssyncadd.s32 $0xFFFFC000  }
0x1b3: {  	[tilespmem:s18], [sflag:$0x1] =	stream.linear.gather [hbm4b:s7+s23], $0x4000, $0x38;
	[tilespmem:$0x19000] =	vst v63  }
0x1b4: {  	v5 =	vld [tilespmem:$0x18200];
	_ =	sdelay $0x4  }
0x1b5: {  	v6 =	vshll.u32 v5, $0x1  }
0x1b6: {  	v5 =	vand.u32 $0x7, v5;
	v6 =	vand.u32 $0xFFFFFFF0, v6  }
0x1b7: {  	v5 =	vor.u32 v5, v6  }
0x1b8: {  	v6 =	vperm.xlane v5, v0;
	_ =	sdelay $0x1  }
0x1b9: {  	v5 =	vperm.xlane v5, v2;
	v6 =	vadd.s32 v1, v6;
	_ =	sdelay $0x1  }
0x1ba: {  	v5 =	vadd.s32 v1, v5;
	_ =	sdelay $0x2  }
0x1bb: {  	[tilespmem:s19], [sflag:$0x2] =	stream.indirect_vreg.gather [hbm4b:s29+s23], $0x80, v6, vm0, $0xb8;
	[tilespmem:$0x19000] =	vst v63  }
0x1bc: {  	s8 =	simm.s32 $0x10800  }
0x1bd: {  	[tilespmem:s8], [sflag:$0x2] =	stream.indirect_vreg.gather [hbm4b:s29+s23], $0x80, v5, vm0, $0xb8;
	[tilespmem:$0x19000] =	vst v63  }
0x1be: {  	v5 =	vld [tilespmem:$0x18210];
	_ =	sdelay $0x4  }
0x1bf: {  	v6 =	vshll.u32 v5, $0x1  }
0x1c0: {  	v5 =	vand.u32 $0x7, v5;
	v6 =	vand.u32 $0xFFFFFFF0, v6  }
0x1c1: {  	v5 =	vor.u32 v5, v6  }
0x1c2: {  	v6 =	vperm.xlane v5, v0;
	_ =	sdelay $0x1  }
0x1c3: {  	v5 =	vperm.xlane v5, v2;
	v6 =	vadd.s32 v1, v6;
	_ =	sdelay $0x1  }
0x1c4: {  	v5 =	vadd.s32 v1, v5;
	_ =	sdelay $0x1  }
0x1c5: {  	s9 =	simm.s32 $0x11000  }
0x1c6: {  	[tilespmem:s9], [sflag:$0x2] =	stream.indirect_vreg.gather [hbm4b:s29+s23], $0x80, v6, vm0, $0xb8;
	[tilespmem:$0x19000] =	vst v63  }
0x1c7: {  	s11 =	simm.s32 $0x11800  }
0x1c8: {  	[tilespmem:s11], [sflag:$0x2] =	stream.indirect_vreg.gather [hbm4b:s29+s23], $0x80, v5, vm0, $0xb8;
	[tilespmem:$0x19000] =	vst v63  }
0x1c9: {  	v5 =	vld [tilespmem:$0x18A00];
	_ =	sdelay $0x4  }
0x1ca: {  	v6 =	vshll.u32 v5, $0x1  }
0x1cb: {  	v5 =	vand.u32 $0x7, v5;
	v6 =	vand.u32 $0xFFFFFFF0, v6  }
0x1cc: {  	v5 =	vor.u32 v5, v6  }
0x1cd: {  	v6 =	vperm.xlane v5, v0;
	_ =	sdelay $0x1  }
0x1ce: {  	v5 =	vperm.xlane v5, v2;
	v6 =	vadd.s32 v1, v6;
	_ =	sdelay $0x1  }
0x1cf: {  	v5 =	vadd.s32 v1, v5;
	_ =	sdelay $0x1  }
0x1d0: {  	s20 =	simm.s32 $0x12000  }
0x1d1: {  	[tilespmem:s20], [sflag:$0x2] =	stream.indirect_vreg.gather [hbm4b:s0+s23], $0x80, v6, vm0, $0xb8;
	[tilespmem:$0x19000] =	vst v63  }
0x1d2: {  	s24 =	simm.s32 $0x12800  }
0x1d3: {  	[tilespmem:s24], [sflag:$0x2] =	stream.indirect_vreg.gather [hbm4b:s0+s23], $0x80, v5, vm0, $0xb8;
	[tilespmem:$0x19000] =	vst v63  }
0x1d4: {  	v5 =	vld [tilespmem:$0x18A10];
	_ =	sdelay $0x4  }
0x1d5: {  	v6 =	vshll.u32 v5, $0x1  }
0x1d6: {  	v5 =	vand.u32 $0x7, v5;
	v6 =	vand.u32 $0xFFFFFFF0, v6  }
0x1d7: {  	v5 =	vor.u32 v5, v6  }
0x1d8: {  	v6 =	vperm.xlane v5, v0;
	_ =	sdelay $0x1  }
0x1d9: {  	v5 =	vperm.xlane v5, v2;
	v6 =	vadd.s32 v1, v6;
	_ =	sdelay $0x1  }
0x1da: {  	v5 =	vadd.s32 v1, v5;
	_ =	sdelay $0x1  }
0x1db: {  	s25 =	simm.s32 $0x13000  }
0x1dc: {  	[tilespmem:s25], [sflag:$0x2] =	stream.indirect_vreg.gather [hbm4b:s0+s23], $0x80, v6, vm0, $0xb8;
	[tilespmem:$0x19000] =	vst v63  }
0x1dd: {  	s26 =	simm.s32 $0x13800  }
0x1de: {  	[tilespmem:s26], [sflag:$0x2] =	stream.indirect_vreg.gather [hbm4b:s0+s23], $0x80, v5, vm0, $0xb8;
	[tilespmem:$0x19000] =	vst v63  }
0x1df: {  	_ =	swait.ge [sflag:s28], $0x4000  }
0x1e0: {  	[sflag:s28] =	ssyncset.done $0x0  }
0x1e1: {  	[sflag:s28] =	ssyncadd.s32 $0xFFFFC000  }
0x1e2: {  	_ =	swait.ge [sflag:s30], $0x2000  }
0x1e3: {  	[sflag:s30] =	ssyncset.done $0x0  }
0x1e4: {  	[sflag:s30] =	ssyncadd.s32 $0xFFFFE000  }
0x1e5: {  	_ =	swait.ge [sflag:s30], $0x2000  }
0x1e6: {  	[sflag:s30] =	ssyncset.done $0x0  }
0x1e7: {  	s24 =	simm.s32 $0x0;
	s25 =	simm.s32 $0x0;
	[sflag:s30] =	ssyncadd.s32 $0xFFFFE000  }
.LBB2_14:
0x1e8: {  	v5 =	vmov s25  }
0x1e9: {  	s3 =	simm.s32 $0x1C;
	s4 =	simm.s32 $0x4;
	v6 =	vshll.u32 v5, $0x8;
	v5 =	vshll.u32 v5, $0x7  }
0x1ea: {  	s5 =	simm.s32 $0x18;
	s8 =	simm.s32 $0x8;
	v7 =	vor.u32 s3, v4;
	v8 =	vmov s4;
	v9 =	vor.u32 s4, v4  }
0x1eb: {  	s9 =	simm.s32 $0x0;
	s11 =	simm.s32 $0xC;
	s6 =	simm.s32 $0x10;
	v10 =	vmov s5;
	v11 =	vmov s8;
	v12 =	vor.u32 s5, v4  }
0x1ec: {  	v13 =	vmov s9;
	v14 =	vmov s11;
	v15 =	vmov s6  }
0x1ed: {  	s7 =	simm.s32 $0x14;
	v16 =	vor.u32 s9, v4;
	v17 =	vor.u32 s8, v4;
	v18 =	vor.u32 s11, v4  }
0x1ee: {  	v19 =	vor.u32 s6, v4;
	v20 =	vor.u32 s7, v4;
	v6 =	vadd.s32 v3, v6  }
0x1ef: {  	v5 =	vand.u32 $0x380, v5;
	v10 =	vshll.u32 v10, $0x3;
	v12 =	vand.u32 $0x7B, v12  }
0x1f0: {  	v8 =	vshll.u32 v8, $0x3;
	v11 =	vshll.u32 v11, $0x3;
	v14 =	vshll.u32 v14, $0x3  }
0x1f1: {  	v15 =	vshll.u32 v15, $0x3;
	v6 =	vand.u32 $0x3800, v6;
	v10 =	vand.u32 $0x400, v10  }
0x1f2: {  	v16 =	vand.u32 $0x63, v16;
	v5 =	vor.u32 v6, v5;
	v10 =	vor.u32 v10, v12  }
0x1f3: {  	v9 =	vand.u32 $0x67, v9;
	v17 =	vand.u32 $0x6B, v17;
	v10 =	vor.u32 v5, v10  }
0x1f4: {  	v18 =	vand.u32 $0x6F, v18;
	v63 =	vand.u32 $0x77, v20;
	v7 =	vand.u32 $0x7F, v7  }
0x1f5: {  	v8 =	vand.u32 $0x400, v8;
	v11 =	vand.u32 $0x400, v11;
	v14 =	vand.u32 $0x400, v14  }
0x1f6: {  	v15 =	vand.u32 $0x400, v15;
	v6 =	vmov s3;
	v12 =	vshll.u32 v13, $0x3  }
0x1f7: {  	v13 =	vmov s7;
	v8 =	vor.u32 v8, v9;
	v9 =	vor.u32 v11, v17  }
0x1f8: {  	v14 =	vor.u32 v14, v18;
	v13 =	vshll.u32 v13, $0x3;
	v12 =	vand.u32 $0x400, v12;
	v21 =	vld.idx.msk [tilespmem:v10+s10+$0x0], $0xffff  }
0x1f9: {  	s20 =	sshll.u32 s24, $0x2;
	s26 =	sand.u32 $0x7, s23;
	v6 =	vshll.u32 v6, $0x3;
	v13 =	vand.u32 $0x400, v13;
	v12 =	vor.u32 v12, v16  }
0x1fa: {  	s4 =	sshll.u32 s26, $0x9;
	s3 =	sand.u32 $0xFFFF8000, s20;
	v6 =	vand.u32 $0x400, v6;
	v11 =	vor.u32 v5, v12;
	v13 =	vor.u32 v13, v63  }
0x1fb: {  	s3 =	sor.u32 s4, s3;
	v6 =	vor.u32 v6, v7;
	v12 =	vor.u32 v5, v8;
	v10 =	vand.u32 $0x73, v19  }
0x1fc: {  	s26 =	sshrl.u32 s3, $0x2;
	v8 =	vor.u32 v5, v14;
	v7 =	vor.u32 v5, v13;
	v15 =	vor.u32 v15, v10  }
0x1fd: {  	s5 =	simm.s32 $0x3C;
	s4 =	simm.s32 $0x0;
	s3 =	smov.u32 s26;
	v6 =	vor.u32 v5, v6;
	v10 =	vor.u32 v5, v9;
	v9 =	vor.u32 v5, v15;
	[tilespmem:s26+$0x60] =	vst.add.f32.msk $0xffff, v21  }
.LBB2_15:
0x1fe: {  	s6 =	sadd.s32 $0xFFFFFFE8, s5;
	s7 =	sadd.s32 $0xFFFFFFFC, s5;
	v13 =	vmov s5;
	v14 =	vor.u32 s5, v4;
	s4 =	sadd.s32 $0x8, s4  }
0x1ff: {  	s8 =	sadd.s32 $0xFFFFFFF0, s5;
	v15 =	vmov s6;
	v16 =	vor.u32 s6, v4;
	s6 =	sadd.s32 $0xFFFFFFEC, s5;
	v17 =	vmov s7;
	p0 =	slt.u32 s4, $0x38  }
0x200: {  	s9 =	sadd.s32 $0xFFFFFFE4, s5;
	s11 =	sadd.s32 $0xFFFFFFF4, s5;
	s20 =	sadd.s32 $0xFFFFFFF8, s5;
	v19 =	vor.u32 s7, v4;
	v18 =	vmov s6;
	v17 =	vshll.u32 v17, $0x3;
	v11 =	vld.idx.msk [tilespmem:v11+s10+$0x0], $0xffff  }
0x201: {  	v20 =	vmov s9;
	v19 =	vand.u32 $0x7B, v19;
	v17 =	vand.u32 $0x400, v17;
	v12 =	vld.idx.msk [tilespmem:v12+s10+$0x0], $0xffff  }
0x202: {  	v21 =	vmov s8;
	v22 =	vmov s11;
	v17 =	vor.u32 v17, v19;
	v10 =	vld.idx.msk [tilespmem:v10+s10+$0x0], $0xffff  }
0x203: {  	v19 =	vshll.u32 v20, $0x3;
	v20 =	vmov s20;
	v17 =	vor.u32 v5, v17;
	v8 =	vld.idx.msk [tilespmem:v8+s10+$0x0], $0xffff  }
0x204: {  	v15 =	vshll.u32 v15, $0x3;
	v21 =	vshll.u32 v21, $0x3;
	v18 =	vshll.u32 v18, $0x3;
	v9 =	vld.idx.msk [tilespmem:v9+s10+$0x0], $0xffff  }
0x205: {  	v23 =	vor.u32 s9, v4;
	v22 =	vshll.u32 v22, $0x3;
	v20 =	vshll.u32 v20, $0x3;
	v7 =	vld.idx.msk [tilespmem:v7+s10+$0x0], $0xffff  }
0x206: {  	v25 =	vor.u32 s8, v4;
	v26 =	vor.u32 s11, v4;
	v24 =	vor.u32 s6, v4;
	v6 =	vld.idx.msk [tilespmem:v6+s10+$0x0], $0xffff  }
0x207: {  	v27 =	vor.u32 s20, v4;
	v13 =	vshll.u32 v13, $0x3;
	v19 =	vand.u32 $0x400, v19;
	[tilespmem:s26+$0x0] =	vst.add.f32.msk $0xffff, v11  }
0x208: {  	v11 =	vand.u32 $0x400, v15;
	v15 =	vand.u32 $0x400, v18;
	v18 =	vand.u32 $0x400, v21;
	v17 =	vld.idx.msk [tilespmem:v17+s10+$0x0], $0xffff  }
0x209: {  	v22 =	vand.u32 $0x400, v22;
	v20 =	vand.u32 $0x400, v20;
	v21 =	vand.u32 $0x63, v23;
	[tilespmem:s26+$0x10] =	vst.add.f32.msk $0xffff, v12  }
0x20a: {  	v23 =	vand.u32 $0x6F, v25;
	v12 =	vand.u32 $0x67, v16;
	v16 =	vand.u32 $0x6B, v24;
	[tilespmem:s26+$0x20] =	vst.add.f32.msk $0xffff, v10  }
0x20b: {  	v13 =	vand.u32 $0x400, v13;
	v24 =	vand.u32 $0x77, v27;
	v10 =	vand.u32 $0x73, v26;
	[tilespmem:s26+$0x30] =	vst.add.f32.msk $0xffff, v8  }
.Ltmp6:
0x20c: {  	v14 =	vand.u32 $0x7F, v14;
	v12 =	vor.u32 v11, v12;
	v8 =	vor.u32 v19, v21;
	[tilespmem:s26+$0x40] =	vst.add.f32.msk $0xffff, v9;
	(pc) =	sbr.rel @p0 .LBB2_15-.Ltmp6, $4  }
0x20d: {  	v9 =	vor.u32 v15, v16;
	v15 =	vor.u32 v18, v23;
	v16 =	vor.u32 v22, v10;
	s26 =	sadd.s32 $0x400, s26;
	[tilespmem:s3+$0x50] =	vst.add.f32.msk $0xffff, v7  }
0x20e: {  	v13 =	vor.u32 v13, v14;
	v11 =	vor.u32 v5, v8;
	v7 =	vor.u32 v20, v24;
	[tilespmem:s26+$0x60] =	vst.add.f32.msk $0xffff, v17  }
0x20f: {  	v12 =	vor.u32 v5, v12;
	v10 =	vor.u32 v5, v9;
	v8 =	vor.u32 v5, v15;
	[tilespmem:s3+$0x70] =	vst.add.f32.msk $0xffff, v6;
	s3 =	smov.u32 s26  }
0x210: {  	s5 =	sadd.s32 $0x20, s5;
	v9 =	vor.u32 v5, v16;
	v7 =	vor.u32 v5, v7;
	v6 =	vor.u32 v5, v13  }
0x211: {  	_ =	sdelay $0x3  }
0x212: {  	v5 =	vld.idx.msk [tilespmem:v11+s10+$0x0], $0xffff  }
0x213: {  	v63 =	vld.idx.msk [tilespmem:v12+s10+$0x0], $0xffff  }
0x214: {  	v10 =	vld.idx.msk [tilespmem:v10+s10+$0x0], $0xffff  }
0x215: {  	v8 =	vld.idx.msk [tilespmem:v8+s10+$0x0], $0xffff  }
0x216: {  	v9 =	vld.idx.msk [tilespmem:v9+s10+$0x0], $0xffff  }
0x217: {  	v7 =	vld.idx.msk [tilespmem:v7+s10+$0x0], $0xffff  }
0x218: {  	v6 =	vld.idx.msk [tilespmem:v6+s10+$0x0], $0xffff  }
0x219: {  	s25 =	sadd.s32 $0x1, s25;
	[tilespmem:s26+$0x0] =	vst.add.f32.msk $0xffff, v5  }
0x21a: {  	p0 =	sne.s32 s25, $0x10;
	[tilespmem:s26+$0x10] =	vst.add.f32.msk $0xffff, v63  }
.Ltmp7:
0x21b: {  	[tilespmem:s26+$0x20] =	vst.add.f32.msk $0xffff, v10;
	(pc) =	sbr.rel @p0 .LBB2_14-.Ltmp7, $4  }
0x21c: {  	[tilespmem:s26+$0x30] =	vst.add.f32.msk $0xffff, v8  }
0x21d: {  	[tilespmem:s26+$0x40] =	vst.add.f32.msk $0xffff, v9  }
0x21e: {  	[tilespmem:s3+$0x50] =	vst.add.f32.msk $0xffff, v7  }
0x21f: {  	s24 =	sadd.s32 $0x400, s24;
	s23 =	sadd.s32 $0x1, s23;
	[tilespmem:s3+$0x70] =	vst.add.f32.msk $0xffff, v6  }
0x220: {  	s23 =	simm.s32 $0x0;
	s3 =	rddreg [dreg:$0xb]  }
0x221: {  	[hbm4b:s3+s23] =	stream.linear.scatter [tilespmem:s23], [sflag:$0x3], $0x4000, $0x38;
	[tilespmem:$0x19000] =	vst v63  }
0x222: {  	_ =	swait.ge [sflag:s21], $0x4000  }
0x223: {  	[sflag:s21] =	ssyncset.done $0x0  }
0x224: {  	s7 =	rddreg [dreg:$0xc];
	[sflag:s21] =	ssyncadd.s32 $0xFFFFC000  }
0x225: {  	[tilespmem:s31], [sflag:$0x1] =	stream.linear.gather [hbm4b:s7+s23], $0x4000, $0x38;
	[tilespmem:$0x19000] =	vst v63  }
0x226: {  	v5 =	vld [tilespmem:$0x18280];
	_ =	sdelay $0x4  }
0x227: {  	v6 =	vshll.u32 v5, $0x1  }
0x228: {  	v5 =	vand.u32 $0x7, v5;
	v6 =	vand.u32 $0xFFFFFFF0, v6  }
0x229: {  	v5 =	vor.u32 v5, v6  }
0x22a: {  	v6 =	vperm.xlane v5, v0;
	_ =	sdelay $0x1  }
0x22b: {  	v5 =	vperm.xlane v5, v2;
	v6 =	vadd.s32 v1, v6;
	_ =	sdelay $0x1  }
0x22c: {  	v5 =	vadd.s32 v1, v5;
	_ =	sdelay $0x2  }
0x22d: {  	[tilespmem:s2], [sflag:$0x2] =	stream.indirect_vreg.gather [hbm4b:s29+s23], $0x80, v6, vm0, $0xb8;
	[tilespmem:$0x19000] =	vst v63  }
0x22e: {  	s8 =	simm.s32 $0x14800  }
0x22f: {  	[tilespmem:s8], [sflag:$0x2] =	stream.indirect_vreg.gather [hbm4b:s29+s23], $0x80, v5, vm0, $0xb8;
	[tilespmem:$0x19000] =	vst v63  }
0x230: {  	v5 =	vld [tilespmem:$0x18290];
	_ =	sdelay $0x4  }
0x231: {  	v6 =	vshll.u32 v5, $0x1  }
0x232: {  	v5 =	vand.u32 $0x7, v5;
	v6 =	vand.u32 $0xFFFFFFF0, v6  }
0x233: {  	v5 =	vor.u32 v5, v6  }
0x234: {  	v6 =	vperm.xlane v5, v0;
	_ =	sdelay $0x1  }
0x235: {  	v5 =	vperm.xlane v5, v2;
	v6 =	vadd.s32 v1, v6;
	_ =	sdelay $0x1  }
0x236: {  	v5 =	vadd.s32 v1, v5;
	_ =	sdelay $0x1  }
0x237: {  	s9 =	simm.s32 $0x15000  }
0x238: {  	[tilespmem:s9], [sflag:$0x2] =	stream.indirect_vreg.gather [hbm4b:s29+s23], $0x80, v6, vm0, $0xb8;
	[tilespmem:$0x19000] =	vst v63  }
0x239: {  	s11 =	simm.s32 $0x15800  }
0x23a: {  	[tilespmem:s11], [sflag:$0x2] =	stream.indirect_vreg.gather [hbm4b:s29+s23], $0x80, v5, vm0, $0xb8;
	[tilespmem:$0x19000] =	vst v63  }
0x23b: {  	v5 =	vld [tilespmem:$0x18A80];
	_ =	sdelay $0x4  }
0x23c: {  	v6 =	vshll.u32 v5, $0x1  }
0x23d: {  	v5 =	vand.u32 $0x7, v5;
	v6 =	vand.u32 $0xFFFFFFF0, v6  }
0x23e: {  	v5 =	vor.u32 v5, v6  }
0x23f: {  	v6 =	vperm.xlane v5, v0;
	_ =	sdelay $0x1  }
0x240: {  	v5 =	vperm.xlane v5, v2;
	v6 =	vadd.s32 v1, v6;
	_ =	sdelay $0x1  }
0x241: {  	v5 =	vadd.s32 v1, v5;
	_ =	sdelay $0x1  }
0x242: {  	s20 =	simm.s32 $0x16000  }
0x243: {  	[tilespmem:s20], [sflag:$0x2] =	stream.indirect_vreg.gather [hbm4b:s0+s23], $0x80, v6, vm0, $0xb8;
	[tilespmem:$0x19000] =	vst v63  }
0x244: {  	s24 =	simm.s32 $0x16800  }
0x245: {  	[tilespmem:s24], [sflag:$0x2] =	stream.indirect_vreg.gather [hbm4b:s0+s23], $0x80, v5, vm0, $0xb8;
	[tilespmem:$0x19000] =	vst v63  }
0x246: {  	v5 =	vld [tilespmem:$0x18A90];
	_ =	sdelay $0x4  }
0x247: {  	v6 =	vshll.u32 v5, $0x1  }
0x248: {  	v5 =	vand.u32 $0x7, v5;
	v6 =	vand.u32 $0xFFFFFFF0, v6  }
0x249: {  	v5 =	vor.u32 v5, v6  }
0x24a: {  	v6 =	vperm.xlane v5, v0;
	_ =	sdelay $0x1  }
0x24b: {  	v5 =	vperm.xlane v5, v2;
	v6 =	vadd.s32 v1, v6;
	_ =	sdelay $0x1  }
0x24c: {  	v5 =	vadd.s32 v1, v5;
	_ =	sdelay $0x1  }
0x24d: {  	s25 =	simm.s32 $0x17000  }
0x24e: {  	[tilespmem:s25], [sflag:$0x2] =	stream.indirect_vreg.gather [hbm4b:s0+s23], $0x80, v6, vm0, $0xb8;
	[tilespmem:$0x19000] =	vst v63  }
0x24f: {  	s26 =	simm.s32 $0x17800  }
0x250: {  	[tilespmem:s26], [sflag:$0x2] =	stream.indirect_vreg.gather [hbm4b:s0+s23], $0x80, v5, vm0, $0xb8;
	[tilespmem:$0x19000] =	vst v63  }
0x251: {  	_ =	swait.ge [sflag:s28], $0x4000  }
0x252: {  	[sflag:s28] =	ssyncset.done $0x0  }
0x253: {  	[sflag:s28] =	ssyncadd.s32 $0xFFFFC000  }
0x254: {  	_ =	swait.ge [sflag:s30], $0x2000  }
0x255: {  	[sflag:s30] =	ssyncset.done $0x0  }
0x256: {  	[sflag:s30] =	ssyncadd.s32 $0xFFFFE000  }
0x257: {  	_ =	swait.ge [sflag:s30], $0x2000  }
0x258: {  	[sflag:s30] =	ssyncset.done $0x0  }
0x259: {  	s24 =	simm.s32 $0x0;
	s25 =	simm.s32 $0x0;
	[sflag:s30] =	ssyncadd.s32 $0xFFFFE000  }
.LBB2_18:
0x25a: {  	v5 =	vmov s25  }
0x25b: {  	s3 =	simm.s32 $0x1C;
	s4 =	simm.s32 $0x4;
	v6 =	vshll.u32 v5, $0x8;
	v5 =	vshll.u32 v5, $0x7  }
0x25c: {  	s5 =	simm.s32 $0x18;
	s8 =	simm.s32 $0x8;
	v7 =	vor.u32 s3, v4;
	v8 =	vmov s4;
	v9 =	vor.u32 s4, v4  }
0x25d: {  	s9 =	simm.s32 $0x0;
	s11 =	simm.s32 $0xC;
	s6 =	simm.s32 $0x10;
	v10 =	vmov s5;
	v11 =	vmov s8;
	v12 =	vor.u32 s5, v4  }
0x25e: {  	v13 =	vmov s9;
	v14 =	vmov s11;
	v15 =	vmov s6  }
0x25f: {  	s7 =	simm.s32 $0x14;
	v16 =	vor.u32 s9, v4;
	v17 =	vor.u32 s8, v4;
	v18 =	vor.u32 s11, v4  }
0x260: {  	v19 =	vor.u32 s6, v4;
	v20 =	vor.u32 s7, v4;
	v6 =	vadd.s32 v3, v6  }
0x261: {  	v5 =	vand.u32 $0x380, v5;
	v10 =	vshll.u32 v10, $0x3;
	v12 =	vand.u32 $0x7B, v12  }
0x262: {  	v8 =	vshll.u32 v8, $0x3;
	v11 =	vshll.u32 v11, $0x3;
	v14 =	vshll.u32 v14, $0x3  }
0x263: {  	v15 =	vshll.u32 v15, $0x3;
	v6 =	vand.u32 $0x3800, v6;
	v10 =	vand.u32 $0x400, v10  }
0x264: {  	v16 =	vand.u32 $0x63, v16;
	v5 =	vor.u32 v6, v5;
	v10 =	vor.u32 v10, v12  }
0x265: {  	v9 =	vand.u32 $0x67, v9;
	v17 =	vand.u32 $0x6B, v17;
	v10 =	vor.u32 v5, v10  }
0x266: {  	v18 =	vand.u32 $0x6F, v18;
	v63 =	vand.u32 $0x77, v20;
	v7 =	vand.u32 $0x7F, v7  }
0x267: {  	v8 =	vand.u32 $0x400, v8;
	v11 =	vand.u32 $0x400, v11;
	v14 =	vand.u32 $0x400, v14  }
0x268: {  	v15 =	vand.u32 $0x400, v15;
	v6 =	vmov s3;
	v12 =	vshll.u32 v13, $0x3  }
0x269: {  	v13 =	vmov s7;
	v8 =	vor.u32 v8, v9;
	v9 =	vor.u32 v11, v17  }
0x26a: {  	s20 =	sshll.u32 s24, $0x2;
	s26 =	sand.u32 $0x7, s23;
	v14 =	vor.u32 v14, v18;
	v13 =	vshll.u32 v13, $0x3;
	v12 =	vand.u32 $0x400, v12;
	v21 =	vld.idx.msk [tilespmem:v10+s19+$0x0], $0xffff  }
0x26b: {  	s4 =	sshll.u32 s26, $0x9;
	s3 =	sand.u32 $0xFFFF8000, s20;
	v6 =	vshll.u32 v6, $0x3;
	v13 =	vand.u32 $0x400, v13;
	v12 =	vor.u32 v12, v16  }
0x26c: {  	s3 =	sor.u32 s4, s3;
	v6 =	vand.u32 $0x400, v6;
	v11 =	vor.u32 v5, v12;
	v13 =	vor.u32 v13, v63  }
0x26d: {  	s3 =	sshrl.u32 s3, $0x2;
	v6 =	vor.u32 v6, v7;
	v12 =	vor.u32 v5, v8;
	v10 =	vand.u32 $0x73, v19  }
0x26e: {  	s26 =	sadd.s32 $0x4000, s3;
	v8 =	vor.u32 v5, v14;
	v7 =	vor.u32 v5, v13;
	v15 =	vor.u32 v15, v10  }
0x26f: {  	s5 =	simm.s32 $0x3C;
	s4 =	simm.s32 $0x0;
	v6 =	vor.u32 v5, v6;
	s3 =	smov.u32 s26;
	v10 =	vor.u32 v5, v9;
	v9 =	vor.u32 v5, v15;
	[tilespmem:s26+$0x60] =	vst.add.f32.msk $0xffff, v21  }
.LBB2_19:
0x270: {  	s6 =	sadd.s32 $0xFFFFFFE8, s5;
	s7 =	sadd.s32 $0xFFFFFFFC, s5;
	v13 =	vmov s5;
	v14 =	vor.u32 s5, v4;
	s4 =	sadd.s32 $0x8, s4  }
0x271: {  	s8 =	sadd.s32 $0xFFFFFFF0, s5;
	v15 =	vmov s6;
	v16 =	vor.u32 s6, v4;
	s6 =	sadd.s32 $0xFFFFFFEC, s5;
	v17 =	vmov s7;
	p0 =	slt.u32 s4, $0x38  }
0x272: {  	s9 =	sadd.s32 $0xFFFFFFE4, s5;
	s11 =	sadd.s32 $0xFFFFFFF4, s5;
	s20 =	sadd.s32 $0xFFFFFFF8, s5;
	v19 =	vor.u32 s7, v4;
	v18 =	vmov s6;
	v17 =	vshll.u32 v17, $0x3;
	v11 =	vld.idx.msk [tilespmem:v11+s19+$0x0], $0xffff  }
0x273: {  	v20 =	vmov s9;
	v19 =	vand.u32 $0x7B, v19;
	v17 =	vand.u32 $0x400, v17;
	v12 =	vld.idx.msk [tilespmem:v12+s19+$0x0], $0xffff  }
0x274: {  	v21 =	vmov s8;
	v22 =	vmov s11;
	v17 =	vor.u32 v17, v19;
	v10 =	vld.idx.msk [tilespmem:v10+s19+$0x0], $0xffff  }
0x275: {  	v19 =	vshll.u32 v20, $0x3;
	v20 =	vmov s20;
	v17 =	vor.u32 v5, v17;
	v8 =	vld.idx.msk [tilespmem:v8+s19+$0x0], $0xffff  }
0x276: {  	v15 =	vshll.u32 v15, $0x3;
	v21 =	vshll.u32 v21, $0x3;
	v18 =	vshll.u32 v18, $0x3;
	v9 =	vld.idx.msk [tilespmem:v9+s19+$0x0], $0xffff  }
0x277: {  	v23 =	vor.u32 s9, v4;
	v22 =	vshll.u32 v22, $0x3;
	v20 =	vshll.u32 v20, $0x3;
	v7 =	vld.idx.msk [tilespmem:v7+s19+$0x0], $0xffff  }
0x278: {  	v25 =	vor.u32 s8, v4;
	v26 =	vor.u32 s11, v4;
	v24 =	vor.u32 s6, v4;
	v6 =	vld.idx.msk [tilespmem:v6+s19+$0x0], $0xffff  }
0x279: {  	v27 =	vor.u32 s20, v4;
	v13 =	vshll.u32 v13, $0x3;
	v19 =	vand.u32 $0x400, v19;
	[tilespmem:s26+$0x0] =	vst.add.f32.msk $0xffff, v11  }
0x27a: {  	v11 =	vand.u32 $0x400, v15;
	v15 =	vand.u32 $0x400, v18;
	v18 =	vand.u32 $0x400, v21;
	v17 =	vld.idx.msk [tilespmem:v17+s19+$0x0], $0xffff  }
0x27b: {  	v22 =	vand.u32 $0x400, v22;
	v20 =	vand.u32 $0x400, v20;
	v21 =	vand.u32 $0x63, v23;
	[tilespmem:s26+$0x10] =	vst.add.f32.msk $0xffff, v12  }
0x27c: {  	v23 =	vand.u32 $0x6F, v25;
	v12 =	vand.u32 $0x67, v16;
	v16 =	vand.u32 $0x6B, v24;
	[tilespmem:s26+$0x20] =	vst.add.f32.msk $0xffff, v10  }
0x27d: {  	v13 =	vand.u32 $0x400, v13;
	v24 =	vand.u32 $0x77, v27;
	v10 =	vand.u32 $0x73, v26;
	[tilespmem:s26+$0x30] =	vst.add.f32.msk $0xffff, v8  }
.Ltmp8:
0x27e: {  	v14 =	vand.u32 $0x7F, v14;
	v12 =	vor.u32 v11, v12;
	v8 =	vor.u32 v19, v21;
	[tilespmem:s26+$0x40] =	vst.add.f32.msk $0xffff, v9;
	(pc) =	sbr.rel @p0 .LBB2_19-.Ltmp8, $4  }
0x27f: {  	v9 =	vor.u32 v15, v16;
	v15 =	vor.u32 v18, v23;
	v16 =	vor.u32 v22, v10;
	s26 =	sadd.s32 $0x400, s26;
	[tilespmem:s3+$0x50] =	vst.add.f32.msk $0xffff, v7  }
0x280: {  	v13 =	vor.u32 v13, v14;
	v11 =	vor.u32 v5, v8;
	v7 =	vor.u32 v20, v24;
	[tilespmem:s26+$0x60] =	vst.add.f32.msk $0xffff, v17  }
0x281: {  	v12 =	vor.u32 v5, v12;
	v10 =	vor.u32 v5, v9;
	v8 =	vor.u32 v5, v15;
	[tilespmem:s3+$0x70] =	vst.add.f32.msk $0xffff, v6;
	s3 =	smov.u32 s26  }
0x282: {  	s5 =	sadd.s32 $0x20, s5;
	v9 =	vor.u32 v5, v16;
	v7 =	vor.u32 v5, v7;
	v6 =	vor.u32 v5, v13  }
0x283: {  	_ =	sdelay $0x3  }
0x284: {  	v5 =	vld.idx.msk [tilespmem:v11+s19+$0x0], $0xffff  }
0x285: {  	v63 =	vld.idx.msk [tilespmem:v12+s19+$0x0], $0xffff  }
0x286: {  	v10 =	vld.idx.msk [tilespmem:v10+s19+$0x0], $0xffff  }
0x287: {  	v8 =	vld.idx.msk [tilespmem:v8+s19+$0x0], $0xffff  }
0x288: {  	v9 =	vld.idx.msk [tilespmem:v9+s19+$0x0], $0xffff  }
0x289: {  	v7 =	vld.idx.msk [tilespmem:v7+s19+$0x0], $0xffff  }
0x28a: {  	v6 =	vld.idx.msk [tilespmem:v6+s19+$0x0], $0xffff  }
0x28b: {  	s25 =	sadd.s32 $0x1, s25;
	[tilespmem:s26+$0x0] =	vst.add.f32.msk $0xffff, v5  }
0x28c: {  	p0 =	sne.s32 s25, $0x10;
	[tilespmem:s26+$0x10] =	vst.add.f32.msk $0xffff, v63  }
.Ltmp9:
0x28d: {  	[tilespmem:s26+$0x20] =	vst.add.f32.msk $0xffff, v10;
	(pc) =	sbr.rel @p0 .LBB2_18-.Ltmp9, $4  }
0x28e: {  	[tilespmem:s26+$0x30] =	vst.add.f32.msk $0xffff, v8  }
0x28f: {  	[tilespmem:s26+$0x40] =	vst.add.f32.msk $0xffff, v9  }
0x290: {  	[tilespmem:s3+$0x50] =	vst.add.f32.msk $0xffff, v7  }
0x291: {  	s24 =	sadd.s32 $0x400, s24;
	s23 =	sadd.s32 $0x1, s23;
	[tilespmem:s3+$0x70] =	vst.add.f32.msk $0xffff, v6  }
0x292: {  	s23 =	simm.s32 $0x0;
	s3 =	rddreg [dreg:$0xd]  }
0x293: {  	[hbm4b:s3+s23] =	stream.linear.scatter [tilespmem:s18], [sflag:$0x3], $0x4000, $0x38;
	[tilespmem:$0x19000] =	vst v63  }
0x294: {  	_ =	swait.ge [sflag:s21], $0x4000  }
0x295: {  	[sflag:s21] =	ssyncset.done $0x0  }
0x296: {  	s25 =	rddreg [dreg:$0xe];
	[sflag:s21] =	ssyncadd.s32 $0xFFFFC000  }
0x297: {  	[tilespmem:s23], [sflag:$0x1] =	stream.linear.gather [hbm4b:s25+s23], $0x4000, $0x38;
	[tilespmem:$0x19000] =	vst v63  }
0x298: {  	v5 =	vld [tilespmem:$0x18300];
	_ =	sdelay $0x4  }
0x299: {  	v6 =	vshll.u32 v5, $0x1  }
0x29a: {  	v5 =	vand.u32 $0x7, v5;
	v6 =	vand.u32 $0xFFFFFFF0, v6  }
0x29b: {  	v5 =	vor.u32 v5, v6  }
0x29c: {  	v6 =	vperm.xlane v5, v0;
	_ =	sdelay $0x1  }
0x29d: {  	v5 =	vperm.xlane v5, v2;
	v6 =	vadd.s32 v1, v6;
	_ =	sdelay $0x1  }
0x29e: {  	v5 =	vadd.s32 v1, v5;
	_ =	sdelay $0x2  }
0x29f: {  	[tilespmem:s10], [sflag:$0x2] =	stream.indirect_vreg.gather [hbm4b:s29+s23], $0x80, v6, vm0, $0xb8;
	[tilespmem:$0x19000] =	vst v63  }
0x2a0: {  	s26 =	simm.s32 $0xC800  }
0x2a1: {  	[tilespmem:s26], [sflag:$0x2] =	stream.indirect_vreg.gather [hbm4b:s29+s23], $0x80, v5, vm0, $0xb8;
	[tilespmem:$0x19000] =	vst v63  }
0x2a2: {  	v5 =	vld [tilespmem:$0x18310];
	_ =	sdelay $0x4  }
0x2a3: {  	v6 =	vshll.u32 v5, $0x1  }
0x2a4: {  	v5 =	vand.u32 $0x7, v5;
	v6 =	vand.u32 $0xFFFFFFF0, v6  }
0x2a5: {  	v5 =	vor.u32 v5, v6  }
0x2a6: {  	v6 =	vperm.xlane v5, v0;
	_ =	sdelay $0x1  }
0x2a7: {  	v5 =	vperm.xlane v5, v2;
	v6 =	vadd.s32 v1, v6;
	_ =	sdelay $0x1  }
0x2a8: {  	v5 =	vadd.s32 v1, v5;
	_ =	sdelay $0x2  }
0x2a9: {  	[tilespmem:s12], [sflag:$0x2] =	stream.indirect_vreg.gather [hbm4b:s29+s23], $0x80, v6, vm0, $0xb8;
	[tilespmem:$0x19000] =	vst v63  }
0x2aa: {  	_ = 	snop  }
0x2ab: {  	[tilespmem:s13], [sflag:$0x2] =	stream.indirect_vreg.gather [hbm4b:s29+s23], $0x80, v5, vm0, $0xb8;
	[tilespmem:$0x19000] =	vst v63  }
0x2ac: {  	v5 =	vld [tilespmem:$0x18B00];
	_ =	sdelay $0x4  }
0x2ad: {  	v6 =	vshll.u32 v5, $0x1  }
0x2ae: {  	v5 =	vand.u32 $0x7, v5;
	v6 =	vand.u32 $0xFFFFFFF0, v6  }
0x2af: {  	v5 =	vor.u32 v5, v6  }
0x2b0: {  	v6 =	vperm.xlane v5, v0;
	_ =	sdelay $0x1  }
0x2b1: {  	v5 =	vperm.xlane v5, v2;
	v6 =	vadd.s32 v1, v6;
	_ =	sdelay $0x1  }
0x2b2: {  	v5 =	vadd.s32 v1, v5;
	_ =	sdelay $0x2  }
0x2b3: {  	[tilespmem:s14], [sflag:$0x2] =	stream.indirect_vreg.gather [hbm4b:s0+s23], $0x80, v6, vm0, $0xb8;
	[tilespmem:$0x19000] =	vst v63  }
0x2b4: {  	_ = 	snop  }
0x2b5: {  	[tilespmem:s15], [sflag:$0x2] =	stream.indirect_vreg.gather [hbm4b:s0+s23], $0x80, v5, vm0, $0xb8;
	[tilespmem:$0x19000] =	vst v63  }
0x2b6: {  	v5 =	vld [tilespmem:$0x18B10];
	_ =	sdelay $0x4  }
0x2b7: {  	v6 =	vshll.u32 v5, $0x1  }
0x2b8: {  	v5 =	vand.u32 $0x7, v5;
	v6 =	vand.u32 $0xFFFFFFF0, v6  }
0x2b9: {  	v5 =	vor.u32 v5, v6  }
0x2ba: {  	v6 =	vperm.xlane v5, v0;
	_ =	sdelay $0x1  }
0x2bb: {  	v5 =	vperm.xlane v5, v2;
	v6 =	vadd.s32 v1, v6;
	_ =	sdelay $0x1  }
0x2bc: {  	v5 =	vadd.s32 v1, v5;
	_ =	sdelay $0x2  }
0x2bd: {  	[tilespmem:s16], [sflag:$0x2] =	stream.indirect_vreg.gather [hbm4b:s0+s23], $0x80, v6, vm0, $0xb8;
	[tilespmem:$0x19000] =	vst v63  }
0x2be: {  	_ = 	snop  }
0x2bf: {  	[tilespmem:s17], [sflag:$0x2] =	stream.indirect_vreg.gather [hbm4b:s0+s23], $0x80, v5, vm0, $0xb8;
	[tilespmem:$0x19000] =	vst v63  }
0x2c0: {  	_ =	swait.ge [sflag:s28], $0x4000  }
0x2c1: {  	[sflag:s28] =	ssyncset.done $0x0  }
0x2c2: {  	[sflag:s28] =	ssyncadd.s32 $0xFFFFC000  }
0x2c3: {  	_ =	swait.ge [sflag:s30], $0x2000  }
0x2c4: {  	[sflag:s30] =	ssyncset.done $0x0  }
0x2c5: {  	[sflag:s30] =	ssyncadd.s32 $0xFFFFE000  }
0x2c6: {  	_ =	swait.ge [sflag:s30], $0x2000  }
0x2c7: {  	[sflag:s30] =	ssyncset.done $0x0  }
0x2c8: {  	s24 =	simm.s32 $0x0;
	s25 =	simm.s32 $0x0;
	[sflag:s30] =	ssyncadd.s32 $0xFFFFE000  }
.LBB2_22:
0x2c9: {  	v5 =	vmov s25  }
0x2ca: {  	s3 =	simm.s32 $0x1C;
	s4 =	simm.s32 $0x4;
	v6 =	vshll.u32 v5, $0x8;
	v5 =	vshll.u32 v5, $0x7  }
0x2cb: {  	s5 =	simm.s32 $0x18;
	s8 =	simm.s32 $0x8;
	v7 =	vor.u32 s3, v4;
	v8 =	vmov s4;
	v9 =	vor.u32 s4, v4  }
0x2cc: {  	s9 =	simm.s32 $0x0;
	s11 =	simm.s32 $0xC;
	s6 =	simm.s32 $0x10;
	v10 =	vmov s5;
	v11 =	vmov s8;
	v12 =	vor.u32 s5, v4  }
0x2cd: {  	v13 =	vmov s9;
	v14 =	vmov s11;
	v15 =	vmov s6  }
0x2ce: {  	s7 =	simm.s32 $0x14;
	v16 =	vor.u32 s9, v4;
	v17 =	vor.u32 s8, v4;
	v18 =	vor.u32 s11, v4  }
0x2cf: {  	v19 =	vor.u32 s6, v4;
	v20 =	vor.u32 s7, v4;
	v6 =	vadd.s32 v3, v6  }
0x2d0: {  	v5 =	vand.u32 $0x380, v5;
	v10 =	vshll.u32 v10, $0x3;
	v12 =	vand.u32 $0x7B, v12  }
0x2d1: {  	v8 =	vshll.u32 v8, $0x3;
	v11 =	vshll.u32 v11, $0x3;
	v14 =	vshll.u32 v14, $0x3  }
0x2d2: {  	v15 =	vshll.u32 v15, $0x3;
	v6 =	vand.u32 $0x3800, v6;
	v10 =	vand.u32 $0x400, v10  }
0x2d3: {  	v16 =	vand.u32 $0x63, v16;
	v5 =	vor.u32 v6, v5;
	v10 =	vor.u32 v10, v12  }
0x2d4: {  	v9 =	vand.u32 $0x67, v9;
	v17 =	vand.u32 $0x6B, v17;
	v10 =	vor.u32 v5, v10  }
0x2d5: {  	v18 =	vand.u32 $0x6F, v18;
	v63 =	vand.u32 $0x77, v20;
	v7 =	vand.u32 $0x7F, v7  }
0x2d6: {  	v8 =	vand.u32 $0x400, v8;
	v11 =	vand.u32 $0x400, v11;
	v14 =	vand.u32 $0x400, v14  }
0x2d7: {  	v15 =	vand.u32 $0x400, v15;
	v6 =	vmov s3;
	v12 =	vshll.u32 v13, $0x3  }
0x2d8: {  	v13 =	vmov s7;
	v8 =	vor.u32 v8, v9;
	v9 =	vor.u32 v11, v17  }
0x2d9: {  	s20 =	sshll.u32 s24, $0x2;
	s26 =	sand.u32 $0x7, s23;
	v14 =	vor.u32 v14, v18;
	v13 =	vshll.u32 v13, $0x3;
	v12 =	vand.u32 $0x400, v12;
	v21 =	vld.idx.msk [tilespmem:v10+s2+$0x0], $0xffff  }
0x2da: {  	s4 =	sshll.u32 s26, $0x9;
	s3 =	sand.u32 $0xFFFF8000, s20;
	v6 =	vshll.u32 v6, $0x3;
	v13 =	vand.u32 $0x400, v13;
	v12 =	vor.u32 v12, v16  }
0x2db: {  	s3 =	sor.u32 s4, s3;
	v6 =	vand.u32 $0x400, v6;
	v11 =	vor.u32 v5, v12;
	v13 =	vor.u32 v13, v63  }
0x2dc: {  	s3 =	sshrl.u32 s3, $0x2;
	v6 =	vor.u32 v6, v7;
	v12 =	vor.u32 v5, v8;
	v10 =	vand.u32 $0x73, v19  }
0x2dd: {  	s26 =	sadd.s32 $0x8000, s3;
	v8 =	vor.u32 v5, v14;
	v7 =	vor.u32 v5, v13;
	v15 =	vor.u32 v15, v10  }
0x2de: {  	s5 =	simm.s32 $0x3C;
	s4 =	simm.s32 $0x0;
	v6 =	vor.u32 v5, v6;
	s3 =	smov.u32 s26;
	v10 =	vor.u32 v5, v9;
	v9 =	vor.u32 v5, v15;
	[tilespmem:s26+$0x60] =	vst.add.f32.msk $0xffff, v21  }
.LBB2_23:
0x2df: {  	s6 =	sadd.s32 $0xFFFFFFE8, s5;
	s7 =	sadd.s32 $0xFFFFFFFC, s5;
	v13 =	vmov s5;
	v14 =	vor.u32 s5, v4;
	s4 =	sadd.s32 $0x8, s4  }
0x2e0: {  	s8 =	sadd.s32 $0xFFFFFFF0, s5;
	v15 =	vmov s6;
	v16 =	vor.u32 s6, v4;
	s6 =	sadd.s32 $0xFFFFFFEC, s5;
	v17 =	vmov s7;
	p0 =	slt.u32 s4, $0x38  }
0x2e1: {  	s9 =	sadd.s32 $0xFFFFFFE4, s5;
	s11 =	sadd.s32 $0xFFFFFFF4, s5;
	s20 =	sadd.s32 $0xFFFFFFF8, s5;
	v19 =	vor.u32 s7, v4;
	v18 =	vmov s6;
	v17 =	vshll.u32 v17, $0x3;
	v11 =	vld.idx.msk [tilespmem:v11+s2+$0x0], $0xffff  }
0x2e2: {  	v20 =	vmov s9;
	v19 =	vand.u32 $0x7B, v19;
	v17 =	vand.u32 $0x400, v17;
	v12 =	vld.idx.msk [tilespmem:v12+s2+$0x0], $0xffff  }
0x2e3: {  	v21 =	vmov s8;
	v22 =	vmov s11;
	v17 =	vor.u32 v17, v19;
	v10 =	vld.idx.msk [tilespmem:v10+s2+$0x0], $0xffff  }
0x2e4: {  	v19 =	vshll.u32 v20, $0x3;
	v20 =	vmov s20;
	v17 =	vor.u32 v5, v17;
	v8 =	vld.idx.msk [tilespmem:v8+s2+$0x0], $0xffff  }
0x2e5: {  	v15 =	vshll.u32 v15, $0x3;
	v21 =	vshll.u32 v21, $0x3;
	v18 =	vshll.u32 v18, $0x3;
	v9 =	vld.idx.msk [tilespmem:v9+s2+$0x0], $0xffff  }
0x2e6: {  	v23 =	vor.u32 s9, v4;
	v22 =	vshll.u32 v22, $0x3;
	v20 =	vshll.u32 v20, $0x3;
	v7 =	vld.idx.msk [tilespmem:v7+s2+$0x0], $0xffff  }
0x2e7: {  	v25 =	vor.u32 s8, v4;
	v26 =	vor.u32 s11, v4;
	v24 =	vor.u32 s6, v4;
	v6 =	vld.idx.msk [tilespmem:v6+s2+$0x0], $0xffff  }
0x2e8: {  	v27 =	vor.u32 s20, v4;
	v13 =	vshll.u32 v13, $0x3;
	v19 =	vand.u32 $0x400, v19;
	[tilespmem:s26+$0x0] =	vst.add.f32.msk $0xffff, v11  }
0x2e9: {  	v11 =	vand.u32 $0x400, v15;
	v15 =	vand.u32 $0x400, v18;
	v18 =	vand.u32 $0x400, v21;
	v17 =	vld.idx.msk [tilespmem:v17+s2+$0x0], $0xffff  }
0x2ea: {  	v22 =	vand.u32 $0x400, v22;
	v20 =	vand.u32 $0x400, v20;
	v21 =	vand.u32 $0x63, v23;
	[tilespmem:s26+$0x10] =	vst.add.f32.msk $0xffff, v12  }
0x2eb: {  	v23 =	vand.u32 $0x6F, v25;
	v12 =	vand.u32 $0x67, v16;
	v16 =	vand.u32 $0x6B, v24;
	[tilespmem:s26+$0x20] =	vst.add.f32.msk $0xffff, v10  }
0x2ec: {  	v13 =	vand.u32 $0x400, v13;
	v24 =	vand.u32 $0x77, v27;
	v10 =	vand.u32 $0x73, v26;
	[tilespmem:s26+$0x30] =	vst.add.f32.msk $0xffff, v8  }
.Ltmp10:
0x2ed: {  	v14 =	vand.u32 $0x7F, v14;
	v12 =	vor.u32 v11, v12;
	v8 =	vor.u32 v19, v21;
	[tilespmem:s26+$0x40] =	vst.add.f32.msk $0xffff, v9;
	(pc) =	sbr.rel @p0 .LBB2_23-.Ltmp10, $4  }
0x2ee: {  	v9 =	vor.u32 v15, v16;
	v15 =	vor.u32 v18, v23;
	v16 =	vor.u32 v22, v10;
	s26 =	sadd.s32 $0x400, s26;
	[tilespmem:s3+$0x50] =	vst.add.f32.msk $0xffff, v7  }
0x2ef: {  	v13 =	vor.u32 v13, v14;
	v11 =	vor.u32 v5, v8;
	v7 =	vor.u32 v20, v24;
	[tilespmem:s26+$0x60] =	vst.add.f32.msk $0xffff, v17  }
0x2f0: {  	v12 =	vor.u32 v5, v12;
	v10 =	vor.u32 v5, v9;
	v8 =	vor.u32 v5, v15;
	[tilespmem:s3+$0x70] =	vst.add.f32.msk $0xffff, v6;
	s3 =	smov.u32 s26  }
0x2f1: {  	s5 =	sadd.s32 $0x20, s5;
	v9 =	vor.u32 v5, v16;
	v7 =	vor.u32 v5, v7;
	v6 =	vor.u32 v5, v13  }
0x2f2: {  	_ =	sdelay $0x3  }
0x2f3: {  	v5 =	vld.idx.msk [tilespmem:v11+s2+$0x0], $0xffff  }
0x2f4: {  	v63 =	vld.idx.msk [tilespmem:v12+s2+$0x0], $0xffff  }
0x2f5: {  	v10 =	vld.idx.msk [tilespmem:v10+s2+$0x0], $0xffff  }
0x2f6: {  	v8 =	vld.idx.msk [tilespmem:v8+s2+$0x0], $0xffff  }
0x2f7: {  	v9 =	vld.idx.msk [tilespmem:v9+s2+$0x0], $0xffff  }
0x2f8: {  	v7 =	vld.idx.msk [tilespmem:v7+s2+$0x0], $0xffff  }
0x2f9: {  	v6 =	vld.idx.msk [tilespmem:v6+s2+$0x0], $0xffff  }
0x2fa: {  	s25 =	sadd.s32 $0x1, s25;
	[tilespmem:s26+$0x0] =	vst.add.f32.msk $0xffff, v5  }
0x2fb: {  	p0 =	sne.s32 s25, $0x10;
	[tilespmem:s26+$0x10] =	vst.add.f32.msk $0xffff, v63  }
.Ltmp11:
0x2fc: {  	[tilespmem:s26+$0x20] =	vst.add.f32.msk $0xffff, v10;
	(pc) =	sbr.rel @p0 .LBB2_22-.Ltmp11, $4  }
0x2fd: {  	[tilespmem:s26+$0x30] =	vst.add.f32.msk $0xffff, v8  }
0x2fe: {  	[tilespmem:s26+$0x40] =	vst.add.f32.msk $0xffff, v9  }
0x2ff: {  	[tilespmem:s3+$0x50] =	vst.add.f32.msk $0xffff, v7  }
0x300: {  	s24 =	sadd.s32 $0x400, s24;
	s23 =	sadd.s32 $0x1, s23;
	[tilespmem:s3+$0x70] =	vst.add.f32.msk $0xffff, v6  }
0x301: {  	s23 =	simm.s32 $0x0;
	s3 =	rddreg [dreg:$0xf]  }
0x302: {  	[hbm4b:s3+s23] =	stream.linear.scatter [tilespmem:s31], [sflag:$0x3], $0x4000, $0x38;
	[tilespmem:$0x19000] =	vst v63  }
0x303: {  	_ =	swait.ge [sflag:s21], $0x4000  }
0x304: {  	[sflag:s21] =	ssyncset.done $0x0  }
0x305: {  	s7 =	rddreg [dreg:$0x10];
	[sflag:s21] =	ssyncadd.s32 $0xFFFFC000  }
0x306: {  	[tilespmem:s18], [sflag:$0x1] =	stream.linear.gather [hbm4b:s7+s23], $0x4000, $0x38;
	[tilespmem:$0x19000] =	vst v63  }
0x307: {  	v5 =	vld [tilespmem:$0x18380];
	_ =	sdelay $0x4  }
0x308: {  	v6 =	vshll.u32 v5, $0x1  }
0x309: {  	v5 =	vand.u32 $0x7, v5;
	v6 =	vand.u32 $0xFFFFFFF0, v6  }
0x30a: {  	v5 =	vor.u32 v5, v6  }
0x30b: {  	v6 =	vperm.xlane v5, v0;
	_ =	sdelay $0x1  }
0x30c: {  	v5 =	vperm.xlane v5, v2;
	v6 =	vadd.s32 v1, v6;
	_ =	sdelay $0x1  }
0x30d: {  	v5 =	vadd.s32 v1, v5;
	_ =	sdelay $0x2  }
0x30e: {  	[tilespmem:s19], [sflag:$0x2] =	stream.indirect_vreg.gather [hbm4b:s29+s23], $0x80, v6, vm0, $0xb8;
	[tilespmem:$0x19000] =	vst v63  }
0x30f: {  	s8 =	simm.s32 $0x10800  }
0x310: {  	[tilespmem:s8], [sflag:$0x2] =	stream.indirect_vreg.gather [hbm4b:s29+s23], $0x80, v5, vm0, $0xb8;
	[tilespmem:$0x19000] =	vst v63  }
0x311: {  	v5 =	vld [tilespmem:$0x18390];
	_ =	sdelay $0x4  }
0x312: {  	v6 =	vshll.u32 v5, $0x1  }
0x313: {  	v5 =	vand.u32 $0x7, v5;
	v6 =	vand.u32 $0xFFFFFFF0, v6  }
0x314: {  	v5 =	vor.u32 v5, v6  }
0x315: {  	v6 =	vperm.xlane v5, v0;
	_ =	sdelay $0x1  }
0x316: {  	v5 =	vperm.xlane v5, v2;
	v6 =	vadd.s32 v1, v6;
	_ =	sdelay $0x1  }
0x317: {  	v5 =	vadd.s32 v1, v5;
	_ =	sdelay $0x1  }
0x318: {  	s9 =	simm.s32 $0x11000  }
0x319: {  	[tilespmem:s9], [sflag:$0x2] =	stream.indirect_vreg.gather [hbm4b:s29+s23], $0x80, v6, vm0, $0xb8;
	[tilespmem:$0x19000] =	vst v63  }
0x31a: {  	s11 =	simm.s32 $0x11800  }
0x31b: {  	[tilespmem:s11], [sflag:$0x2] =	stream.indirect_vreg.gather [hbm4b:s29+s23], $0x80, v5, vm0, $0xb8;
	[tilespmem:$0x19000] =	vst v63  }
0x31c: {  	v5 =	vld [tilespmem:$0x18B80];
	_ =	sdelay $0x4  }
0x31d: {  	v6 =	vshll.u32 v5, $0x1  }
0x31e: {  	v5 =	vand.u32 $0x7, v5;
	v6 =	vand.u32 $0xFFFFFFF0, v6  }
0x31f: {  	v5 =	vor.u32 v5, v6  }
0x320: {  	v6 =	vperm.xlane v5, v0;
	_ =	sdelay $0x1  }
0x321: {  	v5 =	vperm.xlane v5, v2;
	v6 =	vadd.s32 v1, v6;
	_ =	sdelay $0x1  }
0x322: {  	v5 =	vadd.s32 v1, v5;
	_ =	sdelay $0x1  }
0x323: {  	s20 =	simm.s32 $0x12000  }
0x324: {  	[tilespmem:s20], [sflag:$0x2] =	stream.indirect_vreg.gather [hbm4b:s0+s23], $0x80, v6, vm0, $0xb8;
	[tilespmem:$0x19000] =	vst v63  }
0x325: {  	s24 =	simm.s32 $0x12800  }
0x326: {  	[tilespmem:s24], [sflag:$0x2] =	stream.indirect_vreg.gather [hbm4b:s0+s23], $0x80, v5, vm0, $0xb8;
	[tilespmem:$0x19000] =	vst v63  }
0x327: {  	v5 =	vld [tilespmem:$0x18B90];
	_ =	sdelay $0x4  }
0x328: {  	v6 =	vshll.u32 v5, $0x1  }
0x329: {  	v5 =	vand.u32 $0x7, v5;
	v6 =	vand.u32 $0xFFFFFFF0, v6  }
0x32a: {  	v5 =	vor.u32 v5, v6  }
0x32b: {  	v6 =	vperm.xlane v5, v0;
	_ =	sdelay $0x1  }
0x32c: {  	v5 =	vperm.xlane v5, v2;
	v6 =	vadd.s32 v1, v6;
	_ =	sdelay $0x1  }
0x32d: {  	v5 =	vadd.s32 v1, v5;
	_ =	sdelay $0x1  }
0x32e: {  	s25 =	simm.s32 $0x13000  }
0x32f: {  	[tilespmem:s25], [sflag:$0x2] =	stream.indirect_vreg.gather [hbm4b:s0+s23], $0x80, v6, vm0, $0xb8;
	[tilespmem:$0x19000] =	vst v63  }
0x330: {  	s26 =	simm.s32 $0x13800  }
0x331: {  	[tilespmem:s26], [sflag:$0x2] =	stream.indirect_vreg.gather [hbm4b:s0+s23], $0x80, v5, vm0, $0xb8;
	[tilespmem:$0x19000] =	vst v63  }
0x332: {  	_ =	swait.ge [sflag:s28], $0x4000  }
0x333: {  	[sflag:s28] =	ssyncset.done $0x0  }
0x334: {  	[sflag:s28] =	ssyncadd.s32 $0xFFFFC000  }
0x335: {  	_ =	swait.ge [sflag:s30], $0x2000  }
0x336: {  	[sflag:s30] =	ssyncset.done $0x0  }
0x337: {  	[sflag:s30] =	ssyncadd.s32 $0xFFFFE000  }
0x338: {  	_ =	swait.ge [sflag:s30], $0x2000  }
0x339: {  	[sflag:s30] =	ssyncset.done $0x0  }
0x33a: {  	s24 =	simm.s32 $0x0;
	s25 =	simm.s32 $0x0;
	[sflag:s30] =	ssyncadd.s32 $0xFFFFE000  }
.LBB2_26:
0x33b: {  	v5 =	vmov s25  }
0x33c: {  	s3 =	simm.s32 $0x1C;
	s4 =	simm.s32 $0x4;
	v6 =	vshll.u32 v5, $0x8;
	v5 =	vshll.u32 v5, $0x7  }
0x33d: {  	s5 =	simm.s32 $0x18;
	s8 =	simm.s32 $0x8;
	v7 =	vor.u32 s3, v4;
	v8 =	vmov s4;
	v9 =	vor.u32 s4, v4  }
0x33e: {  	s9 =	simm.s32 $0x0;
	s11 =	simm.s32 $0xC;
	s6 =	simm.s32 $0x10;
	v10 =	vmov s5;
	v11 =	vmov s8;
	v12 =	vor.u32 s5, v4  }
0x33f: {  	v13 =	vmov s9;
	v14 =	vmov s11;
	v15 =	vmov s6  }
0x340: {  	s7 =	simm.s32 $0x14;
	v16 =	vor.u32 s9, v4;
	v17 =	vor.u32 s8, v4;
	v18 =	vor.u32 s11, v4  }
0x341: {  	v19 =	vor.u32 s6, v4;
	v20 =	vor.u32 s7, v4;
	v6 =	vadd.s32 v3, v6  }
0x342: {  	v5 =	vand.u32 $0x380, v5;
	v10 =	vshll.u32 v10, $0x3;
	v12 =	vand.u32 $0x7B, v12  }
0x343: {  	v8 =	vshll.u32 v8, $0x3;
	v11 =	vshll.u32 v11, $0x3;
	v14 =	vshll.u32 v14, $0x3  }
0x344: {  	v15 =	vshll.u32 v15, $0x3;
	v6 =	vand.u32 $0x3800, v6;
	v10 =	vand.u32 $0x400, v10  }
0x345: {  	v16 =	vand.u32 $0x63, v16;
	v5 =	vor.u32 v6, v5;
	v10 =	vor.u32 v10, v12  }
0x346: {  	v9 =	vand.u32 $0x67, v9;
	v17 =	vand.u32 $0x6B, v17;
	v10 =	vor.u32 v5, v10  }
0x347: {  	v18 =	vand.u32 $0x6F, v18;
	v63 =	vand.u32 $0x77, v20;
	v7 =	vand.u32 $0x7F, v7  }
0x348: {  	v8 =	vand.u32 $0x400, v8;
	v11 =	vand.u32 $0x400, v11;
	v14 =	vand.u32 $0x400, v14  }
0x349: {  	v15 =	vand.u32 $0x400, v15;
	v6 =	vmov s3;
	v12 =	vshll.u32 v13, $0x3  }
0x34a: {  	v13 =	vmov s7;
	v8 =	vor.u32 v8, v9;
	v9 =	vor.u32 v11, v17  }
0x34b: {  	v14 =	vor.u32 v14, v18;
	v13 =	vshll.u32 v13, $0x3;
	v12 =	vand.u32 $0x400, v12;
	v21 =	vld.idx.msk [tilespmem:v10+s10+$0x0], $0xffff  }
0x34c: {  	s20 =	sshll.u32 s24, $0x2;
	s26 =	sand.u32 $0x7, s23;
	v6 =	vshll.u32 v6, $0x3;
	v13 =	vand.u32 $0x400, v13;
	v12 =	vor.u32 v12, v16  }
0x34d: {  	s4 =	sshll.u32 s26, $0x9;
	s3 =	sand.u32 $0xFFFF8000, s20;
	v6 =	vand.u32 $0x400, v6;
	v11 =	vor.u32 v5, v12;
	v13 =	vor.u32 v13, v63  }
0x34e: {  	s3 =	sor.u32 s4, s3;
	v6 =	vor.u32 v6, v7;
	v12 =	vor.u32 v5, v8;
	v10 =	vand.u32 $0x73, v19  }
0x34f: {  	s26 =	sshrl.u32 s3, $0x2;
	v8 =	vor.u32 v5, v14;
	v7 =	vor.u32 v5, v13;
	v15 =	vor.u32 v15, v10  }
0x350: {  	s5 =	simm.s32 $0x3C;
	s4 =	simm.s32 $0x0;
	s3 =	smov.u32 s26;
	v6 =	vor.u32 v5, v6;
	v10 =	vor.u32 v5, v9;
	v9 =	vor.u32 v5, v15;
	[tilespmem:s26+$0x60] =	vst.add.f32.msk $0xffff, v21  }
.LBB2_27:
0x351: {  	s6 =	sadd.s32 $0xFFFFFFE8, s5;
	s7 =	sadd.s32 $0xFFFFFFFC, s5;
	v13 =	vmov s5;
	v14 =	vor.u32 s5, v4;
	s4 =	sadd.s32 $0x8, s4  }
0x352: {  	s8 =	sadd.s32 $0xFFFFFFF0, s5;
	v15 =	vmov s6;
	v16 =	vor.u32 s6, v4;
	s6 =	sadd.s32 $0xFFFFFFEC, s5;
	v17 =	vmov s7;
	p0 =	slt.u32 s4, $0x38  }
0x353: {  	s9 =	sadd.s32 $0xFFFFFFE4, s5;
	s11 =	sadd.s32 $0xFFFFFFF4, s5;
	s20 =	sadd.s32 $0xFFFFFFF8, s5;
	v19 =	vor.u32 s7, v4;
	v18 =	vmov s6;
	v17 =	vshll.u32 v17, $0x3;
	v11 =	vld.idx.msk [tilespmem:v11+s10+$0x0], $0xffff  }
0x354: {  	v20 =	vmov s9;
	v19 =	vand.u32 $0x7B, v19;
	v17 =	vand.u32 $0x400, v17;
	v12 =	vld.idx.msk [tilespmem:v12+s10+$0x0], $0xffff  }
0x355: {  	v21 =	vmov s8;
	v22 =	vmov s11;
	v17 =	vor.u32 v17, v19;
	v10 =	vld.idx.msk [tilespmem:v10+s10+$0x0], $0xffff  }
0x356: {  	v19 =	vshll.u32 v20, $0x3;
	v20 =	vmov s20;
	v17 =	vor.u32 v5, v17;
	v8 =	vld.idx.msk [tilespmem:v8+s10+$0x0], $0xffff  }
0x357: {  	v15 =	vshll.u32 v15, $0x3;
	v21 =	vshll.u32 v21, $0x3;
	v18 =	vshll.u32 v18, $0x3;
	v9 =	vld.idx.msk [tilespmem:v9+s10+$0x0], $0xffff  }
0x358: {  	v23 =	vor.u32 s9, v4;
	v22 =	vshll.u32 v22, $0x3;
	v20 =	vshll.u32 v20, $0x3;
	v7 =	vld.idx.msk [tilespmem:v7+s10+$0x0], $0xffff  }
0x359: {  	v25 =	vor.u32 s8, v4;
	v26 =	vor.u32 s11, v4;
	v24 =	vor.u32 s6, v4;
	v6 =	vld.idx.msk [tilespmem:v6+s10+$0x0], $0xffff  }
0x35a: {  	v27 =	vor.u32 s20, v4;
	v13 =	vshll.u32 v13, $0x3;
	v19 =	vand.u32 $0x400, v19;
	[tilespmem:s26+$0x0] =	vst.add.f32.msk $0xffff, v11  }
0x35b: {  	v11 =	vand.u32 $0x400, v15;
	v15 =	vand.u32 $0x400, v18;
	v18 =	vand.u32 $0x400, v21;
	v17 =	vld.idx.msk [tilespmem:v17+s10+$0x0], $0xffff  }
0x35c: {  	v22 =	vand.u32 $0x400, v22;
	v20 =	vand.u32 $0x400, v20;
	v21 =	vand.u32 $0x63, v23;
	[tilespmem:s26+$0x10] =	vst.add.f32.msk $0xffff, v12  }
0x35d: {  	v23 =	vand.u32 $0x6F, v25;
	v12 =	vand.u32 $0x67, v16;
	v16 =	vand.u32 $0x6B, v24;
	[tilespmem:s26+$0x20] =	vst.add.f32.msk $0xffff, v10  }
0x35e: {  	v13 =	vand.u32 $0x400, v13;
	v24 =	vand.u32 $0x77, v27;
	v10 =	vand.u32 $0x73, v26;
	[tilespmem:s26+$0x30] =	vst.add.f32.msk $0xffff, v8  }
.Ltmp12:
0x35f: {  	v14 =	vand.u32 $0x7F, v14;
	v12 =	vor.u32 v11, v12;
	v8 =	vor.u32 v19, v21;
	[tilespmem:s26+$0x40] =	vst.add.f32.msk $0xffff, v9;
	(pc) =	sbr.rel @p0 .LBB2_27-.Ltmp12, $4  }
0x360: {  	v9 =	vor.u32 v15, v16;
	v15 =	vor.u32 v18, v23;
	v16 =	vor.u32 v22, v10;
	s26 =	sadd.s32 $0x400, s26;
	[tilespmem:s3+$0x50] =	vst.add.f32.msk $0xffff, v7  }
0x361: {  	v13 =	vor.u32 v13, v14;
	v11 =	vor.u32 v5, v8;
	v7 =	vor.u32 v20, v24;
	[tilespmem:s26+$0x60] =	vst.add.f32.msk $0xffff, v17  }
0x362: {  	v12 =	vor.u32 v5, v12;
	v10 =	vor.u32 v5, v9;
	v8 =	vor.u32 v5, v15;
	[tilespmem:s3+$0x70] =	vst.add.f32.msk $0xffff, v6;
	s3 =	smov.u32 s26  }
0x363: {  	s5 =	sadd.s32 $0x20, s5;
	v9 =	vor.u32 v5, v16;
	v7 =	vor.u32 v5, v7;
	v6 =	vor.u32 v5, v13  }
0x364: {  	_ =	sdelay $0x3  }
0x365: {  	v5 =	vld.idx.msk [tilespmem:v11+s10+$0x0], $0xffff  }
0x366: {  	v63 =	vld.idx.msk [tilespmem:v12+s10+$0x0], $0xffff  }
0x367: {  	v10 =	vld.idx.msk [tilespmem:v10+s10+$0x0], $0xffff  }
0x368: {  	v8 =	vld.idx.msk [tilespmem:v8+s10+$0x0], $0xffff  }
0x369: {  	v9 =	vld.idx.msk [tilespmem:v9+s10+$0x0], $0xffff  }
0x36a: {  	v7 =	vld.idx.msk [tilespmem:v7+s10+$0x0], $0xffff  }
0x36b: {  	v6 =	vld.idx.msk [tilespmem:v6+s10+$0x0], $0xffff  }
0x36c: {  	s25 =	sadd.s32 $0x1, s25;
	[tilespmem:s26+$0x0] =	vst.add.f32.msk $0xffff, v5  }
0x36d: {  	p0 =	sne.s32 s25, $0x10;
	[tilespmem:s26+$0x10] =	vst.add.f32.msk $0xffff, v63  }
.Ltmp13:
0x36e: {  	[tilespmem:s26+$0x20] =	vst.add.f32.msk $0xffff, v10;
	(pc) =	sbr.rel @p0 .LBB2_26-.Ltmp13, $4  }
0x36f: {  	[tilespmem:s26+$0x30] =	vst.add.f32.msk $0xffff, v8  }
0x370: {  	[tilespmem:s26+$0x40] =	vst.add.f32.msk $0xffff, v9  }
0x371: {  	[tilespmem:s3+$0x50] =	vst.add.f32.msk $0xffff, v7  }
0x372: {  	s24 =	sadd.s32 $0x400, s24;
	s23 =	sadd.s32 $0x1, s23;
	[tilespmem:s3+$0x70] =	vst.add.f32.msk $0xffff, v6  }
0x373: {  	s23 =	simm.s32 $0x0;
	s3 =	rddreg [dreg:$0x11]  }
0x374: {  	[hbm4b:s3+s23] =	stream.linear.scatter [tilespmem:s23], [sflag:$0x3], $0x4000, $0x38;
	[tilespmem:$0x19000] =	vst v63  }
0x375: {  	_ =	swait.ge [sflag:s21], $0x4000  }
0x376: {  	[sflag:s21] =	ssyncset.done $0x0  }
0x377: {  	s7 =	rddreg [dreg:$0x12];
	[sflag:s21] =	ssyncadd.s32 $0xFFFFC000  }
0x378: {  	[tilespmem:s31], [sflag:$0x1] =	stream.linear.gather [hbm4b:s7+s23], $0x4000, $0x38;
	[tilespmem:$0x19000] =	vst v63  }
0x379: {  	v5 =	vld [tilespmem:$0x18400];
	_ =	sdelay $0x4  }
0x37a: {  	v6 =	vshll.u32 v5, $0x1  }
0x37b: {  	v5 =	vand.u32 $0x7, v5;
	v6 =	vand.u32 $0xFFFFFFF0, v6  }
0x37c: {  	v5 =	vor.u32 v5, v6  }
0x37d: {  	v6 =	vperm.xlane v5, v0;
	_ =	sdelay $0x1  }
0x37e: {  	v5 =	vperm.xlane v5, v2;
	v6 =	vadd.s32 v1, v6;
	_ =	sdelay $0x1  }
0x37f: {  	v5 =	vadd.s32 v1, v5;
	_ =	sdelay $0x2  }
0x380: {  	[tilespmem:s2], [sflag:$0x2] =	stream.indirect_vreg.gather [hbm4b:s29+s23], $0x80, v6, vm0, $0xb8;
	[tilespmem:$0x19000] =	vst v63  }
0x381: {  	s8 =	simm.s32 $0x14800  }
0x382: {  	[tilespmem:s8], [sflag:$0x2] =	stream.indirect_vreg.gather [hbm4b:s29+s23], $0x80, v5, vm0, $0xb8;
	[tilespmem:$0x19000] =	vst v63  }
0x383: {  	v5 =	vld [tilespmem:$0x18410];
	_ =	sdelay $0x4  }
0x384: {  	v6 =	vshll.u32 v5, $0x1  }
0x385: {  	v5 =	vand.u32 $0x7, v5;
	v6 =	vand.u32 $0xFFFFFFF0, v6  }
0x386: {  	v5 =	vor.u32 v5, v6  }
0x387: {  	v6 =	vperm.xlane v5, v0;
	_ =	sdelay $0x1  }
0x388: {  	v5 =	vperm.xlane v5, v2;
	v6 =	vadd.s32 v1, v6;
	_ =	sdelay $0x1  }
0x389: {  	v5 =	vadd.s32 v1, v5;
	_ =	sdelay $0x1  }
0x38a: {  	s9 =	simm.s32 $0x15000  }
0x38b: {  	[tilespmem:s9], [sflag:$0x2] =	stream.indirect_vreg.gather [hbm4b:s29+s23], $0x80, v6, vm0, $0xb8;
	[tilespmem:$0x19000] =	vst v63  }
0x38c: {  	s11 =	simm.s32 $0x15800  }
0x38d: {  	[tilespmem:s11], [sflag:$0x2] =	stream.indirect_vreg.gather [hbm4b:s29+s23], $0x80, v5, vm0, $0xb8;
	[tilespmem:$0x19000] =	vst v63  }
0x38e: {  	v5 =	vld [tilespmem:$0x18C00];
	_ =	sdelay $0x4  }
0x38f: {  	v6 =	vshll.u32 v5, $0x1  }
0x390: {  	v5 =	vand.u32 $0x7, v5;
	v6 =	vand.u32 $0xFFFFFFF0, v6  }
0x391: {  	v5 =	vor.u32 v5, v6  }
0x392: {  	v6 =	vperm.xlane v5, v0;
	_ =	sdelay $0x1  }
0x393: {  	v5 =	vperm.xlane v5, v2;
	v6 =	vadd.s32 v1, v6;
	_ =	sdelay $0x1  }
0x394: {  	v5 =	vadd.s32 v1, v5;
	_ =	sdelay $0x1  }
0x395: {  	s20 =	simm.s32 $0x16000  }
0x396: {  	[tilespmem:s20], [sflag:$0x2] =	stream.indirect_vreg.gather [hbm4b:s0+s23], $0x80, v6, vm0, $0xb8;
	[tilespmem:$0x19000] =	vst v63  }
0x397: {  	s24 =	simm.s32 $0x16800  }
0x398: {  	[tilespmem:s24], [sflag:$0x2] =	stream.indirect_vreg.gather [hbm4b:s0+s23], $0x80, v5, vm0, $0xb8;
	[tilespmem:$0x19000] =	vst v63  }
0x399: {  	v5 =	vld [tilespmem:$0x18C10];
	_ =	sdelay $0x4  }
0x39a: {  	v6 =	vshll.u32 v5, $0x1  }
0x39b: {  	v5 =	vand.u32 $0x7, v5;
	v6 =	vand.u32 $0xFFFFFFF0, v6  }
0x39c: {  	v5 =	vor.u32 v5, v6  }
0x39d: {  	v6 =	vperm.xlane v5, v0;
	_ =	sdelay $0x1  }
0x39e: {  	v5 =	vperm.xlane v5, v2;
	v6 =	vadd.s32 v1, v6;
	_ =	sdelay $0x1  }
0x39f: {  	v5 =	vadd.s32 v1, v5;
	_ =	sdelay $0x1  }
0x3a0: {  	s25 =	simm.s32 $0x17000  }
0x3a1: {  	[tilespmem:s25], [sflag:$0x2] =	stream.indirect_vreg.gather [hbm4b:s0+s23], $0x80, v6, vm0, $0xb8;
	[tilespmem:$0x19000] =	vst v63  }
0x3a2: {  	s26 =	simm.s32 $0x17800  }
0x3a3: {  	[tilespmem:s26], [sflag:$0x2] =	stream.indirect_vreg.gather [hbm4b:s0+s23], $0x80, v5, vm0, $0xb8;
	[tilespmem:$0x19000] =	vst v63  }
0x3a4: {  	_ =	swait.ge [sflag:s28], $0x4000  }
0x3a5: {  	[sflag:s28] =	ssyncset.done $0x0  }
0x3a6: {  	[sflag:s28] =	ssyncadd.s32 $0xFFFFC000  }
0x3a7: {  	_ =	swait.ge [sflag:s30], $0x2000  }
0x3a8: {  	[sflag:s30] =	ssyncset.done $0x0  }
0x3a9: {  	[sflag:s30] =	ssyncadd.s32 $0xFFFFE000  }
0x3aa: {  	_ =	swait.ge [sflag:s30], $0x2000  }
0x3ab: {  	[sflag:s30] =	ssyncset.done $0x0  }
0x3ac: {  	s24 =	simm.s32 $0x0;
	s25 =	simm.s32 $0x0;
	[sflag:s30] =	ssyncadd.s32 $0xFFFFE000  }
.LBB2_30:
0x3ad: {  	v5 =	vmov s25  }
0x3ae: {  	s3 =	simm.s32 $0x1C;
	s4 =	simm.s32 $0x4;
	v6 =	vshll.u32 v5, $0x8;
	v5 =	vshll.u32 v5, $0x7  }
0x3af: {  	s5 =	simm.s32 $0x18;
	s8 =	simm.s32 $0x8;
	v7 =	vor.u32 s3, v4;
	v8 =	vmov s4;
	v9 =	vor.u32 s4, v4  }
0x3b0: {  	s9 =	simm.s32 $0x0;
	s11 =	simm.s32 $0xC;
	s6 =	simm.s32 $0x10;
	v10 =	vmov s5;
	v11 =	vmov s8;
	v12 =	vor.u32 s5, v4  }
0x3b1: {  	v13 =	vmov s9;
	v14 =	vmov s11;
	v15 =	vmov s6  }
0x3b2: {  	s7 =	simm.s32 $0x14;
	v16 =	vor.u32 s9, v4;
	v17 =	vor.u32 s8, v4;
	v18 =	vor.u32 s11, v4  }
0x3b3: {  	v19 =	vor.u32 s6, v4;
	v20 =	vor.u32 s7, v4;
	v6 =	vadd.s32 v3, v6  }
0x3b4: {  	v5 =	vand.u32 $0x380, v5;
	v10 =	vshll.u32 v10, $0x3;
	v12 =	vand.u32 $0x7B, v12  }
0x3b5: {  	v8 =	vshll.u32 v8, $0x3;
	v11 =	vshll.u32 v11, $0x3;
	v14 =	vshll.u32 v14, $0x3  }
0x3b6: {  	v15 =	vshll.u32 v15, $0x3;
	v6 =	vand.u32 $0x3800, v6;
	v10 =	vand.u32 $0x400, v10  }
0x3b7: {  	v16 =	vand.u32 $0x63, v16;
	v5 =	vor.u32 v6, v5;
	v10 =	vor.u32 v10, v12  }
0x3b8: {  	v9 =	vand.u32 $0x67, v9;
	v17 =	vand.u32 $0x6B, v17;
	v10 =	vor.u32 v5, v10  }
0x3b9: {  	v18 =	vand.u32 $0x6F, v18;
	v63 =	vand.u32 $0x77, v20;
	v7 =	vand.u32 $0x7F, v7  }
0x3ba: {  	v8 =	vand.u32 $0x400, v8;
	v11 =	vand.u32 $0x400, v11;
	v14 =	vand.u32 $0x400, v14  }
0x3bb: {  	v15 =	vand.u32 $0x400, v15;
	v6 =	vmov s3;
	v12 =	vshll.u32 v13, $0x3  }
0x3bc: {  	v13 =	vmov s7;
	v8 =	vor.u32 v8, v9;
	v9 =	vor.u32 v11, v17  }
0x3bd: {  	s20 =	sshll.u32 s24, $0x2;
	s26 =	sand.u32 $0x7, s23;
	v14 =	vor.u32 v14, v18;
	v13 =	vshll.u32 v13, $0x3;
	v12 =	vand.u32 $0x400, v12;
	v21 =	vld.idx.msk [tilespmem:v10+s19+$0x0], $0xffff  }
0x3be: {  	s4 =	sshll.u32 s26, $0x9;
	s3 =	sand.u32 $0xFFFF8000, s20;
	v6 =	vshll.u32 v6, $0x3;
	v13 =	vand.u32 $0x400, v13;
	v12 =	vor.u32 v12, v16  }
0x3bf: {  	s3 =	sor.u32 s4, s3;
	v6 =	vand.u32 $0x400, v6;
	v11 =	vor.u32 v5, v12;
	v13 =	vor.u32 v13, v63  }
0x3c0: {  	s3 =	sshrl.u32 s3, $0x2;
	v6 =	vor.u32 v6, v7;
	v12 =	vor.u32 v5, v8;
	v10 =	vand.u32 $0x73, v19  }
0x3c1: {  	s26 =	sadd.s32 $0x4000, s3;
	v8 =	vor.u32 v5, v14;
	v7 =	vor.u32 v5, v13;
	v15 =	vor.u32 v15, v10  }
0x3c2: {  	s5 =	simm.s32 $0x3C;
	s4 =	simm.s32 $0x0;
	v6 =	vor.u32 v5, v6;
	s3 =	smov.u32 s26;
	v10 =	vor.u32 v5, v9;
	v9 =	vor.u32 v5, v15;
	[tilespmem:s26+$0x60] =	vst.add.f32.msk $0xffff, v21  }
.LBB2_31:
0x3c3: {  	s6 =	sadd.s32 $0xFFFFFFE8, s5;
	s7 =	sadd.s32 $0xFFFFFFFC, s5;
	v13 =	vmov s5;
	v14 =	vor.u32 s5, v4;
	s4 =	sadd.s32 $0x8, s4  }
0x3c4: {  	s8 =	sadd.s32 $0xFFFFFFF0, s5;
	v15 =	vmov s6;
	v16 =	vor.u32 s6, v4;
	s6 =	sadd.s32 $0xFFFFFFEC, s5;
	v17 =	vmov s7;
	p0 =	slt.u32 s4, $0x38  }
0x3c5: {  	s9 =	sadd.s32 $0xFFFFFFE4, s5;
	s11 =	sadd.s32 $0xFFFFFFF4, s5;
	s20 =	sadd.s32 $0xFFFFFFF8, s5;
	v19 =	vor.u32 s7, v4;
	v18 =	vmov s6;
	v17 =	vshll.u32 v17, $0x3;
	v11 =	vld.idx.msk [tilespmem:v11+s19+$0x0], $0xffff  }
0x3c6: {  	v20 =	vmov s9;
	v19 =	vand.u32 $0x7B, v19;
	v17 =	vand.u32 $0x400, v17;
	v12 =	vld.idx.msk [tilespmem:v12+s19+$0x0], $0xffff  }
0x3c7: {  	v21 =	vmov s8;
	v22 =	vmov s11;
	v17 =	vor.u32 v17, v19;
	v10 =	vld.idx.msk [tilespmem:v10+s19+$0x0], $0xffff  }
0x3c8: {  	v19 =	vshll.u32 v20, $0x3;
	v20 =	vmov s20;
	v17 =	vor.u32 v5, v17;
	v8 =	vld.idx.msk [tilespmem:v8+s19+$0x0], $0xffff  }
0x3c9: {  	v15 =	vshll.u32 v15, $0x3;
	v21 =	vshll.u32 v21, $0x3;
	v18 =	vshll.u32 v18, $0x3;
	v9 =	vld.idx.msk [tilespmem:v9+s19+$0x0], $0xffff  }
0x3ca: {  	v23 =	vor.u32 s9, v4;
	v22 =	vshll.u32 v22, $0x3;
	v20 =	vshll.u32 v20, $0x3;
	v7 =	vld.idx.msk [tilespmem:v7+s19+$0x0], $0xffff  }
0x3cb: {  	v25 =	vor.u32 s8, v4;
	v26 =	vor.u32 s11, v4;
	v24 =	vor.u32 s6, v4;
	v6 =	vld.idx.msk [tilespmem:v6+s19+$0x0], $0xffff  }
0x3cc: {  	v27 =	vor.u32 s20, v4;
	v13 =	vshll.u32 v13, $0x3;
	v19 =	vand.u32 $0x400, v19;
	[tilespmem:s26+$0x0] =	vst.add.f32.msk $0xffff, v11  }
0x3cd: {  	v11 =	vand.u32 $0x400, v15;
	v15 =	vand.u32 $0x400, v18;
	v18 =	vand.u32 $0x400, v21;
	v17 =	vld.idx.msk [tilespmem:v17+s19+$0x0], $0xffff  }
0x3ce: {  	v22 =	vand.u32 $0x400, v22;
	v20 =	vand.u32 $0x400, v20;
	v21 =	vand.u32 $0x63, v23;
	[tilespmem:s26+$0x10] =	vst.add.f32.msk $0xffff, v12  }
0x3cf: {  	v23 =	vand.u32 $0x6F, v25;
	v12 =	vand.u32 $0x67, v16;
	v16 =	vand.u32 $0x6B, v24;
	[tilespmem:s26+$0x20] =	vst.add.f32.msk $0xffff, v10  }
0x3d0: {  	v13 =	vand.u32 $0x400, v13;
	v24 =	vand.u32 $0x77, v27;
	v10 =	vand.u32 $0x73, v26;
	[tilespmem:s26+$0x30] =	vst.add.f32.msk $0xffff, v8  }
.Ltmp14:
0x3d1: {  	v14 =	vand.u32 $0x7F, v14;
	v12 =	vor.u32 v11, v12;
	v8 =	vor.u32 v19, v21;
	[tilespmem:s26+$0x40] =	vst.add.f32.msk $0xffff, v9;
	(pc) =	sbr.rel @p0 .LBB2_31-.Ltmp14, $4  }
0x3d2: {  	v9 =	vor.u32 v15, v16;
	v15 =	vor.u32 v18, v23;
	v16 =	vor.u32 v22, v10;
	s26 =	sadd.s32 $0x400, s26;
	[tilespmem:s3+$0x50] =	vst.add.f32.msk $0xffff, v7  }
0x3d3: {  	v13 =	vor.u32 v13, v14;
	v11 =	vor.u32 v5, v8;
	v7 =	vor.u32 v20, v24;
	[tilespmem:s26+$0x60] =	vst.add.f32.msk $0xffff, v17  }
0x3d4: {  	v12 =	vor.u32 v5, v12;
	v10 =	vor.u32 v5, v9;
	v8 =	vor.u32 v5, v15;
	[tilespmem:s3+$0x70] =	vst.add.f32.msk $0xffff, v6;
	s3 =	smov.u32 s26  }
0x3d5: {  	s5 =	sadd.s32 $0x20, s5;
	v9 =	vor.u32 v5, v16;
	v7 =	vor.u32 v5, v7;
	v6 =	vor.u32 v5, v13  }
0x3d6: {  	_ =	sdelay $0x3  }
0x3d7: {  	v5 =	vld.idx.msk [tilespmem:v11+s19+$0x0], $0xffff  }
0x3d8: {  	v63 =	vld.idx.msk [tilespmem:v12+s19+$0x0], $0xffff  }
0x3d9: {  	v10 =	vld.idx.msk [tilespmem:v10+s19+$0x0], $0xffff  }
0x3da: {  	v8 =	vld.idx.msk [tilespmem:v8+s19+$0x0], $0xffff  }
0x3db: {  	v9 =	vld.idx.msk [tilespmem:v9+s19+$0x0], $0xffff  }
0x3dc: {  	v7 =	vld.idx.msk [tilespmem:v7+s19+$0x0], $0xffff  }
0x3dd: {  	v6 =	vld.idx.msk [tilespmem:v6+s19+$0x0], $0xffff  }
0x3de: {  	s25 =	sadd.s32 $0x1, s25;
	[tilespmem:s26+$0x0] =	vst.add.f32.msk $0xffff, v5  }
0x3df: {  	p0 =	sne.s32 s25, $0x10;
	[tilespmem:s26+$0x10] =	vst.add.f32.msk $0xffff, v63  }
.Ltmp15:
0x3e0: {  	[tilespmem:s26+$0x20] =	vst.add.f32.msk $0xffff, v10;
	(pc) =	sbr.rel @p0 .LBB2_30-.Ltmp15, $4  }
0x3e1: {  	[tilespmem:s26+$0x30] =	vst.add.f32.msk $0xffff, v8  }
0x3e2: {  	[tilespmem:s26+$0x40] =	vst.add.f32.msk $0xffff, v9  }
0x3e3: {  	[tilespmem:s3+$0x50] =	vst.add.f32.msk $0xffff, v7  }
0x3e4: {  	s24 =	sadd.s32 $0x400, s24;
	s23 =	sadd.s32 $0x1, s23;
	[tilespmem:s3+$0x70] =	vst.add.f32.msk $0xffff, v6  }
0x3e5: {  	s23 =	simm.s32 $0x0;
	s3 =	rddreg [dreg:$0x13]  }
0x3e6: {  	[hbm4b:s3+s23] =	stream.linear.scatter [tilespmem:s18], [sflag:$0x3], $0x4000, $0x38;
	[tilespmem:$0x19000] =	vst v63  }
0x3e7: {  	_ =	swait.ge [sflag:s21], $0x4000  }
0x3e8: {  	[sflag:s21] =	ssyncset.done $0x0  }
0x3e9: {  	s25 =	rddreg [dreg:$0x14];
	[sflag:s21] =	ssyncadd.s32 $0xFFFFC000  }
0x3ea: {  	[tilespmem:s23], [sflag:$0x1] =	stream.linear.gather [hbm4b:s25+s23], $0x4000, $0x38;
	[tilespmem:$0x19000] =	vst v63  }
0x3eb: {  	v5 =	vld [tilespmem:$0x18480];
	_ =	sdelay $0x4  }
0x3ec: {  	v6 =	vshll.u32 v5, $0x1  }
0x3ed: {  	v5 =	vand.u32 $0x7, v5;
	v6 =	vand.u32 $0xFFFFFFF0, v6  }
0x3ee: {  	v5 =	vor.u32 v5, v6  }
0x3ef: {  	v6 =	vperm.xlane v5, v0;
	_ =	sdelay $0x1  }
0x3f0: {  	v5 =	vperm.xlane v5, v2;
	v6 =	vadd.s32 v1, v6;
	_ =	sdelay $0x1  }
0x3f1: {  	v5 =	vadd.s32 v1, v5;
	_ =	sdelay $0x2  }
0x3f2: {  	[tilespmem:s10], [sflag:$0x2] =	stream.indirect_vreg.gather [hbm4b:s29+s23], $0x80, v6, vm0, $0xb8;
	[tilespmem:$0x19000] =	vst v63  }
0x3f3: {  	s26 =	simm.s32 $0xC800  }
0x3f4: {  	[tilespmem:s26], [sflag:$0x2] =	stream.indirect_vreg.gather [hbm4b:s29+s23], $0x80, v5, vm0, $0xb8;
	[tilespmem:$0x19000] =	vst v63  }
0x3f5: {  	v5 =	vld [tilespmem:$0x18490];
	_ =	sdelay $0x4  }
0x3f6: {  	v6 =	vshll.u32 v5, $0x1  }
0x3f7: {  	v5 =	vand.u32 $0x7, v5;
	v6 =	vand.u32 $0xFFFFFFF0, v6  }
0x3f8: {  	v5 =	vor.u32 v5, v6  }
0x3f9: {  	v6 =	vperm.xlane v5, v0;
	_ =	sdelay $0x1  }
0x3fa: {  	v5 =	vperm.xlane v5, v2;
	v6 =	vadd.s32 v1, v6;
	_ =	sdelay $0x1  }
0x3fb: {  	v5 =	vadd.s32 v1, v5;
	_ =	sdelay $0x2  }
0x3fc: {  	[tilespmem:s12], [sflag:$0x2] =	stream.indirect_vreg.gather [hbm4b:s29+s23], $0x80, v6, vm0, $0xb8;
	[tilespmem:$0x19000] =	vst v63  }
0x3fd: {  	_ = 	snop  }
0x3fe: {  	[tilespmem:s13], [sflag:$0x2] =	stream.indirect_vreg.gather [hbm4b:s29+s23], $0x80, v5, vm0, $0xb8;
	[tilespmem:$0x19000] =	vst v63  }
0x3ff: {  	v5 =	vld [tilespmem:$0x18C80];
	_ =	sdelay $0x4  }
0x400: {  	v6 =	vshll.u32 v5, $0x1  }
0x401: {  	v5 =	vand.u32 $0x7, v5;
	v6 =	vand.u32 $0xFFFFFFF0, v6  }
0x402: {  	v5 =	vor.u32 v5, v6  }
0x403: {  	v6 =	vperm.xlane v5, v0;
	_ =	sdelay $0x1  }
0x404: {  	v5 =	vperm.xlane v5, v2;
	v6 =	vadd.s32 v1, v6;
	_ =	sdelay $0x1  }
0x405: {  	v5 =	vadd.s32 v1, v5;
	_ =	sdelay $0x2  }
0x406: {  	[tilespmem:s14], [sflag:$0x2] =	stream.indirect_vreg.gather [hbm4b:s0+s23], $0x80, v6, vm0, $0xb8;
	[tilespmem:$0x19000] =	vst v63  }
0x407: {  	_ = 	snop  }
0x408: {  	[tilespmem:s15], [sflag:$0x2] =	stream.indirect_vreg.gather [hbm4b:s0+s23], $0x80, v5, vm0, $0xb8;
	[tilespmem:$0x19000] =	vst v63  }
0x409: {  	v5 =	vld [tilespmem:$0x18C90];
	_ =	sdelay $0x4  }
0x40a: {  	v6 =	vshll.u32 v5, $0x1  }
0x40b: {  	v5 =	vand.u32 $0x7, v5;
	v6 =	vand.u32 $0xFFFFFFF0, v6  }
0x40c: {  	v5 =	vor.u32 v5, v6  }
0x40d: {  	v6 =	vperm.xlane v5, v0;
	_ =	sdelay $0x1  }
0x40e: {  	v5 =	vperm.xlane v5, v2;
	v6 =	vadd.s32 v1, v6;
	_ =	sdelay $0x1  }
0x40f: {  	v5 =	vadd.s32 v1, v5;
	_ =	sdelay $0x2  }
0x410: {  	[tilespmem:s16], [sflag:$0x2] =	stream.indirect_vreg.gather [hbm4b:s0+s23], $0x80, v6, vm0, $0xb8;
	[tilespmem:$0x19000] =	vst v63  }
0x411: {  	_ = 	snop  }
0x412: {  	[tilespmem:s17], [sflag:$0x2] =	stream.indirect_vreg.gather [hbm4b:s0+s23], $0x80, v5, vm0, $0xb8;
	[tilespmem:$0x19000] =	vst v63  }
0x413: {  	_ =	swait.ge [sflag:s28], $0x4000  }
0x414: {  	[sflag:s28] =	ssyncset.done $0x0  }
0x415: {  	[sflag:s28] =	ssyncadd.s32 $0xFFFFC000  }
0x416: {  	_ =	swait.ge [sflag:s30], $0x2000  }
0x417: {  	[sflag:s30] =	ssyncset.done $0x0  }
0x418: {  	[sflag:s30] =	ssyncadd.s32 $0xFFFFE000  }
0x419: {  	_ =	swait.ge [sflag:s30], $0x2000  }
0x41a: {  	[sflag:s30] =	ssyncset.done $0x0  }
0x41b: {  	s24 =	simm.s32 $0x0;
	s25 =	simm.s32 $0x0;
	[sflag:s30] =	ssyncadd.s32 $0xFFFFE000  }
.LBB2_34:
0x41c: {  	v5 =	vmov s25  }
0x41d: {  	s3 =	simm.s32 $0x1C;
	s4 =	simm.s32 $0x4;
	v6 =	vshll.u32 v5, $0x8;
	v5 =	vshll.u32 v5, $0x7  }
0x41e: {  	s5 =	simm.s32 $0x18;
	s8 =	simm.s32 $0x8;
	v7 =	vor.u32 s3, v4;
	v8 =	vmov s4;
	v9 =	vor.u32 s4, v4  }
0x41f: {  	s9 =	simm.s32 $0x0;
	s11 =	simm.s32 $0xC;
	s6 =	simm.s32 $0x10;
	v10 =	vmov s5;
	v11 =	vmov s8;
	v12 =	vor.u32 s5, v4  }
0x420: {  	v13 =	vmov s9;
	v14 =	vmov s11;
	v15 =	vmov s6  }
0x421: {  	s7 =	simm.s32 $0x14;
	v16 =	vor.u32 s9, v4;
	v17 =	vor.u32 s8, v4;
	v18 =	vor.u32 s11, v4  }
0x422: {  	v19 =	vor.u32 s6, v4;
	v20 =	vor.u32 s7, v4;
	v6 =	vadd.s32 v3, v6  }
0x423: {  	v5 =	vand.u32 $0x380, v5;
	v10 =	vshll.u32 v10, $0x3;
	v12 =	vand.u32 $0x7B, v12  }
0x424: {  	v8 =	vshll.u32 v8, $0x3;
	v11 =	vshll.u32 v11, $0x3;
	v14 =	vshll.u32 v14, $0x3  }
0x425: {  	v15 =	vshll.u32 v15, $0x3;
	v6 =	vand.u32 $0x3800, v6;
	v10 =	vand.u32 $0x400, v10  }
0x426: {  	v16 =	vand.u32 $0x63, v16;
	v5 =	vor.u32 v6, v5;
	v10 =	vor.u32 v10, v12  }
0x427: {  	v9 =	vand.u32 $0x67, v9;
	v17 =	vand.u32 $0x6B, v17;
	v10 =	vor.u32 v5, v10  }
0x428: {  	v18 =	vand.u32 $0x6F, v18;
	v63 =	vand.u32 $0x77, v20;
	v7 =	vand.u32 $0x7F, v7  }
0x429: {  	v8 =	vand.u32 $0x400, v8;
	v11 =	vand.u32 $0x400, v11;
	v14 =	vand.u32 $0x400, v14  }
0x42a: {  	v15 =	vand.u32 $0x400, v15;
	v6 =	vmov s3;
	v12 =	vshll.u32 v13, $0x3  }
0x42b: {  	v13 =	vmov s7;
	v8 =	vor.u32 v8, v9;
	v9 =	vor.u32 v11, v17  }
0x42c: {  	s20 =	sshll.u32 s24, $0x2;
	s26 =	sand.u32 $0x7, s23;
	v14 =	vor.u32 v14, v18;
	v13 =	vshll.u32 v13, $0x3;
	v12 =	vand.u32 $0x400, v12;
	v21 =	vld.idx.msk [tilespmem:v10+s2+$0x0], $0xffff  }
0x42d: {  	s4 =	sshll.u32 s26, $0x9;
	s3 =	sand.u32 $0xFFFF8000, s20;
	v6 =	vshll.u32 v6, $0x3;
	v13 =	vand.u32 $0x400, v13;
	v12 =	vor.u32 v12, v16  }
0x42e: {  	s3 =	sor.u32 s4, s3;
	v6 =	vand.u32 $0x400, v6;
	v11 =	vor.u32 v5, v12;
	v13 =	vor.u32 v13, v63  }
0x42f: {  	s3 =	sshrl.u32 s3, $0x2;
	v6 =	vor.u32 v6, v7;
	v12 =	vor.u32 v5, v8;
	v10 =	vand.u32 $0x73, v19  }
0x430: {  	s26 =	sadd.s32 $0x8000, s3;
	v8 =	vor.u32 v5, v14;
	v7 =	vor.u32 v5, v13;
	v15 =	vor.u32 v15, v10  }
0x431: {  	s5 =	simm.s32 $0x3C;
	s4 =	simm.s32 $0x0;
	v6 =	vor.u32 v5, v6;
	s3 =	smov.u32 s26;
	v10 =	vor.u32 v5, v9;
	v9 =	vor.u32 v5, v15;
	[tilespmem:s26+$0x60] =	vst.add.f32.msk $0xffff, v21  }
.LBB2_35:
0x432: {  	s6 =	sadd.s32 $0xFFFFFFE8, s5;
	s7 =	sadd.s32 $0xFFFFFFFC, s5;
	v13 =	vmov s5;
	v14 =	vor.u32 s5, v4;
	s4 =	sadd.s32 $0x8, s4  }
0x433: {  	s8 =	sadd.s32 $0xFFFFFFF0, s5;
	v15 =	vmov s6;
	v16 =	vor.u32 s6, v4;
	s6 =	sadd.s32 $0xFFFFFFEC, s5;
	v17 =	vmov s7;
	p0 =	slt.u32 s4, $0x38  }
0x434: {  	s9 =	sadd.s32 $0xFFFFFFE4, s5;
	s11 =	sadd.s32 $0xFFFFFFF4, s5;
	s20 =	sadd.s32 $0xFFFFFFF8, s5;
	v19 =	vor.u32 s7, v4;
	v18 =	vmov s6;
	v17 =	vshll.u32 v17, $0x3;
	v11 =	vld.idx.msk [tilespmem:v11+s2+$0x0], $0xffff  }
0x435: {  	v20 =	vmov s9;
	v19 =	vand.u32 $0x7B, v19;
	v17 =	vand.u32 $0x400, v17;
	v12 =	vld.idx.msk [tilespmem:v12+s2+$0x0], $0xffff  }
0x436: {  	v21 =	vmov s8;
	v22 =	vmov s11;
	v17 =	vor.u32 v17, v19;
	v10 =	vld.idx.msk [tilespmem:v10+s2+$0x0], $0xffff  }
0x437: {  	v19 =	vshll.u32 v20, $0x3;
	v20 =	vmov s20;
	v17 =	vor.u32 v5, v17;
	v8 =	vld.idx.msk [tilespmem:v8+s2+$0x0], $0xffff  }
0x438: {  	v15 =	vshll.u32 v15, $0x3;
	v21 =	vshll.u32 v21, $0x3;
	v18 =	vshll.u32 v18, $0x3;
	v9 =	vld.idx.msk [tilespmem:v9+s2+$0x0], $0xffff  }
0x439: {  	v23 =	vor.u32 s9, v4;
	v22 =	vshll.u32 v22, $0x3;
	v20 =	vshll.u32 v20, $0x3;
	v7 =	vld.idx.msk [tilespmem:v7+s2+$0x0], $0xffff  }
0x43a: {  	v25 =	vor.u32 s8, v4;
	v26 =	vor.u32 s11, v4;
	v24 =	vor.u32 s6, v4;
	v6 =	vld.idx.msk [tilespmem:v6+s2+$0x0], $0xffff  }
0x43b: {  	v27 =	vor.u32 s20, v4;
	v13 =	vshll.u32 v13, $0x3;
	v19 =	vand.u32 $0x400, v19;
	[tilespmem:s26+$0x0] =	vst.add.f32.msk $0xffff, v11  }
0x43c: {  	v11 =	vand.u32 $0x400, v15;
	v15 =	vand.u32 $0x400, v18;
	v18 =	vand.u32 $0x400, v21;
	v17 =	vld.idx.msk [tilespmem:v17+s2+$0x0], $0xffff  }
0x43d: {  	v22 =	vand.u32 $0x400, v22;
	v20 =	vand.u32 $0x400, v20;
	v21 =	vand.u32 $0x63, v23;
	[tilespmem:s26+$0x10] =	vst.add.f32.msk $0xffff, v12  }
0x43e: {  	v23 =	vand.u32 $0x6F, v25;
	v12 =	vand.u32 $0x67, v16;
	v16 =	vand.u32 $0x6B, v24;
	[tilespmem:s26+$0x20] =	vst.add.f32.msk $0xffff, v10  }
0x43f: {  	v13 =	vand.u32 $0x400, v13;
	v24 =	vand.u32 $0x77, v27;
	v10 =	vand.u32 $0x73, v26;
	[tilespmem:s26+$0x30] =	vst.add.f32.msk $0xffff, v8  }
.Ltmp16:
0x440: {  	v14 =	vand.u32 $0x7F, v14;
	v12 =	vor.u32 v11, v12;
	v8 =	vor.u32 v19, v21;
	[tilespmem:s26+$0x40] =	vst.add.f32.msk $0xffff, v9;
	(pc) =	sbr.rel @p0 .LBB2_35-.Ltmp16, $4  }
0x441: {  	v9 =	vor.u32 v15, v16;
	v15 =	vor.u32 v18, v23;
	v16 =	vor.u32 v22, v10;
	s26 =	sadd.s32 $0x400, s26;
	[tilespmem:s3+$0x50] =	vst.add.f32.msk $0xffff, v7  }
0x442: {  	v13 =	vor.u32 v13, v14;
	v11 =	vor.u32 v5, v8;
	v7 =	vor.u32 v20, v24;
	[tilespmem:s26+$0x60] =	vst.add.f32.msk $0xffff, v17  }
0x443: {  	v12 =	vor.u32 v5, v12;
	v10 =	vor.u32 v5, v9;
	v8 =	vor.u32 v5, v15;
	[tilespmem:s3+$0x70] =	vst.add.f32.msk $0xffff, v6;
	s3 =	smov.u32 s26  }
0x444: {  	s5 =	sadd.s32 $0x20, s5;
	v9 =	vor.u32 v5, v16;
	v7 =	vor.u32 v5, v7;
	v6 =	vor.u32 v5, v13  }
0x445: {  	_ =	sdelay $0x3  }
0x446: {  	v5 =	vld.idx.msk [tilespmem:v11+s2+$0x0], $0xffff  }
0x447: {  	v63 =	vld.idx.msk [tilespmem:v12+s2+$0x0], $0xffff  }
0x448: {  	v10 =	vld.idx.msk [tilespmem:v10+s2+$0x0], $0xffff  }
0x449: {  	v8 =	vld.idx.msk [tilespmem:v8+s2+$0x0], $0xffff  }
0x44a: {  	v9 =	vld.idx.msk [tilespmem:v9+s2+$0x0], $0xffff  }
0x44b: {  	v7 =	vld.idx.msk [tilespmem:v7+s2+$0x0], $0xffff  }
0x44c: {  	v6 =	vld.idx.msk [tilespmem:v6+s2+$0x0], $0xffff  }
0x44d: {  	s25 =	sadd.s32 $0x1, s25;
	[tilespmem:s26+$0x0] =	vst.add.f32.msk $0xffff, v5  }
0x44e: {  	p0 =	sne.s32 s25, $0x10;
	[tilespmem:s26+$0x10] =	vst.add.f32.msk $0xffff, v63  }
.Ltmp17:
0x44f: {  	[tilespmem:s26+$0x20] =	vst.add.f32.msk $0xffff, v10;
	(pc) =	sbr.rel @p0 .LBB2_34-.Ltmp17, $4  }
0x450: {  	[tilespmem:s26+$0x30] =	vst.add.f32.msk $0xffff, v8  }
0x451: {  	[tilespmem:s26+$0x40] =	vst.add.f32.msk $0xffff, v9  }
0x452: {  	[tilespmem:s3+$0x50] =	vst.add.f32.msk $0xffff, v7  }
0x453: {  	s24 =	sadd.s32 $0x400, s24;
	s23 =	sadd.s32 $0x1, s23;
	[tilespmem:s3+$0x70] =	vst.add.f32.msk $0xffff, v6  }
0x454: {  	s23 =	simm.s32 $0x0;
	s3 =	rddreg [dreg:$0x15]  }
0x455: {  	[hbm4b:s3+s23] =	stream.linear.scatter [tilespmem:s31], [sflag:$0x3], $0x4000, $0x38;
	[tilespmem:$0x19000] =	vst v63  }
0x456: {  	_ =	swait.ge [sflag:s21], $0x4000  }
0x457: {  	[sflag:s21] =	ssyncset.done $0x0  }
0x458: {  	s7 =	rddreg [dreg:$0x17];
	[sflag:s21] =	ssyncadd.s32 $0xFFFFC000  }
0x459: {  	[tilespmem:s18], [sflag:$0x1] =	stream.linear.gather [hbm4b:s7+s23], $0x4000, $0x38;
	[tilespmem:$0x19000] =	vst v63  }
0x45a: {  	v5 =	vld [tilespmem:$0x18500];
	_ =	sdelay $0x4  }
0x45b: {  	v6 =	vshll.u32 v5, $0x1  }
0x45c: {  	v5 =	vand.u32 $0x7, v5;
	v6 =	vand.u32 $0xFFFFFFF0, v6  }
0x45d: {  	v5 =	vor.u32 v5, v6  }
0x45e: {  	v6 =	vperm.xlane v5, v0;
	_ =	sdelay $0x1  }
0x45f: {  	v5 =	vperm.xlane v5, v2;
	v6 =	vadd.s32 v1, v6;
	_ =	sdelay $0x1  }
0x460: {  	v5 =	vadd.s32 v1, v5;
	_ =	sdelay $0x2  }
0x461: {  	[tilespmem:s19], [sflag:$0x2] =	stream.indirect_vreg.gather [hbm4b:s29+s23], $0x80, v6, vm0, $0xb8;
	[tilespmem:$0x19000] =	vst v63  }
0x462: {  	s8 =	simm.s32 $0x10800  }
0x463: {  	[tilespmem:s8], [sflag:$0x2] =	stream.indirect_vreg.gather [hbm4b:s29+s23], $0x80, v5, vm0, $0xb8;
	[tilespmem:$0x19000] =	vst v63  }
0x464: {  	v5 =	vld [tilespmem:$0x18510];
	_ =	sdelay $0x4  }
0x465: {  	v6 =	vshll.u32 v5, $0x1  }
0x466: {  	v5 =	vand.u32 $0x7, v5;
	v6 =	vand.u32 $0xFFFFFFF0, v6  }
0x467: {  	v5 =	vor.u32 v5, v6  }
0x468: {  	v6 =	vperm.xlane v5, v0;
	_ =	sdelay $0x1  }
0x469: {  	v5 =	vperm.xlane v5, v2;
	v6 =	vadd.s32 v1, v6;
	_ =	sdelay $0x1  }
0x46a: {  	v5 =	vadd.s32 v1, v5;
	_ =	sdelay $0x1  }
0x46b: {  	s9 =	simm.s32 $0x11000  }
0x46c: {  	[tilespmem:s9], [sflag:$0x2] =	stream.indirect_vreg.gather [hbm4b:s29+s23], $0x80, v6, vm0, $0xb8;
	[tilespmem:$0x19000] =	vst v63  }
0x46d: {  	s11 =	simm.s32 $0x11800  }
0x46e: {  	[tilespmem:s11], [sflag:$0x2] =	stream.indirect_vreg.gather [hbm4b:s29+s23], $0x80, v5, vm0, $0xb8;
	[tilespmem:$0x19000] =	vst v63  }
0x46f: {  	v5 =	vld [tilespmem:$0x18D00];
	_ =	sdelay $0x4  }
0x470: {  	v6 =	vshll.u32 v5, $0x1  }
0x471: {  	v5 =	vand.u32 $0x7, v5;
	v6 =	vand.u32 $0xFFFFFFF0, v6  }
0x472: {  	v5 =	vor.u32 v5, v6  }
0x473: {  	v6 =	vperm.xlane v5, v0;
	_ =	sdelay $0x1  }
0x474: {  	v5 =	vperm.xlane v5, v2;
	v6 =	vadd.s32 v1, v6;
	_ =	sdelay $0x1  }
0x475: {  	v5 =	vadd.s32 v1, v5;
	_ =	sdelay $0x1  }
0x476: {  	s20 =	simm.s32 $0x12000  }
0x477: {  	[tilespmem:s20], [sflag:$0x2] =	stream.indirect_vreg.gather [hbm4b:s0+s23], $0x80, v6, vm0, $0xb8;
	[tilespmem:$0x19000] =	vst v63  }
0x478: {  	s24 =	simm.s32 $0x12800  }
0x479: {  	[tilespmem:s24], [sflag:$0x2] =	stream.indirect_vreg.gather [hbm4b:s0+s23], $0x80, v5, vm0, $0xb8;
	[tilespmem:$0x19000] =	vst v63  }
0x47a: {  	v5 =	vld [tilespmem:$0x18D10];
	_ =	sdelay $0x4  }
0x47b: {  	v6 =	vshll.u32 v5, $0x1  }
0x47c: {  	v5 =	vand.u32 $0x7, v5;
	v6 =	vand.u32 $0xFFFFFFF0, v6  }
0x47d: {  	v5 =	vor.u32 v5, v6  }
0x47e: {  	v6 =	vperm.xlane v5, v0;
	_ =	sdelay $0x1  }
0x47f: {  	v5 =	vperm.xlane v5, v2;
	v6 =	vadd.s32 v1, v6;
	_ =	sdelay $0x1  }
0x480: {  	v5 =	vadd.s32 v1, v5;
	_ =	sdelay $0x1  }
0x481: {  	s25 =	simm.s32 $0x13000  }
0x482: {  	[tilespmem:s25], [sflag:$0x2] =	stream.indirect_vreg.gather [hbm4b:s0+s23], $0x80, v6, vm0, $0xb8;
	[tilespmem:$0x19000] =	vst v63  }
0x483: {  	s26 =	simm.s32 $0x13800  }
0x484: {  	[tilespmem:s26], [sflag:$0x2] =	stream.indirect_vreg.gather [hbm4b:s0+s23], $0x80, v5, vm0, $0xb8;
	[tilespmem:$0x19000] =	vst v63  }
0x485: {  	_ =	swait.ge [sflag:s28], $0x4000  }
0x486: {  	[sflag:s28] =	ssyncset.done $0x0  }
0x487: {  	[sflag:s28] =	ssyncadd.s32 $0xFFFFC000  }
0x488: {  	_ =	swait.ge [sflag:s30], $0x2000  }
0x489: {  	[sflag:s30] =	ssyncset.done $0x0  }
0x48a: {  	[sflag:s30] =	ssyncadd.s32 $0xFFFFE000  }
0x48b: {  	_ =	swait.ge [sflag:s30], $0x2000  }
0x48c: {  	[sflag:s30] =	ssyncset.done $0x0  }
0x48d: {  	s24 =	simm.s32 $0x0;
	s25 =	simm.s32 $0x0;
	[sflag:s30] =	ssyncadd.s32 $0xFFFFE000  }
.LBB2_38:
0x48e: {  	v5 =	vmov s25  }
0x48f: {  	s3 =	simm.s32 $0x1C;
	s4 =	simm.s32 $0x4;
	v6 =	vshll.u32 v5, $0x8;
	v5 =	vshll.u32 v5, $0x7  }
0x490: {  	s5 =	simm.s32 $0x18;
	s8 =	simm.s32 $0x8;
	v7 =	vor.u32 s3, v4;
	v8 =	vmov s4;
	v9 =	vor.u32 s4, v4  }
0x491: {  	s9 =	simm.s32 $0x0;
	s11 =	simm.s32 $0xC;
	s6 =	simm.s32 $0x10;
	v10 =	vmov s5;
	v11 =	vmov s8;
	v12 =	vor.u32 s5, v4  }
0x492: {  	v13 =	vmov s9;
	v14 =	vmov s11;
	v15 =	vmov s6  }
0x493: {  	s7 =	simm.s32 $0x14;
	v16 =	vor.u32 s9, v4;
	v17 =	vor.u32 s8, v4;
	v18 =	vor.u32 s11, v4  }
0x494: {  	v19 =	vor.u32 s6, v4;
	v20 =	vor.u32 s7, v4;
	v6 =	vadd.s32 v3, v6  }
0x495: {  	v5 =	vand.u32 $0x380, v5;
	v10 =	vshll.u32 v10, $0x3;
	v12 =	vand.u32 $0x7B, v12  }
0x496: {  	v8 =	vshll.u32 v8, $0x3;
	v11 =	vshll.u32 v11, $0x3;
	v14 =	vshll.u32 v14, $0x3  }
0x497: {  	v15 =	vshll.u32 v15, $0x3;
	v6 =	vand.u32 $0x3800, v6;
	v10 =	vand.u32 $0x400, v10  }
0x498: {  	v16 =	vand.u32 $0x63, v16;
	v5 =	vor.u32 v6, v5;
	v10 =	vor.u32 v10, v12  }
0x499: {  	v9 =	vand.u32 $0x67, v9;
	v17 =	vand.u32 $0x6B, v17;
	v10 =	vor.u32 v5, v10  }
0x49a: {  	v18 =	vand.u32 $0x6F, v18;
	v63 =	vand.u32 $0x77, v20;
	v7 =	vand.u32 $0x7F, v7  }
0x49b: {  	v8 =	vand.u32 $0x400, v8;
	v11 =	vand.u32 $0x400, v11;
	v14 =	vand.u32 $0x400, v14  }
0x49c: {  	v15 =	vand.u32 $0x400, v15;
	v6 =	vmov s3;
	v12 =	vshll.u32 v13, $0x3  }
0x49d: {  	v13 =	vmov s7;
	v8 =	vor.u32 v8, v9;
	v9 =	vor.u32 v11, v17  }
0x49e: {  	v14 =	vor.u32 v14, v18;
	v13 =	vshll.u32 v13, $0x3;
	v12 =	vand.u32 $0x400, v12;
	v21 =	vld.idx.msk [tilespmem:v10+s10+$0x0], $0xffff  }
0x49f: {  	s20 =	sshll.u32 s24, $0x2;
	s26 =	sand.u32 $0x7, s23;
	v6 =	vshll.u32 v6, $0x3;
	v13 =	vand.u32 $0x400, v13;
	v12 =	vor.u32 v12, v16  }
0x4a0: {  	s4 =	sshll.u32 s26, $0x9;
	s3 =	sand.u32 $0xFFFF8000, s20;
	v6 =	vand.u32 $0x400, v6;
	v11 =	vor.u32 v5, v12;
	v13 =	vor.u32 v13, v63  }
0x4a1: {  	s3 =	sor.u32 s4, s3;
	v6 =	vor.u32 v6, v7;
	v12 =	vor.u32 v5, v8;
	v10 =	vand.u32 $0x73, v19  }
0x4a2: {  	s26 =	sshrl.u32 s3, $0x2;
	v8 =	vor.u32 v5, v14;
	v7 =	vor.u32 v5, v13;
	v15 =	vor.u32 v15, v10  }
0x4a3: {  	s5 =	simm.s32 $0x3C;
	s4 =	simm.s32 $0x0;
	s3 =	smov.u32 s26;
	v6 =	vor.u32 v5, v6;
	v10 =	vor.u32 v5, v9;
	v9 =	vor.u32 v5, v15;
	[tilespmem:s26+$0x60] =	vst.add.f32.msk $0xffff, v21  }
.LBB2_39:
0x4a4: {  	s6 =	sadd.s32 $0xFFFFFFE8, s5;
	s7 =	sadd.s32 $0xFFFFFFFC, s5;
	v13 =	vmov s5;
	v14 =	vor.u32 s5, v4;
	s4 =	sadd.s32 $0x8, s4  }
0x4a5: {  	s8 =	sadd.s32 $0xFFFFFFF0, s5;
	v15 =	vmov s6;
	v16 =	vor.u32 s6, v4;
	s6 =	sadd.s32 $0xFFFFFFEC, s5;
	v17 =	vmov s7;
	p0 =	slt.u32 s4, $0x38  }
0x4a6: {  	s9 =	sadd.s32 $0xFFFFFFE4, s5;
	s11 =	sadd.s32 $0xFFFFFFF4, s5;
	s20 =	sadd.s32 $0xFFFFFFF8, s5;
	v19 =	vor.u32 s7, v4;
	v18 =	vmov s6;
	v17 =	vshll.u32 v17, $0x3;
	v11 =	vld.idx.msk [tilespmem:v11+s10+$0x0], $0xffff  }
0x4a7: {  	v20 =	vmov s9;
	v19 =	vand.u32 $0x7B, v19;
	v17 =	vand.u32 $0x400, v17;
	v12 =	vld.idx.msk [tilespmem:v12+s10+$0x0], $0xffff  }
0x4a8: {  	v21 =	vmov s8;
	v22 =	vmov s11;
	v17 =	vor.u32 v17, v19;
	v10 =	vld.idx.msk [tilespmem:v10+s10+$0x0], $0xffff  }
0x4a9: {  	v19 =	vshll.u32 v20, $0x3;
	v20 =	vmov s20;
	v17 =	vor.u32 v5, v17;
	v8 =	vld.idx.msk [tilespmem:v8+s10+$0x0], $0xffff  }
0x4aa: {  	v15 =	vshll.u32 v15, $0x3;
	v21 =	vshll.u32 v21, $0x3;
	v18 =	vshll.u32 v18, $0x3;
	v9 =	vld.idx.msk [tilespmem:v9+s10+$0x0], $0xffff  }
0x4ab: {  	v23 =	vor.u32 s9, v4;
	v22 =	vshll.u32 v22, $0x3;
	v20 =	vshll.u32 v20, $0x3;
	v7 =	vld.idx.msk [tilespmem:v7+s10+$0x0], $0xffff  }
0x4ac: {  	v25 =	vor.u32 s8, v4;
	v26 =	vor.u32 s11, v4;
	v24 =	vor.u32 s6, v4;
	v6 =	vld.idx.msk [tilespmem:v6+s10+$0x0], $0xffff  }
0x4ad: {  	v27 =	vor.u32 s20, v4;
	v13 =	vshll.u32 v13, $0x3;
	v19 =	vand.u32 $0x400, v19;
	[tilespmem:s26+$0x0] =	vst.add.f32.msk $0xffff, v11  }
0x4ae: {  	v11 =	vand.u32 $0x400, v15;
	v15 =	vand.u32 $0x400, v18;
	v18 =	vand.u32 $0x400, v21;
	v17 =	vld.idx.msk [tilespmem:v17+s10+$0x0], $0xffff  }
0x4af: {  	v22 =	vand.u32 $0x400, v22;
	v20 =	vand.u32 $0x400, v20;
	v21 =	vand.u32 $0x63, v23;
	[tilespmem:s26+$0x10] =	vst.add.f32.msk $0xffff, v12  }
0x4b0: {  	v23 =	vand.u32 $0x6F, v25;
	v12 =	vand.u32 $0x67, v16;
	v16 =	vand.u32 $0x6B, v24;
	[tilespmem:s26+$0x20] =	vst.add.f32.msk $0xffff, v10  }
0x4b1: {  	v13 =	vand.u32 $0x400, v13;
	v24 =	vand.u32 $0x77, v27;
	v10 =	vand.u32 $0x73, v26;
	[tilespmem:s26+$0x30] =	vst.add.f32.msk $0xffff, v8  }
.Ltmp18:
0x4b2: {  	v14 =	vand.u32 $0x7F, v14;
	v12 =	vor.u32 v11, v12;
	v8 =	vor.u32 v19, v21;
	[tilespmem:s26+$0x40] =	vst.add.f32.msk $0xffff, v9;
	(pc) =	sbr.rel @p0 .LBB2_39-.Ltmp18, $4  }
0x4b3: {  	v9 =	vor.u32 v15, v16;
	v15 =	vor.u32 v18, v23;
	v16 =	vor.u32 v22, v10;
	s26 =	sadd.s32 $0x400, s26;
	[tilespmem:s3+$0x50] =	vst.add.f32.msk $0xffff, v7  }
0x4b4: {  	v13 =	vor.u32 v13, v14;
	v11 =	vor.u32 v5, v8;
	v7 =	vor.u32 v20, v24;
	[tilespmem:s26+$0x60] =	vst.add.f32.msk $0xffff, v17  }
0x4b5: {  	v12 =	vor.u32 v5, v12;
	v10 =	vor.u32 v5, v9;
	v8 =	vor.u32 v5, v15;
	[tilespmem:s3+$0x70] =	vst.add.f32.msk $0xffff, v6;
	s3 =	smov.u32 s26  }
0x4b6: {  	s5 =	sadd.s32 $0x20, s5;
	v9 =	vor.u32 v5, v16;
	v7 =	vor.u32 v5, v7;
	v6 =	vor.u32 v5, v13  }
0x4b7: {  	_ =	sdelay $0x3  }
0x4b8: {  	v5 =	vld.idx.msk [tilespmem:v11+s10+$0x0], $0xffff  }
0x4b9: {  	v63 =	vld.idx.msk [tilespmem:v12+s10+$0x0], $0xffff  }
0x4ba: {  	v10 =	vld.idx.msk [tilespmem:v10+s10+$0x0], $0xffff  }
0x4bb: {  	v8 =	vld.idx.msk [tilespmem:v8+s10+$0x0], $0xffff  }
0x4bc: {  	v9 =	vld.idx.msk [tilespmem:v9+s10+$0x0], $0xffff  }
0x4bd: {  	v7 =	vld.idx.msk [tilespmem:v7+s10+$0x0], $0xffff  }
0x4be: {  	v6 =	vld.idx.msk [tilespmem:v6+s10+$0x0], $0xffff  }
0x4bf: {  	s25 =	sadd.s32 $0x1, s25;
	[tilespmem:s26+$0x0] =	vst.add.f32.msk $0xffff, v5  }
0x4c0: {  	p0 =	sne.s32 s25, $0x10;
	[tilespmem:s26+$0x10] =	vst.add.f32.msk $0xffff, v63  }
.Ltmp19:
0x4c1: {  	[tilespmem:s26+$0x20] =	vst.add.f32.msk $0xffff, v10;
	(pc) =	sbr.rel @p0 .LBB2_38-.Ltmp19, $4  }
0x4c2: {  	[tilespmem:s26+$0x30] =	vst.add.f32.msk $0xffff, v8  }
0x4c3: {  	[tilespmem:s26+$0x40] =	vst.add.f32.msk $0xffff, v9  }
0x4c4: {  	[tilespmem:s3+$0x50] =	vst.add.f32.msk $0xffff, v7  }
0x4c5: {  	s24 =	sadd.s32 $0x400, s24;
	s23 =	sadd.s32 $0x1, s23;
	[tilespmem:s3+$0x70] =	vst.add.f32.msk $0xffff, v6  }
0x4c6: {  	s23 =	simm.s32 $0x0;
	s3 =	rddreg [dreg:$0x16]  }
0x4c7: {  	[hbm4b:s3+s23] =	stream.linear.scatter [tilespmem:s23], [sflag:$0x3], $0x4000, $0x38;
	[tilespmem:$0x19000] =	vst v63  }
0x4c8: {  	_ =	swait.ge [sflag:s21], $0x4000  }
0x4c9: {  	[sflag:s21] =	ssyncset.done $0x0  }
0x4ca: {  	s7 =	rddreg [dreg:$0x19];
	[sflag:s21] =	ssyncadd.s32 $0xFFFFC000  }
0x4cb: {  	[tilespmem:s31], [sflag:$0x1] =	stream.linear.gather [hbm4b:s7+s23], $0x4000, $0x38;
	[tilespmem:$0x19000] =	vst v63  }
0x4cc: {  	v5 =	vld [tilespmem:$0x18580];
	_ =	sdelay $0x4  }
0x4cd: {  	v6 =	vshll.u32 v5, $0x1  }
0x4ce: {  	v5 =	vand.u32 $0x7, v5;
	v6 =	vand.u32 $0xFFFFFFF0, v6  }
0x4cf: {  	v5 =	vor.u32 v5, v6  }
0x4d0: {  	v6 =	vperm.xlane v5, v0;
	_ =	sdelay $0x1  }
0x4d1: {  	v5 =	vperm.xlane v5, v2;
	v6 =	vadd.s32 v1, v6;
	_ =	sdelay $0x1  }
0x4d2: {  	v5 =	vadd.s32 v1, v5;
	_ =	sdelay $0x2  }
0x4d3: {  	[tilespmem:s2], [sflag:$0x2] =	stream.indirect_vreg.gather [hbm4b:s29+s23], $0x80, v6, vm0, $0xb8;
	[tilespmem:$0x19000] =	vst v63  }
0x4d4: {  	s8 =	simm.s32 $0x14800  }
0x4d5: {  	[tilespmem:s8], [sflag:$0x2] =	stream.indirect_vreg.gather [hbm4b:s29+s23], $0x80, v5, vm0, $0xb8;
	[tilespmem:$0x19000] =	vst v63  }
0x4d6: {  	v5 =	vld [tilespmem:$0x18590];
	_ =	sdelay $0x4  }
0x4d7: {  	v6 =	vshll.u32 v5, $0x1  }
0x4d8: {  	v5 =	vand.u32 $0x7, v5;
	v6 =	vand.u32 $0xFFFFFFF0, v6  }
0x4d9: {  	v5 =	vor.u32 v5, v6  }
0x4da: {  	v6 =	vperm.xlane v5, v0;
	_ =	sdelay $0x1  }
0x4db: {  	v5 =	vperm.xlane v5, v2;
	v6 =	vadd.s32 v1, v6;
	_ =	sdelay $0x1  }
0x4dc: {  	v5 =	vadd.s32 v1, v5;
	_ =	sdelay $0x1  }
0x4dd: {  	s9 =	simm.s32 $0x15000  }
0x4de: {  	[tilespmem:s9], [sflag:$0x2] =	stream.indirect_vreg.gather [hbm4b:s29+s23], $0x80, v6, vm0, $0xb8;
	[tilespmem:$0x19000] =	vst v63  }
0x4df: {  	s11 =	simm.s32 $0x15800  }
0x4e0: {  	[tilespmem:s11], [sflag:$0x2] =	stream.indirect_vreg.gather [hbm4b:s29+s23], $0x80, v5, vm0, $0xb8;
	[tilespmem:$0x19000] =	vst v63  }
0x4e1: {  	v5 =	vld [tilespmem:$0x18D80];
	_ =	sdelay $0x4  }
0x4e2: {  	v6 =	vshll.u32 v5, $0x1  }
0x4e3: {  	v5 =	vand.u32 $0x7, v5;
	v6 =	vand.u32 $0xFFFFFFF0, v6  }
0x4e4: {  	v5 =	vor.u32 v5, v6  }
0x4e5: {  	v6 =	vperm.xlane v5, v0;
	_ =	sdelay $0x1  }
0x4e6: {  	v5 =	vperm.xlane v5, v2;
	v6 =	vadd.s32 v1, v6;
	_ =	sdelay $0x1  }
0x4e7: {  	v5 =	vadd.s32 v1, v5;
	_ =	sdelay $0x1  }
0x4e8: {  	s20 =	simm.s32 $0x16000  }
0x4e9: {  	[tilespmem:s20], [sflag:$0x2] =	stream.indirect_vreg.gather [hbm4b:s0+s23], $0x80, v6, vm0, $0xb8;
	[tilespmem:$0x19000] =	vst v63  }
0x4ea: {  	s24 =	simm.s32 $0x16800  }
0x4eb: {  	[tilespmem:s24], [sflag:$0x2] =	stream.indirect_vreg.gather [hbm4b:s0+s23], $0x80, v5, vm0, $0xb8;
	[tilespmem:$0x19000] =	vst v63  }
0x4ec: {  	v5 =	vld [tilespmem:$0x18D90];
	_ =	sdelay $0x4  }
0x4ed: {  	v6 =	vshll.u32 v5, $0x1  }
0x4ee: {  	v5 =	vand.u32 $0x7, v5;
	v6 =	vand.u32 $0xFFFFFFF0, v6  }
0x4ef: {  	v5 =	vor.u32 v5, v6  }
0x4f0: {  	v6 =	vperm.xlane v5, v0;
	_ =	sdelay $0x1  }
0x4f1: {  	v5 =	vperm.xlane v5, v2;
	v6 =	vadd.s32 v1, v6;
	_ =	sdelay $0x1  }
0x4f2: {  	v5 =	vadd.s32 v1, v5;
	_ =	sdelay $0x1  }
0x4f3: {  	s25 =	simm.s32 $0x17000  }
0x4f4: {  	[tilespmem:s25], [sflag:$0x2] =	stream.indirect_vreg.gather [hbm4b:s0+s23], $0x80, v6, vm0, $0xb8;
	[tilespmem:$0x19000] =	vst v63  }
0x4f5: {  	s26 =	simm.s32 $0x17800  }
0x4f6: {  	[tilespmem:s26], [sflag:$0x2] =	stream.indirect_vreg.gather [hbm4b:s0+s23], $0x80, v5, vm0, $0xb8;
	[tilespmem:$0x19000] =	vst v63  }
0x4f7: {  	_ =	swait.ge [sflag:s28], $0x4000  }
0x4f8: {  	[sflag:s28] =	ssyncset.done $0x0  }
0x4f9: {  	[sflag:s28] =	ssyncadd.s32 $0xFFFFC000  }
0x4fa: {  	_ =	swait.ge [sflag:s30], $0x2000  }
0x4fb: {  	[sflag:s30] =	ssyncset.done $0x0  }
0x4fc: {  	[sflag:s30] =	ssyncadd.s32 $0xFFFFE000  }
0x4fd: {  	_ =	swait.ge [sflag:s30], $0x2000  }
0x4fe: {  	[sflag:s30] =	ssyncset.done $0x0  }
0x4ff: {  	s24 =	simm.s32 $0x0;
	s25 =	simm.s32 $0x0;
	[sflag:s30] =	ssyncadd.s32 $0xFFFFE000  }
.LBB2_42:
0x500: {  	v5 =	vmov s25  }
0x501: {  	s3 =	simm.s32 $0x1C;
	s4 =	simm.s32 $0x4;
	v6 =	vshll.u32 v5, $0x8;
	v5 =	vshll.u32 v5, $0x7  }
0x502: {  	s5 =	simm.s32 $0x18;
	s8 =	simm.s32 $0x8;
	v7 =	vor.u32 s3, v4;
	v8 =	vmov s4;
	v9 =	vor.u32 s4, v4  }
0x503: {  	s9 =	simm.s32 $0x0;
	s11 =	simm.s32 $0xC;
	s6 =	simm.s32 $0x10;
	v10 =	vmov s5;
	v11 =	vmov s8;
	v12 =	vor.u32 s5, v4  }
0x504: {  	v13 =	vmov s9;
	v14 =	vmov s11;
	v15 =	vmov s6  }
0x505: {  	s7 =	simm.s32 $0x14;
	v16 =	vor.u32 s9, v4;
	v17 =	vor.u32 s8, v4;
	v18 =	vor.u32 s11, v4  }
0x506: {  	v19 =	vor.u32 s6, v4;
	v20 =	vor.u32 s7, v4;
	v6 =	vadd.s32 v3, v6  }
0x507: {  	v5 =	vand.u32 $0x380, v5;
	v10 =	vshll.u32 v10, $0x3;
	v12 =	vand.u32 $0x7B, v12  }
0x508: {  	v8 =	vshll.u32 v8, $0x3;
	v11 =	vshll.u32 v11, $0x3;
	v14 =	vshll.u32 v14, $0x3  }
0x509: {  	v15 =	vshll.u32 v15, $0x3;
	v6 =	vand.u32 $0x3800, v6;
	v10 =	vand.u32 $0x400, v10  }
0x50a: {  	v16 =	vand.u32 $0x63, v16;
	v5 =	vor.u32 v6, v5;
	v10 =	vor.u32 v10, v12  }
0x50b: {  	v9 =	vand.u32 $0x67, v9;
	v17 =	vand.u32 $0x6B, v17;
	v10 =	vor.u32 v5, v10  }
0x50c: {  	v18 =	vand.u32 $0x6F, v18;
	v63 =	vand.u32 $0x77, v20;
	v7 =	vand.u32 $0x7F, v7  }
0x50d: {  	v8 =	vand.u32 $0x400, v8;
	v11 =	vand.u32 $0x400, v11;
	v14 =	vand.u32 $0x400, v14  }
0x50e: {  	v15 =	vand.u32 $0x400, v15;
	v6 =	vmov s3;
	v12 =	vshll.u32 v13, $0x3  }
0x50f: {  	v13 =	vmov s7;
	v8 =	vor.u32 v8, v9;
	v9 =	vor.u32 v11, v17  }
0x510: {  	s20 =	sshll.u32 s24, $0x2;
	s26 =	sand.u32 $0x7, s23;
	v14 =	vor.u32 v14, v18;
	v13 =	vshll.u32 v13, $0x3;
	v12 =	vand.u32 $0x400, v12;
	v21 =	vld.idx.msk [tilespmem:v10+s19+$0x0], $0xffff  }
0x511: {  	s4 =	sshll.u32 s26, $0x9;
	s3 =	sand.u32 $0xFFFF8000, s20;
	v6 =	vshll.u32 v6, $0x3;
	v13 =	vand.u32 $0x400, v13;
	v12 =	vor.u32 v12, v16  }
0x512: {  	s3 =	sor.u32 s4, s3;
	v6 =	vand.u32 $0x400, v6;
	v11 =	vor.u32 v5, v12;
	v13 =	vor.u32 v13, v63  }
0x513: {  	s3 =	sshrl.u32 s3, $0x2;
	v6 =	vor.u32 v6, v7;
	v12 =	vor.u32 v5, v8;
	v10 =	vand.u32 $0x73, v19  }
0x514: {  	s26 =	sadd.s32 $0x4000, s3;
	v8 =	vor.u32 v5, v14;
	v7 =	vor.u32 v5, v13;
	v15 =	vor.u32 v15, v10  }
0x515: {  	s5 =	simm.s32 $0x3C;
	s4 =	simm.s32 $0x0;
	v6 =	vor.u32 v5, v6;
	s3 =	smov.u32 s26;
	v10 =	vor.u32 v5, v9;
	v9 =	vor.u32 v5, v15;
	[tilespmem:s26+$0x60] =	vst.add.f32.msk $0xffff, v21  }
.LBB2_43:
0x516: {  	s6 =	sadd.s32 $0xFFFFFFE8, s5;
	s7 =	sadd.s32 $0xFFFFFFFC, s5;
	v13 =	vmov s5;
	v14 =	vor.u32 s5, v4;
	s4 =	sadd.s32 $0x8, s4  }
0x517: {  	s8 =	sadd.s32 $0xFFFFFFF0, s5;
	v15 =	vmov s6;
	v16 =	vor.u32 s6, v4;
	s6 =	sadd.s32 $0xFFFFFFEC, s5;
	v17 =	vmov s7;
	p0 =	slt.u32 s4, $0x38  }
0x518: {  	s9 =	sadd.s32 $0xFFFFFFE4, s5;
	s11 =	sadd.s32 $0xFFFFFFF4, s5;
	s20 =	sadd.s32 $0xFFFFFFF8, s5;
	v19 =	vor.u32 s7, v4;
	v18 =	vmov s6;
	v17 =	vshll.u32 v17, $0x3;
	v11 =	vld.idx.msk [tilespmem:v11+s19+$0x0], $0xffff  }
0x519: {  	v20 =	vmov s9;
	v19 =	vand.u32 $0x7B, v19;
	v17 =	vand.u32 $0x400, v17;
	v12 =	vld.idx.msk [tilespmem:v12+s19+$0x0], $0xffff  }
0x51a: {  	v21 =	vmov s8;
	v22 =	vmov s11;
	v17 =	vor.u32 v17, v19;
	v10 =	vld.idx.msk [tilespmem:v10+s19+$0x0], $0xffff  }
0x51b: {  	v19 =	vshll.u32 v20, $0x3;
	v20 =	vmov s20;
	v17 =	vor.u32 v5, v17;
	v8 =	vld.idx.msk [tilespmem:v8+s19+$0x0], $0xffff  }
0x51c: {  	v15 =	vshll.u32 v15, $0x3;
	v21 =	vshll.u32 v21, $0x3;
	v18 =	vshll.u32 v18, $0x3;
	v9 =	vld.idx.msk [tilespmem:v9+s19+$0x0], $0xffff  }
0x51d: {  	v23 =	vor.u32 s9, v4;
	v22 =	vshll.u32 v22, $0x3;
	v20 =	vshll.u32 v20, $0x3;
	v7 =	vld.idx.msk [tilespmem:v7+s19+$0x0], $0xffff  }
0x51e: {  	v25 =	vor.u32 s8, v4;
	v26 =	vor.u32 s11, v4;
	v24 =	vor.u32 s6, v4;
	v6 =	vld.idx.msk [tilespmem:v6+s19+$0x0], $0xffff  }
0x51f: {  	v27 =	vor.u32 s20, v4;
	v13 =	vshll.u32 v13, $0x3;
	v19 =	vand.u32 $0x400, v19;
	[tilespmem:s26+$0x0] =	vst.add.f32.msk $0xffff, v11  }
0x520: {  	v11 =	vand.u32 $0x400, v15;
	v15 =	vand.u32 $0x400, v18;
	v18 =	vand.u32 $0x400, v21;
	v17 =	vld.idx.msk [tilespmem:v17+s19+$0x0], $0xffff  }
0x521: {  	v22 =	vand.u32 $0x400, v22;
	v20 =	vand.u32 $0x400, v20;
	v21 =	vand.u32 $0x63, v23;
	[tilespmem:s26+$0x10] =	vst.add.f32.msk $0xffff, v12  }
0x522: {  	v23 =	vand.u32 $0x6F, v25;
	v12 =	vand.u32 $0x67, v16;
	v16 =	vand.u32 $0x6B, v24;
	[tilespmem:s26+$0x20] =	vst.add.f32.msk $0xffff, v10  }
0x523: {  	v13 =	vand.u32 $0x400, v13;
	v24 =	vand.u32 $0x77, v27;
	v10 =	vand.u32 $0x73, v26;
	[tilespmem:s26+$0x30] =	vst.add.f32.msk $0xffff, v8  }
.Ltmp20:
0x524: {  	v14 =	vand.u32 $0x7F, v14;
	v12 =	vor.u32 v11, v12;
	v8 =	vor.u32 v19, v21;
	[tilespmem:s26+$0x40] =	vst.add.f32.msk $0xffff, v9;
	(pc) =	sbr.rel @p0 .LBB2_43-.Ltmp20, $4  }
0x525: {  	v9 =	vor.u32 v15, v16;
	v15 =	vor.u32 v18, v23;
	v16 =	vor.u32 v22, v10;
	s26 =	sadd.s32 $0x400, s26;
	[tilespmem:s3+$0x50] =	vst.add.f32.msk $0xffff, v7  }
0x526: {  	v13 =	vor.u32 v13, v14;
	v11 =	vor.u32 v5, v8;
	v7 =	vor.u32 v20, v24;
	[tilespmem:s26+$0x60] =	vst.add.f32.msk $0xffff, v17  }
0x527: {  	v12 =	vor.u32 v5, v12;
	v10 =	vor.u32 v5, v9;
	v8 =	vor.u32 v5, v15;
	[tilespmem:s3+$0x70] =	vst.add.f32.msk $0xffff, v6;
	s3 =	smov.u32 s26  }
0x528: {  	s5 =	sadd.s32 $0x20, s5;
	v9 =	vor.u32 v5, v16;
	v7 =	vor.u32 v5, v7;
	v6 =	vor.u32 v5, v13  }
0x529: {  	_ =	sdelay $0x3  }
0x52a: {  	v5 =	vld.idx.msk [tilespmem:v11+s19+$0x0], $0xffff  }
0x52b: {  	v63 =	vld.idx.msk [tilespmem:v12+s19+$0x0], $0xffff  }
0x52c: {  	v10 =	vld.idx.msk [tilespmem:v10+s19+$0x0], $0xffff  }
0x52d: {  	v8 =	vld.idx.msk [tilespmem:v8+s19+$0x0], $0xffff  }
0x52e: {  	v9 =	vld.idx.msk [tilespmem:v9+s19+$0x0], $0xffff  }
0x52f: {  	v7 =	vld.idx.msk [tilespmem:v7+s19+$0x0], $0xffff  }
0x530: {  	v6 =	vld.idx.msk [tilespmem:v6+s19+$0x0], $0xffff  }
0x531: {  	s25 =	sadd.s32 $0x1, s25;
	[tilespmem:s26+$0x0] =	vst.add.f32.msk $0xffff, v5  }
0x532: {  	p0 =	sne.s32 s25, $0x10;
	[tilespmem:s26+$0x10] =	vst.add.f32.msk $0xffff, v63  }
.Ltmp21:
0x533: {  	[tilespmem:s26+$0x20] =	vst.add.f32.msk $0xffff, v10;
	(pc) =	sbr.rel @p0 .LBB2_42-.Ltmp21, $4  }
0x534: {  	[tilespmem:s26+$0x30] =	vst.add.f32.msk $0xffff, v8  }
0x535: {  	[tilespmem:s26+$0x40] =	vst.add.f32.msk $0xffff, v9  }
0x536: {  	[tilespmem:s3+$0x50] =	vst.add.f32.msk $0xffff, v7  }
0x537: {  	s24 =	sadd.s32 $0x400, s24;
	s23 =	sadd.s32 $0x1, s23;
	[tilespmem:s3+$0x70] =	vst.add.f32.msk $0xffff, v6  }
0x538: {  	s23 =	simm.s32 $0x0;
	s3 =	rddreg [dreg:$0x18]  }
0x539: {  	[hbm4b:s3+s23] =	stream.linear.scatter [tilespmem:s18], [sflag:$0x3], $0x4000, $0x38;
	[tilespmem:$0x19000] =	vst v63  }
0x53a: {  	_ =	swait.ge [sflag:s21], $0x4000  }
0x53b: {  	[sflag:s21] =	ssyncset.done $0x0  }
0x53c: {  	s25 =	rddreg [dreg:$0x1b];
	[sflag:s21] =	ssyncadd.s32 $0xFFFFC000  }
0x53d: {  	[tilespmem:s23], [sflag:$0x1] =	stream.linear.gather [hbm4b:s25+s23], $0x4000, $0x38;
	[tilespmem:$0x19000] =	vst v63  }
0x53e: {  	v5 =	vld [tilespmem:$0x18600];
	_ =	sdelay $0x4  }
0x53f: {  	v6 =	vshll.u32 v5, $0x1  }
0x540: {  	v5 =	vand.u32 $0x7, v5;
	v6 =	vand.u32 $0xFFFFFFF0, v6  }
0x541: {  	v5 =	vor.u32 v5, v6  }
0x542: {  	v6 =	vperm.xlane v5, v0;
	_ =	sdelay $0x1  }
0x543: {  	v5 =	vperm.xlane v5, v2;
	v6 =	vadd.s32 v1, v6;
	_ =	sdelay $0x1  }
0x544: {  	v5 =	vadd.s32 v1, v5;
	_ =	sdelay $0x2  }
0x545: {  	[tilespmem:s10], [sflag:$0x2] =	stream.indirect_vreg.gather [hbm4b:s29+s23], $0x80, v6, vm0, $0xb8;
	[tilespmem:$0x19000] =	vst v63  }
0x546: {  	s26 =	simm.s32 $0xC800  }
0x547: {  	[tilespmem:s26], [sflag:$0x2] =	stream.indirect_vreg.gather [hbm4b:s29+s23], $0x80, v5, vm0, $0xb8;
	[tilespmem:$0x19000] =	vst v63  }
0x548: {  	v5 =	vld [tilespmem:$0x18610];
	_ =	sdelay $0x4  }
0x549: {  	v6 =	vshll.u32 v5, $0x1  }
0x54a: {  	v5 =	vand.u32 $0x7, v5;
	v6 =	vand.u32 $0xFFFFFFF0, v6  }
0x54b: {  	v5 =	vor.u32 v5, v6  }
0x54c: {  	v6 =	vperm.xlane v5, v0;
	_ =	sdelay $0x1  }
0x54d: {  	v5 =	vperm.xlane v5, v2;
	v6 =	vadd.s32 v1, v6;
	_ =	sdelay $0x1  }
0x54e: {  	v5 =	vadd.s32 v1, v5;
	_ =	sdelay $0x2  }
0x54f: {  	[tilespmem:s12], [sflag:$0x2] =	stream.indirect_vreg.gather [hbm4b:s29+s23], $0x80, v6, vm0, $0xb8;
	[tilespmem:$0x19000] =	vst v63  }
0x550: {  	_ = 	snop  }
0x551: {  	[tilespmem:s13], [sflag:$0x2] =	stream.indirect_vreg.gather [hbm4b:s29+s23], $0x80, v5, vm0, $0xb8;
	[tilespmem:$0x19000] =	vst v63  }
0x552: {  	v5 =	vld [tilespmem:$0x18E00];
	_ =	sdelay $0x4  }
0x553: {  	v6 =	vshll.u32 v5, $0x1  }
0x554: {  	v5 =	vand.u32 $0x7, v5;
	v6 =	vand.u32 $0xFFFFFFF0, v6  }
0x555: {  	v5 =	vor.u32 v5, v6  }
0x556: {  	v6 =	vperm.xlane v5, v0;
	_ =	sdelay $0x1  }
0x557: {  	v5 =	vperm.xlane v5, v2;
	v6 =	vadd.s32 v1, v6;
	_ =	sdelay $0x1  }
0x558: {  	v5 =	vadd.s32 v1, v5;
	_ =	sdelay $0x2  }
0x559: {  	[tilespmem:s14], [sflag:$0x2] =	stream.indirect_vreg.gather [hbm4b:s0+s23], $0x80, v6, vm0, $0xb8;
	[tilespmem:$0x19000] =	vst v63  }
0x55a: {  	_ = 	snop  }
0x55b: {  	[tilespmem:s15], [sflag:$0x2] =	stream.indirect_vreg.gather [hbm4b:s0+s23], $0x80, v5, vm0, $0xb8;
	[tilespmem:$0x19000] =	vst v63  }
0x55c: {  	v5 =	vld [tilespmem:$0x18E10];
	_ =	sdelay $0x4  }
0x55d: {  	v6 =	vshll.u32 v5, $0x1  }
0x55e: {  	v5 =	vand.u32 $0x7, v5;
	v6 =	vand.u32 $0xFFFFFFF0, v6  }
0x55f: {  	v5 =	vor.u32 v5, v6  }
0x560: {  	v6 =	vperm.xlane v5, v0;
	_ =	sdelay $0x1  }
0x561: {  	v5 =	vperm.xlane v5, v2;
	v6 =	vadd.s32 v1, v6;
	_ =	sdelay $0x1  }
0x562: {  	v5 =	vadd.s32 v1, v5;
	_ =	sdelay $0x2  }
0x563: {  	[tilespmem:s16], [sflag:$0x2] =	stream.indirect_vreg.gather [hbm4b:s0+s23], $0x80, v6, vm0, $0xb8;
	[tilespmem:$0x19000] =	vst v63  }
0x564: {  	_ = 	snop  }
0x565: {  	[tilespmem:s17], [sflag:$0x2] =	stream.indirect_vreg.gather [hbm4b:s0+s23], $0x80, v5, vm0, $0xb8;
	[tilespmem:$0x19000] =	vst v63  }
0x566: {  	_ =	swait.ge [sflag:s28], $0x4000  }
0x567: {  	[sflag:s28] =	ssyncset.done $0x0  }
0x568: {  	[sflag:s28] =	ssyncadd.s32 $0xFFFFC000  }
0x569: {  	_ =	swait.ge [sflag:s30], $0x2000  }
0x56a: {  	[sflag:s30] =	ssyncset.done $0x0  }
0x56b: {  	[sflag:s30] =	ssyncadd.s32 $0xFFFFE000  }
0x56c: {  	_ =	swait.ge [sflag:s30], $0x2000  }
0x56d: {  	[sflag:s30] =	ssyncset.done $0x0  }
0x56e: {  	s24 =	simm.s32 $0x0;
	s25 =	simm.s32 $0x0;
	[sflag:s30] =	ssyncadd.s32 $0xFFFFE000  }
.LBB2_46:
0x56f: {  	v5 =	vmov s25  }
0x570: {  	s3 =	simm.s32 $0x1C;
	s4 =	simm.s32 $0x4;
	v6 =	vshll.u32 v5, $0x8;
	v5 =	vshll.u32 v5, $0x7  }
0x571: {  	s5 =	simm.s32 $0x18;
	s8 =	simm.s32 $0x8;
	v7 =	vor.u32 s3, v4;
	v8 =	vmov s4;
	v9 =	vor.u32 s4, v4  }
0x572: {  	s9 =	simm.s32 $0x0;
	s11 =	simm.s32 $0xC;
	s6 =	simm.s32 $0x10;
	v10 =	vmov s5;
	v11 =	vmov s8;
	v12 =	vor.u32 s5, v4  }
0x573: {  	v13 =	vmov s9;
	v14 =	vmov s11;
	v15 =	vmov s6  }
0x574: {  	s7 =	simm.s32 $0x14;
	v16 =	vor.u32 s9, v4;
	v17 =	vor.u32 s8, v4;
	v18 =	vor.u32 s11, v4  }
0x575: {  	v19 =	vor.u32 s6, v4;
	v20 =	vor.u32 s7, v4;
	v6 =	vadd.s32 v3, v6  }
0x576: {  	v5 =	vand.u32 $0x380, v5;
	v10 =	vshll.u32 v10, $0x3;
	v12 =	vand.u32 $0x7B, v12  }
0x577: {  	v8 =	vshll.u32 v8, $0x3;
	v11 =	vshll.u32 v11, $0x3;
	v14 =	vshll.u32 v14, $0x3  }
0x578: {  	v15 =	vshll.u32 v15, $0x3;
	v6 =	vand.u32 $0x3800, v6;
	v10 =	vand.u32 $0x400, v10  }
0x579: {  	v16 =	vand.u32 $0x63, v16;
	v5 =	vor.u32 v6, v5;
	v10 =	vor.u32 v10, v12  }
0x57a: {  	v9 =	vand.u32 $0x67, v9;
	v17 =	vand.u32 $0x6B, v17;
	v10 =	vor.u32 v5, v10  }
0x57b: {  	v18 =	vand.u32 $0x6F, v18;
	v63 =	vand.u32 $0x77, v20;
	v7 =	vand.u32 $0x7F, v7  }
0x57c: {  	v8 =	vand.u32 $0x400, v8;
	v11 =	vand.u32 $0x400, v11;
	v14 =	vand.u32 $0x400, v14  }
0x57d: {  	v15 =	vand.u32 $0x400, v15;
	v6 =	vmov s3;
	v12 =	vshll.u32 v13, $0x3  }
0x57e: {  	v13 =	vmov s7;
	v8 =	vor.u32 v8, v9;
	v9 =	vor.u32 v11, v17  }
0x57f: {  	s20 =	sshll.u32 s24, $0x2;
	s26 =	sand.u32 $0x7, s23;
	v14 =	vor.u32 v14, v18;
	v13 =	vshll.u32 v13, $0x3;
	v12 =	vand.u32 $0x400, v12;
	v21 =	vld.idx.msk [tilespmem:v10+s2+$0x0], $0xffff  }
0x580: {  	s4 =	sshll.u32 s26, $0x9;
	s3 =	sand.u32 $0xFFFF8000, s20;
	v6 =	vshll.u32 v6, $0x3;
	v13 =	vand.u32 $0x400, v13;
	v12 =	vor.u32 v12, v16  }
0x581: {  	s3 =	sor.u32 s4, s3;
	v6 =	vand.u32 $0x400, v6;
	v11 =	vor.u32 v5, v12;
	v13 =	vor.u32 v13, v63  }
0x582: {  	s3 =	sshrl.u32 s3, $0x2;
	v6 =	vor.u32 v6, v7;
	v12 =	vor.u32 v5, v8;
	v10 =	vand.u32 $0x73, v19  }
0x583: {  	s26 =	sadd.s32 $0x8000, s3;
	v8 =	vor.u32 v5, v14;
	v7 =	vor.u32 v5, v13;
	v15 =	vor.u32 v15, v10  }
0x584: {  	s5 =	simm.s32 $0x3C;
	s4 =	simm.s32 $0x0;
	v6 =	vor.u32 v5, v6;
	s3 =	smov.u32 s26;
	v10 =	vor.u32 v5, v9;
	v9 =	vor.u32 v5, v15;
	[tilespmem:s26+$0x60] =	vst.add.f32.msk $0xffff, v21  }
.LBB2_47:
0x585: {  	s6 =	sadd.s32 $0xFFFFFFE8, s5;
	s7 =	sadd.s32 $0xFFFFFFFC, s5;
	v13 =	vmov s5;
	v14 =	vor.u32 s5, v4;
	s4 =	sadd.s32 $0x8, s4  }
0x586: {  	s8 =	sadd.s32 $0xFFFFFFF0, s5;
	v15 =	vmov s6;
	v16 =	vor.u32 s6, v4;
	s6 =	sadd.s32 $0xFFFFFFEC, s5;
	v17 =	vmov s7;
	p0 =	slt.u32 s4, $0x38  }
0x587: {  	s9 =	sadd.s32 $0xFFFFFFE4, s5;
	s11 =	sadd.s32 $0xFFFFFFF4, s5;
	s20 =	sadd.s32 $0xFFFFFFF8, s5;
	v19 =	vor.u32 s7, v4;
	v18 =	vmov s6;
	v17 =	vshll.u32 v17, $0x3;
	v11 =	vld.idx.msk [tilespmem:v11+s2+$0x0], $0xffff  }
0x588: {  	v20 =	vmov s9;
	v19 =	vand.u32 $0x7B, v19;
	v17 =	vand.u32 $0x400, v17;
	v12 =	vld.idx.msk [tilespmem:v12+s2+$0x0], $0xffff  }
0x589: {  	v21 =	vmov s8;
	v22 =	vmov s11;
	v17 =	vor.u32 v17, v19;
	v10 =	vld.idx.msk [tilespmem:v10+s2+$0x0], $0xffff  }
0x58a: {  	v19 =	vshll.u32 v20, $0x3;
	v20 =	vmov s20;
	v17 =	vor.u32 v5, v17;
	v8 =	vld.idx.msk [tilespmem:v8+s2+$0x0], $0xffff  }
0x58b: {  	v15 =	vshll.u32 v15, $0x3;
	v21 =	vshll.u32 v21, $0x3;
	v18 =	vshll.u32 v18, $0x3;
	v9 =	vld.idx.msk [tilespmem:v9+s2+$0x0], $0xffff  }
0x58c: {  	v23 =	vor.u32 s9, v4;
	v22 =	vshll.u32 v22, $0x3;
	v20 =	vshll.u32 v20, $0x3;
	v7 =	vld.idx.msk [tilespmem:v7+s2+$0x0], $0xffff  }
0x58d: {  	v25 =	vor.u32 s8, v4;
	v26 =	vor.u32 s11, v4;
	v24 =	vor.u32 s6, v4;
	v6 =	vld.idx.msk [tilespmem:v6+s2+$0x0], $0xffff  }
0x58e: {  	v27 =	vor.u32 s20, v4;
	v13 =	vshll.u32 v13, $0x3;
	v19 =	vand.u32 $0x400, v19;
	[tilespmem:s26+$0x0] =	vst.add.f32.msk $0xffff, v11  }
0x58f: {  	v11 =	vand.u32 $0x400, v15;
	v15 =	vand.u32 $0x400, v18;
	v18 =	vand.u32 $0x400, v21;
	v17 =	vld.idx.msk [tilespmem:v17+s2+$0x0], $0xffff  }
0x590: {  	v22 =	vand.u32 $0x400, v22;
	v20 =	vand.u32 $0x400, v20;
	v21 =	vand.u32 $0x63, v23;
	[tilespmem:s26+$0x10] =	vst.add.f32.msk $0xffff, v12  }
0x591: {  	v23 =	vand.u32 $0x6F, v25;
	v12 =	vand.u32 $0x67, v16;
	v16 =	vand.u32 $0x6B, v24;
	[tilespmem:s26+$0x20] =	vst.add.f32.msk $0xffff, v10  }
0x592: {  	v13 =	vand.u32 $0x400, v13;
	v24 =	vand.u32 $0x77, v27;
	v10 =	vand.u32 $0x73, v26;
	[tilespmem:s26+$0x30] =	vst.add.f32.msk $0xffff, v8  }
.Ltmp22:
0x593: {  	v14 =	vand.u32 $0x7F, v14;
	v12 =	vor.u32 v11, v12;
	v8 =	vor.u32 v19, v21;
	[tilespmem:s26+$0x40] =	vst.add.f32.msk $0xffff, v9;
	(pc) =	sbr.rel @p0 .LBB2_47-.Ltmp22, $4  }
0x594: {  	v9 =	vor.u32 v15, v16;
	v15 =	vor.u32 v18, v23;
	v16 =	vor.u32 v22, v10;
	s26 =	sadd.s32 $0x400, s26;
	[tilespmem:s3+$0x50] =	vst.add.f32.msk $0xffff, v7  }
0x595: {  	v13 =	vor.u32 v13, v14;
	v11 =	vor.u32 v5, v8;
	v7 =	vor.u32 v20, v24;
	[tilespmem:s26+$0x60] =	vst.add.f32.msk $0xffff, v17  }
0x596: {  	v12 =	vor.u32 v5, v12;
	v10 =	vor.u32 v5, v9;
	v8 =	vor.u32 v5, v15;
	[tilespmem:s3+$0x70] =	vst.add.f32.msk $0xffff, v6;
	s3 =	smov.u32 s26  }
0x597: {  	s5 =	sadd.s32 $0x20, s5;
	v9 =	vor.u32 v5, v16;
	v7 =	vor.u32 v5, v7;
	v6 =	vor.u32 v5, v13  }
0x598: {  	_ =	sdelay $0x3  }
0x599: {  	v5 =	vld.idx.msk [tilespmem:v11+s2+$0x0], $0xffff  }
0x59a: {  	v63 =	vld.idx.msk [tilespmem:v12+s2+$0x0], $0xffff  }
0x59b: {  	v10 =	vld.idx.msk [tilespmem:v10+s2+$0x0], $0xffff  }
0x59c: {  	v8 =	vld.idx.msk [tilespmem:v8+s2+$0x0], $0xffff  }
0x59d: {  	v9 =	vld.idx.msk [tilespmem:v9+s2+$0x0], $0xffff  }
0x59e: {  	v7 =	vld.idx.msk [tilespmem:v7+s2+$0x0], $0xffff  }
0x59f: {  	v6 =	vld.idx.msk [tilespmem:v6+s2+$0x0], $0xffff  }
0x5a0: {  	s25 =	sadd.s32 $0x1, s25;
	[tilespmem:s26+$0x0] =	vst.add.f32.msk $0xffff, v5  }
0x5a1: {  	p0 =	sne.s32 s25, $0x10;
	[tilespmem:s26+$0x10] =	vst.add.f32.msk $0xffff, v63  }
.Ltmp23:
0x5a2: {  	[tilespmem:s26+$0x20] =	vst.add.f32.msk $0xffff, v10;
	(pc) =	sbr.rel @p0 .LBB2_46-.Ltmp23, $4  }
0x5a3: {  	[tilespmem:s26+$0x30] =	vst.add.f32.msk $0xffff, v8  }
0x5a4: {  	[tilespmem:s26+$0x40] =	vst.add.f32.msk $0xffff, v9  }
0x5a5: {  	[tilespmem:s3+$0x50] =	vst.add.f32.msk $0xffff, v7  }
0x5a6: {  	s24 =	sadd.s32 $0x400, s24;
	s23 =	sadd.s32 $0x1, s23;
	[tilespmem:s3+$0x70] =	vst.add.f32.msk $0xffff, v6  }
0x5a7: {  	s23 =	simm.s32 $0x0;
	s3 =	rddreg [dreg:$0x1a]  }
0x5a8: {  	[hbm4b:s3+s23] =	stream.linear.scatter [tilespmem:s31], [sflag:$0x3], $0x4000, $0x38;
	[tilespmem:$0x19000] =	vst v63  }
0x5a9: {  	_ =	swait.ge [sflag:s21], $0x4000  }
0x5aa: {  	[sflag:s21] =	ssyncset.done $0x0  }
0x5ab: {  	s7 =	rddreg [dreg:$0x1d];
	[sflag:s21] =	ssyncadd.s32 $0xFFFFC000  }
0x5ac: {  	[tilespmem:s18], [sflag:$0x1] =	stream.linear.gather [hbm4b:s7+s23], $0x4000, $0x38;
	[tilespmem:$0x19000] =	vst v63  }
0x5ad: {  	v5 =	vld [tilespmem:$0x18680];
	_ =	sdelay $0x4  }
0x5ae: {  	v6 =	vshll.u32 v5, $0x1  }
0x5af: {  	v5 =	vand.u32 $0x7, v5;
	v6 =	vand.u32 $0xFFFFFFF0, v6  }
0x5b0: {  	v5 =	vor.u32 v5, v6  }
0x5b1: {  	v6 =	vperm.xlane v5, v0;
	_ =	sdelay $0x1  }
0x5b2: {  	v5 =	vperm.xlane v5, v2;
	v6 =	vadd.s32 v1, v6;
	_ =	sdelay $0x1  }
0x5b3: {  	v5 =	vadd.s32 v1, v5;
	_ =	sdelay $0x2  }
0x5b4: {  	[tilespmem:s19], [sflag:$0x2] =	stream.indirect_vreg.gather [hbm4b:s29+s23], $0x80, v6, vm0, $0xb8;
	[tilespmem:$0x19000] =	vst v63  }
0x5b5: {  	s8 =	simm.s32 $0x10800  }
0x5b6: {  	[tilespmem:s8], [sflag:$0x2] =	stream.indirect_vreg.gather [hbm4b:s29+s23], $0x80, v5, vm0, $0xb8;
	[tilespmem:$0x19000] =	vst v63  }
0x5b7: {  	v5 =	vld [tilespmem:$0x18690];
	_ =	sdelay $0x4  }
0x5b8: {  	v6 =	vshll.u32 v5, $0x1  }
0x5b9: {  	v5 =	vand.u32 $0x7, v5;
	v6 =	vand.u32 $0xFFFFFFF0, v6  }
0x5ba: {  	v5 =	vor.u32 v5, v6  }
0x5bb: {  	v6 =	vperm.xlane v5, v0;
	_ =	sdelay $0x1  }
0x5bc: {  	v5 =	vperm.xlane v5, v2;
	v6 =	vadd.s32 v1, v6;
	_ =	sdelay $0x1  }
0x5bd: {  	v5 =	vadd.s32 v1, v5;
	_ =	sdelay $0x1  }
0x5be: {  	s9 =	simm.s32 $0x11000  }
0x5bf: {  	[tilespmem:s9], [sflag:$0x2] =	stream.indirect_vreg.gather [hbm4b:s29+s23], $0x80, v6, vm0, $0xb8;
	[tilespmem:$0x19000] =	vst v63  }
0x5c0: {  	s11 =	simm.s32 $0x11800  }
0x5c1: {  	[tilespmem:s11], [sflag:$0x2] =	stream.indirect_vreg.gather [hbm4b:s29+s23], $0x80, v5, vm0, $0xb8;
	[tilespmem:$0x19000] =	vst v63  }
0x5c2: {  	v5 =	vld [tilespmem:$0x18E80];
	_ =	sdelay $0x4  }
0x5c3: {  	v6 =	vshll.u32 v5, $0x1  }
0x5c4: {  	v5 =	vand.u32 $0x7, v5;
	v6 =	vand.u32 $0xFFFFFFF0, v6  }
0x5c5: {  	v5 =	vor.u32 v5, v6  }
0x5c6: {  	v6 =	vperm.xlane v5, v0;
	_ =	sdelay $0x1  }
0x5c7: {  	v5 =	vperm.xlane v5, v2;
	v6 =	vadd.s32 v1, v6;
	_ =	sdelay $0x1  }
0x5c8: {  	v5 =	vadd.s32 v1, v5;
	_ =	sdelay $0x1  }
0x5c9: {  	s20 =	simm.s32 $0x12000  }
0x5ca: {  	[tilespmem:s20], [sflag:$0x2] =	stream.indirect_vreg.gather [hbm4b:s0+s23], $0x80, v6, vm0, $0xb8;
	[tilespmem:$0x19000] =	vst v63  }
0x5cb: {  	s24 =	simm.s32 $0x12800  }
0x5cc: {  	[tilespmem:s24], [sflag:$0x2] =	stream.indirect_vreg.gather [hbm4b:s0+s23], $0x80, v5, vm0, $0xb8;
	[tilespmem:$0x19000] =	vst v63  }
0x5cd: {  	v5 =	vld [tilespmem:$0x18E90];
	_ =	sdelay $0x4  }
0x5ce: {  	v6 =	vshll.u32 v5, $0x1  }
0x5cf: {  	v5 =	vand.u32 $0x7, v5;
	v6 =	vand.u32 $0xFFFFFFF0, v6  }
0x5d0: {  	v5 =	vor.u32 v5, v6  }
0x5d1: {  	v6 =	vperm.xlane v5, v0;
	_ =	sdelay $0x1  }
0x5d2: {  	v5 =	vperm.xlane v5, v2;
	v6 =	vadd.s32 v1, v6;
	_ =	sdelay $0x1  }
0x5d3: {  	v5 =	vadd.s32 v1, v5;
	_ =	sdelay $0x1  }
0x5d4: {  	s25 =	simm.s32 $0x13000  }
0x5d5: {  	[tilespmem:s25], [sflag:$0x2] =	stream.indirect_vreg.gather [hbm4b:s0+s23], $0x80, v6, vm0, $0xb8;
	[tilespmem:$0x19000] =	vst v63  }
0x5d6: {  	s26 =	simm.s32 $0x13800  }
0x5d7: {  	[tilespmem:s26], [sflag:$0x2] =	stream.indirect_vreg.gather [hbm4b:s0+s23], $0x80, v5, vm0, $0xb8;
	[tilespmem:$0x19000] =	vst v63  }
0x5d8: {  	_ =	swait.ge [sflag:s28], $0x4000  }
0x5d9: {  	[sflag:s28] =	ssyncset.done $0x0  }
0x5da: {  	[sflag:s28] =	ssyncadd.s32 $0xFFFFC000  }
0x5db: {  	_ =	swait.ge [sflag:s30], $0x2000  }
0x5dc: {  	[sflag:s30] =	ssyncset.done $0x0  }
0x5dd: {  	[sflag:s30] =	ssyncadd.s32 $0xFFFFE000  }
0x5de: {  	_ =	swait.ge [sflag:s30], $0x2000  }
0x5df: {  	[sflag:s30] =	ssyncset.done $0x0  }
0x5e0: {  	s24 =	simm.s32 $0x0;
	s25 =	simm.s32 $0x0;
	[sflag:s30] =	ssyncadd.s32 $0xFFFFE000  }
.LBB2_50:
0x5e1: {  	v5 =	vmov s25  }
0x5e2: {  	s3 =	simm.s32 $0x1C;
	s4 =	simm.s32 $0x4;
	v6 =	vshll.u32 v5, $0x8;
	v5 =	vshll.u32 v5, $0x7  }
0x5e3: {  	s5 =	simm.s32 $0x18;
	s8 =	simm.s32 $0x8;
	v7 =	vor.u32 s3, v4;
	v8 =	vmov s4;
	v9 =	vor.u32 s4, v4  }
0x5e4: {  	s9 =	simm.s32 $0x0;
	s11 =	simm.s32 $0xC;
	s6 =	simm.s32 $0x10;
	v10 =	vmov s5;
	v11 =	vmov s8;
	v12 =	vor.u32 s5, v4  }
0x5e5: {  	v13 =	vmov s9;
	v14 =	vmov s11;
	v15 =	vmov s6  }
0x5e6: {  	s7 =	simm.s32 $0x14;
	v16 =	vor.u32 s9, v4;
	v17 =	vor.u32 s8, v4;
	v18 =	vor.u32 s11, v4  }
0x5e7: {  	v19 =	vor.u32 s6, v4;
	v20 =	vor.u32 s7, v4;
	v6 =	vadd.s32 v3, v6  }
0x5e8: {  	v5 =	vand.u32 $0x380, v5;
	v10 =	vshll.u32 v10, $0x3;
	v12 =	vand.u32 $0x7B, v12  }
0x5e9: {  	v8 =	vshll.u32 v8, $0x3;
	v11 =	vshll.u32 v11, $0x3;
	v14 =	vshll.u32 v14, $0x3  }
0x5ea: {  	v15 =	vshll.u32 v15, $0x3;
	v6 =	vand.u32 $0x3800, v6;
	v10 =	vand.u32 $0x400, v10  }
0x5eb: {  	v16 =	vand.u32 $0x63, v16;
	v5 =	vor.u32 v6, v5;
	v10 =	vor.u32 v10, v12  }
0x5ec: {  	v9 =	vand.u32 $0x67, v9;
	v17 =	vand.u32 $0x6B, v17;
	v10 =	vor.u32 v5, v10  }
0x5ed: {  	v18 =	vand.u32 $0x6F, v18;
	v63 =	vand.u32 $0x77, v20;
	v7 =	vand.u32 $0x7F, v7  }
0x5ee: {  	v8 =	vand.u32 $0x400, v8;
	v11 =	vand.u32 $0x400, v11;
	v14 =	vand.u32 $0x400, v14  }
0x5ef: {  	v15 =	vand.u32 $0x400, v15;
	v6 =	vmov s3;
	v12 =	vshll.u32 v13, $0x3  }
0x5f0: {  	v13 =	vmov s7;
	v8 =	vor.u32 v8, v9;
	v9 =	vor.u32 v11, v17  }
0x5f1: {  	v14 =	vor.u32 v14, v18;
	v13 =	vshll.u32 v13, $0x3;
	v12 =	vand.u32 $0x400, v12;
	v21 =	vld.idx.msk [tilespmem:v10+s10+$0x0], $0xffff  }
0x5f2: {  	s20 =	sshll.u32 s24, $0x2;
	s26 =	sand.u32 $0x7, s23;
	v6 =	vshll.u32 v6, $0x3;
	v13 =	vand.u32 $0x400, v13;
	v12 =	vor.u32 v12, v16  }
0x5f3: {  	s4 =	sshll.u32 s26, $0x9;
	s3 =	sand.u32 $0xFFFF8000, s20;
	v6 =	vand.u32 $0x400, v6;
	v11 =	vor.u32 v5, v12;
	v13 =	vor.u32 v13, v63  }
0x5f4: {  	s3 =	sor.u32 s4, s3;
	v6 =	vor.u32 v6, v7;
	v12 =	vor.u32 v5, v8;
	v10 =	vand.u32 $0x73, v19  }
0x5f5: {  	s26 =	sshrl.u32 s3, $0x2;
	v8 =	vor.u32 v5, v14;
	v7 =	vor.u32 v5, v13;
	v15 =	vor.u32 v15, v10  }
0x5f6: {  	s5 =	simm.s32 $0x3C;
	s4 =	simm.s32 $0x0;
	s3 =	smov.u32 s26;
	v6 =	vor.u32 v5, v6;
	v10 =	vor.u32 v5, v9;
	v9 =	vor.u32 v5, v15;
	[tilespmem:s26+$0x60] =	vst.add.f32.msk $0xffff, v21  }
.LBB2_51:
0x5f7: {  	s6 =	sadd.s32 $0xFFFFFFE8, s5;
	s7 =	sadd.s32 $0xFFFFFFFC, s5;
	v13 =	vmov s5;
	v14 =	vor.u32 s5, v4;
	s4 =	sadd.s32 $0x8, s4  }
0x5f8: {  	s8 =	sadd.s32 $0xFFFFFFF0, s5;
	v15 =	vmov s6;
	v16 =	vor.u32 s6, v4;
	s6 =	sadd.s32 $0xFFFFFFEC, s5;
	v17 =	vmov s7;
	p0 =	slt.u32 s4, $0x38  }
0x5f9: {  	s9 =	sadd.s32 $0xFFFFFFE4, s5;
	s11 =	sadd.s32 $0xFFFFFFF4, s5;
	s20 =	sadd.s32 $0xFFFFFFF8, s5;
	v19 =	vor.u32 s7, v4;
	v18 =	vmov s6;
	v17 =	vshll.u32 v17, $0x3;
	v11 =	vld.idx.msk [tilespmem:v11+s10+$0x0], $0xffff  }
0x5fa: {  	v20 =	vmov s9;
	v19 =	vand.u32 $0x7B, v19;
	v17 =	vand.u32 $0x400, v17;
	v12 =	vld.idx.msk [tilespmem:v12+s10+$0x0], $0xffff  }
0x5fb: {  	v21 =	vmov s8;
	v22 =	vmov s11;
	v17 =	vor.u32 v17, v19;
	v10 =	vld.idx.msk [tilespmem:v10+s10+$0x0], $0xffff  }
0x5fc: {  	v19 =	vshll.u32 v20, $0x3;
	v20 =	vmov s20;
	v17 =	vor.u32 v5, v17;
	v8 =	vld.idx.msk [tilespmem:v8+s10+$0x0], $0xffff  }
0x5fd: {  	v15 =	vshll.u32 v15, $0x3;
	v21 =	vshll.u32 v21, $0x3;
	v18 =	vshll.u32 v18, $0x3;
	v9 =	vld.idx.msk [tilespmem:v9+s10+$0x0], $0xffff  }
0x5fe: {  	v23 =	vor.u32 s9, v4;
	v22 =	vshll.u32 v22, $0x3;
	v20 =	vshll.u32 v20, $0x3;
	v7 =	vld.idx.msk [tilespmem:v7+s10+$0x0], $0xffff  }
0x5ff: {  	v25 =	vor.u32 s8, v4;
	v26 =	vor.u32 s11, v4;
	v24 =	vor.u32 s6, v4;
	v6 =	vld.idx.msk [tilespmem:v6+s10+$0x0], $0xffff  }
0x600: {  	v27 =	vor.u32 s20, v4;
	v13 =	vshll.u32 v13, $0x3;
	v19 =	vand.u32 $0x400, v19;
	[tilespmem:s26+$0x0] =	vst.add.f32.msk $0xffff, v11  }
0x601: {  	v11 =	vand.u32 $0x400, v15;
	v15 =	vand.u32 $0x400, v18;
	v18 =	vand.u32 $0x400, v21;
	v17 =	vld.idx.msk [tilespmem:v17+s10+$0x0], $0xffff  }
0x602: {  	v22 =	vand.u32 $0x400, v22;
	v20 =	vand.u32 $0x400, v20;
	v21 =	vand.u32 $0x63, v23;
	[tilespmem:s26+$0x10] =	vst.add.f32.msk $0xffff, v12  }
0x603: {  	v23 =	vand.u32 $0x6F, v25;
	v12 =	vand.u32 $0x67, v16;
	v16 =	vand.u32 $0x6B, v24;
	[tilespmem:s26+$0x20] =	vst.add.f32.msk $0xffff, v10  }
0x604: {  	v13 =	vand.u32 $0x400, v13;
	v24 =	vand.u32 $0x77, v27;
	v10 =	vand.u32 $0x73, v26;
	[tilespmem:s26+$0x30] =	vst.add.f32.msk $0xffff, v8  }
.Ltmp24:
0x605: {  	v14 =	vand.u32 $0x7F, v14;
	v12 =	vor.u32 v11, v12;
	v8 =	vor.u32 v19, v21;
	[tilespmem:s26+$0x40] =	vst.add.f32.msk $0xffff, v9;
	(pc) =	sbr.rel @p0 .LBB2_51-.Ltmp24, $4  }
0x606: {  	v9 =	vor.u32 v15, v16;
	v15 =	vor.u32 v18, v23;
	v16 =	vor.u32 v22, v10;
	s26 =	sadd.s32 $0x400, s26;
	[tilespmem:s3+$0x50] =	vst.add.f32.msk $0xffff, v7  }
0x607: {  	v13 =	vor.u32 v13, v14;
	v11 =	vor.u32 v5, v8;
	v7 =	vor.u32 v20, v24;
	[tilespmem:s26+$0x60] =	vst.add.f32.msk $0xffff, v17  }
0x608: {  	v12 =	vor.u32 v5, v12;
	v10 =	vor.u32 v5, v9;
	v8 =	vor.u32 v5, v15;
	[tilespmem:s3+$0x70] =	vst.add.f32.msk $0xffff, v6;
	s3 =	smov.u32 s26  }
0x609: {  	s5 =	sadd.s32 $0x20, s5;
	v9 =	vor.u32 v5, v16;
	v7 =	vor.u32 v5, v7;
	v6 =	vor.u32 v5, v13  }
0x60a: {  	_ =	sdelay $0x3  }
0x60b: {  	v5 =	vld.idx.msk [tilespmem:v11+s10+$0x0], $0xffff  }
0x60c: {  	v63 =	vld.idx.msk [tilespmem:v12+s10+$0x0], $0xffff  }
0x60d: {  	v10 =	vld.idx.msk [tilespmem:v10+s10+$0x0], $0xffff  }
0x60e: {  	v8 =	vld.idx.msk [tilespmem:v8+s10+$0x0], $0xffff  }
0x60f: {  	v9 =	vld.idx.msk [tilespmem:v9+s10+$0x0], $0xffff  }
0x610: {  	v7 =	vld.idx.msk [tilespmem:v7+s10+$0x0], $0xffff  }
0x611: {  	v6 =	vld.idx.msk [tilespmem:v6+s10+$0x0], $0xffff  }
0x612: {  	s25 =	sadd.s32 $0x1, s25;
	[tilespmem:s26+$0x0] =	vst.add.f32.msk $0xffff, v5  }
0x613: {  	p0 =	sne.s32 s25, $0x10;
	[tilespmem:s26+$0x10] =	vst.add.f32.msk $0xffff, v63  }
.Ltmp25:
0x614: {  	[tilespmem:s26+$0x20] =	vst.add.f32.msk $0xffff, v10;
	(pc) =	sbr.rel @p0 .LBB2_50-.Ltmp25, $4  }
0x615: {  	[tilespmem:s26+$0x30] =	vst.add.f32.msk $0xffff, v8  }
0x616: {  	[tilespmem:s26+$0x40] =	vst.add.f32.msk $0xffff, v9  }
0x617: {  	[tilespmem:s3+$0x50] =	vst.add.f32.msk $0xffff, v7  }
0x618: {  	s24 =	sadd.s32 $0x400, s24;
	s23 =	sadd.s32 $0x1, s23;
	[tilespmem:s3+$0x70] =	vst.add.f32.msk $0xffff, v6  }
0x619: {  	s23 =	simm.s32 $0x0;
	s3 =	rddreg [dreg:$0x1c]  }
0x61a: {  	[hbm4b:s3+s23] =	stream.linear.scatter [tilespmem:s23], [sflag:$0x3], $0x4000, $0x38;
	[tilespmem:$0x19000] =	vst v63  }
0x61b: {  	_ =	swait.ge [sflag:s21], $0x4000  }
0x61c: {  	s7 =	sld [smem:$0x7F7]  }
0x61d: {  	[sflag:s21] =	ssyncset.done $0x0  }
0x61e: {  	[sflag:s21] =	ssyncadd.s32 $0xFFFFC000  }
0x61f: {  	[tilespmem:s31], [sflag:$0x1] =	stream.linear.gather [hbm4b:s7+s23], $0x4000, $0x38;
	[tilespmem:$0x19000] =	vst v63  }
0x620: {  	v5 =	vld [tilespmem:$0x18700];
	_ =	sdelay $0x4  }
0x621: {  	v6 =	vshll.u32 v5, $0x1  }
0x622: {  	v5 =	vand.u32 $0x7, v5;
	v6 =	vand.u32 $0xFFFFFFF0, v6  }
0x623: {  	v5 =	vor.u32 v5, v6  }
0x624: {  	v6 =	vperm.xlane v5, v0;
	_ =	sdelay $0x1  }
0x625: {  	v5 =	vperm.xlane v5, v2;
	v6 =	vadd.s32 v1, v6;
	_ =	sdelay $0x1  }
0x626: {  	v5 =	vadd.s32 v1, v5;
	_ =	sdelay $0x2  }
0x627: {  	[tilespmem:s2], [sflag:$0x2] =	stream.indirect_vreg.gather [hbm4b:s29+s23], $0x80, v6, vm0, $0xb8;
	[tilespmem:$0x19000] =	vst v63  }
0x628: {  	s8 =	simm.s32 $0x14800  }
0x629: {  	[tilespmem:s8], [sflag:$0x2] =	stream.indirect_vreg.gather [hbm4b:s29+s23], $0x80, v5, vm0, $0xb8;
	[tilespmem:$0x19000] =	vst v63  }
0x62a: {  	v5 =	vld [tilespmem:$0x18710];
	_ =	sdelay $0x4  }
0x62b: {  	v6 =	vshll.u32 v5, $0x1  }
0x62c: {  	v5 =	vand.u32 $0x7, v5;
	v6 =	vand.u32 $0xFFFFFFF0, v6  }
0x62d: {  	v5 =	vor.u32 v5, v6  }
0x62e: {  	v6 =	vperm.xlane v5, v0;
	_ =	sdelay $0x1  }
0x62f: {  	v5 =	vperm.xlane v5, v2;
	v6 =	vadd.s32 v1, v6;
	_ =	sdelay $0x1  }
0x630: {  	v5 =	vadd.s32 v1, v5;
	_ =	sdelay $0x1  }
0x631: {  	s9 =	simm.s32 $0x15000  }
0x632: {  	[tilespmem:s9], [sflag:$0x2] =	stream.indirect_vreg.gather [hbm4b:s29+s23], $0x80, v6, vm0, $0xb8;
	[tilespmem:$0x19000] =	vst v63  }
0x633: {  	s11 =	simm.s32 $0x15800  }
0x634: {  	[tilespmem:s11], [sflag:$0x2] =	stream.indirect_vreg.gather [hbm4b:s29+s23], $0x80, v5, vm0, $0xb8;
	[tilespmem:$0x19000] =	vst v63  }
0x635: {  	v5 =	vld [tilespmem:$0x18F00];
	_ =	sdelay $0x4  }
0x636: {  	v6 =	vshll.u32 v5, $0x1  }
0x637: {  	v5 =	vand.u32 $0x7, v5;
	v6 =	vand.u32 $0xFFFFFFF0, v6  }
0x638: {  	v5 =	vor.u32 v5, v6  }
0x639: {  	v6 =	vperm.xlane v5, v0;
	_ =	sdelay $0x1  }
0x63a: {  	v5 =	vperm.xlane v5, v2;
	v6 =	vadd.s32 v1, v6;
	_ =	sdelay $0x1  }
0x63b: {  	v5 =	vadd.s32 v1, v5;
	_ =	sdelay $0x1  }
0x63c: {  	s20 =	simm.s32 $0x16000  }
0x63d: {  	[tilespmem:s20], [sflag:$0x2] =	stream.indirect_vreg.gather [hbm4b:s0+s23], $0x80, v6, vm0, $0xb8;
	[tilespmem:$0x19000] =	vst v63  }
0x63e: {  	s24 =	simm.s32 $0x16800  }
0x63f: {  	[tilespmem:s24], [sflag:$0x2] =	stream.indirect_vreg.gather [hbm4b:s0+s23], $0x80, v5, vm0, $0xb8;
	[tilespmem:$0x19000] =	vst v63  }
0x640: {  	v5 =	vld [tilespmem:$0x18F10];
	_ =	sdelay $0x4  }
0x641: {  	v6 =	vshll.u32 v5, $0x1  }
0x642: {  	v5 =	vand.u32 $0x7, v5;
	v6 =	vand.u32 $0xFFFFFFF0, v6  }
0x643: {  	v5 =	vor.u32 v5, v6  }
0x644: {  	v6 =	vperm.xlane v5, v0;
	_ =	sdelay $0x1  }
0x645: {  	v5 =	vperm.xlane v5, v2;
	v6 =	vadd.s32 v1, v6;
	_ =	sdelay $0x1  }
0x646: {  	v5 =	vadd.s32 v1, v5;
	_ =	sdelay $0x1  }
0x647: {  	s25 =	simm.s32 $0x17000  }
0x648: {  	[tilespmem:s25], [sflag:$0x2] =	stream.indirect_vreg.gather [hbm4b:s0+s23], $0x80, v6, vm0, $0xb8;
	[tilespmem:$0x19000] =	vst v63  }
0x649: {  	s26 =	simm.s32 $0x17800  }
0x64a: {  	[tilespmem:s26], [sflag:$0x2] =	stream.indirect_vreg.gather [hbm4b:s0+s23], $0x80, v5, vm0, $0xb8;
	[tilespmem:$0x19000] =	vst v63  }
0x64b: {  	_ =	swait.ge [sflag:s28], $0x4000  }
0x64c: {  	[sflag:s28] =	ssyncset.done $0x0  }
0x64d: {  	[sflag:s28] =	ssyncadd.s32 $0xFFFFC000  }
0x64e: {  	_ =	swait.ge [sflag:s30], $0x2000  }
0x64f: {  	[sflag:s30] =	ssyncset.done $0x0  }
0x650: {  	[sflag:s30] =	ssyncadd.s32 $0xFFFFE000  }
0x651: {  	_ =	swait.ge [sflag:s30], $0x2000  }
0x652: {  	[sflag:s30] =	ssyncset.done $0x0  }
0x653: {  	s24 =	simm.s32 $0x0;
	s25 =	simm.s32 $0x0;
	[sflag:s30] =	ssyncadd.s32 $0xFFFFE000  }
.LBB2_54:
0x654: {  	v5 =	vmov s25  }
0x655: {  	s3 =	simm.s32 $0x1C;
	s4 =	simm.s32 $0x4;
	v6 =	vshll.u32 v5, $0x8;
	v5 =	vshll.u32 v5, $0x7  }
0x656: {  	s5 =	simm.s32 $0x18;
	s8 =	simm.s32 $0x8;
	v7 =	vor.u32 s3, v4;
	v8 =	vmov s4;
	v9 =	vor.u32 s4, v4  }
0x657: {  	s9 =	simm.s32 $0x0;
	s11 =	simm.s32 $0xC;
	s6 =	simm.s32 $0x10;
	v10 =	vmov s5;
	v11 =	vmov s8;
	v12 =	vor.u32 s5, v4  }
0x658: {  	v13 =	vmov s9;
	v14 =	vmov s11;
	v15 =	vmov s6  }
0x659: {  	s7 =	simm.s32 $0x14;
	v16 =	vor.u32 s9, v4;
	v17 =	vor.u32 s8, v4;
	v18 =	vor.u32 s11, v4  }
0x65a: {  	v19 =	vor.u32 s6, v4;
	v20 =	vor.u32 s7, v4;
	v6 =	vadd.s32 v3, v6  }
0x65b: {  	v5 =	vand.u32 $0x380, v5;
	v10 =	vshll.u32 v10, $0x3;
	v12 =	vand.u32 $0x7B, v12  }
0x65c: {  	v8 =	vshll.u32 v8, $0x3;
	v11 =	vshll.u32 v11, $0x3;
	v14 =	vshll.u32 v14, $0x3  }
0x65d: {  	v15 =	vshll.u32 v15, $0x3;
	v6 =	vand.u32 $0x3800, v6;
	v10 =	vand.u32 $0x400, v10  }
0x65e: {  	v16 =	vand.u32 $0x63, v16;
	v5 =	vor.u32 v6, v5;
	v10 =	vor.u32 v10, v12  }
0x65f: {  	v9 =	vand.u32 $0x67, v9;
	v17 =	vand.u32 $0x6B, v17;
	v10 =	vor.u32 v5, v10  }
0x660: {  	v18 =	vand.u32 $0x6F, v18;
	v63 =	vand.u32 $0x77, v20;
	v7 =	vand.u32 $0x7F, v7  }
0x661: {  	v8 =	vand.u32 $0x400, v8;
	v11 =	vand.u32 $0x400, v11;
	v14 =	vand.u32 $0x400, v14  }
0x662: {  	v15 =	vand.u32 $0x400, v15;
	v6 =	vmov s3;
	v12 =	vshll.u32 v13, $0x3  }
0x663: {  	v13 =	vmov s7;
	v8 =	vor.u32 v8, v9;
	v9 =	vor.u32 v11, v17  }
0x664: {  	s20 =	sshll.u32 s24, $0x2;
	s26 =	sand.u32 $0x7, s23;
	v14 =	vor.u32 v14, v18;
	v13 =	vshll.u32 v13, $0x3;
	v12 =	vand.u32 $0x400, v12;
	v21 =	vld.idx.msk [tilespmem:v10+s19+$0x0], $0xffff  }
0x665: {  	s4 =	sshll.u32 s26, $0x9;
	s3 =	sand.u32 $0xFFFF8000, s20;
	v6 =	vshll.u32 v6, $0x3;
	v13 =	vand.u32 $0x400, v13;
	v12 =	vor.u32 v12, v16  }
0x666: {  	s3 =	sor.u32 s4, s3;
	v6 =	vand.u32 $0x400, v6;
	v11 =	vor.u32 v5, v12;
	v13 =	vor.u32 v13, v63  }
0x667: {  	s3 =	sshrl.u32 s3, $0x2;
	v6 =	vor.u32 v6, v7;
	v12 =	vor.u32 v5, v8;
	v10 =	vand.u32 $0x73, v19  }
0x668: {  	s26 =	sadd.s32 $0x4000, s3;
	v8 =	vor.u32 v5, v14;
	v7 =	vor.u32 v5, v13;
	v15 =	vor.u32 v15, v10  }
0x669: {  	s5 =	simm.s32 $0x3C;
	s4 =	simm.s32 $0x0;
	v6 =	vor.u32 v5, v6;
	s3 =	smov.u32 s26;
	v10 =	vor.u32 v5, v9;
	v9 =	vor.u32 v5, v15;
	[tilespmem:s26+$0x60] =	vst.add.f32.msk $0xffff, v21  }
.LBB2_55:
0x66a: {  	s6 =	sadd.s32 $0xFFFFFFE8, s5;
	s7 =	sadd.s32 $0xFFFFFFFC, s5;
	v13 =	vmov s5;
	v14 =	vor.u32 s5, v4;
	s4 =	sadd.s32 $0x8, s4  }
0x66b: {  	s8 =	sadd.s32 $0xFFFFFFF0, s5;
	v15 =	vmov s6;
	v16 =	vor.u32 s6, v4;
	s6 =	sadd.s32 $0xFFFFFFEC, s5;
	v17 =	vmov s7;
	p0 =	slt.u32 s4, $0x38  }
0x66c: {  	s9 =	sadd.s32 $0xFFFFFFE4, s5;
	s11 =	sadd.s32 $0xFFFFFFF4, s5;
	s20 =	sadd.s32 $0xFFFFFFF8, s5;
	v19 =	vor.u32 s7, v4;
	v18 =	vmov s6;
	v17 =	vshll.u32 v17, $0x3;
	v11 =	vld.idx.msk [tilespmem:v11+s19+$0x0], $0xffff  }
0x66d: {  	v20 =	vmov s9;
	v19 =	vand.u32 $0x7B, v19;
	v17 =	vand.u32 $0x400, v17;
	v12 =	vld.idx.msk [tilespmem:v12+s19+$0x0], $0xffff  }
0x66e: {  	v21 =	vmov s8;
	v22 =	vmov s11;
	v17 =	vor.u32 v17, v19;
	v10 =	vld.idx.msk [tilespmem:v10+s19+$0x0], $0xffff  }
0x66f: {  	v19 =	vshll.u32 v20, $0x3;
	v20 =	vmov s20;
	v17 =	vor.u32 v5, v17;
	v8 =	vld.idx.msk [tilespmem:v8+s19+$0x0], $0xffff  }
0x670: {  	v15 =	vshll.u32 v15, $0x3;
	v21 =	vshll.u32 v21, $0x3;
	v18 =	vshll.u32 v18, $0x3;
	v9 =	vld.idx.msk [tilespmem:v9+s19+$0x0], $0xffff  }
0x671: {  	v23 =	vor.u32 s9, v4;
	v22 =	vshll.u32 v22, $0x3;
	v20 =	vshll.u32 v20, $0x3;
	v7 =	vld.idx.msk [tilespmem:v7+s19+$0x0], $0xffff  }
0x672: {  	v25 =	vor.u32 s8, v4;
	v26 =	vor.u32 s11, v4;
	v24 =	vor.u32 s6, v4;
	v6 =	vld.idx.msk [tilespmem:v6+s19+$0x0], $0xffff  }
0x673: {  	v27 =	vor.u32 s20, v4;
	v13 =	vshll.u32 v13, $0x3;
	v19 =	vand.u32 $0x400, v19;
	[tilespmem:s26+$0x0] =	vst.add.f32.msk $0xffff, v11  }
0x674: {  	v11 =	vand.u32 $0x400, v15;
	v15 =	vand.u32 $0x400, v18;
	v18 =	vand.u32 $0x400, v21;
	v17 =	vld.idx.msk [tilespmem:v17+s19+$0x0], $0xffff  }
0x675: {  	v22 =	vand.u32 $0x400, v22;
	v20 =	vand.u32 $0x400, v20;
	v21 =	vand.u32 $0x63, v23;
	[tilespmem:s26+$0x10] =	vst.add.f32.msk $0xffff, v12  }
0x676: {  	v23 =	vand.u32 $0x6F, v25;
	v12 =	vand.u32 $0x67, v16;
	v16 =	vand.u32 $0x6B, v24;
	[tilespmem:s26+$0x20] =	vst.add.f32.msk $0xffff, v10  }
0x677: {  	v13 =	vand.u32 $0x400, v13;
	v24 =	vand.u32 $0x77, v27;
	v10 =	vand.u32 $0x73, v26;
	[tilespmem:s26+$0x30] =	vst.add.f32.msk $0xffff, v8  }
.Ltmp26:
0x678: {  	v14 =	vand.u32 $0x7F, v14;
	v12 =	vor.u32 v11, v12;
	v8 =	vor.u32 v19, v21;
	[tilespmem:s26+$0x40] =	vst.add.f32.msk $0xffff, v9;
	(pc) =	sbr.rel @p0 .LBB2_55-.Ltmp26, $4  }
0x679: {  	v9 =	vor.u32 v15, v16;
	v15 =	vor.u32 v18, v23;
	v16 =	vor.u32 v22, v10;
	s26 =	sadd.s32 $0x400, s26;
	[tilespmem:s3+$0x50] =	vst.add.f32.msk $0xffff, v7  }
0x67a: {  	v13 =	vor.u32 v13, v14;
	v11 =	vor.u32 v5, v8;
	v7 =	vor.u32 v20, v24;
	[tilespmem:s26+$0x60] =	vst.add.f32.msk $0xffff, v17  }
0x67b: {  	v12 =	vor.u32 v5, v12;
	v10 =	vor.u32 v5, v9;
	v8 =	vor.u32 v5, v15;
	[tilespmem:s3+$0x70] =	vst.add.f32.msk $0xffff, v6;
	s3 =	smov.u32 s26  }
0x67c: {  	s5 =	sadd.s32 $0x20, s5;
	v9 =	vor.u32 v5, v16;
	v7 =	vor.u32 v5, v7;
	v6 =	vor.u32 v5, v13  }
0x67d: {  	_ =	sdelay $0x3  }
0x67e: {  	v5 =	vld.idx.msk [tilespmem:v11+s19+$0x0], $0xffff  }
0x67f: {  	v63 =	vld.idx.msk [tilespmem:v12+s19+$0x0], $0xffff  }
0x680: {  	v10 =	vld.idx.msk [tilespmem:v10+s19+$0x0], $0xffff  }
0x681: {  	v8 =	vld.idx.msk [tilespmem:v8+s19+$0x0], $0xffff  }
0x682: {  	v9 =	vld.idx.msk [tilespmem:v9+s19+$0x0], $0xffff  }
0x683: {  	v7 =	vld.idx.msk [tilespmem:v7+s19+$0x0], $0xffff  }
0x684: {  	v6 =	vld.idx.msk [tilespmem:v6+s19+$0x0], $0xffff  }
0x685: {  	s25 =	sadd.s32 $0x1, s25;
	[tilespmem:s26+$0x0] =	vst.add.f32.msk $0xffff, v5  }
0x686: {  	p0 =	sne.s32 s25, $0x10;
	[tilespmem:s26+$0x10] =	vst.add.f32.msk $0xffff, v63  }
.Ltmp27:
0x687: {  	[tilespmem:s26+$0x20] =	vst.add.f32.msk $0xffff, v10;
	(pc) =	sbr.rel @p0 .LBB2_54-.Ltmp27, $4  }
0x688: {  	[tilespmem:s26+$0x30] =	vst.add.f32.msk $0xffff, v8  }
0x689: {  	[tilespmem:s26+$0x40] =	vst.add.f32.msk $0xffff, v9  }
0x68a: {  	[tilespmem:s3+$0x50] =	vst.add.f32.msk $0xffff, v7  }
0x68b: {  	s24 =	sadd.s32 $0x400, s24;
	s23 =	sadd.s32 $0x1, s23;
	[tilespmem:s3+$0x70] =	vst.add.f32.msk $0xffff, v6  }
0x68c: {  	s23 =	simm.s32 $0x0;
	s3 =	rddreg [dreg:$0x1e]  }
0x68d: {  	[hbm4b:s3+s23] =	stream.linear.scatter [tilespmem:s18], [sflag:$0x3], $0x4000, $0x38;
	[tilespmem:$0x19000] =	vst v63  }
0x68e: {  	_ =	swait.ge [sflag:s21], $0x4000  }
0x68f: {  	s25 =	sld [smem:$0x7F8]  }
0x690: {  	[sflag:s21] =	ssyncset.done $0x0  }
0x691: {  	[sflag:s21] =	ssyncadd.s32 $0xFFFFC000  }
0x692: {  	[tilespmem:s23], [sflag:$0x1] =	stream.linear.gather [hbm4b:s25+s23], $0x4000, $0x38;
	[tilespmem:$0x19000] =	vst v63  }
0x693: {  	v5 =	vld [tilespmem:$0x18780];
	_ =	sdelay $0x4  }
0x694: {  	v6 =	vshll.u32 v5, $0x1  }
0x695: {  	v5 =	vand.u32 $0x7, v5;
	v6 =	vand.u32 $0xFFFFFFF0, v6  }
0x696: {  	v5 =	vor.u32 v5, v6  }
0x697: {  	v6 =	vperm.xlane v5, v0;
	_ =	sdelay $0x1  }
0x698: {  	v5 =	vperm.xlane v5, v2;
	v6 =	vadd.s32 v1, v6;
	_ =	sdelay $0x1  }
0x699: {  	v5 =	vadd.s32 v1, v5;
	_ =	sdelay $0x2  }
0x69a: {  	[tilespmem:s10], [sflag:$0x2] =	stream.indirect_vreg.gather [hbm4b:s29+s23], $0x80, v6, vm0, $0xb8;
	[tilespmem:$0x19000] =	vst v63  }
0x69b: {  	s26 =	simm.s32 $0xC800  }
0x69c: {  	[tilespmem:s26], [sflag:$0x2] =	stream.indirect_vreg.gather [hbm4b:s29+s23], $0x80, v5, vm0, $0xb8;
	[tilespmem:$0x19000] =	vst v63  }
0x69d: {  	v5 =	vld [tilespmem:$0x18790];
	_ =	sdelay $0x4  }
0x69e: {  	v6 =	vshll.u32 v5, $0x1  }
0x69f: {  	v5 =	vand.u32 $0x7, v5;
	v6 =	vand.u32 $0xFFFFFFF0, v6  }
0x6a0: {  	v5 =	vor.u32 v5, v6  }
0x6a1: {  	v6 =	vperm.xlane v5, v0;
	_ =	sdelay $0x1  }
0x6a2: {  	v5 =	vperm.xlane v5, v2;
	v6 =	vadd.s32 v1, v6;
	_ =	sdelay $0x1  }
0x6a3: {  	v5 =	vadd.s32 v1, v5;
	_ =	sdelay $0x2  }
0x6a4: {  	[tilespmem:s12], [sflag:$0x2] =	stream.indirect_vreg.gather [hbm4b:s29+s23], $0x80, v6, vm0, $0xb8;
	[tilespmem:$0x19000] =	vst v63  }
0x6a5: {  	_ = 	snop  }
0x6a6: {  	[tilespmem:s13], [sflag:$0x2] =	stream.indirect_vreg.gather [hbm4b:s29+s23], $0x80, v5, vm0, $0xb8;
	[tilespmem:$0x19000] =	vst v63  }
0x6a7: {  	v5 =	vld [tilespmem:$0x18F80];
	_ =	sdelay $0x4  }
0x6a8: {  	v6 =	vshll.u32 v5, $0x1  }
0x6a9: {  	v5 =	vand.u32 $0x7, v5;
	v6 =	vand.u32 $0xFFFFFFF0, v6  }
0x6aa: {  	v5 =	vor.u32 v5, v6  }
0x6ab: {  	v6 =	vperm.xlane v5, v0;
	_ =	sdelay $0x1  }
0x6ac: {  	v5 =	vperm.xlane v5, v2;
	v6 =	vadd.s32 v1, v6;
	_ =	sdelay $0x1  }
0x6ad: {  	v5 =	vadd.s32 v1, v5;
	_ =	sdelay $0x2  }
0x6ae: {  	[tilespmem:s14], [sflag:$0x2] =	stream.indirect_vreg.gather [hbm4b:s0+s23], $0x80, v6, vm0, $0xb8;
	[tilespmem:$0x19000] =	vst v63  }
0x6af: {  	_ = 	snop  }
0x6b0: {  	[tilespmem:s15], [sflag:$0x2] =	stream.indirect_vreg.gather [hbm4b:s0+s23], $0x80, v5, vm0, $0xb8;
	[tilespmem:$0x19000] =	vst v63  }
0x6b1: {  	v5 =	vld [tilespmem:$0x18F90];
	_ =	sdelay $0x4  }
0x6b2: {  	v6 =	vshll.u32 v5, $0x1  }
0x6b3: {  	v5 =	vand.u32 $0x7, v5;
	v6 =	vand.u32 $0xFFFFFFF0, v6  }
0x6b4: {  	v5 =	vor.u32 v5, v6  }
0x6b5: {  	v6 =	vperm.xlane v5, v0;
	_ =	sdelay $0x1  }
0x6b6: {  	v5 =	vperm.xlane v5, v2;
	v6 =	vadd.s32 v1, v6;
	_ =	sdelay $0x1  }
0x6b7: {  	v5 =	vadd.s32 v1, v5;
	_ =	sdelay $0x2  }
0x6b8: {  	[tilespmem:s16], [sflag:$0x2] =	stream.indirect_vreg.gather [hbm4b:s0+s23], $0x80, v6, vm0, $0xb8;
	[tilespmem:$0x19000] =	vst v63  }
0x6b9: {  	_ = 	snop  }
0x6ba: {  	[tilespmem:s17], [sflag:$0x2] =	stream.indirect_vreg.gather [hbm4b:s0+s23], $0x80, v5, vm0, $0xb8;
	[tilespmem:$0x19000] =	vst v63  }
0x6bb: {  	_ =	swait.ge [sflag:s28], $0x4000  }
0x6bc: {  	[sflag:s28] =	ssyncset.done $0x0  }
0x6bd: {  	[sflag:s28] =	ssyncadd.s32 $0xFFFFC000  }
0x6be: {  	_ =	swait.ge [sflag:s30], $0x2000  }
0x6bf: {  	[sflag:s30] =	ssyncset.done $0x0  }
0x6c0: {  	[sflag:s30] =	ssyncadd.s32 $0xFFFFE000  }
0x6c1: {  	_ =	swait.ge [sflag:s30], $0x2000  }
0x6c2: {  	[sflag:s30] =	ssyncset.done $0x0  }
0x6c3: {  	s24 =	simm.s32 $0x0;
	s25 =	simm.s32 $0x0;
	[sflag:s30] =	ssyncadd.s32 $0xFFFFE000  }
.LBB2_58:
0x6c4: {  	v5 =	vmov s25  }
0x6c5: {  	s3 =	simm.s32 $0x1C;
	s4 =	simm.s32 $0x4;
	v6 =	vshll.u32 v5, $0x8;
	v5 =	vshll.u32 v5, $0x7  }
0x6c6: {  	s5 =	simm.s32 $0x18;
	s8 =	simm.s32 $0x8;
	v7 =	vor.u32 s3, v4;
	v8 =	vmov s4;
	v9 =	vor.u32 s4, v4  }
0x6c7: {  	s9 =	simm.s32 $0x0;
	s11 =	simm.s32 $0xC;
	s6 =	simm.s32 $0x10;
	v10 =	vmov s5;
	v11 =	vmov s8;
	v12 =	vor.u32 s5, v4  }
0x6c8: {  	v13 =	vmov s9;
	v14 =	vmov s11;
	v15 =	vmov s6  }
0x6c9: {  	s7 =	simm.s32 $0x14;
	v16 =	vor.u32 s9, v4;
	v17 =	vor.u32 s8, v4;
	v18 =	vor.u32 s11, v4  }
0x6ca: {  	v19 =	vor.u32 s6, v4;
	v20 =	vor.u32 s7, v4;
	v6 =	vadd.s32 v3, v6  }
0x6cb: {  	v5 =	vand.u32 $0x380, v5;
	v10 =	vshll.u32 v10, $0x3;
	v12 =	vand.u32 $0x7B, v12  }
0x6cc: {  	v8 =	vshll.u32 v8, $0x3;
	v11 =	vshll.u32 v11, $0x3;
	v14 =	vshll.u32 v14, $0x3  }
0x6cd: {  	v15 =	vshll.u32 v15, $0x3;
	v6 =	vand.u32 $0x3800, v6;
	v10 =	vand.u32 $0x400, v10  }
0x6ce: {  	v16 =	vand.u32 $0x63, v16;
	v5 =	vor.u32 v6, v5;
	v10 =	vor.u32 v10, v12  }
0x6cf: {  	v9 =	vand.u32 $0x67, v9;
	v17 =	vand.u32 $0x6B, v17;
	v10 =	vor.u32 v5, v10  }
0x6d0: {  	v18 =	vand.u32 $0x6F, v18;
	v63 =	vand.u32 $0x77, v20;
	v7 =	vand.u32 $0x7F, v7  }
0x6d1: {  	v8 =	vand.u32 $0x400, v8;
	v11 =	vand.u32 $0x400, v11;
	v14 =	vand.u32 $0x400, v14  }
0x6d2: {  	v15 =	vand.u32 $0x400, v15;
	v6 =	vmov s3;
	v12 =	vshll.u32 v13, $0x3  }
0x6d3: {  	v13 =	vmov s7;
	v8 =	vor.u32 v8, v9;
	v9 =	vor.u32 v11, v17  }
0x6d4: {  	s20 =	sshll.u32 s24, $0x2;
	s26 =	sand.u32 $0x7, s23;
	v14 =	vor.u32 v14, v18;
	v13 =	vshll.u32 v13, $0x3;
	v12 =	vand.u32 $0x400, v12;
	v21 =	vld.idx.msk [tilespmem:v10+s2+$0x0], $0xffff  }
0x6d5: {  	s4 =	sshll.u32 s26, $0x9;
	s3 =	sand.u32 $0xFFFF8000, s20;
	v6 =	vshll.u32 v6, $0x3;
	v13 =	vand.u32 $0x400, v13;
	v12 =	vor.u32 v12, v16  }
0x6d6: {  	s3 =	sor.u32 s4, s3;
	v6 =	vand.u32 $0x400, v6;
	v11 =	vor.u32 v5, v12;
	v13 =	vor.u32 v13, v63  }
0x6d7: {  	s3 =	sshrl.u32 s3, $0x2;
	v6 =	vor.u32 v6, v7;
	v12 =	vor.u32 v5, v8;
	v10 =	vand.u32 $0x73, v19  }
0x6d8: {  	s26 =	sadd.s32 $0x8000, s3;
	v8 =	vor.u32 v5, v14;
	v7 =	vor.u32 v5, v13;
	v15 =	vor.u32 v15, v10  }
0x6d9: {  	s5 =	simm.s32 $0x3C;
	s4 =	simm.s32 $0x0;
	v6 =	vor.u32 v5, v6;
	s3 =	smov.u32 s26;
	v10 =	vor.u32 v5, v9;
	v9 =	vor.u32 v5, v15;
	[tilespmem:s26+$0x60] =	vst.add.f32.msk $0xffff, v21  }
.LBB2_59:
0x6da: {  	s6 =	sadd.s32 $0xFFFFFFE8, s5;
	s7 =	sadd.s32 $0xFFFFFFFC, s5;
	v13 =	vmov s5;
	v14 =	vor.u32 s5, v4;
	s4 =	sadd.s32 $0x8, s4  }
0x6db: {  	s8 =	sadd.s32 $0xFFFFFFF0, s5;
	v15 =	vmov s6;
	v16 =	vor.u32 s6, v4;
	s6 =	sadd.s32 $0xFFFFFFEC, s5;
	v17 =	vmov s7;
	p0 =	slt.u32 s4, $0x38  }
0x6dc: {  	s9 =	sadd.s32 $0xFFFFFFE4, s5;
	s11 =	sadd.s32 $0xFFFFFFF4, s5;
	s20 =	sadd.s32 $0xFFFFFFF8, s5;
	v19 =	vor.u32 s7, v4;
	v18 =	vmov s6;
	v17 =	vshll.u32 v17, $0x3;
	v11 =	vld.idx.msk [tilespmem:v11+s2+$0x0], $0xffff  }
0x6dd: {  	v20 =	vmov s9;
	v19 =	vand.u32 $0x7B, v19;
	v17 =	vand.u32 $0x400, v17;
	v12 =	vld.idx.msk [tilespmem:v12+s2+$0x0], $0xffff  }
0x6de: {  	v21 =	vmov s8;
	v22 =	vmov s11;
	v17 =	vor.u32 v17, v19;
	v10 =	vld.idx.msk [tilespmem:v10+s2+$0x0], $0xffff  }
0x6df: {  	v19 =	vshll.u32 v20, $0x3;
	v20 =	vmov s20;
	v17 =	vor.u32 v5, v17;
	v8 =	vld.idx.msk [tilespmem:v8+s2+$0x0], $0xffff  }
0x6e0: {  	v15 =	vshll.u32 v15, $0x3;
	v21 =	vshll.u32 v21, $0x3;
	v18 =	vshll.u32 v18, $0x3;
	v9 =	vld.idx.msk [tilespmem:v9+s2+$0x0], $0xffff  }
0x6e1: {  	v23 =	vor.u32 s9, v4;
	v22 =	vshll.u32 v22, $0x3;
	v20 =	vshll.u32 v20, $0x3;
	v7 =	vld.idx.msk [tilespmem:v7+s2+$0x0], $0xffff  }
0x6e2: {  	v25 =	vor.u32 s8, v4;
	v26 =	vor.u32 s11, v4;
	v24 =	vor.u32 s6, v4;
	v6 =	vld.idx.msk [tilespmem:v6+s2+$0x0], $0xffff  }
0x6e3: {  	v27 =	vor.u32 s20, v4;
	v13 =	vshll.u32 v13, $0x3;
	v19 =	vand.u32 $0x400, v19;
	[tilespmem:s26+$0x0] =	vst.add.f32.msk $0xffff, v11  }
0x6e4: {  	v11 =	vand.u32 $0x400, v15;
	v15 =	vand.u32 $0x400, v18;
	v18 =	vand.u32 $0x400, v21;
	v17 =	vld.idx.msk [tilespmem:v17+s2+$0x0], $0xffff  }
0x6e5: {  	v22 =	vand.u32 $0x400, v22;
	v20 =	vand.u32 $0x400, v20;
	v21 =	vand.u32 $0x63, v23;
	[tilespmem:s26+$0x10] =	vst.add.f32.msk $0xffff, v12  }
0x6e6: {  	v23 =	vand.u32 $0x6F, v25;
	v12 =	vand.u32 $0x67, v16;
	v16 =	vand.u32 $0x6B, v24;
	[tilespmem:s26+$0x20] =	vst.add.f32.msk $0xffff, v10  }
0x6e7: {  	v13 =	vand.u32 $0x400, v13;
	v24 =	vand.u32 $0x77, v27;
	v10 =	vand.u32 $0x73, v26;
	[tilespmem:s26+$0x30] =	vst.add.f32.msk $0xffff, v8  }
.Ltmp28:
0x6e8: {  	v14 =	vand.u32 $0x7F, v14;
	v12 =	vor.u32 v11, v12;
	v8 =	vor.u32 v19, v21;
	[tilespmem:s26+$0x40] =	vst.add.f32.msk $0xffff, v9;
	(pc) =	sbr.rel @p0 .LBB2_59-.Ltmp28, $4  }
0x6e9: {  	v9 =	vor.u32 v15, v16;
	v15 =	vor.u32 v18, v23;
	v16 =	vor.u32 v22, v10;
	s26 =	sadd.s32 $0x400, s26;
	[tilespmem:s3+$0x50] =	vst.add.f32.msk $0xffff, v7  }
0x6ea: {  	v13 =	vor.u32 v13, v14;
	v11 =	vor.u32 v5, v8;
	v7 =	vor.u32 v20, v24;
	[tilespmem:s26+$0x60] =	vst.add.f32.msk $0xffff, v17  }
0x6eb: {  	v12 =	vor.u32 v5, v12;
	v10 =	vor.u32 v5, v9;
	v8 =	vor.u32 v5, v15;
	[tilespmem:s3+$0x70] =	vst.add.f32.msk $0xffff, v6;
	s3 =	smov.u32 s26  }
0x6ec: {  	s5 =	sadd.s32 $0x20, s5;
	v9 =	vor.u32 v5, v16;
	v7 =	vor.u32 v5, v7;
	v6 =	vor.u32 v5, v13  }
0x6ed: {  	_ =	sdelay $0x3  }
0x6ee: {  	v5 =	vld.idx.msk [tilespmem:v11+s2+$0x0], $0xffff  }
0x6ef: {  	v63 =	vld.idx.msk [tilespmem:v12+s2+$0x0], $0xffff  }
0x6f0: {  	v10 =	vld.idx.msk [tilespmem:v10+s2+$0x0], $0xffff  }
0x6f1: {  	v8 =	vld.idx.msk [tilespmem:v8+s2+$0x0], $0xffff  }
0x6f2: {  	v9 =	vld.idx.msk [tilespmem:v9+s2+$0x0], $0xffff  }
0x6f3: {  	v7 =	vld.idx.msk [tilespmem:v7+s2+$0x0], $0xffff  }
0x6f4: {  	v6 =	vld.idx.msk [tilespmem:v6+s2+$0x0], $0xffff  }
0x6f5: {  	s25 =	sadd.s32 $0x1, s25;
	[tilespmem:s26+$0x0] =	vst.add.f32.msk $0xffff, v5  }
0x6f6: {  	p0 =	sne.s32 s25, $0x10;
	[tilespmem:s26+$0x10] =	vst.add.f32.msk $0xffff, v63  }
.Ltmp29:
0x6f7: {  	[tilespmem:s26+$0x20] =	vst.add.f32.msk $0xffff, v10;
	(pc) =	sbr.rel @p0 .LBB2_58-.Ltmp29, $4  }
0x6f8: {  	[tilespmem:s26+$0x30] =	vst.add.f32.msk $0xffff, v8  }
0x6f9: {  	[tilespmem:s26+$0x40] =	vst.add.f32.msk $0xffff, v9  }
0x6fa: {  	[tilespmem:s3+$0x50] =	vst.add.f32.msk $0xffff, v7  }
0x6fb: {  	s24 =	sadd.s32 $0x400, s24;
	s23 =	sadd.s32 $0x1, s23;
	[tilespmem:s3+$0x70] =	vst.add.f32.msk $0xffff, v6  }
0x6fc: {  	s3 =	sld [smem:$0x7F9];
	_ =	sdelay $0x1  }
0x6fd: {  	s23 =	simm.s32 $0x0  }
0x6fe: {  	[hbm4b:s3+s23] =	stream.linear.scatter [tilespmem:s31], [sflag:$0x3], $0x4000, $0x38;
	[tilespmem:$0x19000] =	vst v63  }
0x6ff: {  	_ =	swait.ge [sflag:s28], $0x4000  }
0x700: {  	[sflag:s28] =	ssyncset.done $0x0  }
0x701: {  	[sflag:s28] =	ssyncadd.s32 $0xFFFFC000  }
0x702: {  	_ =	swait.ge [sflag:s30], $0x2000  }
0x703: {  	[sflag:s30] =	ssyncset.done $0x0  }
0x704: {  	[sflag:s30] =	ssyncadd.s32 $0xFFFFE000  }
0x705: {  	_ =	swait.ge [sflag:s30], $0x2000  }
0x706: {  	[sflag:s30] =	ssyncset.done $0x0  }
0x707: {  	s24 =	simm.s32 $0x0;
	s25 =	simm.s32 $0x0;
	[sflag:s30] =	ssyncadd.s32 $0xFFFFE000  }
.LBB2_62:
0x708: {  	v5 =	vmov s25  }
0x709: {  	s3 =	simm.s32 $0x1C;
	s4 =	simm.s32 $0x4;
	v6 =	vshll.u32 v5, $0x8;
	v5 =	vshll.u32 v5, $0x7  }
0x70a: {  	s5 =	simm.s32 $0x18;
	s8 =	simm.s32 $0x8;
	v7 =	vor.u32 s3, v4;
	v8 =	vmov s4;
	v9 =	vor.u32 s4, v4  }
0x70b: {  	s9 =	simm.s32 $0x0;
	s11 =	simm.s32 $0xC;
	s6 =	simm.s32 $0x10;
	v10 =	vmov s5;
	v11 =	vmov s8;
	v12 =	vor.u32 s5, v4  }
0x70c: {  	v13 =	vmov s9;
	v14 =	vmov s11;
	v15 =	vmov s6  }
0x70d: {  	s7 =	simm.s32 $0x14;
	v16 =	vor.u32 s9, v4;
	v17 =	vor.u32 s8, v4;
	v18 =	vor.u32 s11, v4  }
0x70e: {  	v19 =	vor.u32 s6, v4;
	v20 =	vor.u32 s7, v4;
	v6 =	vadd.s32 v3, v6  }
0x70f: {  	v5 =	vand.u32 $0x380, v5;
	v10 =	vshll.u32 v10, $0x3;
	v12 =	vand.u32 $0x7B, v12  }
0x710: {  	v8 =	vshll.u32 v8, $0x3;
	v11 =	vshll.u32 v11, $0x3;
	v14 =	vshll.u32 v14, $0x3  }
0x711: {  	v15 =	vshll.u32 v15, $0x3;
	v6 =	vand.u32 $0x3800, v6;
	v10 =	vand.u32 $0x400, v10  }
0x712: {  	v16 =	vand.u32 $0x63, v16;
	v5 =	vor.u32 v6, v5;
	v10 =	vor.u32 v10, v12  }
0x713: {  	v9 =	vand.u32 $0x67, v9;
	v17 =	vand.u32 $0x6B, v17;
	v10 =	vor.u32 v5, v10  }
0x714: {  	v18 =	vand.u32 $0x6F, v18;
	v63 =	vand.u32 $0x77, v20;
	v7 =	vand.u32 $0x7F, v7  }
0x715: {  	v8 =	vand.u32 $0x400, v8;
	v11 =	vand.u32 $0x400, v11;
	v14 =	vand.u32 $0x400, v14  }
0x716: {  	v15 =	vand.u32 $0x400, v15;
	v6 =	vmov s3;
	v12 =	vshll.u32 v13, $0x3  }
0x717: {  	v13 =	vmov s7;
	v8 =	vor.u32 v8, v9;
	v9 =	vor.u32 v11, v17  }
0x718: {  	v14 =	vor.u32 v14, v18;
	v13 =	vshll.u32 v13, $0x3;
	v12 =	vand.u32 $0x400, v12;
	v21 =	vld.idx.msk [tilespmem:v10+s10+$0x0], $0xffff  }
0x719: {  	s20 =	sshll.u32 s24, $0x2;
	s26 =	sand.u32 $0x7, s23;
	v6 =	vshll.u32 v6, $0x3;
	v13 =	vand.u32 $0x400, v13;
	v12 =	vor.u32 v12, v16  }
0x71a: {  	s4 =	sshll.u32 s26, $0x9;
	s3 =	sand.u32 $0xFFFF8000, s20;
	v6 =	vand.u32 $0x400, v6;
	v11 =	vor.u32 v5, v12;
	v13 =	vor.u32 v13, v63  }
0x71b: {  	s3 =	sor.u32 s4, s3;
	v6 =	vor.u32 v6, v7;
	v12 =	vor.u32 v5, v8;
	v10 =	vand.u32 $0x73, v19  }
0x71c: {  	s26 =	sshrl.u32 s3, $0x2;
	v8 =	vor.u32 v5, v14;
	v7 =	vor.u32 v5, v13;
	v15 =	vor.u32 v15, v10  }
0x71d: {  	s5 =	simm.s32 $0x3C;
	s4 =	simm.s32 $0x0;
	s3 =	smov.u32 s26;
	v6 =	vor.u32 v5, v6;
	v10 =	vor.u32 v5, v9;
	v9 =	vor.u32 v5, v15;
	[tilespmem:s26+$0x60] =	vst.add.f32.msk $0xffff, v21  }
.LBB2_63:
0x71e: {  	s6 =	sadd.s32 $0xFFFFFFE8, s5;
	s7 =	sadd.s32 $0xFFFFFFFC, s5;
	v13 =	vmov s5;
	v14 =	vor.u32 s5, v4;
	s4 =	sadd.s32 $0x8, s4  }
0x71f: {  	s8 =	sadd.s32 $0xFFFFFFF0, s5;
	v15 =	vmov s6;
	v16 =	vor.u32 s6, v4;
	s6 =	sadd.s32 $0xFFFFFFEC, s5;
	v17 =	vmov s7;
	p0 =	slt.u32 s4, $0x38  }
0x720: {  	s9 =	sadd.s32 $0xFFFFFFE4, s5;
	s11 =	sadd.s32 $0xFFFFFFF4, s5;
	s20 =	sadd.s32 $0xFFFFFFF8, s5;
	v19 =	vor.u32 s7, v4;
	v18 =	vmov s6;
	v17 =	vshll.u32 v17, $0x3;
	v11 =	vld.idx.msk [tilespmem:v11+s10+$0x0], $0xffff  }
0x721: {  	v20 =	vmov s9;
	v19 =	vand.u32 $0x7B, v19;
	v17 =	vand.u32 $0x400, v17;
	v12 =	vld.idx.msk [tilespmem:v12+s10+$0x0], $0xffff  }
0x722: {  	v21 =	vmov s8;
	v22 =	vmov s11;
	v17 =	vor.u32 v17, v19;
	v10 =	vld.idx.msk [tilespmem:v10+s10+$0x0], $0xffff  }
0x723: {  	v19 =	vshll.u32 v20, $0x3;
	v20 =	vmov s20;
	v17 =	vor.u32 v5, v17;
	v8 =	vld.idx.msk [tilespmem:v8+s10+$0x0], $0xffff  }
0x724: {  	v15 =	vshll.u32 v15, $0x3;
	v21 =	vshll.u32 v21, $0x3;
	v18 =	vshll.u32 v18, $0x3;
	v9 =	vld.idx.msk [tilespmem:v9+s10+$0x0], $0xffff  }
0x725: {  	v23 =	vor.u32 s9, v4;
	v22 =	vshll.u32 v22, $0x3;
	v20 =	vshll.u32 v20, $0x3;
	v7 =	vld.idx.msk [tilespmem:v7+s10+$0x0], $0xffff  }
0x726: {  	v25 =	vor.u32 s8, v4;
	v26 =	vor.u32 s11, v4;
	v24 =	vor.u32 s6, v4;
	v6 =	vld.idx.msk [tilespmem:v6+s10+$0x0], $0xffff  }
0x727: {  	v27 =	vor.u32 s20, v4;
	v13 =	vshll.u32 v13, $0x3;
	v19 =	vand.u32 $0x400, v19;
	[tilespmem:s26+$0x0] =	vst.add.f32.msk $0xffff, v11  }
0x728: {  	v11 =	vand.u32 $0x400, v15;
	v15 =	vand.u32 $0x400, v18;
	v18 =	vand.u32 $0x400, v21;
	v17 =	vld.idx.msk [tilespmem:v17+s10+$0x0], $0xffff  }
0x729: {  	v22 =	vand.u32 $0x400, v22;
	v20 =	vand.u32 $0x400, v20;
	v21 =	vand.u32 $0x63, v23;
	[tilespmem:s26+$0x10] =	vst.add.f32.msk $0xffff, v12  }
0x72a: {  	v23 =	vand.u32 $0x6F, v25;
	v12 =	vand.u32 $0x67, v16;
	v16 =	vand.u32 $0x6B, v24;
	[tilespmem:s26+$0x20] =	vst.add.f32.msk $0xffff, v10  }
0x72b: {  	v13 =	vand.u32 $0x400, v13;
	v24 =	vand.u32 $0x77, v27;
	v10 =	vand.u32 $0x73, v26;
	[tilespmem:s26+$0x30] =	vst.add.f32.msk $0xffff, v8  }
.Ltmp30:
0x72c: {  	v14 =	vand.u32 $0x7F, v14;
	v12 =	vor.u32 v11, v12;
	v8 =	vor.u32 v19, v21;
	[tilespmem:s26+$0x40] =	vst.add.f32.msk $0xffff, v9;
	(pc) =	sbr.rel @p0 .LBB2_63-.Ltmp30, $4  }
0x72d: {  	v9 =	vor.u32 v15, v16;
	v15 =	vor.u32 v18, v23;
	v16 =	vor.u32 v22, v10;
	s26 =	sadd.s32 $0x400, s26;
	[tilespmem:s3+$0x50] =	vst.add.f32.msk $0xffff, v7  }
0x72e: {  	v13 =	vor.u32 v13, v14;
	v11 =	vor.u32 v5, v8;
	v7 =	vor.u32 v20, v24;
	[tilespmem:s26+$0x60] =	vst.add.f32.msk $0xffff, v17  }
0x72f: {  	v12 =	vor.u32 v5, v12;
	v10 =	vor.u32 v5, v9;
	v8 =	vor.u32 v5, v15;
	[tilespmem:s3+$0x70] =	vst.add.f32.msk $0xffff, v6;
	s3 =	smov.u32 s26  }
0x730: {  	s5 =	sadd.s32 $0x20, s5;
	v9 =	vor.u32 v5, v16;
	v7 =	vor.u32 v5, v7;
	v6 =	vor.u32 v5, v13  }
0x731: {  	_ =	sdelay $0x3  }
0x732: {  	v5 =	vld.idx.msk [tilespmem:v11+s10+$0x0], $0xffff  }
0x733: {  	v63 =	vld.idx.msk [tilespmem:v12+s10+$0x0], $0xffff  }
0x734: {  	v10 =	vld.idx.msk [tilespmem:v10+s10+$0x0], $0xffff  }
0x735: {  	v8 =	vld.idx.msk [tilespmem:v8+s10+$0x0], $0xffff  }
0x736: {  	v9 =	vld.idx.msk [tilespmem:v9+s10+$0x0], $0xffff  }
0x737: {  	v7 =	vld.idx.msk [tilespmem:v7+s10+$0x0], $0xffff  }
0x738: {  	v6 =	vld.idx.msk [tilespmem:v6+s10+$0x0], $0xffff  }
0x739: {  	s25 =	sadd.s32 $0x1, s25;
	[tilespmem:s26+$0x0] =	vst.add.f32.msk $0xffff, v5  }
0x73a: {  	p0 =	sne.s32 s25, $0x10;
	[tilespmem:s26+$0x10] =	vst.add.f32.msk $0xffff, v63  }
.Ltmp31:
0x73b: {  	[tilespmem:s26+$0x20] =	vst.add.f32.msk $0xffff, v10;
	(pc) =	sbr.rel @p0 .LBB2_62-.Ltmp31, $4  }
0x73c: {  	[tilespmem:s26+$0x30] =	vst.add.f32.msk $0xffff, v8  }
0x73d: {  	[tilespmem:s26+$0x40] =	vst.add.f32.msk $0xffff, v9  }
0x73e: {  	[tilespmem:s3+$0x50] =	vst.add.f32.msk $0xffff, v7  }
0x73f: {  	s24 =	sadd.s32 $0x400, s24;
	s23 =	sadd.s32 $0x1, s23;
	[tilespmem:s3+$0x70] =	vst.add.f32.msk $0xffff, v6  }
0x740: {  	s3 =	sld [smem:$0x7FA];
	_ =	sdelay $0x2  }
0x741: {  	[hbm4b:s3+s1] =	stream.linear.scatter [tilespmem:s1], [sflag:$0x3], $0x4000, $0x38;
	[tilespmem:$0x19000] =	vst v63  }
0x742: {  	_ =	swait.ge [sflag:s21], $0x4000  }
0x743: {  	[sflag:s21] =	ssyncset.done $0x0  }
0x744: {  	[sflag:s21] =	ssyncadd.s32 $0xFFFFC000  }
0x745: {  	_ =	swait.ge [sflag:s21], $0x4000  }
0x746: {  	[sflag:s21] =	ssyncset.done $0x0  }
0x747: {  	[sflag:s21] =	ssyncadd.s32 $0xFFFFC000  }
0x748: {  	_ =	swait.ge [sflag:s21], $0x4000  }
0x749: {  	s26 =	sld [smem:$0x7FD];
	_ =	sdelay $0x1  }
0x74a: {  	s22 =	sadd.s32 $0x1, s22  }
0x74b: {  	p0 =	sne.s32 s22, s26  }
.Ltmp32:
0x74c: {  	_ = 	snop;
	(pc) =	sbr.rel @p0 .LBB2_1-.Ltmp32, $3  }
0x74d: {  	_ =	sdelay $0x1  }
0x74e: {  	[sflag:s21] =	ssyncset.done $0x0  }
0x74f: {  	[sflag:s21] =	ssyncadd.s32 $0xFFFFC000  }
0x750: {  	_ =	sfence.sel $0x180000  }
0x751: {  	[bflag:$0x0] =	sbarrier.arrive $0xFFFF  }
0x752: {  	_ =	strace $0x90000047  }
0x753: {  	s0 =	stileid.u32;
	[bflag:$0x2] =	sbarrier.arrive $0xFFFF  }
0x754: {  	p0 =	sne.s32 s0, $0x0;
	s0 =	rddreg [dreg:$0x4]  }
0x755: {  	s0 =	sadd.s32 @!p0 $0x100000, s0  }
0x756: {  	[sflag:s0] =	ssyncadd.tile.s32 @!p0 $0x1;
	_ =	shalt  }
.Lfunc_end2:
_tile_overlayer_lowered:
.L_overlay_start_2:
0x757: {  	(tag) =	ssettag $0x2  }
0x758: {  	s0 =	rddreg [dreg:$0x0];
	s2 =	stileid.u32  }
0x759: {  	s1 =	rddreg [dreg:$0x1];
	p0 =	sne.s32 s2, $0x0  }
0x75a: {  	s3 =	rddreg [dreg:$0x2];
	[bflag:$0x3] =	sbarrier.arrive $0xFFFF;
	s2 =	simm.s32 @!p0 $0x1C04  }
0x75b: {  	[timem:s3], [sflag:s2] =	dma.local @!p0 [hbm:s0], s1  }
0x75c: {  	s0 =	simm.s32 @!p0 $0x4  }
0x75d: {  	_ =	swait.ge @!p0 [sflag:s0], s1  }
0x75e: {  	s1 =	ssub.s32 @!p0 $0x0, s1;
	[sflag:s0] =	ssyncset.done @!p0 $0x0  }
0x75f: {  	[sflag:s0] =	ssyncadd.s32 @!p0 s1  }
0x760: {  	[bflag:$0x3] =	sbarrier.arrive $0xFFFF  }
0x761: {  	_ =	shalt  }

</sc_bundles>
